<compile_context>
chip_gen: v7x
topology: tpu7x:2x2x1
jax: 0.10.2.dev20260603
libtpu: 0.0.44.dev20260713+nightly
codegen_flags: <defaults>
</compile_context>

<pallas_src>
import functools

import jax
import jax.numpy as jnp
from jax import lax
from jax.experimental import pallas as pl
from jax.experimental.pallas import tpu as pltpu
from jax.experimental.pallas import tpu_sc as plsc

F32 = jnp.float32

N = 10000
NP_ = 10000
E = 320000
NG = 16
DH = 128

NC = 2
NS = 16
L = 16
NW = NC * NS
EPW = E // NW
CH = 80
NCH = EPW // CH
RPS = 632
RPS_LAST = N - RPS * (NS - 1)

NB = 2000
EB = 8000
NBLK = E // EB


def _full(shape):
    return pl.BlockSpec(shape, lambda i: tuple(0 for _ in shape))


def _mesh():
    return plsc.VectorSubcoreMesh(
        core_axis_name="c", subcore_axis_name="s", num_cores=NC, num_subcores=NS
    )


def _pool_body(hp_ref, mk_ref, W1, b1, W2, b2, out_ref, acc, cnt):
    i = pl.program_id(0)

    @pl.when(i == 0)
    def _():
        acc[...] = jnp.zeros_like(acc)
        cnt[...] = jnp.zeros_like(cnt)

    z = jax.nn.silu(
        jnp.dot(hp_ref[...], W1[...], preferred_element_type=F32) + b1[...]
    )
    z = jnp.dot(z, W2[...], preferred_element_type=F32) + b2[...]
    gid = lax.broadcasted_iota(jnp.int32, (NB, NG), 1).astype(F32)
    onehot = (mk_ref[...] == gid).astype(F32)
    dn = (((0,), (0,)), ((), ()))
    acc[...] += lax.dot_general(onehot, z, dn, preferred_element_type=F32)
    ones = jnp.ones((NB, 1), F32)
    cnt[...] += lax.dot_general(onehot, ones, dn, preferred_element_type=F32)

    @pl.when(i == pl.num_programs(0) - 1)
    def _():
        out_ref[...] = acc[...] / jnp.maximum(cnt[...], 1.0)


def _pool_call(pocket_h, maskp_f, W1, b1, W2, b2):
    return pl.pallas_call(
        _pool_body,
        grid=(NP_ // NB,),
        in_specs=[
            pl.BlockSpec((NB, DH), lambda i: (i, 0)),
            pl.BlockSpec((NB, 1), lambda i: (i, 0)),
            _full(W1.shape), _full(b1.shape), _full(W2.shape), _full(b2.shape),
        ],
        out_specs=_full((NG, DH)),
        out_shape=jax.ShapeDtypeStruct((NG, DH), F32),
        scratch_shapes=[pltpu.VMEM((NG, DH), F32), pltpu.VMEM((NG, 1), F32)],
    )(pocket_h, maskp_f, W1, b1, W2, b2)


def _node_body(ha_ref, mk_ref, pool_ref, t_ref,
               W1, b1, W2, b2, Wsrc, Wdst, msg_b,
               h_ref, ap_ref, bp_ref):
    z = jax.nn.silu(
        jnp.dot(ha_ref[...], W1[...], preferred_element_type=F32) + b1[...]
    )
    z = jnp.dot(z, W2[...], preferred_element_type=F32) + b2[...]
    gid = lax.broadcasted_iota(jnp.int32, (NB, NG), 1).astype(F32)
    onehot = (mk_ref[...] == gid).astype(F32)
    z = z + jnp.dot(onehot, t_ref[...], preferred_element_type=F32)
    z = z + jnp.dot(onehot, pool_ref[...], preferred_element_type=F32)
    h_ref[...] = z
    ap_ref[...] = jnp.dot(z, Wsrc[...], preferred_element_type=F32)
    bp_ref[...] = jnp.dot(z, Wdst[...], preferred_element_type=F32) + msg_b[...]


def _node_call(h_atoms, maska_f, pool, t, W1, b1, W2, b2, Wsrc, Wdst, msg_b):
    out_shape = tuple(jax.ShapeDtypeStruct((N, DH), F32) for _ in range(3))
    return pl.pallas_call(
        _node_body,
        grid=(N // NB,),
        in_specs=[
            pl.BlockSpec((NB, DH), lambda i: (i, 0)),
            pl.BlockSpec((NB, 1), lambda i: (i, 0)),
            _full((NG, DH)), _full((NG, 1)),
            _full(W1.shape), _full(b1.shape), _full(W2.shape), _full(b2.shape),
            _full(Wsrc.shape), _full(Wdst.shape), _full(msg_b.shape),
        ],
        out_specs=tuple(pl.BlockSpec((NB, DH), lambda i: (i, 0)) for _ in range(3)),
        out_shape=out_shape,
    )(h_atoms, maska_f, pool, t, W1, b1, W2, b2, Wsrc, Wdst, msg_b)


def _gather_body(ap_hbm, bp_hbm, xx_hbm, xy_hbm, xz_hbm, src_hbm, dst_hbm,
                 s_hbm, d2_hbm, dt_hbm,
                 si0, si1, si2, di0, di1, di2, ra0, ra1, ra2,
                 rb0, rb1, rb2, d20, d21, d22, dt0, dt1, dt2,
                 xx_v, xy_v, xz_v,
                 is0, is1, is2, gs0, gs1, gs2, ws0, ws1, ws2):
    SI = (si0, si1, si2)
    DI = (di0, di1, di2)
    RA = (ra0, ra1, ra2)
    RB = (rb0, rb1, rb2)
    D2 = (d20, d21, d22)
    DT = (dt0, dt1, dt2)
    IS = (is0, is1, is2)
    GS = (gs0, gs1, gs2)
    WS = (ws0, ws1, ws2)
    wid = lax.axis_index("s") * NC + lax.axis_index("c")
    base = wid * EPW

    def issue_idx(b, c):
        off = base + c * CH
        pltpu.async_copy(src_hbm.at[pl.ds(off, CH)], SI[b], IS[b])
        pltpu.async_copy(dst_hbm.at[pl.ds(off, CH)], DI[b], IS[b])

    def wait_idx(b):
        pltpu.make_async_copy(src_hbm.at[pl.ds(0, CH)], SI[b], IS[b]).wait()
        pltpu.make_async_copy(src_hbm.at[pl.ds(0, CH)], DI[b], IS[b]).wait()

    def issue_gather(b):
        pltpu.async_copy(ap_hbm.at[SI[b]], RA[b], GS[b])
        pltpu.async_copy(bp_hbm.at[DI[b]], RB[b], GS[b])

    def wait_gather(b):
        pltpu.make_async_copy(ap_hbm.at[pl.ds(0, CH)], RA[b], GS[b]).wait()
        pltpu.make_async_copy(bp_hbm.at[pl.ds(0, CH)], RB[b], GS[b]).wait()

    def issue_writes(b, c):
        off = base + c * CH
        pltpu.async_copy(RA[b], s_hbm.at[pl.ds(off, CH)], WS[b])
        pltpu.async_copy(D2[b], d2_hbm.at[pl.ds(off, CH)], WS[b])
        pltpu.async_copy(DT[b], dt_hbm.at[pl.ds(3 * off, 3 * CH)], WS[b])

    def wait_writes(b):
        pltpu.make_async_copy(RA[b], s_hbm.at[pl.ds(0, CH)], WS[b]).wait()
        pltpu.make_async_copy(D2[b], d2_hbm.at[pl.ds(0, CH)], WS[b]).wait()
        pltpu.make_async_copy(DT[b], dt_hbm.at[pl.ds(0, 3 * CH)], WS[b]).wait()

    def dist_loop(b):
        def dist(k, kcarry):
            sl = pl.ds(k * L, L)
            ivs = SI[b][sl]
            ivd = DI[b][sl]
            dx = plsc.load_gather(xx_v, [ivd]) - plsc.load_gather(xx_v, [ivs])
            dy = plsc.load_gather(xy_v, [ivd]) - plsc.load_gather(xy_v, [ivs])
            dz = plsc.load_gather(xz_v, [ivd]) - plsc.load_gather(xz_v, [ivs])
            DT[b][sl] = dx
            DT[b][pl.ds(CH + k * L, L)] = dy
            DT[b][pl.ds(2 * CH + k * L, L)] = dz
            D2[b][sl] = dx * dx + dy * dy + dz * dz
            return kcarry

        lax.fori_loop(0, CH // L, dist, 0, unroll=True)

    def rowadd_loop(b):
        def row(i, rcarry):
            for j in range(DH // L):
                sl = pl.ds(j * L, L)
                RA[b][i, sl] = RA[b][i, sl] + RB[b][i, sl]
            return rcarry

        lax.fori_loop(0, CH, row, 0, unroll=False)

    pltpu.sync_copy(xx_hbm, xx_v)
    pltpu.sync_copy(xy_hbm, xy_v)
    pltpu.sync_copy(xz_hbm, xz_v)
    issue_idx(0, 0)
    issue_idx(1, 1)
    issue_idx(2, 2)
    wait_idx(0)
    issue_gather(0)
    wait_idx(1)
    issue_gather(1)

    def body(i, carry):
        c = 3 * i
        dist_loop(0)
        wait_gather(0)
        issue_idx(0, c + 3)
        wait_idx(2)

        @pl.when(i > 0)
        def _():
            wait_writes(2)

        issue_gather(2)
        rowadd_loop(0)
        issue_writes(0, c)
        dist_loop(1)
        wait_gather(1)
        issue_idx(1, c + 4)
        wait_idx(0)
        wait_writes(0)
        issue_gather(0)
        rowadd_loop(1)
        issue_writes(1, c + 1)
        dist_loop(2)
        wait_gather(2)

        @pl.when(c + 5 < NCH)
        def _():
            issue_idx(2, c + 5)

        wait_idx(1)
        wait_writes(1)
        issue_gather(1)
        rowadd_loop(2)
        issue_writes(2, c + 2)
        return carry

    lax.fori_loop(0, (NCH - 2) // 3, body, 0, unroll=False)
    dist_loop(0)
    wait_gather(0)
    rowadd_loop(0)
    issue_writes(0, NCH - 2)
    dist_loop(1)
    wait_gather(1)
    rowadd_loop(1)
    issue_writes(1, NCH - 1)
    wait_writes(0)
    wait_writes(1)
    wait_writes(2)


def _gather_call(ap, bp, xx, xy, xz, src, dst):
    k = functools.partial(
        pl.kernel,
        out_type=(
            jax.ShapeDtypeStruct((E, DH), F32),
            jax.ShapeDtypeStruct((E,), F32),
            jax.ShapeDtypeStruct((3 * E,), F32),
        ),
        mesh=_mesh(),
        scratch_types=(
            [pltpu.VMEM((CH,), jnp.int32) for _ in range(6)]
            + [pltpu.VMEM((CH, DH), F32) for _ in range(6)]
            + [pltpu.VMEM((CH,), F32) for _ in range(3)]
            + [pltpu.VMEM((3 * CH,), F32) for _ in range(3)]
            + [pltpu.VMEM((N,), F32) for _ in range(3)]
            + [pltpu.SemaphoreType.DMA for _ in range(9)]
        ),
        compiler_params=pltpu.CompilerParams(needs_layout_passes=False),
    )(_gather_body)
    return k(ap, bp, xx, xy, xz, src, dst)


def _edge_body(s_ref, d2_ref, bt_ref, bW1, bb1, bW2, bb2, We, wc, cW,
               eW1, eb1, eW2, eb2, msg_ref, le_ref, sc_ref):
    dn0 = (((0,), (0,)), ((), ()))
    bt = bt_ref[0]
    e = jax.nn.silu(
        lax.dot_general(bt, bW1[...], dn0, preferred_element_type=F32) + bb1[...]
    )
    e = jnp.dot(e, bW2[...], preferred_element_type=F32) + bb2[...]
    d2row = d2_ref[0]
    d2wc = lax.dot_general(d2row, wc[...], dn0, preferred_element_type=F32)
    msg = jax.nn.silu(
        s_ref[...] + d2wc + jnp.dot(e, We[...], preferred_element_type=F32)
    )
    msg_ref[...] = msg
    z2 = jax.nn.silu(
        jnp.dot(msg, eW1[...], preferred_element_type=F32) + eb1[...]
    )
    le_ref[...] = jnp.dot(z2, eW2[...], preferred_element_type=F32) + eb2[...]
    dn_cw = (((0,), (1,)), ((), ()))
    sc_ref[0] = lax.dot_general(cW[...], msg, dn_cw, preferred_element_type=F32)


def _edge_call(S, d23, bt3, bW1, bb1, bW2, bb2, We, wc, cW, eW1, eb1, eW2, eb2):
    out_shape = (
        jax.ShapeDtypeStruct((E, DH), F32),
        jax.ShapeDtypeStruct((E, 5), F32),
        jax.ShapeDtypeStruct((NBLK, 1, EB), F32),
    )
    return pl.pallas_call(
        _edge_body,
        grid=(NBLK,),
        in_specs=[
            pl.BlockSpec((EB, DH), lambda i: (i, 0)),
            pl.BlockSpec((1, 1, EB), lambda i: (i, 0, 0)),
            pl.BlockSpec((1, 5, EB), lambda i: (i, 0, 0)),
            _full(bW1.shape), _full(bb1.shape), _full(bW2.shape), _full(bb2.shape),
            _full(We.shape), _full(wc.shape), _full(cW.shape),
            _full(eW1.shape), _full(eb1.shape), _full(eW2.shape), _full(eb2.shape),
        ],
        out_specs=(
            pl.BlockSpec((EB, DH), lambda i: (i, 0)),
            pl.BlockSpec((EB, 5), lambda i: (i, 0)),
            pl.BlockSpec((1, 1, EB), lambda i: (i, 0, 0)),
        ),
        out_shape=out_shape,
    )(S, d23, bt3, bW1, bb1, bW2, bb2, We, wc, cW, eW1, eb1, eW2, eb2)


def _aggscatter_body(msg_hbm, dst_hbm, z128_hbm, agg_hbm,
                     di0, di1, di2, di3, m0, m1, m2, m3,
                     ls0, ls1, ls2, ls3, ss0, ss1, ss2, ss3, agg_s):
    DI = (di0, di1, di2, di3)
    M = (m0, m1, m2, m3)
    LS = (ls0, ls1, ls2, ls3)
    SS = (ss0, ss1, ss2, ss3)
    c = lax.axis_index("c")
    s = lax.axis_index("s")
    wid = c * NS + s

    @pl.when(s < NS - 1)
    def _():
        sl = pl.ds(s * RPS, RPS)
        pltpu.sync_copy(z128_hbm.at[sl], agg_s.at[sl])

    @pl.when(s == NS - 1)
    def _():
        sl = pl.ds(RPS * (NS - 1), RPS_LAST)
        pltpu.sync_copy(z128_hbm.at[sl], agg_s.at[sl])

    plsc.subcore_barrier()
    base = wid * EPW

    def issue_loads(b, ci):
        off = base + ci * CH
        pltpu.async_copy(dst_hbm.at[pl.ds(off, CH)], DI[b], LS[b])
        pltpu.async_copy(msg_hbm.at[pl.ds(off, CH)], M[b], LS[b])

    def wait_loads(b):
        pltpu.make_async_copy(dst_hbm.at[pl.ds(0, CH)], DI[b], LS[b]).wait()
        pltpu.make_async_copy(msg_hbm.at[pl.ds(0, CH)], M[b], LS[b]).wait()

    def issue_scatter(b):
        pltpu.async_copy(M[b], agg_s.at[DI[b]], SS[b], add=True)

    def wait_scatter(b):
        pltpu.make_async_copy(M[b], agg_s.at[pl.ds(0, CH)], SS[b]).wait()

    issue_loads(0, 0)
    issue_loads(1, 1)
    issue_loads(2, 2)

    def body(i, carry):
        c = 4 * i
        wait_loads(0)
        issue_scatter(0)

        @pl.when(i > 0)
        def _():
            wait_scatter(3)

        issue_loads(3, c + 3)
        wait_loads(1)
        issue_scatter(1)
        wait_scatter(0)
        issue_loads(0, c + 4)
        wait_loads(2)
        issue_scatter(2)
        wait_scatter(1)

        @pl.when(c + 5 < NCH)
        def _():
            issue_loads(1, c + 5)

        wait_loads(3)
        issue_scatter(3)
        wait_scatter(2)

        @pl.when(c + 6 < NCH)
        def _():
            issue_loads(2, c + 6)

        return carry

    lax.fori_loop(0, (NCH - 1) // 4, body, 0, unroll=False)
    wait_scatter(3)
    wait_loads(0)
    issue_scatter(0)
    wait_scatter(0)
    plsc.subcore_barrier()

    @pl.when(s < NS - 1)
    def _():
        sl = pl.ds(s * RPS, RPS)
        pltpu.sync_copy(agg_s.at[sl], agg_hbm.at[c, sl])

    @pl.when(s == NS - 1)
    def _():
        sl = pl.ds(RPS * (NS - 1), RPS_LAST)
        pltpu.sync_copy(agg_s.at[sl], agg_hbm.at[c, sl])


def _velscatter_body(scal_hbm, dst_hbm, dt_hbm, zn_hbm,
                     vx_hbm, vy_hbm, vz_hbm,
                     di0, di1, di2, sc0, sc1, sc2, dtc0, dtc1, dtc2,
                     vx_v, vy_v, vz_v, ls0, ls1, ls2):
    DI = (di0, di1, di2)
    SC = (sc0, sc1, sc2)
    DTC = (dtc0, dtc1, dtc2)
    LS = (ls0, ls1, ls2)
    c = lax.axis_index("c")
    s = lax.axis_index("s")
    wid = c * NS + s
    pltpu.sync_copy(zn_hbm, vx_v)
    pltpu.sync_copy(zn_hbm, vy_v)
    pltpu.sync_copy(zn_hbm, vz_v)
    base = wid * EPW

    def issue_loads(b, ci):
        off = base + ci * CH
        pltpu.async_copy(dst_hbm.at[pl.ds(off, CH)], DI[b], LS[b])
        pltpu.async_copy(scal_hbm.at[pl.ds(off, CH)], SC[b], LS[b])
        pltpu.async_copy(dt_hbm.at[pl.ds(3 * off, 3 * CH)], DTC[b], LS[b])

    def wait_loads(b):
        pltpu.make_async_copy(dst_hbm.at[pl.ds(0, CH)], DI[b], LS[b]).wait()
        pltpu.make_async_copy(scal_hbm.at[pl.ds(0, CH)], SC[b], LS[b]).wait()
        pltpu.make_async_copy(dt_hbm.at[pl.ds(0, 3 * CH)], DTC[b], LS[b]).wait()

    def vel_loop(b):
        def vel(k, kcarry):
            ksl = pl.ds(k * L, L)
            ivd = DI[b][ksl]
            scv = SC[b][ksl]
            plsc.addupdate_scatter(vx_v, [ivd], DTC[b][ksl] * scv)
            plsc.addupdate_scatter(vy_v, [ivd],
                                   DTC[b][pl.ds(CH + k * L, L)] * scv)
            plsc.addupdate_scatter(vz_v, [ivd],
                                   DTC[b][pl.ds(2 * CH + k * L, L)] * scv)
            return kcarry

        lax.fori_loop(0, CH // L, vel, 0, unroll=True)

    issue_loads(0, 0)
    issue_loads(1, 1)

    def body(i, carry):
        c = 3 * i
        issue_loads(2, c + 2)
        wait_loads(0)
        vel_loop(0)
        issue_loads(0, c + 3)
        wait_loads(1)
        vel_loop(1)
        issue_loads(1, c + 4)
        wait_loads(2)
        vel_loop(2)
        return carry

    lax.fori_loop(0, (NCH - 2) // 3, body, 0, unroll=False)
    wait_loads(0)
    vel_loop(0)
    wait_loads(1)
    vel_loop(1)
    pltpu.sync_copy(vx_v, vx_hbm.at[wid, 0])
    pltpu.sync_copy(vy_v, vy_hbm.at[wid, 0])
    pltpu.sync_copy(vz_v, vz_hbm.at[wid, 0])


def _scatter_call(msg, scal, dst, dtri):
    z128 = jnp.zeros((N, DH), F32)
    zn = jnp.zeros((N,), F32)
    ka = functools.partial(
        pl.kernel,
        out_type=jax.ShapeDtypeStruct((NC, N, DH), F32),
        mesh=_mesh(),
        scratch_types=(
            [pltpu.VMEM((CH,), jnp.int32) for _ in range(4)]
            + [pltpu.VMEM((CH, DH), F32) for _ in range(4)]
            + [pltpu.SemaphoreType.DMA for _ in range(8)]
            + [pltpu.VMEM_SHARED((N, DH), F32)]
        ),
        compiler_params=pltpu.CompilerParams(needs_layout_passes=False),
    )(_aggscatter_body)
    aggp = ka(msg, dst, z128)
    kv = functools.partial(
        pl.kernel,
        out_type=(
            jax.ShapeDtypeStruct((NW, 1, N), F32),
            jax.ShapeDtypeStruct((NW, 1, N), F32),
            jax.ShapeDtypeStruct((NW, 1, N), F32),
        ),
        mesh=_mesh(),
        scratch_types=(
            [pltpu.VMEM((CH,), jnp.int32) for _ in range(3)]
            + [pltpu.VMEM((CH,), F32) for _ in range(3)]
            + [pltpu.VMEM((3 * CH,), F32) for _ in range(3)]
            + [pltpu.VMEM((N,), F32) for _ in range(3)]
            + [pltpu.SemaphoreType.DMA for _ in range(3)]
        ),
        compiler_params=pltpu.CompilerParams(needs_layout_passes=False),
    )(_velscatter_body)
    vx, vy, vz = kv(scal, dst, dtri, zn)
    return aggp, vx, vy, vz


def _dec_body(h_ref, agg_ref, vx_ref, vy_ref, vz_ref, updW, W1, b1, W2, b2,
              vel_ref, lh_ref):
    agg = agg_ref[0] + agg_ref[1]
    h_out = h_ref[...] + jnp.dot(agg, updW[...], preferred_element_type=F32)
    z = jax.nn.silu(
        jnp.dot(h_out, W1[...], preferred_element_type=F32) + b1[...]
    )
    lh_ref[...] = jnp.dot(z, W2[...], preferred_element_type=F32) + b2[...]
    cx = jnp.sum(vx_ref[...], axis=1, keepdims=True)
    cy = jnp.sum(vy_ref[...], axis=1, keepdims=True)
    cz = jnp.sum(vz_ref[...], axis=1, keepdims=True)
    vel_ref[...] = jnp.concatenate([cx, cy, cz], axis=1)


def _dec_call(h, aggp, vxT, vyT, vzT, updW, W1, b1, W2, b2):
    out_shape = (
        jax.ShapeDtypeStruct((N, 3), F32),
        jax.ShapeDtypeStruct((N, DH), F32),
    )
    return pl.pallas_call(
        _dec_body,
        grid=(N // NB,),
        in_specs=[
            pl.BlockSpec((NB, DH), lambda i: (i, 0)),
            pl.BlockSpec((NC, NB, DH), lambda i: (0, i, 0)),
            pl.BlockSpec((NB, NW), lambda i: (i, 0)),
            pl.BlockSpec((NB, NW), lambda i: (i, 0)),
            pl.BlockSpec((NB, NW), lambda i: (i, 0)),
            _full(updW.shape),
            _full(W1.shape), _full(b1.shape), _full(W2.shape), _full(b2.shape),
        ],
        out_specs=(
            pl.BlockSpec((NB, 3), lambda i: (i, 0)),
            pl.BlockSpec((NB, DH), lambda i: (i, 0)),
        ),
        out_shape=out_shape,
    )(h, aggp, vxT, vyT, vzT, updW, W1, b1, W2, b2)


def kernel(x_atoms, h_atoms, rot_vec, mask_atoms, pocket_h, mask_pocket, t,
           bond_index, bond_types, params):
    p = params
    r1 = lambda b: b.reshape(1, -1)

    maskp_f = mask_pocket.astype(F32).reshape(NP_, 1)
    maska_f = mask_atoms.astype(F32).reshape(N, 1)
    xx = x_atoms[:, 0]
    xy = x_atoms[:, 1]
    xz = x_atoms[:, 2]
    src = bond_index[0].astype(jnp.int32)
    dst = bond_index[1].astype(jnp.int32)
    bt3 = bond_types.reshape(NBLK, EB, 5).transpose(0, 2, 1)

    msg_W = p['msg_W']
    Wsrc = msg_W[0:DH]
    Wdst = msg_W[DH:2 * DH]
    wc = msg_W[2 * DH:2 * DH + 1]
    We = msg_W[2 * DH + 1:]

    pool = _pool_call(pocket_h, maskp_f,
                      p['re_W1'], r1(p['re_b1']), p['re_W2'], r1(p['re_b2']))
    h, ap, bp = _node_call(h_atoms, maska_f, pool, t,
                           p['ae_W1'], r1(p['ae_b1']), p['ae_W2'], r1(p['ae_b2']),
                           Wsrc, Wdst, r1(p['msg_b']))
    S, d2, dtri = _gather_call(ap, bp, xx, xy, xz, src, dst)
    msg, logits_e, scal3 = _edge_call(
        S, d2.reshape(NBLK, 1, EB), bt3,
        p['be_W1'], r1(p['be_b1']), p['be_W2'], r1(p['be_b2']),
        We, wc, p['cW'],
        p['ed_W1'], r1(p['ed_b1']), p['ed_W2'], r1(p['ed_b2']))
    aggp, vx, vy, vz = _scatter_call(msg, scal3.reshape(E), dst, dtri)
    vx = vx.reshape(NW, N).T
    vy = vy.reshape(NW, N).T
    vz = vz.reshape(NW, N).T
    vel, logits_h = _dec_call(h, aggp, vx, vy, vz, p['upd_W'],
                              p['ad_W1'], r1(p['ad_b1']),
                              p['ad_W2'], r1(p['ad_b2']))
    return vel, logits_h, logits_e

# --- scband reference (transcript-rebuilt; emitter-appended) ---
"""Pipeline reference for scband-dynamics-29858612642356 (READ-ONLY COPY).

The authoritative reference and input builder live on the scoring server;
editing this copy changes nothing except your own understanding.
"""

import jax, jax.numpy as jnp
import numpy as np

N = 10000
E = 320000
NP = 10000
NG = 16
ATOM_NF = 128
RES_NF = 128
JOINT = 128
HID = 128
ENF = 16
BNF = 5


def _mlp2(x, W1, b1, W2, b2):
    return jax.nn.silu(x @ W1 + b1) @ W2 + b2


def setup_inputs(seed: int = 0) -> dict:
    key = jax.random.key(seed)
    ks = jax.random.split(key, 40)
    x_atoms = jax.random.normal(ks[0], (N, 3), jnp.float32)
    h_atoms = jax.random.normal(ks[1], (N, ATOM_NF), jnp.float32)
    rot_vec = jax.random.normal(ks[2], (N, 3), jnp.float32)
    mask_atoms = jnp.sort(jax.random.randint(ks[3], (N,), 0, NG))
    pocket_h = jax.random.normal(ks[4], (NP, RES_NF), jnp.float32)
    mask_pocket = jnp.sort(jax.random.randint(ks[5], (NP,), 0, NG))
    t = jax.random.uniform(ks[6], (NG, 1), jnp.float32)
    bond_index = jax.random.randint(ks[7], (2, E), 0, N)
    bond_types = jax.random.uniform(ks[8], (E, BNF), jnp.float32)

    def w(k, shape):
        return jax.random.normal(k, shape, jnp.float32) * 0.05

    params = {
        'ae_W1': w(ks[10], (ATOM_NF, 2 * ATOM_NF)), 'ae_b1': jnp.zeros((2 * ATOM_NF,)),
        'ae_W2': w(ks[11], (2 * ATOM_NF, JOINT)), 'ae_b2': jnp.zeros((JOINT,)),
        're_W1': w(ks[12], (RES_NF, 2 * RES_NF)), 're_b1': jnp.zeros((2 * RES_NF,)),
        're_W2': w(ks[13], (2 * RES_NF, JOINT)), 're_b2': jnp.zeros((JOINT,)),
        'be_W1': w(ks[14], (BNF, HID)), 'be_b1': jnp.zeros((HID,)),
        'be_W2': w(ks[15], (HID, ENF)), 'be_b2': jnp.zeros((ENF,)),
        'msg_W': w(ks[16], (2 * JOINT + 1 + ENF, HID)), 'msg_b': jnp.zeros((HID,)),
        'upd_W': w(ks[17], (HID, JOINT)),
        'cW': w(ks[18], (HID, 1)),
        'ad_W1': w(ks[19], (JOINT, 2 * ATOM_NF)), 'ad_b1': jnp.zeros((2 * ATOM_NF,)),
        'ad_W2': w(ks[20], (2 * ATOM_NF, ATOM_NF)), 'ad_b2': jnp.zeros((ATOM_NF,)),
        'ed_W1': w(ks[21], (HID, HID)), 'ed_b1': jnp.zeros((HID,)),
        'ed_W2': w(ks[22], (HID, BNF)), 'ed_b2': jnp.zeros((BNF,)),
    }
    return {
        'x_atoms': x_atoms, 'h_atoms': h_atoms, 'rot_vec': rot_vec,
        'mask_atoms': mask_atoms, 'pocket_h': pocket_h, 'mask_pocket': mask_pocket,
        't': t, 'bond_index': bond_index, 'bond_types': bond_types, 'params': params,
    }


def reference(x_atoms, h_atoms, rot_vec, mask_atoms, pocket_h, mask_pocket, t, bond_index, bond_types, params):
    p = params
    n = x_atoms.shape[0]
    ng = t.shape[0]
    # atom / residue encoders (non-GVP path: joint_nf scalar, residue_nf scalar)
    h = _mlp2(h_atoms, p['ae_W1'], p['ae_b1'], p['ae_W2'], p['ae_b2'])
    hp = _mlp2(pocket_h, p['re_W1'], p['re_b1'], p['re_W2'], p['re_b2'])
    # time conditioning (condition_time=True): gather per-graph t to nodes
    h = h + jnp.take(t, mask_atoms, axis=0)
    # pocket context: per-graph mean pool (segment_sum) gathered back to ligand atoms
    pool = jax.ops.segment_sum(hp, mask_pocket, num_segments=ng)
    cnt = jax.ops.segment_sum(jnp.ones((hp.shape[0], 1), hp.dtype), mask_pocket, num_segments=ng)
    pool = pool / jnp.maximum(cnt, 1.0)
    h = h + jnp.take(pool, mask_atoms, axis=0)
    # ligand bond encoder
    e = _mlp2(bond_types, p['be_W1'], p['be_b1'], p['be_W2'], p['be_b2'])
    # EGNN-style message passing over ligand bonds
    src = bond_index[0]
    dst = bond_index[1]
    h_src = jnp.take(h, src, axis=0)
    h_dst = jnp.take(h, dst, axis=0)
    d = jnp.take(x_atoms, dst, axis=0) - jnp.take(x_atoms, src, axis=0)
    dist2 = jnp.sum(d * d, axis=-1, keepdims=True)
    m_in = jnp.concatenate([h_src, h_dst, dist2, e], axis=-1)
    msg = jax.nn.silu(m_in @ p['msg_W'] + p['msg_b'])
    agg = jax.ops.segment_sum(msg, dst, num_segments=n)
    h_out = h + agg @ p['upd_W']
    vel = jax.ops.segment_sum(d * (msg @ p['cW']), dst, num_segments=n)
    # decoders
    logits_h = _mlp2(h_out, p['ad_W1'], p['ad_b1'], p['ad_W2'], p['ad_b2'])
    logits_e = _mlp2(msg, p['ed_W1'], p['ed_b1'], p['ed_W2'], p['ed_b2'])
    return vel, logits_h, logits_e

if __name__ == "__main__":
    import jax
    _d = setup_inputs()
    print(jax.jit(kernel)(*tuple(_d.values())))

</pallas_src>

<mosaic_0001>
#map = affine_map<(d0, d1) -> (0, 0)>
#map1 = affine_map<(d0, d1) -> (0)>
module attributes {stable_mosaic.version = 14 : i64} {
  func.func @_gather_body(%arg0: i32, %arg1: i32, %arg2: memref<10000x128xf32, #tpu.memory_space<hbm>>, %arg3: memref<10000x128xf32, #tpu.memory_space<hbm>>, %arg4: memref<10000xf32, #tpu.memory_space<hbm>>, %arg5: memref<10000xf32, #tpu.memory_space<hbm>>, %arg6: memref<10000xf32, #tpu.memory_space<hbm>>, %arg7: memref<320000xi32, #tpu.memory_space<hbm>>, %arg8: memref<320000xi32, #tpu.memory_space<hbm>>, %arg9: memref<320000x128xf32, #tpu.memory_space<hbm>>, %arg10: memref<320000xf32, #tpu.memory_space<hbm>>, %arg11: memref<960000xf32, #tpu.memory_space<hbm>>, %arg12: memref<80xi32, #tpu.memory_space<vmem>>, %arg13: memref<80xi32, #tpu.memory_space<vmem>>, %arg14: memref<80xi32, #tpu.memory_space<vmem>>, %arg15: memref<80xi32, #tpu.memory_space<vmem>>, %arg16: memref<80xi32, #tpu.memory_space<vmem>>, %arg17: memref<80xi32, #tpu.memory_space<vmem>>, %arg18: memref<80x128xf32, #tpu.memory_space<vmem>>, %arg19: memref<80x128xf32, #tpu.memory_space<vmem>>, %arg20: memref<80x128xf32, #tpu.memory_space<vmem>>, %arg21: memref<80x128xf32, #tpu.memory_space<vmem>>, %arg22: memref<80x128xf32, #tpu.memory_space<vmem>>, %arg23: memref<80x128xf32, #tpu.memory_space<vmem>>, %arg24: memref<80xf32, #tpu.memory_space<vmem>>, %arg25: memref<80xf32, #tpu.memory_space<vmem>>, %arg26: memref<80xf32, #tpu.memory_space<vmem>>, %arg27: memref<240xf32, #tpu.memory_space<vmem>>, %arg28: memref<240xf32, #tpu.memory_space<vmem>>, %arg29: memref<240xf32, #tpu.memory_space<vmem>>, %arg30: memref<10000xf32, #tpu.memory_space<vmem>>, %arg31: memref<10000xf32, #tpu.memory_space<vmem>>, %arg32: memref<10000xf32, #tpu.memory_space<vmem>>, %arg33: memref<!tpu.dma_semaphore, #tpu.memory_space<semaphore_mem>>, %arg34: memref<!tpu.dma_semaphore, #tpu.memory_space<semaphore_mem>>, %arg35: memref<!tpu.dma_semaphore, #tpu.memory_space<semaphore_mem>>, %arg36: memref<!tpu.dma_semaphore, #tpu.memory_space<semaphore_mem>>, %arg37: memref<!tpu.dma_semaphore, #tpu.memory_space<semaphore_mem>>, %arg38: memref<!tpu.dma_semaphore, #tpu.memory_space<semaphore_mem>>, %arg39: memref<!tpu.dma_semaphore, #tpu.memory_space<semaphore_mem>>, %arg40: memref<!tpu.dma_semaphore, #tpu.memory_space<semaphore_mem>>, %arg41: memref<!tpu.dma_semaphore, #tpu.memory_space<semaphore_mem>>) attributes {dimension_semantics = [#tpu.dimension_semantics<core_parallel>, #tpu.dimension_semantics<subcore_parallel>], iteration_bounds = array<i64: 2, 16>, scalar_prefetch = 0 : i64, scratch_operands = 30 : i64, tpu.core_type = #tpu.core_type<sc_vector_subcore>, window_params = [{transform_indices = #map}, {transform_indices = #map}, {transform_indices = #map1}, {transform_indices = #map1}, {transform_indices = #map1}, {transform_indices = #map1}, {transform_indices = #map1}, {transform_indices = #map}, {transform_indices = #map1}, {transform_indices = #map1}]} {
    %mul3A = arith.constant 2 : i32
    %mul3A_0 = arith.muli %arg1, %mul3A : i32
    %add3A = arith.addi %mul3A_0, %arg0 : i32
    %mul3A_1 = arith.constant 10000 : i32
    %mul3A_2 = arith.muli %add3A, %mul3A_1 : i32
    "tpu.region"() ({
      %run_scoped3A = tpu.sem_alloc : memref<!tpu.dma_semaphore, #tpu.memory_space<semaphore_mem>>
      tpu.enqueue_dma source(%arg4 : memref<10000xf32, #tpu.memory_space<hbm>>) target(%arg30 : memref<10000xf32, #tpu.memory_space<vmem>>) target_semaphore(%run_scoped3A : memref<!tpu.dma_semaphore, #tpu.memory_space<semaphore_mem>>)
      tpu.wait_dma2 semaphore(%run_scoped3A : memref<!tpu.dma_semaphore, #tpu.memory_space<semaphore_mem>>) src(%arg4 : memref<10000xf32, #tpu.memory_space<hbm>>) dst(%arg30 : memref<10000xf32, #tpu.memory_space<vmem>>)
      tpu.yield
    }) : () -> ()
    "tpu.region"() ({
      %run_scoped3A = tpu.sem_alloc : memref<!tpu.dma_semaphore, #tpu.memory_space<semaphore_mem>>
      tpu.enqueue_dma source(%arg5 : memref<10000xf32, #tpu.memory_space<hbm>>) target(%arg31 : memref<10000xf32, #tpu.memory_space<vmem>>) target_semaphore(%run_scoped3A : memref<!tpu.dma_semaphore, #tpu.memory_space<semaphore_mem>>)
      tpu.wait_dma2 semaphore(%run_scoped3A : memref<!tpu.dma_semaphore, #tpu.memory_space<semaphore_mem>>) src(%arg5 : memref<10000xf32, #tpu.memory_space<hbm>>) dst(%arg31 : memref<10000xf32, #tpu.memory_space<vmem>>)
      tpu.yield
    }) : () -> ()
    "tpu.region"() ({
      %run_scoped3A = tpu.sem_alloc : memref<!tpu.dma_semaphore, #tpu.memory_space<semaphore_mem>>
      tpu.enqueue_dma source(%arg6 : memref<10000xf32, #tpu.memory_space<hbm>>) target(%arg32 : memref<10000xf32, #tpu.memory_space<vmem>>) target_semaphore(%run_scoped3A : memref<!tpu.dma_semaphore, #tpu.memory_space<semaphore_mem>>)
      tpu.wait_dma2 semaphore(%run_scoped3A : memref<!tpu.dma_semaphore, #tpu.memory_space<semaphore_mem>>) src(%arg6 : memref<10000xf32, #tpu.memory_space<hbm>>) dst(%arg32 : memref<10000xf32, #tpu.memory_space<vmem>>)
      tpu.yield
    }) : () -> ()
    %add3A_3 = arith.constant 0 : i32
    %add3A_4 = arith.addi %mul3A_2, %add3A_3 : i32
    %dma_start3A = tpu.memref_slice %arg7[%add3A_4] : memref<320000xi32, #tpu.memory_space<hbm>> -> memref<80xi32, #tpu.memory_space<hbm>>
    %dma_start3A_5 = tpu.memref_slice %arg7[%add3A_4] : memref<320000xi32, #tpu.memory_space<hbm>> -> memref<80xi32, #tpu.memory_space<hbm>>
    tpu.enqueue_dma source(%dma_start3A_5 : memref<80xi32, #tpu.memory_space<hbm>>) target(%arg12 : memref<80xi32, #tpu.memory_space<vmem>>) target_semaphore(%arg33 : memref<!tpu.dma_semaphore, #tpu.memory_space<semaphore_mem>>)
    %dma_start3A_6 = tpu.memref_slice %arg8[%add3A_4] : memref<320000xi32, #tpu.memory_space<hbm>> -> memref<80xi32, #tpu.memory_space<hbm>>
    %dma_start3A_7 = tpu.memref_slice %arg8[%add3A_4] : memref<320000xi32, #tpu.memory_space<hbm>> -> memref<80xi32, #tpu.memory_space<hbm>>
    tpu.enqueue_dma source(%dma_start3A_7 : memref<80xi32, #tpu.memory_space<hbm>>) target(%arg15 : memref<80xi32, #tpu.memory_space<vmem>>) target_semaphore(%arg33 : memref<!tpu.dma_semaphore, #tpu.memory_space<semaphore_mem>>)
    %add3A_8 = arith.constant 80 : i32
    %add3A_9 = arith.addi %mul3A_2, %add3A_8 : i32
    %dma_start3A_10 = tpu.memref_slice %arg7[%add3A_9] : memref<320000xi32, #tpu.memory_space<hbm>> -> memref<80xi32, #tpu.memory_space<hbm>>
    %dma_start3A_11 = tpu.memref_slice %arg7[%add3A_9] : memref<320000xi32, #tpu.memory_space<hbm>> -> memref<80xi32, #tpu.memory_space<hbm>>
    tpu.enqueue_dma source(%dma_start3A_11 : memref<80xi32, #tpu.memory_space<hbm>>) target(%arg13 : memref<80xi32, #tpu.memory_space<vmem>>) target_semaphore(%arg34 : memref<!tpu.dma_semaphore, #tpu.memory_space<semaphore_mem>>)
    %dma_start3A_12 = tpu.memref_slice %arg8[%add3A_9] : memref<320000xi32, #tpu.memory_space<hbm>> -> memref<80xi32, #tpu.memory_space<hbm>>
    %dma_start3A_13 = tpu.memref_slice %arg8[%add3A_9] : memref<320000xi32, #tpu.memory_space<hbm>> -> memref<80xi32, #tpu.memory_space<hbm>>
    tpu.enqueue_dma source(%dma_start3A_13 : memref<80xi32, #tpu.memory_space<hbm>>) target(%arg16 : memref<80xi32, #tpu.memory_space<vmem>>) target_semaphore(%arg34 : memref<!tpu.dma_semaphore, #tpu.memory_space<semaphore_mem>>)
    %add3A_14 = arith.constant 160 : i32
    %add3A_15 = arith.addi %mul3A_2, %add3A_14 : i32
    %dma_start3A_16 = tpu.memref_slice %arg7[%add3A_15] : memref<320000xi32, #tpu.memory_space<hbm>> -> memref<80xi32, #tpu.memory_space<hbm>>
    %dma_start3A_17 = tpu.memref_slice %arg7[%add3A_15] : memref<320000xi32, #tpu.memory_space<hbm>> -> memref<80xi32, #tpu.memory_space<hbm>>
    tpu.enqueue_dma source(%dma_start3A_17 : memref<80xi32, #tpu.memory_space<hbm>>) target(%arg14 : memref<80xi32, #tpu.memory_space<vmem>>) target_semaphore(%arg35 : memref<!tpu.dma_semaphore, #tpu.memory_space<semaphore_mem>>)
    %dma_start3A_18 = tpu.memref_slice %arg8[%add3A_15] : memref<320000xi32, #tpu.memory_space<hbm>> -> memref<80xi32, #tpu.memory_space<hbm>>
    %dma_start3A_19 = tpu.memref_slice %arg8[%add3A_15] : memref<320000xi32, #tpu.memory_space<hbm>> -> memref<80xi32, #tpu.memory_space<hbm>>
    tpu.enqueue_dma source(%dma_start3A_19 : memref<80xi32, #tpu.memory_space<hbm>>) target(%arg17 : memref<80xi32, #tpu.memory_space<vmem>>) target_semaphore(%arg35 : memref<!tpu.dma_semaphore, #tpu.memory_space<semaphore_mem>>)
    %dma_wait3A = arith.constant 0 : i32
    %dma_wait3A_20 = tpu.memref_slice %arg7[%dma_wait3A] : memref<320000xi32, #tpu.memory_space<hbm>> -> memref<80xi32, #tpu.memory_space<hbm>>
    %dma_wait3A_21 = arith.constant 0 : i32
    %dma_wait3A_22 = tpu.memref_slice %arg7[%dma_wait3A_21] : memref<320000xi32, #tpu.memory_space<hbm>> -> memref<80xi32, #tpu.memory_space<hbm>>
    tpu.wait_dma2 semaphore(%arg33 : memref<!tpu.dma_semaphore, #tpu.memory_space<semaphore_mem>>) src(%dma_wait3A_22 : memref<80xi32, #tpu.memory_space<hbm>>) dst(%arg12 : memref<80xi32, #tpu.memory_space<vmem>>)
    %dma_wait3A_23 = arith.constant 0 : i32
    %dma_wait3A_24 = tpu.memref_slice %arg7[%dma_wait3A_23] : memref<320000xi32, #tpu.memory_space<hbm>> -> memref<80xi32, #tpu.memory_space<hbm>>
    %dma_wait3A_25 = arith.constant 0 : i32
    %dma_wait3A_26 = tpu.memref_slice %arg7[%dma_wait3A_25] : memref<320000xi32, #tpu.memory_space<hbm>> -> memref<80xi32, #tpu.memory_space<hbm>>
    tpu.wait_dma2 semaphore(%arg33 : memref<!tpu.dma_semaphore, #tpu.memory_space<semaphore_mem>>) src(%dma_wait3A_26 : memref<80xi32, #tpu.memory_space<hbm>>) dst(%arg15 : memref<80xi32, #tpu.memory_space<vmem>>)
    %dma_start3A_27 = arith.constant 0 : i32
    %dma_start3A_28 = arith.constant 0 : i32
    %dma_start3A_29 = tpu.memref_slice %arg2[%dma_start3A_27, %dma_start3A_28] : memref<10000x128xf32, #tpu.memory_space<hbm>> -> memref<10000x128xf32, #tpu.memory_space<hbm>>
    tpu.enqueue_indirect_dma source(%dma_start3A_29 : memref<10000x128xf32, #tpu.memory_space<hbm>>) target(%arg18 : memref<80x128xf32, #tpu.memory_space<vmem>>) offsets(%arg12 : memref<80xi32, #tpu.memory_space<vmem>>) semaphore(%arg36 : memref<!tpu.dma_semaphore, #tpu.memory_space<semaphore_mem>>)
    %dma_start3A_30 = arith.constant 0 : i32
    %dma_start3A_31 = arith.constant 0 : i32
    %dma_start3A_32 = tpu.memref_slice %arg3[%dma_start3A_30, %dma_start3A_31] : memref<10000x128xf32, #tpu.memory_space<hbm>> -> memref<10000x128xf32, #tpu.memory_space<hbm>>
    tpu.enqueue_indirect_dma source(%dma_start3A_32 : memref<10000x128xf32, #tpu.memory_space<hbm>>) target(%arg21 : memref<80x128xf32, #tpu.memory_space<vmem>>) offsets(%arg15 : memref<80xi32, #tpu.memory_space<vmem>>) semaphore(%arg36 : memref<!tpu.dma_semaphore, #tpu.memory_space<semaphore_mem>>)
    %dma_wait3A_33 = arith.constant 0 : i32
    %dma_wait3A_34 = tpu.memref_slice %arg7[%dma_wait3A_33] : memref<320000xi32, #tpu.memory_space<hbm>> -> memref<80xi32, #tpu.memory_space<hbm>>
    %dma_wait3A_35 = arith.constant 0 : i32
    %dma_wait3A_36 = tpu.memref_slice %arg7[%dma_wait3A_35] : memref<320000xi32, #tpu.memory_space<hbm>> -> memref<80xi32, #tpu.memory_space<hbm>>
    tpu.wait_dma2 semaphore(%arg34 : memref<!tpu.dma_semaphore, #tpu.memory_space<semaphore_mem>>) src(%dma_wait3A_36 : memref<80xi32, #tpu.memory_space<hbm>>) dst(%arg13 : memref<80xi32, #tpu.memory_space<vmem>>)
    %dma_wait3A_37 = arith.constant 0 : i32
    %dma_wait3A_38 = tpu.memref_slice %arg7[%dma_wait3A_37] : memref<320000xi32, #tpu.memory_space<hbm>> -> memref<80xi32, #tpu.memory_space<hbm>>
    %dma_wait3A_39 = arith.constant 0 : i32
    %dma_wait3A_40 = tpu.memref_slice %arg7[%dma_wait3A_39] : memref<320000xi32, #tpu.memory_space<hbm>> -> memref<80xi32, #tpu.memory_space<hbm>>
    tpu.wait_dma2 semaphore(%arg34 : memref<!tpu.dma_semaphore, #tpu.memory_space<semaphore_mem>>) src(%dma_wait3A_40 : memref<80xi32, #tpu.memory_space<hbm>>) dst(%arg16 : memref<80xi32, #tpu.memory_space<vmem>>)
    %dma_start3A_41 = arith.constant 0 : i32
    %dma_start3A_42 = arith.constant 0 : i32
    %dma_start3A_43 = tpu.memref_slice %arg2[%dma_start3A_41, %dma_start3A_42] : memref<10000x128xf32, #tpu.memory_space<hbm>> -> memref<10000x128xf32, #tpu.memory_space<hbm>>
    tpu.enqueue_indirect_dma source(%dma_start3A_43 : memref<10000x128xf32, #tpu.memory_space<hbm>>) target(%arg19 : memref<80x128xf32, #tpu.memory_space<vmem>>) offsets(%arg13 : memref<80xi32, #tpu.memory_space<vmem>>) semaphore(%arg37 : memref<!tpu.dma_semaphore, #tpu.memory_space<semaphore_mem>>)
    %dma_start3A_44 = arith.constant 0 : i32
    %dma_start3A_45 = arith.constant 0 : i32
    %dma_start3A_46 = tpu.memref_slice %arg3[%dma_start3A_44, %dma_start3A_45] : memref<10000x128xf32, #tpu.memory_space<hbm>> -> memref<10000x128xf32, #tpu.memory_space<hbm>>
    tpu.enqueue_indirect_dma source(%dma_start3A_46 : memref<10000x128xf32, #tpu.memory_space<hbm>>) target(%arg22 : memref<80x128xf32, #tpu.memory_space<vmem>>) offsets(%arg16 : memref<80xi32, #tpu.memory_space<vmem>>) semaphore(%arg37 : memref<!tpu.dma_semaphore, #tpu.memory_space<semaphore_mem>>)
    %scan3A = arith.constant 0 : i32
    %scan3A_47 = arith.constant 0 : i32
    %scan3A_48 = arith.constant 41 : i32
    %scan3A_49 = arith.addi %scan3A_47, %scan3A_48 : i32
    %scan3A_50 = arith.constant 1 : i32
    scf.for %scan3A_524 = %scan3A_47 to %scan3A_49 step %scan3A_50  : i32 {
      %mul3A_525 = arith.constant 3 : i32
      %mul3A_526 = arith.muli %mul3A_525, %scan3A_524 : i32
      %scan3A_527 = arith.constant 0 : i32
      %scan3A_528 = arith.constant 0 : i32
      %mul3A_529 = arith.constant 16 : i32
      %mul3A_530 = arith.muli %scan3A_528, %mul3A_529 : i32
      %get3A_531 = arith.index_cast %mul3A_530 : i32 to index
      %get3A_532 = tpu.vector_load %arg12[%get3A_531] {strides = array<i32>} : memref<80xi32, #tpu.memory_space<vmem>>, vector<16xi32>,
      %get3A_533 = arith.index_cast %mul3A_530 : i32 to index
      %get3A_534 = tpu.vector_load %arg15[%get3A_533] {strides = array<i32>} : memref<80xi32, #tpu.memory_space<vmem>>, vector<16xi32>,
      %gather3A_535 = tpu.vector_load_idx %arg30[%get3A_534] : memref<10000xf32, #tpu.memory_space<vmem>>[vector<16xi32>], vector<16xf32>,
      %gather3A_536 = tpu.vector_load_idx %arg30[%get3A_532] : memref<10000xf32, #tpu.memory_space<vmem>>[vector<16xi32>], vector<16xf32>,
      %sub3A_537 = arith.subf %gather3A_535, %gather3A_536 : vector<16xf32>
      %gather3A_538 = tpu.vector_load_idx %arg31[%get3A_534] : memref<10000xf32, #tpu.memory_space<vmem>>[vector<16xi32>], vector<16xf32>,
      %gather3A_539 = tpu.vector_load_idx %arg31[%get3A_532] : memref<10000xf32, #tpu.memory_space<vmem>>[vector<16xi32>], vector<16xf32>,
      %sub3A_540 = arith.subf %gather3A_538, %gather3A_539 : vector<16xf32>
      %gather3A_541 = tpu.vector_load_idx %arg32[%get3A_534] : memref<10000xf32, #tpu.memory_space<vmem>>[vector<16xi32>], vector<16xf32>,
      %gather3A_542 = tpu.vector_load_idx %arg32[%get3A_532] : memref<10000xf32, #tpu.memory_space<vmem>>[vector<16xi32>], vector<16xf32>,
      %sub3A_543 = arith.subf %gather3A_541, %gather3A_542 : vector<16xf32>
      %swap3A_544 = arith.index_cast %mul3A_530 : i32 to index
      %swap3A_545 = tpu.vector_load %arg27[%swap3A_544] {strides = array<i32>} : memref<240xf32, #tpu.memory_space<vmem>>, vector<16xf32>,
      tpu.vector_store %arg27[%swap3A_544], %sub3A_537 {strides = array<i32>} : memref<240xf32, #tpu.memory_space<vmem>>, vector<16xf32>,
      %mul3A_546 = arith.constant 16 : i32
      %mul3A_547 = arith.muli %scan3A_528, %mul3A_546 : i32
      %add3A_548 = arith.constant 80 : i32
      %add3A_549 = arith.addi %add3A_548, %mul3A_547 : i32
      %swap3A_550 = arith.index_cast %add3A_549 : i32 to index
      %swap3A_551 = tpu.vector_load %arg27[%swap3A_550] {strides = array<i32>} : memref<240xf32, #tpu.memory_space<vmem>>, vector<16xf32>,
      tpu.vector_store %arg27[%swap3A_550], %sub3A_540 {strides = array<i32>} : memref<240xf32, #tpu.memory_space<vmem>>, vector<16xf32>,
      %mul3A_552 = arith.constant 16 : i32
      %mul3A_553 = arith.muli %scan3A_528, %mul3A_552 : i32
      %add3A_554 = arith.constant 160 : i32
      %add3A_555 = arith.addi %add3A_554, %mul3A_553 : i32
      %swap3A_556 = arith.index_cast %add3A_555 : i32 to index
      %swap3A_557 = tpu.vector_load %arg27[%swap3A_556] {strides = array<i32>} : memref<240xf32, #tpu.memory_space<vmem>>, vector<16xf32>,
      tpu.vector_store %arg27[%swap3A_556], %sub3A_543 {strides = array<i32>} : memref<240xf32, #tpu.memory_space<vmem>>, vector<16xf32>,
      %mul3A_558 = arith.mulf %sub3A_537, %sub3A_537 : vector<16xf32>
      %mul3A_559 = arith.mulf %sub3A_540, %sub3A_540 : vector<16xf32>
      %add3A_560 = arith.addf %mul3A_558, %mul3A_559 : vector<16xf32>
      %mul3A_561 = arith.mulf %sub3A_543, %sub3A_543 : vector<16xf32>
      %add3A_562 = arith.addf %add3A_560, %mul3A_561 : vector<16xf32>
      %swap3A_563 = arith.index_cast %mul3A_530 : i32 to index
      %swap3A_564 = tpu.vector_load %arg24[%swap3A_563] {strides = array<i32>} : memref<80xf32, #tpu.memory_space<vmem>>, vector<16xf32>,
      tpu.vector_store %arg24[%swap3A_563], %add3A_562 {strides = array<i32>} : memref<80xf32, #tpu.memory_space<vmem>>, vector<16xf32>,
      %scan3A_565 = arith.constant 1 : i32
      %mul3A_566 = arith.constant 16 : i32
      %mul3A_567 = arith.muli %scan3A_565, %mul3A_566 : i32
      %get3A_568 = arith.index_cast %mul3A_567 : i32 to index
      %get3A_569 = tpu.vector_load %arg12[%get3A_568] {strides = array<i32>} : memref<80xi32, #tpu.memory_space<vmem>>, vector<16xi32>,
      %get3A_570 = arith.index_cast %mul3A_567 : i32 to index
      %get3A_571 = tpu.vector_load %arg15[%get3A_570] {strides = array<i32>} : memref<80xi32, #tpu.memory_space<vmem>>, vector<16xi32>,
      %gather3A_572 = tpu.vector_load_idx %arg30[%get3A_571] : memref<10000xf32, #tpu.memory_space<vmem>>[vector<16xi32>], vector<16xf32>,
      %gather3A_573 = tpu.vector_load_idx %arg30[%get3A_569] : memref<10000xf32, #tpu.memory_space<vmem>>[vector<16xi32>], vector<16xf32>,
      %sub3A_574 = arith.subf %gather3A_572, %gather3A_573 : vector<16xf32>
      %gather3A_575 = tpu.vector_load_idx %arg31[%get3A_571] : memref<10000xf32, #tpu.memory_space<vmem>>[vector<16xi32>], vector<16xf32>,
      %gather3A_576 = tpu.vector_load_idx %arg31[%get3A_569] : memref<10000xf32, #tpu.memory_space<vmem>>[vector<16xi32>], vector<16xf32>,
      %sub3A_577 = arith.subf %gather3A_575, %gather3A_576 : vector<16xf32>
      %gather3A_578 = tpu.vector_load_idx %arg32[%get3A_571] : memref<10000xf32, #tpu.memory_space<vmem>>[vector<16xi32>], vector<16xf32>,
      %gather3A_579 = tpu.vector_load_idx %arg32[%get3A_569] : memref<10000xf32, #tpu.memory_space<vmem>>[vector<16xi32>], vector<16xf32>,
      %sub3A_580 = arith.subf %gather3A_578, %gather3A_579 : vector<16xf32>
      %swap3A_581 = arith.index_cast %mul3A_567 : i32 to index
      %swap3A_582 = tpu.vector_load %arg27[%swap3A_581] {strides = array<i32>} : memref<240xf32, #tpu.memory_space<vmem>>, vector<16xf32>,
      tpu.vector_store %arg27[%swap3A_581], %sub3A_574 {strides = array<i32>} : memref<240xf32, #tpu.memory_space<vmem>>, vector<16xf32>,
      %mul3A_583 = arith.constant 16 : i32
      %mul3A_584 = arith.muli %scan3A_565, %mul3A_583 : i32
      %add3A_585 = arith.constant 80 : i32
      %add3A_586 = arith.addi %add3A_585, %mul3A_584 : i32
      %swap3A_587 = arith.index_cast %add3A_586 : i32 to index
      %swap3A_588 = tpu.vector_load %arg27[%swap3A_587] {strides = array<i32>} : memref<240xf32, #tpu.memory_space<vmem>>, vector<16xf32>,
      tpu.vector_store %arg27[%swap3A_587], %sub3A_577 {strides = array<i32>} : memref<240xf32, #tpu.memory_space<vmem>>, vector<16xf32>,
      %mul3A_589 = arith.constant 16 : i32
      %mul3A_590 = arith.muli %scan3A_565, %mul3A_589 : i32
      %add3A_591 = arith.constant 160 : i32
      %add3A_592 = arith.addi %add3A_591, %mul3A_590 : i32
      %swap3A_593 = arith.index_cast %add3A_592 : i32 to index
      %swap3A_594 = tpu.vector_load %arg27[%swap3A_593] {strides = array<i32>} : memref<240xf32, #tpu.memory_space<vmem>>, vector<16xf32>,
      tpu.vector_store %arg27[%swap3A_593], %sub3A_580 {strides = array<i32>} : memref<240xf32, #tpu.memory_space<vmem>>, vector<16xf32>,
      %mul3A_595 = arith.mulf %sub3A_574, %sub3A_574 : vector<16xf32>
      %mul3A_596 = arith.mulf %sub3A_577, %sub3A_577 : vector<16xf32>
      %add3A_597 = arith.addf %mul3A_595, %mul3A_596 : vector<16xf32>
      %mul3A_598 = arith.mulf %sub3A_580, %sub3A_580 : vector<16xf32>
      %add3A_599 = arith.addf %add3A_597, %mul3A_598 : vector<16xf32>
      %swap3A_600 = arith.index_cast %mul3A_567 : i32 to index
      %swap3A_601 = tpu.vector_load %arg24[%swap3A_600] {strides = array<i32>} : memref<80xf32, #tpu.memory_space<vmem>>, vector<16xf32>,
      tpu.vector_store %arg24[%swap3A_600], %add3A_599 {strides = array<i32>} : memref<80xf32, #tpu.memory_space<vmem>>, vector<16xf32>,
      %scan3A_602 = arith.constant 2 : i32
      %mul3A_603 = arith.constant 16 : i32
      %mul3A_604 = arith.muli %scan3A_602, %mul3A_603 : i32
      %get3A_605 = arith.index_cast %mul3A_604 : i32 to index
      %get3A_606 = tpu.vector_load %arg12[%get3A_605] {strides = array<i32>} : memref<80xi32, #tpu.memory_space<vmem>>, vector<16xi32>,
      %get3A_607 = arith.index_cast %mul3A_604 : i32 to index
      %get3A_608 = tpu.vector_load %arg15[%get3A_607] {strides = array<i32>} : memref<80xi32, #tpu.memory_space<vmem>>, vector<16xi32>,
      %gather3A_609 = tpu.vector_load_idx %arg30[%get3A_608] : memref<10000xf32, #tpu.memory_space<vmem>>[vector<16xi32>], vector<16xf32>,
      %gather3A_610 = tpu.vector_load_idx %arg30[%get3A_606] : memref<10000xf32, #tpu.memory_space<vmem>>[vector<16xi32>], vector<16xf32>,
      %sub3A_611 = arith.subf %gather3A_609, %gather3A_610 : vector<16xf32>
      %gather3A_612 = tpu.vector_load_idx %arg31[%get3A_608] : memref<10000xf32, #tpu.memory_space<vmem>>[vector<16xi32>], vector<16xf32>,
      %gather3A_613 = tpu.vector_load_idx %arg31[%get3A_606] : memref<10000xf32, #tpu.memory_space<vmem>>[vector<16xi32>], vector<16xf32>,
      %sub3A_614 = arith.subf %gather3A_612, %gather3A_613 : vector<16xf32>
      %gather3A_615 = tpu.vector_load_idx %arg32[%get3A_608] : memref<10000xf32, #tpu.memory_space<vmem>>[vector<16xi32>], vector<16xf32>,
      %gather3A_616 = tpu.vector_load_idx %arg32[%get3A_606] : memref<10000xf32, #tpu.memory_space<vmem>>[vector<16xi32>], vector<16xf32>,
      %sub3A_617 = arith.subf %gather3A_615, %gather3A_616 : vector<16xf32>
      %swap3A_618 = arith.index_cast %mul3A_604 : i32 to index
      %swap3A_619 = tpu.vector_load %arg27[%swap3A_618] {strides = array<i32>} : memref<240xf32, #tpu.memory_space<vmem>>, vector<16xf32>,
      tpu.vector_store %arg27[%swap3A_618], %sub3A_611 {strides = array<i32>} : memref<240xf32, #tpu.memory_space<vmem>>, vector<16xf32>,
      %mul3A_620 = arith.constant 16 : i32
      %mul3A_621 = arith.muli %scan3A_602, %mul3A_620 : i32
      %add3A_622 = arith.constant 80 : i32
      %add3A_623 = arith.addi %add3A_622, %mul3A_621 : i32
      %swap3A_624 = arith.index_cast %add3A_623 : i32 to index
      %swap3A_625 = tpu.vector_load %arg27[%swap3A_624] {strides = array<i32>} : memref<240xf32, #tpu.memory_space<vmem>>, vector<16xf32>,
      tpu.vector_store %arg27[%swap3A_624], %sub3A_614 {strides = array<i32>} : memref<240xf32, #tpu.memory_space<vmem>>, vector<16xf32>,
      %mul3A_626 = arith.constant 16 : i32
      %mul3A_627 = arith.muli %scan3A_602, %mul3A_626 : i32
      %add3A_628 = arith.constant 160 : i32
      %add3A_629 = arith.addi %add3A_628, %mul3A_627 : i32
      %swap3A_630 = arith.index_cast %add3A_629 : i32 to index
      %swap3A_631 = tpu.vector_load %arg27[%swap3A_630] {strides = array<i32>} : memref<240xf32, #tpu.memory_space<vmem>>, vector<16xf32>,
      tpu.vector_store %arg27[%swap3A_630], %sub3A_617 {strides = array<i32>} : memref<240xf32, #tpu.memory_space<vmem>>, vector<16xf32>,
      %mul3A_632 = arith.mulf %sub3A_611, %sub3A_611 : vector<16xf32>
      %mul3A_633 = arith.mulf %sub3A_614, %sub3A_614 : vector<16xf32>
      %add3A_634 = arith.addf %mul3A_632, %mul3A_633 : vector<16xf32>
      %mul3A_635 = arith.mulf %sub3A_617, %sub3A_617 : vector<16xf32>
      %add3A_636 = arith.addf %add3A_634, %mul3A_635 : vector<16xf32>
      %swap3A_637 = arith.index_cast %mul3A_604 : i32 to index
      %swap3A_638 = tpu.vector_load %arg24[%swap3A_637] {strides = array<i32>} : memref<80xf32, #tpu.memory_space<vmem>>, vector<16xf32>,
      tpu.vector_store %arg24[%swap3A_637], %add3A_636 {strides = array<i32>} : memref<80xf32, #tpu.memory_space<vmem>>, vector<16xf32>,
      %scan3A_639 = arith.constant 3 : i32
      %mul3A_640 = arith.constant 16 : i32
      %mul3A_641 = arith.muli %scan3A_639, %mul3A_640 : i32
      %get3A_642 = arith.index_cast %mul3A_641 : i32 to index
      %get3A_643 = tpu.vector_load %arg12[%get3A_642] {strides = array<i32>} : memref<80xi32, #tpu.memory_space<vmem>>, vector<16xi32>,
      %get3A_644 = arith.index_cast %mul3A_641 : i32 to index
      %get3A_645 = tpu.vector_load %arg15[%get3A_644] {strides = array<i32>} : memref<80xi32, #tpu.memory_space<vmem>>, vector<16xi32>,
      %gather3A_646 = tpu.vector_load_idx %arg30[%get3A_645] : memref<10000xf32, #tpu.memory_space<vmem>>[vector<16xi32>], vector<16xf32>,
      %gather3A_647 = tpu.vector_load_idx %arg30[%get3A_643] : memref<10000xf32, #tpu.memory_space<vmem>>[vector<16xi32>], vector<16xf32>,
      %sub3A_648 = arith.subf %gather3A_646, %gather3A_647 : vector<16xf32>
      %gather3A_649 = tpu.vector_load_idx %arg31[%get3A_645] : memref<10000xf32, #tpu.memory_space<vmem>>[vector<16xi32>], vector<16xf32>,
      %gather3A_650 = tpu.vector_load_idx %arg31[%get3A_643] : memref<10000xf32, #tpu.memory_space<vmem>>[vector<16xi32>], vector<16xf32>,
      %sub3A_651 = arith.subf %gather3A_649, %gather3A_650 : vector<16xf32>
      %gather3A_652 = tpu.vector_load_idx %arg32[%get3A_645] : memref<10000xf32, #tpu.memory_space<vmem>>[vector<16xi32>], vector<16xf32>,
      %gather3A_653 = tpu.vector_load_idx %arg32[%get3A_643] : memref<10000xf32, #tpu.memory_space<vmem>>[vector<16xi32>], vector<16xf32>,
      %sub3A_654 = arith.subf %gather3A_652, %gather3A_653 : vector<16xf32>
      %swap3A_655 = arith.index_cast %mul3A_641 : i32 to index
      %swap3A_656 = tpu.vector_load %arg27[%swap3A_655] {strides = array<i32>} : memref<240xf32, #tpu.memory_space<vmem>>, vector<16xf32>,
      tpu.vector_store %arg27[%swap3A_655], %sub3A_648 {strides = array<i32>} : memref<240xf32, #tpu.memory_space<vmem>>, vector<16xf32>,
      %mul3A_657 = arith.constant 16 : i32
      %mul3A_658 = arith.muli %scan3A_639, %mul3A_657 : i32
      %add3A_659 = arith.constant 80 : i32
      %add3A_660 = arith.addi %add3A_659, %mul3A_658 : i32
      %swap3A_661 = arith.index_cast %add3A_660 : i32 to index
      %swap3A_662 = tpu.vector_load %arg27[%swap3A_661] {strides = array<i32>} : memref<240xf32, #tpu.memory_space<vmem>>, vector<16xf32>,
      tpu.vector_store %arg27[%swap3A_661], %sub3A_651 {strides = array<i32>} : memref<240xf32, #tpu.memory_space<vmem>>, vector<16xf32>,
      %mul3A_663 = arith.constant 16 : i32
      %mul3A_664 = arith.muli %scan3A_639, %mul3A_663 : i32
      %add3A_665 = arith.constant 160 : i32
      %add3A_666 = arith.addi %add3A_665, %mul3A_664 : i32
      %swap3A_667 = arith.index_cast %add3A_666 : i32 to index
      %swap3A_668 = tpu.vector_load %arg27[%swap3A_667] {strides = array<i32>} : memref<240xf32, #tpu.memory_space<vmem>>, vector<16xf32>,
      tpu.vector_store %arg27[%swap3A_667], %sub3A_654 {strides = array<i32>} : memref<240xf32, #tpu.memory_space<vmem>>, vector<16xf32>,
      %mul3A_669 = arith.mulf %sub3A_648, %sub3A_648 : vector<16xf32>
      %mul3A_670 = arith.mulf %sub3A_651, %sub3A_651 : vector<16xf32>
      %add3A_671 = arith.addf %mul3A_669, %mul3A_670 : vector<16xf32>
      %mul3A_672 = arith.mulf %sub3A_654, %sub3A_654 : vector<16xf32>
      %add3A_673 = arith.addf %add3A_671, %mul3A_672 : vector<16xf32>
      %swap3A_674 = arith.index_cast %mul3A_641 : i32 to index
      %swap3A_675 = tpu.vector_load %arg24[%swap3A_674] {strides = array<i32>} : memref<80xf32, #tpu.memory_space<vmem>>, vector<16xf32>,
      tpu.vector_store %arg24[%swap3A_674], %add3A_673 {strides = array<i32>} : memref<80xf32, #tpu.memory_space<vmem>>, vector<16xf32>,
      %scan3A_676 = arith.constant 4 : i32
      %mul3A_677 = arith.constant 16 : i32
      %mul3A_678 = arith.muli %scan3A_676, %mul3A_677 : i32
      %get3A_679 = arith.index_cast %mul3A_678 : i32 to index
      %get3A_680 = tpu.vector_load %arg12[%get3A_679] {strides = array<i32>} : memref<80xi32, #tpu.memory_space<vmem>>, vector<16xi32>,
      %get3A_681 = arith.index_cast %mul3A_678 : i32 to index
      %get3A_682 = tpu.vector_load %arg15[%get3A_681] {strides = array<i32>} : memref<80xi32, #tpu.memory_space<vmem>>, vector<16xi32>,
      %gather3A_683 = tpu.vector_load_idx %arg30[%get3A_682] : memref<10000xf32, #tpu.memory_space<vmem>>[vector<16xi32>], vector<16xf32>,
      %gather3A_684 = tpu.vector_load_idx %arg30[%get3A_680] : memref<10000xf32, #tpu.memory_space<vmem>>[vector<16xi32>], vector<16xf32>,
      %sub3A_685 = arith.subf %gather3A_683, %gather3A_684 : vector<16xf32>
      %gather3A_686 = tpu.vector_load_idx %arg31[%get3A_682] : memref<10000xf32, #tpu.memory_space<vmem>>[vector<16xi32>], vector<16xf32>,
      %gather3A_687 = tpu.vector_load_idx %arg31[%get3A_680] : memref<10000xf32, #tpu.memory_space<vmem>>[vector<16xi32>], vector<16xf32>,
      %sub3A_688 = arith.subf %gather3A_686, %gather3A_687 : vector<16xf32>
      %gather3A_689 = tpu.vector_load_idx %arg32[%get3A_682] : memref<10000xf32, #tpu.memory_space<vmem>>[vector<16xi32>], vector<16xf32>,
      %gather3A_690 = tpu.vector_load_idx %arg32[%get3A_680] : memref<10000xf32, #tpu.memory_space<vmem>>[vector<16xi32>], vector<16xf32>,
      %sub3A_691 = arith.subf %gather3A_689, %gather3A_690 : vector<16xf32>
      %swap3A_692 = arith.index_cast %mul3A_678 : i32 to index
      %swap3A_693 = tpu.vector_load %arg27[%swap3A_692] {strides = array<i32>} : memref<240xf32, #tpu.memory_space<vmem>>, vector<16xf32>,
      tpu.vector_store %arg27[%swap3A_692], %sub3A_685 {strides = array<i32>} : memref<240xf32, #tpu.memory_space<vmem>>, vector<16xf32>,
      %mul3A_694 = arith.constant 16 : i32
      %mul3A_695 = arith.muli %scan3A_676, %mul3A_694 : i32
      %add3A_696 = arith.constant 80 : i32
      %add3A_697 = arith.addi %add3A_696, %mul3A_695 : i32
      %swap3A_698 = arith.index_cast %add3A_697 : i32 to index
      %swap3A_699 = tpu.vector_load %arg27[%swap3A_698] {strides = array<i32>} : memref<240xf32, #tpu.memory_space<vmem>>, vector<16xf32>,
      tpu.vector_store %arg27[%swap3A_698], %sub3A_688 {strides = array<i32>} : memref<240xf32, #tpu.memory_space<vmem>>, vector<16xf32>,
      %mul3A_700 = arith.constant 16 : i32
      %mul3A_701 = arith.muli %scan3A_676, %mul3A_700 : i32
      %add3A_702 = arith.constant 160 : i32
      %add3A_703 = arith.addi %add3A_702, %mul3A_701 : i32
      %swap3A_704 = arith.index_cast %add3A_703 : i32 to index
      %swap3A_705 = tpu.vector_load %arg27[%swap3A_704] {strides = array<i32>} : memref<240xf32, #tpu.memory_space<vmem>>, vector<16xf32>,
      tpu.vector_store %arg27[%swap3A_704], %sub3A_691 {strides = array<i32>} : memref<240xf32, #tpu.memory_space<vmem>>, vector<16xf32>,
      %mul3A_706 = arith.mulf %sub3A_685, %sub3A_685 : vector<16xf32>
      %mul3A_707 = arith.mulf %sub3A_688, %sub3A_688 : vector<16xf32>
      %add3A_708 = arith.addf %mul3A_706, %mul3A_707 : vector<16xf32>
      %mul3A_709 = arith.mulf %sub3A_691, %sub3A_691 : vector<16xf32>
      %add3A_710 = arith.addf %add3A_708, %mul3A_709 : vector<16xf32>
      %swap3A_711 = arith.index_cast %mul3A_678 : i32 to index
      %swap3A_712 = tpu.vector_load %arg24[%swap3A_711] {strides = array<i32>} : memref<80xf32, #tpu.memory_space<vmem>>, vector<16xf32>,
      tpu.vector_store %arg24[%swap3A_711], %add3A_710 {strides = array<i32>} : memref<80xf32, #tpu.memory_space<vmem>>, vector<16xf32>,
      %scan3A_713 = arith.constant 5 : i32
      %dma_wait3A_714 = arith.constant 0 : i32
      %dma_wait3A_715 = arith.constant 0 : i32
      %dma_wait3A_716 = tpu.memref_slice %arg2[%dma_wait3A_714, %dma_wait3A_715] : memref<10000x128xf32, #tpu.memory_space<hbm>> -> memref<80x128xf32, #tpu.memory_space<hbm>>
      %dma_wait3A_717 = arith.constant 0 : i32
      %dma_wait3A_718 = arith.constant 0 : i32
      %dma_wait3A_719 = tpu.memref_slice %arg2[%dma_wait3A_717, %dma_wait3A_718] : memref<10000x128xf32, #tpu.memory_space<hbm>> -> memref<80x128xf32, #tpu.memory_space<hbm>>
      tpu.wait_dma2 semaphore(%arg36 : memref<!tpu.dma_semaphore, #tpu.memory_space<semaphore_mem>>) src(%dma_wait3A_719 : memref<80x128xf32, #tpu.memory_space<hbm>>) dst(%arg18 : memref<80x128xf32, #tpu.memory_space<vmem>>)
      %dma_wait3A_720 = arith.constant 0 : i32
      %dma_wait3A_721 = arith.constant 0 : i32
      %dma_wait3A_722 = tpu.memref_slice %arg3[%dma_wait3A_720, %dma_wait3A_721] : memref<10000x128xf32, #tpu.memory_space<hbm>> -> memref<80x128xf32, #tpu.memory_space<hbm>>
      %dma_wait3A_723 = arith.constant 0 : i32
      %dma_wait3A_724 = arith.constant 0 : i32
      %dma_wait3A_725 = tpu.memref_slice %arg3[%dma_wait3A_723, %dma_wait3A_724] : memref<10000x128xf32, #tpu.memory_space<hbm>> -> memref<80x128xf32, #tpu.memory_space<hbm>>
      tpu.wait_dma2 semaphore(%arg36 : memref<!tpu.dma_semaphore, #tpu.memory_space<semaphore_mem>>) src(%dma_wait3A_725 : memref<80x128xf32, #tpu.memory_space<hbm>>) dst(%arg21 : memref<80x128xf32, #tpu.memory_space<vmem>>)
      %add3A_726 = arith.constant 3 : i32
      %add3A_727 = arith.addi %mul3A_526, %add3A_726 : i32
      %mul3A_728 = arith.constant 80 : i32
      %mul3A_729 = arith.muli %add3A_727, %mul3A_728 : i32
      %add3A_730 = arith.addi %mul3A_2, %mul3A_729 : i32
      %dma_start3A_731 = tpu.memref_slice %arg7[%add3A_730] : memref<320000xi32, #tpu.memory_space<hbm>> -> memref<80xi32, #tpu.memory_space<hbm>>
      %dma_start3A_732 = tpu.memref_slice %arg7[%add3A_730] : memref<320000xi32, #tpu.memory_space<hbm>> -> memref<80xi32, #tpu.memory_space<hbm>>
      tpu.enqueue_dma source(%dma_start3A_732 : memref<80xi32, #tpu.memory_space<hbm>>) target(%arg12 : memref<80xi32, #tpu.memory_space<vmem>>) target_semaphore(%arg33 : memref<!tpu.dma_semaphore, #tpu.memory_space<semaphore_mem>>)
      %dma_start3A_733 = tpu.memref_slice %arg8[%add3A_730] : memref<320000xi32, #tpu.memory_space<hbm>> -> memref<80xi32, #tpu.memory_space<hbm>>
      %dma_start3A_734 = tpu.memref_slice %arg8[%add3A_730] : memref<320000xi32, #tpu.memory_space<hbm>> -> memref<80xi32, #tpu.memory_space<hbm>>
      tpu.enqueue_dma source(%dma_start3A_734 : memref<80xi32, #tpu.memory_space<hbm>>) target(%arg15 : memref<80xi32, #tpu.memory_space<vmem>>) target_semaphore(%arg33 : memref<!tpu.dma_semaphore, #tpu.memory_space<semaphore_mem>>)
      %dma_wait3A_735 = arith.constant 0 : i32
      %dma_wait3A_736 = tpu.memref_slice %arg7[%dma_wait3A_735] : memref<320000xi32, #tpu.memory_space<hbm>> -> memref<80xi32, #tpu.memory_space<hbm>>
      %dma_wait3A_737 = arith.constant 0 : i32
      %dma_wait3A_738 = tpu.memref_slice %arg7[%dma_wait3A_737] : memref<320000xi32, #tpu.memory_space<hbm>> -> memref<80xi32, #tpu.memory_space<hbm>>
      tpu.wait_dma2 semaphore(%arg35 : memref<!tpu.dma_semaphore, #tpu.memory_space<semaphore_mem>>) src(%dma_wait3A_738 : memref<80xi32, #tpu.memory_space<hbm>>) dst(%arg14 : memref<80xi32, #tpu.memory_space<vmem>>)
      %dma_wait3A_739 = arith.constant 0 : i32
      %dma_wait3A_740 = tpu.memref_slice %arg7[%dma_wait3A_739] : memref<320000xi32, #tpu.memory_space<hbm>> -> memref<80xi32, #tpu.memory_space<hbm>>
      %dma_wait3A_741 = arith.constant 0 : i32
      %dma_wait3A_742 = tpu.memref_slice %arg7[%dma_wait3A_741] : memref<320000xi32, #tpu.memory_space<hbm>> -> memref<80xi32, #tpu.memory_space<hbm>>
      tpu.wait_dma2 semaphore(%arg35 : memref<!tpu.dma_semaphore, #tpu.memory_space<semaphore_mem>>) src(%dma_wait3A_742 : memref<80xi32, #tpu.memory_space<hbm>>) dst(%arg17 : memref<80xi32, #tpu.memory_space<vmem>>)
      %gt3A = arith.constant 0 : i32
      %gt3A_743 = arith.cmpi sgt, %scan3A_524, %gt3A : i32
      %convert_element_type3A = arith.extui %gt3A_743 : i1 to i32
      %cond3A = arith.constant 0 : i32
      %cond3A_744 = arith.cmpi ne, %convert_element_type3A, %cond3A : i32
      scf.if %cond3A_744 {
        %dma_wait3A_1281 = arith.constant 0 : i32
        %dma_wait3A_1282 = arith.constant 0 : i32
        %dma_wait3A_1283 = tpu.memref_slice %arg9[%dma_wait3A_1281, %dma_wait3A_1282] : memref<320000x128xf32, #tpu.memory_space<hbm>> -> memref<80x128xf32, #tpu.memory_space<hbm>>
        %dma_wait3A_1284 = arith.constant 0 : i32
        %dma_wait3A_1285 = arith.constant 0 : i32
        %dma_wait3A_1286 = tpu.memref_slice %arg9[%dma_wait3A_1284, %dma_wait3A_1285] : memref<320000x128xf32, #tpu.memory_space<hbm>> -> memref<80x128xf32, #tpu.memory_space<hbm>>
        tpu.wait_dma2 semaphore(%arg41 : memref<!tpu.dma_semaphore, #tpu.memory_space<semaphore_mem>>) src(%arg20 : memref<80x128xf32, #tpu.memory_space<vmem>>) dst(%dma_wait3A_1286 : memref<80x128xf32, #tpu.memory_space<hbm>>)
        %dma_wait3A_1287 = arith.constant 0 : i32
        %dma_wait3A_1288 = tpu.memref_slice %arg10[%dma_wait3A_1287] : memref<320000xf32, #tpu.memory_space<hbm>> -> memref<80xf32, #tpu.memory_space<hbm>>
        %dma_wait3A_1289 = arith.constant 0 : i32
        %dma_wait3A_1290 = tpu.memref_slice %arg10[%dma_wait3A_1289] : memref<320000xf32, #tpu.memory_space<hbm>> -> memref<80xf32, #tpu.memory_space<hbm>>
        tpu.wait_dma2 semaphore(%arg41 : memref<!tpu.dma_semaphore, #tpu.memory_space<semaphore_mem>>) src(%arg26 : memref<80xf32, #tpu.memory_space<vmem>>) dst(%dma_wait3A_1290 : memref<80xf32, #tpu.memory_space<hbm>>)
        %dma_wait3A_1291 = arith.constant 0 : i32
        %dma_wait3A_1292 = tpu.memref_slice %arg11[%dma_wait3A_1291] : memref<960000xf32, #tpu.memory_space<hbm>> -> memref<240xf32, #tpu.memory_space<hbm>>
        %dma_wait3A_1293 = arith.constant 0 : i32
        %dma_wait3A_1294 = tpu.memref_slice %arg11[%dma_wait3A_1293] : memref<960000xf32, #tpu.memory_space<hbm>> -> memref<240xf32, #tpu.memory_space<hbm>>
        tpu.wait_dma2 semaphore(%arg41 : memref<!tpu.dma_semaphore, #tpu.memory_space<semaphore_mem>>) src(%arg29 : memref<240xf32, #tpu.memory_space<vmem>>) dst(%dma_wait3A_1294 : memref<240xf32, #tpu.memory_space<hbm>>)
      } else {
      }
      %dma_start3A_745 = arith.constant 0 : i32
      %dma_start3A_746 = arith.constant 0 : i32
      %dma_start3A_747 = tpu.memref_slice %arg2[%dma_start3A_745, %dma_start3A_746] : memref<10000x128xf32, #tpu.memory_space<hbm>> -> memref<10000x128xf32, #tpu.memory_space<hbm>>
      tpu.enqueue_indirect_dma source(%dma_start3A_747 : memref<10000x128xf32, #tpu.memory_space<hbm>>) target(%arg20 : memref<80x128xf32, #tpu.memory_space<vmem>>) offsets(%arg14 : memref<80xi32, #tpu.memory_space<vmem>>) semaphore(%arg38 : memref<!tpu.dma_semaphore, #tpu.memory_space<semaphore_mem>>)
      %dma_start3A_748 = arith.constant 0 : i32
      %dma_start3A_749 = arith.constant 0 : i32
      %dma_start3A_750 = tpu.memref_slice %arg3[%dma_start3A_748, %dma_start3A_749] : memref<10000x128xf32, #tpu.memory_space<hbm>> -> memref<10000x128xf32, #tpu.memory_space<hbm>>
      tpu.enqueue_indirect_dma source(%dma_start3A_750 : memref<10000x128xf32, #tpu.memory_space<hbm>>) target(%arg23 : memref<80x128xf32, #tpu.memory_space<vmem>>) offsets(%arg17 : memref<80xi32, #tpu.memory_space<vmem>>) semaphore(%arg38 : memref<!tpu.dma_semaphore, #tpu.memory_space<semaphore_mem>>)
      %scan3A_751 = arith.constant 0 : i32
      %scan3A_752 = arith.constant 0 : i32
      %scan3A_753 = arith.constant 80 : i32
      %scan3A_754 = arith.addi %scan3A_752, %scan3A_753 : i32
      %scan3A_755 = arith.constant 1 : i32
      scf.for %scan3A_1281 = %scan3A_752 to %scan3A_754 step %scan3A_755  : i32 {
        %get3A_1282 = arith.index_cast %scan3A_1281 : i32 to index
        %get3A_1283 = arith.constant 0 : index
        %get3A_1284 = tpu.vector_load %arg18[%get3A_1282, %get3A_1283] {strides = array<i32>} : memref<80x128xf32, #tpu.memory_space<vmem>>, vector<16xf32>,
        %get3A_1285 = arith.index_cast %scan3A_1281 : i32 to index
        %get3A_1286 = arith.constant 0 : index
        %get3A_1287 = tpu.vector_load %arg21[%get3A_1285, %get3A_1286] {strides = array<i32>} : memref<80x128xf32, #tpu.memory_space<vmem>>, vector<16xf32>,
        %add3A_1288 = arith.addf %get3A_1284, %get3A_1287 : vector<16xf32>
        %swap3A_1289 = arith.index_cast %scan3A_1281 : i32 to index
        %swap3A_1290 = arith.constant 0 : index
        %swap3A_1291 = tpu.vector_load %arg18[%swap3A_1289, %swap3A_1290] {strides = array<i32>} : memref<80x128xf32, #tpu.memory_space<vmem>>, vector<16xf32>,
        tpu.vector_store %arg18[%swap3A_1289, %swap3A_1290], %add3A_1288 {strides = array<i32>} : memref<80x128xf32, #tpu.memory_space<vmem>>, vector<16xf32>,
        %get3A_1292 = arith.index_cast %scan3A_1281 : i32 to index
        %get3A_1293 = arith.constant 16 : index
        %get3A_1294 = tpu.vector_load %arg18[%get3A_1292, %get3A_1293] {strides = array<i32>} : memref<80x128xf32, #tpu.memory_space<vmem>>, vector<16xf32>,
        %get3A_1295 = arith.index_cast %scan3A_1281 : i32 to index
        %get3A_1296 = arith.constant 16 : index
        %get3A_1297 = tpu.vector_load %arg21[%get3A_1295, %get3A_1296] {strides = array<i32>} : memref<80x128xf32, #tpu.memory_space<vmem>>, vector<16xf32>,
        %add3A_1298 = arith.addf %get3A_1294, %get3A_1297 : vector<16xf32>
        %swap3A_1299 = arith.index_cast %scan3A_1281 : i32 to index
        %swap3A_1300 = arith.constant 16 : index
        %swap3A_1301 = tpu.vector_load %arg18[%swap3A_1299, %swap3A_1300] {strides = array<i32>} : memref<80x128xf32, #tpu.memory_space<vmem>>, vector<16xf32>,
        tpu.vector_store %arg18[%swap3A_1299, %swap3A_1300], %add3A_1298 {strides = array<i32>} : memref<80x128xf32, #tpu.memory_space<vmem>>, vector<16xf32>,
        %get3A_1302 = arith.index_cast %scan3A_1281 : i32 to index
        %get3A_1303 = arith.constant 32 : index
        %get3A_1304 = tpu.vector_load %arg18[%get3A_1302, %get3A_1303] {strides = array<i32>} : memref<80x128xf32, #tpu.memory_space<vmem>>, vector<16xf32>,
        %get3A_1305 = arith.index_cast %scan3A_1281 : i32 to index
        %get3A_1306 = arith.constant 32 : index
        %get3A_1307 = tpu.vector_load %arg21[%get3A_1305, %get3A_1306] {strides = array<i32>} : memref<80x128xf32, #tpu.memory_space<vmem>>, vector<16xf32>,
        %add3A_1308 = arith.addf %get3A_1304, %get3A_1307 : vector<16xf32>
        %swap3A_1309 = arith.index_cast %scan3A_1281 : i32 to index
        %swap3A_1310 = arith.constant 32 : index
        %swap3A_1311 = tpu.vector_load %arg18[%swap3A_1309, %swap3A_1310] {strides = array<i32>} : memref<80x128xf32, #tpu.memory_space<vmem>>, vector<16xf32>,
        tpu.vector_store %arg18[%swap3A_1309, %swap3A_1310], %add3A_1308 {strides = array<i32>} : memref<80x128xf32, #tpu.memory_space<vmem>>, vector<16xf32>,
        %get3A_1312 = arith.index_cast %scan3A_1281 : i32 to index
        %get3A_1313 = arith.constant 48 : index
        %get3A_1314 = tpu.vector_load %arg18[%get3A_1312, %get3A_1313] {strides = array<i32>} : memref<80x128xf32, #tpu.memory_space<vmem>>, vector<16xf32>,
        %get3A_1315 = arith.index_cast %scan3A_1281 : i32 to index
        %get3A_1316 = arith.constant 48 : index
        %get3A_1317 = tpu.vector_load %arg21[%get3A_1315, %get3A_1316] {strides = array<i32>} : memref<80x128xf32, #tpu.memory_space<vmem>>, vector<16xf32>,
        %add3A_1318 = arith.addf %get3A_1314, %get3A_1317 : vector<16xf32>
        %swap3A_1319 = arith.index_cast %scan3A_1281 : i32 to index
        %swap3A_1320 = arith.constant 48 : index
        %swap3A_1321 = tpu.vector_load %arg18[%swap3A_1319, %swap3A_1320] {strides = array<i32>} : memref<80x128xf32, #tpu.memory_space<vmem>>, vector<16xf32>,
        tpu.vector_store %arg18[%swap3A_1319, %swap3A_1320], %add3A_1318 {strides = array<i32>} : memref<80x128xf32, #tpu.memory_space<vmem>>, vector<16xf32>,
        %get3A_1322 = arith.index_cast %scan3A_1281 : i32 to index
        %get3A_1323 = arith.constant 64 : index
        %get3A_1324 = tpu.vector_load %arg18[%get3A_1322, %get3A_1323] {strides = array<i32>} : memref<80x128xf32, #tpu.memory_space<vmem>>, vector<16xf32>,
        %get3A_1325 = arith.index_cast %scan3A_1281 : i32 to index
        %get3A_1326 = arith.constant 64 : index
        %get3A_1327 = tpu.vector_load %arg21[%get3A_1325, %get3A_1326] {strides = array<i32>} : memref<80x128xf32, #tpu.memory_space<vmem>>, vector<16xf32>,
        %add3A_1328 = arith.addf %get3A_1324, %get3A_1327 : vector<16xf32>
        %swap3A_1329 = arith.index_cast %scan3A_1281 : i32 to index
        %swap3A_1330 = arith.constant 64 : index
        %swap3A_1331 = tpu.vector_load %arg18[%swap3A_1329, %swap3A_1330] {strides = array<i32>} : memref<80x128xf32, #tpu.memory_space<vmem>>, vector<16xf32>,
        tpu.vector_store %arg18[%swap3A_1329, %swap3A_1330], %add3A_1328 {strides = array<i32>} : memref<80x128xf32, #tpu.memory_space<vmem>>, vector<16xf32>,
        %get3A_1332 = arith.index_cast %scan3A_1281 : i32 to index
        %get3A_1333 = arith.constant 80 : index
        %get3A_1334 = tpu.vector_load %arg18[%get3A_1332, %get3A_1333] {strides = array<i32>} : memref<80x128xf32, #tpu.memory_space<vmem>>, vector<16xf32>,
        %get3A_1335 = arith.index_cast %scan3A_1281 : i32 to index
        %get3A_1336 = arith.constant 80 : index
        %get3A_1337 = tpu.vector_load %arg21[%get3A_1335, %get3A_1336] {strides = array<i32>} : memref<80x128xf32, #tpu.memory_space<vmem>>, vector<16xf32>,
        %add3A_1338 = arith.addf %get3A_1334, %get3A_1337 : vector<16xf32>
        %swap3A_1339 = arith.index_cast %scan3A_1281 : i32 to index
        %swap3A_1340 = arith.constant 80 : index
        %swap3A_1341 = tpu.vector_load %arg18[%swap3A_1339, %swap3A_1340] {strides = array<i32>} : memref<80x128xf32, #tpu.memory_space<vmem>>, vector<16xf32>,
        tpu.vector_store %arg18[%swap3A_1339, %swap3A_1340], %add3A_1338 {strides = array<i32>} : memref<80x128xf32, #tpu.memory_space<vmem>>, vector<16xf32>,
        %get3A_1342 = arith.index_cast %scan3A_1281 : i32 to index
        %get3A_1343 = arith.constant 96 : index
        %get3A_1344 = tpu.vector_load %arg18[%get3A_1342, %get3A_1343] {strides = array<i32>} : memref<80x128xf32, #tpu.memory_space<vmem>>, vector<16xf32>,
        %get3A_1345 = arith.index_cast %scan3A_1281 : i32 to index
        %get3A_1346 = arith.constant 96 : index
        %get3A_1347 = tpu.vector_load %arg21[%get3A_1345, %get3A_1346] {strides = array<i32>} : memref<80x128xf32, #tpu.memory_space<vmem>>, vector<16xf32>,
        %add3A_1348 = arith.addf %get3A_1344, %get3A_1347 : vector<16xf32>
        %swap3A_1349 = arith.index_cast %scan3A_1281 : i32 to index
        %swap3A_1350 = arith.constant 96 : index
        %swap3A_1351 = tpu.vector_load %arg18[%swap3A_1349, %swap3A_1350] {strides = array<i32>} : memref<80x128xf32, #tpu.memory_space<vmem>>, vector<16xf32>,
        tpu.vector_store %arg18[%swap3A_1349, %swap3A_1350], %add3A_1348 {strides = array<i32>} : memref<80x128xf32, #tpu.memory_space<vmem>>, vector<16xf32>,
        %get3A_1352 = arith.index_cast %scan3A_1281 : i32 to index
        %get3A_1353 = arith.constant 112 : index
        %get3A_1354 = tpu.vector_load %arg18[%get3A_1352, %get3A_1353] {strides = array<i32>} : memref<80x128xf32, #tpu.memory_space<vmem>>, vector<16xf32>,
        %get3A_1355 = arith.index_cast %scan3A_1281 : i32 to index
        %get3A_1356 = arith.constant 112 : index
        %get3A_1357 = tpu.vector_load %arg21[%get3A_1355, %get3A_1356] {strides = array<i32>} : memref<80x128xf32, #tpu.memory_space<vmem>>, vector<16xf32>,
        %add3A_1358 = arith.addf %get3A_1354, %get3A_1357 : vector<16xf32>
        %swap3A_1359 = arith.index_cast %scan3A_1281 : i32 to index
        %swap3A_1360 = arith.constant 112 : index
        %swap3A_1361 = tpu.vector_load %arg18[%swap3A_1359, %swap3A_1360] {strides = array<i32>} : memref<80x128xf32, #tpu.memory_space<vmem>>, vector<16xf32>,
        tpu.vector_store %arg18[%swap3A_1359, %swap3A_1360], %add3A_1358 {strides = array<i32>} : memref<80x128xf32, #tpu.memory_space<vmem>>, vector<16xf32>,
      }
      %scan3A_756 = arith.constant 80 : i32
      %mul3A_757 = arith.constant 80 : i32
      %mul3A_758 = arith.muli %mul3A_526, %mul3A_757 : i32
      %add3A_759 = arith.addi %mul3A_2, %mul3A_758 : i32
      %dma_start3A_760 = arith.constant 0 : i32
      %dma_start3A_761 = tpu.memref_slice %arg9[%add3A_759, %dma_start3A_760] : memref<320000x128xf32, #tpu.memory_space<hbm>> -> memref<80x128xf32, #tpu.memory_space<hbm>>
      %dma_start3A_762 = arith.constant 0 : i32
      %dma_start3A_763 = tpu.memref_slice %arg9[%add3A_759, %dma_start3A_762] : memref<320000x128xf32, #tpu.memory_space<hbm>> -> memref<80x128xf32, #tpu.memory_space<hbm>>
      tpu.enqueue_dma source(%arg18 : memref<80x128xf32, #tpu.memory_space<vmem>>) target(%dma_start3A_763 : memref<80x128xf32, #tpu.memory_space<hbm>>) target_semaphore(%arg39 : memref<!tpu.dma_semaphore, #tpu.memory_space<semaphore_mem>>)
      %dma_start3A_764 = tpu.memref_slice %arg10[%add3A_759] : memref<320000xf32, #tpu.memory_space<hbm>> -> memref<80xf32, #tpu.memory_space<hbm>>
      %dma_start3A_765 = tpu.memref_slice %arg10[%add3A_759] : memref<320000xf32, #tpu.memory_space<hbm>> -> memref<80xf32, #tpu.memory_space<hbm>>
      tpu.enqueue_dma source(%arg24 : memref<80xf32, #tpu.memory_space<vmem>>) target(%dma_start3A_765 : memref<80xf32, #tpu.memory_space<hbm>>) target_semaphore(%arg39 : memref<!tpu.dma_semaphore, #tpu.memory_space<semaphore_mem>>)
      %mul3A_766 = arith.constant 3 : i32
      %mul3A_767 = arith.muli %mul3A_766, %add3A_759 : i32
      %dma_start3A_768 = tpu.memref_slice %arg11[%mul3A_767] : memref<960000xf32, #tpu.memory_space<hbm>> -> memref<240xf32, #tpu.memory_space<hbm>>
      %dma_start3A_769 = tpu.memref_slice %arg11[%mul3A_767] : memref<960000xf32, #tpu.memory_space<hbm>> -> memref<240xf32, #tpu.memory_space<hbm>>
      tpu.enqueue_dma source(%arg27 : memref<240xf32, #tpu.memory_space<vmem>>) target(%dma_start3A_769 : memref<240xf32, #tpu.memory_space<hbm>>) target_semaphore(%arg39 : memref<!tpu.dma_semaphore, #tpu.memory_space<semaphore_mem>>)
      %scan3A_770 = arith.constant 0 : i32
      %scan3A_771 = arith.constant 0 : i32
      %mul3A_772 = arith.constant 16 : i32
      %mul3A_773 = arith.muli %scan3A_771, %mul3A_772 : i32
      %get3A_774 = arith.index_cast %mul3A_773 : i32 to index
      %get3A_775 = tpu.vector_load %arg13[%get3A_774] {strides = array<i32>} : memref<80xi32, #tpu.memory_space<vmem>>, vector<16xi32>,
      %get3A_776 = arith.index_cast %mul3A_773 : i32 to index
      %get3A_777 = tpu.vector_load %arg16[%get3A_776] {strides = array<i32>} : memref<80xi32, #tpu.memory_space<vmem>>, vector<16xi32>,
      %gather3A_778 = tpu.vector_load_idx %arg30[%get3A_777] : memref<10000xf32, #tpu.memory_space<vmem>>[vector<16xi32>], vector<16xf32>,
      %gather3A_779 = tpu.vector_load_idx %arg30[%get3A_775] : memref<10000xf32, #tpu.memory_space<vmem>>[vector<16xi32>], vector<16xf32>,
      %sub3A_780 = arith.subf %gather3A_778, %gather3A_779 : vector<16xf32>
      %gather3A_781 = tpu.vector_load_idx %arg31[%get3A_777] : memref<10000xf32, #tpu.memory_space<vmem>>[vector<16xi32>], vector<16xf32>,
      %gather3A_782 = tpu.vector_load_idx %arg31[%get3A_775] : memref<10000xf32, #tpu.memory_space<vmem>>[vector<16xi32>], vector<16xf32>,
      %sub3A_783 = arith.subf %gather3A_781, %gather3A_782 : vector<16xf32>
      %gather3A_784 = tpu.vector_load_idx %arg32[%get3A_777] : memref<10000xf32, #tpu.memory_space<vmem>>[vector<16xi32>], vector<16xf32>,
      %gather3A_785 = tpu.vector_load_idx %arg32[%get3A_775] : memref<10000xf32, #tpu.memory_space<vmem>>[vector<16xi32>], vector<16xf32>,
      %sub3A_786 = arith.subf %gather3A_784, %gather3A_785 : vector<16xf32>
      %swap3A_787 = arith.index_cast %mul3A_773 : i32 to index
      %swap3A_788 = tpu.vector_load %arg28[%swap3A_787] {strides = array<i32>} : memref<240xf32, #tpu.memory_space<vmem>>, vector<16xf32>,
      tpu.vector_store %arg28[%swap3A_787], %sub3A_780 {strides = array<i32>} : memref<240xf32, #tpu.memory_space<vmem>>, vector<16xf32>,
      %mul3A_789 = arith.constant 16 : i32
      %mul3A_790 = arith.muli %scan3A_771, %mul3A_789 : i32
      %add3A_791 = arith.constant 80 : i32
      %add3A_792 = arith.addi %add3A_791, %mul3A_790 : i32
      %swap3A_793 = arith.index_cast %add3A_792 : i32 to index
      %swap3A_794 = tpu.vector_load %arg28[%swap3A_793] {strides = array<i32>} : memref<240xf32, #tpu.memory_space<vmem>>, vector<16xf32>,
      tpu.vector_store %arg28[%swap3A_793], %sub3A_783 {strides = array<i32>} : memref<240xf32, #tpu.memory_space<vmem>>, vector<16xf32>,
      %mul3A_795 = arith.constant 16 : i32
      %mul3A_796 = arith.muli %scan3A_771, %mul3A_795 : i32
      %add3A_797 = arith.constant 160 : i32
      %add3A_798 = arith.addi %add3A_797, %mul3A_796 : i32
      %swap3A_799 = arith.index_cast %add3A_798 : i32 to index
      %swap3A_800 = tpu.vector_load %arg28[%swap3A_799] {strides = array<i32>} : memref<240xf32, #tpu.memory_space<vmem>>, vector<16xf32>,
      tpu.vector_store %arg28[%swap3A_799], %sub3A_786 {strides = array<i32>} : memref<240xf32, #tpu.memory_space<vmem>>, vector<16xf32>,
      %mul3A_801 = arith.mulf %sub3A_780, %sub3A_780 : vector<16xf32>
      %mul3A_802 = arith.mulf %sub3A_783, %sub3A_783 : vector<16xf32>
      %add3A_803 = arith.addf %mul3A_801, %mul3A_802 : vector<16xf32>
      %mul3A_804 = arith.mulf %sub3A_786, %sub3A_786 : vector<16xf32>
      %add3A_805 = arith.addf %add3A_803, %mul3A_804 : vector<16xf32>
      %swap3A_806 = arith.index_cast %mul3A_773 : i32 to index
      %swap3A_807 = tpu.vector_load %arg25[%swap3A_806] {strides = array<i32>} : memref<80xf32, #tpu.memory_space<vmem>>, vector<16xf32>,
      tpu.vector_store %arg25[%swap3A_806], %add3A_805 {strides = array<i32>} : memref<80xf32, #tpu.memory_space<vmem>>, vector<16xf32>,
      %scan3A_808 = arith.constant 1 : i32
      %mul3A_809 = arith.constant 16 : i32
      %mul3A_810 = arith.muli %scan3A_808, %mul3A_809 : i32
      %get3A_811 = arith.index_cast %mul3A_810 : i32 to index
      %get3A_812 = tpu.vector_load %arg13[%get3A_811] {strides = array<i32>} : memref<80xi32, #tpu.memory_space<vmem>>, vector<16xi32>,
      %get3A_813 = arith.index_cast %mul3A_810 : i32 to index
      %get3A_814 = tpu.vector_load %arg16[%get3A_813] {strides = array<i32>} : memref<80xi32, #tpu.memory_space<vmem>>, vector<16xi32>,
      %gather3A_815 = tpu.vector_load_idx %arg30[%get3A_814] : memref<10000xf32, #tpu.memory_space<vmem>>[vector<16xi32>], vector<16xf32>,
      %gather3A_816 = tpu.vector_load_idx %arg30[%get3A_812] : memref<10000xf32, #tpu.memory_space<vmem>>[vector<16xi32>], vector<16xf32>,
      %sub3A_817 = arith.subf %gather3A_815, %gather3A_816 : vector<16xf32>
      %gather3A_818 = tpu.vector_load_idx %arg31[%get3A_814] : memref<10000xf32, #tpu.memory_space<vmem>>[vector<16xi32>], vector<16xf32>,
      %gather3A_819 = tpu.vector_load_idx %arg31[%get3A_812] : memref<10000xf32, #tpu.memory_space<vmem>>[vector<16xi32>], vector<16xf32>,
      %sub3A_820 = arith.subf %gather3A_818, %gather3A_819 : vector<16xf32>
      %gather3A_821 = tpu.vector_load_idx %arg32[%get3A_814] : memref<10000xf32, #tpu.memory_space<vmem>>[vector<16xi32>], vector<16xf32>,
      %gather3A_822 = tpu.vector_load_idx %arg32[%get3A_812] : memref<10000xf32, #tpu.memory_space<vmem>>[vector<16xi32>], vector<16xf32>,
      %sub3A_823 = arith.subf %gather3A_821, %gather3A_822 : vector<16xf32>
      %swap3A_824 = arith.index_cast %mul3A_810 : i32 to index
      %swap3A_825 = tpu.vector_load %arg28[%swap3A_824] {strides = array<i32>} : memref<240xf32, #tpu.memory_space<vmem>>, vector<16xf32>,
      tpu.vector_store %arg28[%swap3A_824], %sub3A_817 {strides = array<i32>} : memref<240xf32, #tpu.memory_space<vmem>>, vector<16xf32>,
      %mul3A_826 = arith.constant 16 : i32
      %mul3A_827 = arith.muli %scan3A_808, %mul3A_826 : i32
      %add3A_828 = arith.constant 80 : i32
      %add3A_829 = arith.addi %add3A_828, %mul3A_827 : i32
      %swap3A_830 = arith.index_cast %add3A_829 : i32 to index
      %swap3A_831 = tpu.vector_load %arg28[%swap3A_830] {strides = array<i32>} : memref<240xf32, #tpu.memory_space<vmem>>, vector<16xf32>,
      tpu.vector_store %arg28[%swap3A_830], %sub3A_820 {strides = array<i32>} : memref<240xf32, #tpu.memory_space<vmem>>, vector<16xf32>,
      %mul3A_832 = arith.constant 16 : i32
      %mul3A_833 = arith.muli %scan3A_808, %mul3A_832 : i32
      %add3A_834 = arith.constant 160 : i32
      %add3A_835 = arith.addi %add3A_834, %mul3A_833 : i32
      %swap3A_836 = arith.index_cast %add3A_835 : i32 to index
      %swap3A_837 = tpu.vector_load %arg28[%swap3A_836] {strides = array<i32>} : memref<240xf32, #tpu.memory_space<vmem>>, vector<16xf32>,
      tpu.vector_store %arg28[%swap3A_836], %sub3A_823 {strides = array<i32>} : memref<240xf32, #tpu.memory_space<vmem>>, vector<16xf32>,
      %mul3A_838 = arith.mulf %sub3A_817, %sub3A_817 : vector<16xf32>
      %mul3A_839 = arith.mulf %sub3A_820, %sub3A_820 : vector<16xf32>
      %add3A_840 = arith.addf %mul3A_838, %mul3A_839 : vector<16xf32>
      %mul3A_841 = arith.mulf %sub3A_823, %sub3A_823 : vector<16xf32>
      %add3A_842 = arith.addf %add3A_840, %mul3A_841 : vector<16xf32>
      %swap3A_843 = arith.index_cast %mul3A_810 : i32 to index
      %swap3A_844 = tpu.vector_load %arg25[%swap3A_843] {strides = array<i32>} : memref<80xf32, #tpu.memory_space<vmem>>, vector<16xf32>,
      tpu.vector_store %arg25[%swap3A_843], %add3A_842 {strides = array<i32>} : memref<80xf32, #tpu.memory_space<vmem>>, vector<16xf32>,
      %scan3A_845 = arith.constant 2 : i32
      %mul3A_846 = arith.constant 16 : i32
      %mul3A_847 = arith.muli %scan3A_845, %mul3A_846 : i32
      %get3A_848 = arith.index_cast %mul3A_847 : i32 to index
      %get3A_849 = tpu.vector_load %arg13[%get3A_848] {strides = array<i32>} : memref<80xi32, #tpu.memory_space<vmem>>, vector<16xi32>,
      %get3A_850 = arith.index_cast %mul3A_847 : i32 to index
      %get3A_851 = tpu.vector_load %arg16[%get3A_850] {strides = array<i32>} : memref<80xi32, #tpu.memory_space<vmem>>, vector<16xi32>,
      %gather3A_852 = tpu.vector_load_idx %arg30[%get3A_851] : memref<10000xf32, #tpu.memory_space<vmem>>[vector<16xi32>], vector<16xf32>,
      %gather3A_853 = tpu.vector_load_idx %arg30[%get3A_849] : memref<10000xf32, #tpu.memory_space<vmem>>[vector<16xi32>], vector<16xf32>,
      %sub3A_854 = arith.subf %gather3A_852, %gather3A_853 : vector<16xf32>
      %gather3A_855 = tpu.vector_load_idx %arg31[%get3A_851] : memref<10000xf32, #tpu.memory_space<vmem>>[vector<16xi32>], vector<16xf32>,
      %gather3A_856 = tpu.vector_load_idx %arg31[%get3A_849] : memref<10000xf32, #tpu.memory_space<vmem>>[vector<16xi32>], vector<16xf32>,
      %sub3A_857 = arith.subf %gather3A_855, %gather3A_856 : vector<16xf32>
      %gather3A_858 = tpu.vector_load_idx %arg32[%get3A_851] : memref<10000xf32, #tpu.memory_space<vmem>>[vector<16xi32>], vector<16xf32>,
      %gather3A_859 = tpu.vector_load_idx %arg32[%get3A_849] : memref<10000xf32, #tpu.memory_space<vmem>>[vector<16xi32>], vector<16xf32>,
      %sub3A_860 = arith.subf %gather3A_858, %gather3A_859 : vector<16xf32>
      %swap3A_861 = arith.index_cast %mul3A_847 : i32 to index
      %swap3A_862 = tpu.vector_load %arg28[%swap3A_861] {strides = array<i32>} : memref<240xf32, #tpu.memory_space<vmem>>, vector<16xf32>,
      tpu.vector_store %arg28[%swap3A_861], %sub3A_854 {strides = array<i32>} : memref<240xf32, #tpu.memory_space<vmem>>, vector<16xf32>,
      %mul3A_863 = arith.constant 16 : i32
      %mul3A_864 = arith.muli %scan3A_845, %mul3A_863 : i32
      %add3A_865 = arith.constant 80 : i32
      %add3A_866 = arith.addi %add3A_865, %mul3A_864 : i32
      %swap3A_867 = arith.index_cast %add3A_866 : i32 to index
      %swap3A_868 = tpu.vector_load %arg28[%swap3A_867] {strides = array<i32>} : memref<240xf32, #tpu.memory_space<vmem>>, vector<16xf32>,
      tpu.vector_store %arg28[%swap3A_867], %sub3A_857 {strides = array<i32>} : memref<240xf32, #tpu.memory_space<vmem>>, vector<16xf32>,
      %mul3A_869 = arith.constant 16 : i32
      %mul3A_870 = arith.muli %scan3A_845, %mul3A_869 : i32
      %add3A_871 = arith.constant 160 : i32
      %add3A_872 = arith.addi %add3A_871, %mul3A_870 : i32
      %swap3A_873 = arith.index_cast %add3A_872 : i32 to index
      %swap3A_874 = tpu.vector_load %arg28[%swap3A_873] {strides = array<i32>} : memref<240xf32, #tpu.memory_space<vmem>>, vector<16xf32>,
      tpu.vector_store %arg28[%swap3A_873], %sub3A_860 {strides = array<i32>} : memref<240xf32, #tpu.memory_space<vmem>>, vector<16xf32>,
      %mul3A_875 = arith.mulf %sub3A_854, %sub3A_854 : vector<16xf32>
      %mul3A_876 = arith.mulf %sub3A_857, %sub3A_857 : vector<16xf32>
      %add3A_877 = arith.addf %mul3A_875, %mul3A_876 : vector<16xf32>
      %mul3A_878 = arith.mulf %sub3A_860, %sub3A_860 : vector<16xf32>
      %add3A_879 = arith.addf %add3A_877, %mul3A_878 : vector<16xf32>
      %swap3A_880 = arith.index_cast %mul3A_847 : i32 to index
      %swap3A_881 = tpu.vector_load %arg25[%swap3A_880] {strides = array<i32>} : memref<80xf32, #tpu.memory_space<vmem>>, vector<16xf32>,
      tpu.vector_store %arg25[%swap3A_880], %add3A_879 {strides = array<i32>} : memref<80xf32, #tpu.memory_space<vmem>>, vector<16xf32>,
      %scan3A_882 = arith.constant 3 : i32
      %mul3A_883 = arith.constant 16 : i32
      %mul3A_884 = arith.muli %scan3A_882, %mul3A_883 : i32
      %get3A_885 = arith.index_cast %mul3A_884 : i32 to index
      %get3A_886 = tpu.vector_load %arg13[%get3A_885] {strides = array<i32>} : memref<80xi32, #tpu.memory_space<vmem>>, vector<16xi32>,
      %get3A_887 = arith.index_cast %mul3A_884 : i32 to index
      %get3A_888 = tpu.vector_load %arg16[%get3A_887] {strides = array<i32>} : memref<80xi32, #tpu.memory_space<vmem>>, vector<16xi32>,
      %gather3A_889 = tpu.vector_load_idx %arg30[%get3A_888] : memref<10000xf32, #tpu.memory_space<vmem>>[vector<16xi32>], vector<16xf32>,
      %gather3A_890 = tpu.vector_load_idx %arg30[%get3A_886] : memref<10000xf32, #tpu.memory_space<vmem>>[vector<16xi32>], vector<16xf32>,
      %sub3A_891 = arith.subf %gather3A_889, %gather3A_890 : vector<16xf32>
      %gather3A_892 = tpu.vector_load_idx %arg31[%get3A_888] : memref<10000xf32, #tpu.memory_space<vmem>>[vector<16xi32>], vector<16xf32>,
      %gather3A_893 = tpu.vector_load_idx %arg31[%get3A_886] : memref<10000xf32, #tpu.memory_space<vmem>>[vector<16xi32>], vector<16xf32>,
      %sub3A_894 = arith.subf %gather3A_892, %gather3A_893 : vector<16xf32>
      %gather3A_895 = tpu.vector_load_idx %arg32[%get3A_888] : memref<10000xf32, #tpu.memory_space<vmem>>[vector<16xi32>], vector<16xf32>,
      %gather3A_896 = tpu.vector_load_idx %arg32[%get3A_886] : memref<10000xf32, #tpu.memory_space<vmem>>[vector<16xi32>], vector<16xf32>,
      %sub3A_897 = arith.subf %gather3A_895, %gather3A_896 : vector<16xf32>
      %swap3A_898 = arith.index_cast %mul3A_884 : i32 to index
      %swap3A_899 = tpu.vector_load %arg28[%swap3A_898] {strides = array<i32>} : memref<240xf32, #tpu.memory_space<vmem>>, vector<16xf32>,
      tpu.vector_store %arg28[%swap3A_898], %sub3A_891 {strides = array<i32>} : memref<240xf32, #tpu.memory_space<vmem>>, vector<16xf32>,
      %mul3A_900 = arith.constant 16 : i32
      %mul3A_901 = arith.muli %scan3A_882, %mul3A_900 : i32
      %add3A_902 = arith.constant 80 : i32
      %add3A_903 = arith.addi %add3A_902, %mul3A_901 : i32
      %swap3A_904 = arith.index_cast %add3A_903 : i32 to index
      %swap3A_905 = tpu.vector_load %arg28[%swap3A_904] {strides = array<i32>} : memref<240xf32, #tpu.memory_space<vmem>>, vector<16xf32>,
      tpu.vector_store %arg28[%swap3A_904], %sub3A_894 {strides = array<i32>} : memref<240xf32, #tpu.memory_space<vmem>>, vector<16xf32>,
      %mul3A_906 = arith.constant 16 : i32
      %mul3A_907 = arith.muli %scan3A_882, %mul3A_906 : i32
      %add3A_908 = arith.constant 160 : i32
      %add3A_909 = arith.addi %add3A_908, %mul3A_907 : i32
      %swap3A_910 = arith.index_cast %add3A_909 : i32 to index
      %swap3A_911 = tpu.vector_load %arg28[%swap3A_910] {strides = array<i32>} : memref<240xf32, #tpu.memory_space<vmem>>, vector<16xf32>,
      tpu.vector_store %arg28[%swap3A_910], %sub3A_897 {strides = array<i32>} : memref<240xf32, #tpu.memory_space<vmem>>, vector<16xf32>,
      %mul3A_912 = arith.mulf %sub3A_891, %sub3A_891 : vector<16xf32>
      %mul3A_913 = arith.mulf %sub3A_894, %sub3A_894 : vector<16xf32>
      %add3A_914 = arith.addf %mul3A_912, %mul3A_913 : vector<16xf32>
      %mul3A_915 = arith.mulf %sub3A_897, %sub3A_897 : vector<16xf32>
      %add3A_916 = arith.addf %add3A_914, %mul3A_915 : vector<16xf32>
      %swap3A_917 = arith.index_cast %mul3A_884 : i32 to index
      %swap3A_918 = tpu.vector_load %arg25[%swap3A_917] {strides = array<i32>} : memref<80xf32, #tpu.memory_space<vmem>>, vector<16xf32>,
      tpu.vector_store %arg25[%swap3A_917], %add3A_916 {strides = array<i32>} : memref<80xf32, #tpu.memory_space<vmem>>, vector<16xf32>,
      %scan3A_919 = arith.constant 4 : i32
      %mul3A_920 = arith.constant 16 : i32
      %mul3A_921 = arith.muli %scan3A_919, %mul3A_920 : i32
      %get3A_922 = arith.index_cast %mul3A_921 : i32 to index
      %get3A_923 = tpu.vector_load %arg13[%get3A_922] {strides = array<i32>} : memref<80xi32, #tpu.memory_space<vmem>>, vector<16xi32>,
      %get3A_924 = arith.index_cast %mul3A_921 : i32 to index
      %get3A_925 = tpu.vector_load %arg16[%get3A_924] {strides = array<i32>} : memref<80xi32, #tpu.memory_space<vmem>>, vector<16xi32>,
      %gather3A_926 = tpu.vector_load_idx %arg30[%get3A_925] : memref<10000xf32, #tpu.memory_space<vmem>>[vector<16xi32>], vector<16xf32>,
      %gather3A_927 = tpu.vector_load_idx %arg30[%get3A_923] : memref<10000xf32, #tpu.memory_space<vmem>>[vector<16xi32>], vector<16xf32>,
      %sub3A_928 = arith.subf %gather3A_926, %gather3A_927 : vector<16xf32>
      %gather3A_929 = tpu.vector_load_idx %arg31[%get3A_925] : memref<10000xf32, #tpu.memory_space<vmem>>[vector<16xi32>], vector<16xf32>,
      %gather3A_930 = tpu.vector_load_idx %arg31[%get3A_923] : memref<10000xf32, #tpu.memory_space<vmem>>[vector<16xi32>], vector<16xf32>,
      %sub3A_931 = arith.subf %gather3A_929, %gather3A_930 : vector<16xf32>
      %gather3A_932 = tpu.vector_load_idx %arg32[%get3A_925] : memref<10000xf32, #tpu.memory_space<vmem>>[vector<16xi32>], vector<16xf32>,
      %gather3A_933 = tpu.vector_load_idx %arg32[%get3A_923] : memref<10000xf32, #tpu.memory_space<vmem>>[vector<16xi32>], vector<16xf32>,
      %sub3A_934 = arith.subf %gather3A_932, %gather3A_933 : vector<16xf32>
      %swap3A_935 = arith.index_cast %mul3A_921 : i32 to index
      %swap3A_936 = tpu.vector_load %arg28[%swap3A_935] {strides = array<i32>} : memref<240xf32, #tpu.memory_space<vmem>>, vector<16xf32>,
      tpu.vector_store %arg28[%swap3A_935], %sub3A_928 {strides = array<i32>} : memref<240xf32, #tpu.memory_space<vmem>>, vector<16xf32>,
      %mul3A_937 = arith.constant 16 : i32
      %mul3A_938 = arith.muli %scan3A_919, %mul3A_937 : i32
      %add3A_939 = arith.constant 80 : i32
      %add3A_940 = arith.addi %add3A_939, %mul3A_938 : i32
      %swap3A_941 = arith.index_cast %add3A_940 : i32 to index
      %swap3A_942 = tpu.vector_load %arg28[%swap3A_941] {strides = array<i32>} : memref<240xf32, #tpu.memory_space<vmem>>, vector<16xf32>,
      tpu.vector_store %arg28[%swap3A_941], %sub3A_931 {strides = array<i32>} : memref<240xf32, #tpu.memory_space<vmem>>, vector<16xf32>,
      %mul3A_943 = arith.constant 16 : i32
      %mul3A_944 = arith.muli %scan3A_919, %mul3A_943 : i32
      %add3A_945 = arith.constant 160 : i32
      %add3A_946 = arith.addi %add3A_945, %mul3A_944 : i32
      %swap3A_947 = arith.index_cast %add3A_946 : i32 to index
      %swap3A_948 = tpu.vector_load %arg28[%swap3A_947] {strides = array<i32>} : memref<240xf32, #tpu.memory_space<vmem>>, vector<16xf32>,
      tpu.vector_store %arg28[%swap3A_947], %sub3A_934 {strides = array<i32>} : memref<240xf32, #tpu.memory_space<vmem>>, vector<16xf32>,
      %mul3A_949 = arith.mulf %sub3A_928, %sub3A_928 : vector<16xf32>
      %mul3A_950 = arith.mulf %sub3A_931, %sub3A_931 : vector<16xf32>
      %add3A_951 = arith.addf %mul3A_949, %mul3A_950 : vector<16xf32>
      %mul3A_952 = arith.mulf %sub3A_934, %sub3A_934 : vector<16xf32>
      %add3A_953 = arith.addf %add3A_951, %mul3A_952 : vector<16xf32>
      %swap3A_954 = arith.index_cast %mul3A_921 : i32 to index
      %swap3A_955 = tpu.vector_load %arg25[%swap3A_954] {strides = array<i32>} : memref<80xf32, #tpu.memory_space<vmem>>, vector<16xf32>,
      tpu.vector_store %arg25[%swap3A_954], %add3A_953 {strides = array<i32>} : memref<80xf32, #tpu.memory_space<vmem>>, vector<16xf32>,
      %scan3A_956 = arith.constant 5 : i32
      %dma_wait3A_957 = arith.constant 0 : i32
      %dma_wait3A_958 = arith.constant 0 : i32
      %dma_wait3A_959 = tpu.memref_slice %arg2[%dma_wait3A_957, %dma_wait3A_958] : memref<10000x128xf32, #tpu.memory_space<hbm>> -> memref<80x128xf32, #tpu.memory_space<hbm>>
      %dma_wait3A_960 = arith.constant 0 : i32
      %dma_wait3A_961 = arith.constant 0 : i32
      %dma_wait3A_962 = tpu.memref_slice %arg2[%dma_wait3A_960, %dma_wait3A_961] : memref<10000x128xf32, #tpu.memory_space<hbm>> -> memref<80x128xf32, #tpu.memory_space<hbm>>
      tpu.wait_dma2 semaphore(%arg37 : memref<!tpu.dma_semaphore, #tpu.memory_space<semaphore_mem>>) src(%dma_wait3A_962 : memref<80x128xf32, #tpu.memory_space<hbm>>) dst(%arg19 : memref<80x128xf32, #tpu.memory_space<vmem>>)
      %dma_wait3A_963 = arith.constant 0 : i32
      %dma_wait3A_964 = arith.constant 0 : i32
      %dma_wait3A_965 = tpu.memref_slice %arg3[%dma_wait3A_963, %dma_wait3A_964] : memref<10000x128xf32, #tpu.memory_space<hbm>> -> memref<80x128xf32, #tpu.memory_space<hbm>>
      %dma_wait3A_966 = arith.constant 0 : i32
      %dma_wait3A_967 = arith.constant 0 : i32
      %dma_wait3A_968 = tpu.memref_slice %arg3[%dma_wait3A_966, %dma_wait3A_967] : memref<10000x128xf32, #tpu.memory_space<hbm>> -> memref<80x128xf32, #tpu.memory_space<hbm>>
      tpu.wait_dma2 semaphore(%arg37 : memref<!tpu.dma_semaphore, #tpu.memory_space<semaphore_mem>>) src(%dma_wait3A_968 : memref<80x128xf32, #tpu.memory_space<hbm>>) dst(%arg22 : memref<80x128xf32, #tpu.memory_space<vmem>>)
      %add3A_969 = arith.constant 4 : i32
      %add3A_970 = arith.addi %mul3A_526, %add3A_969 : i32
      %mul3A_971 = arith.constant 80 : i32
      %mul3A_972 = arith.muli %add3A_970, %mul3A_971 : i32
      %add3A_973 = arith.addi %mul3A_2, %mul3A_972 : i32
      %dma_start3A_974 = tpu.memref_slice %arg7[%add3A_973] : memref<320000xi32, #tpu.memory_space<hbm>> -> memref<80xi32, #tpu.memory_space<hbm>>
      %dma_start3A_975 = tpu.memref_slice %arg7[%add3A_973] : memref<320000xi32, #tpu.memory_space<hbm>> -> memref<80xi32, #tpu.memory_space<hbm>>
      tpu.enqueue_dma source(%dma_start3A_975 : memref<80xi32, #tpu.memory_space<hbm>>) target(%arg13 : memref<80xi32, #tpu.memory_space<vmem>>) target_semaphore(%arg34 : memref<!tpu.dma_semaphore, #tpu.memory_space<semaphore_mem>>)
      %dma_start3A_976 = tpu.memref_slice %arg8[%add3A_973] : memref<320000xi32, #tpu.memory_space<hbm>> -> memref<80xi32, #tpu.memory_space<hbm>>
      %dma_start3A_977 = tpu.memref_slice %arg8[%add3A_973] : memref<320000xi32, #tpu.memory_space<hbm>> -> memref<80xi32, #tpu.memory_space<hbm>>
      tpu.enqueue_dma source(%dma_start3A_977 : memref<80xi32, #tpu.memory_space<hbm>>) target(%arg16 : memref<80xi32, #tpu.memory_space<vmem>>) target_semaphore(%arg34 : memref<!tpu.dma_semaphore, #tpu.memory_space<semaphore_mem>>)
      %dma_wait3A_978 = arith.constant 0 : i32
      %dma_wait3A_979 = tpu.memref_slice %arg7[%dma_wait3A_978] : memref<320000xi32, #tpu.memory_space<hbm>> -> memref<80xi32, #tpu.memory_space<hbm>>
      %dma_wait3A_980 = arith.constant 0 : i32
      %dma_wait3A_981 = tpu.memref_slice %arg7[%dma_wait3A_980] : memref<320000xi32, #tpu.memory_space<hbm>> -> memref<80xi32, #tpu.memory_space<hbm>>
      tpu.wait_dma2 semaphore(%arg33 : memref<!tpu.dma_semaphore, #tpu.memory_space<semaphore_mem>>) src(%dma_wait3A_981 : memref<80xi32, #tpu.memory_space<hbm>>) dst(%arg12 : memref<80xi32, #tpu.memory_space<vmem>>)
      %dma_wait3A_982 = arith.constant 0 : i32
      %dma_wait3A_983 = tpu.memref_slice %arg7[%dma_wait3A_982] : memref<320000xi32, #tpu.memory_space<hbm>> -> memref<80xi32, #tpu.memory_space<hbm>>
      %dma_wait3A_984 = arith.constant 0 : i32
      %dma_wait3A_985 = tpu.memref_slice %arg7[%dma_wait3A_984] : memref<320000xi32, #tpu.memory_space<hbm>> -> memref<80xi32, #tpu.memory_space<hbm>>
      tpu.wait_dma2 semaphore(%arg33 : memref<!tpu.dma_semaphore, #tpu.memory_space<semaphore_mem>>) src(%dma_wait3A_985 : memref<80xi32, #tpu.memory_space<hbm>>) dst(%arg15 : memref<80xi32, #tpu.memory_space<vmem>>)
      %dma_wait3A_986 = arith.constant 0 : i32
      %dma_wait3A_987 = arith.constant 0 : i32
      %dma_wait3A_988 = tpu.memref_slice %arg9[%dma_wait3A_986, %dma_wait3A_987] : memref<320000x128xf32, #tpu.memory_space<hbm>> -> memref<80x128xf32, #tpu.memory_space<hbm>>
      %dma_wait3A_989 = arith.constant 0 : i32
      %dma_wait3A_990 = arith.constant 0 : i32
      %dma_wait3A_991 = tpu.memref_slice %arg9[%dma_wait3A_989, %dma_wait3A_990] : memref<320000x128xf32, #tpu.memory_space<hbm>> -> memref<80x128xf32, #tpu.memory_space<hbm>>
      tpu.wait_dma2 semaphore(%arg39 : memref<!tpu.dma_semaphore, #tpu.memory_space<semaphore_mem>>) src(%arg18 : memref<80x128xf32, #tpu.memory_space<vmem>>) dst(%dma_wait3A_991 : memref<80x128xf32, #tpu.memory_space<hbm>>)
      %dma_wait3A_992 = arith.constant 0 : i32
      %dma_wait3A_993 = tpu.memref_slice %arg10[%dma_wait3A_992] : memref<320000xf32, #tpu.memory_space<hbm>> -> memref<80xf32, #tpu.memory_space<hbm>>
      %dma_wait3A_994 = arith.constant 0 : i32
      %dma_wait3A_995 = tpu.memref_slice %arg10[%dma_wait3A_994] : memref<320000xf32, #tpu.memory_space<hbm>> -> memref<80xf32, #tpu.memory_space<hbm>>
      tpu.wait_dma2 semaphore(%arg39 : memref<!tpu.dma_semaphore, #tpu.memory_space<semaphore_mem>>) src(%arg24 : memref<80xf32, #tpu.memory_space<vmem>>) dst(%dma_wait3A_995 : memref<80xf32, #tpu.memory_space<hbm>>)
      %dma_wait3A_996 = arith.constant 0 : i32
      %dma_wait3A_997 = tpu.memref_slice %arg11[%dma_wait3A_996] : memref<960000xf32, #tpu.memory_space<hbm>> -> memref<240xf32, #tpu.memory_space<hbm>>
      %dma_wait3A_998 = arith.constant 0 : i32
      %dma_wait3A_999 = tpu.memref_slice %arg11[%dma_wait3A_998] : memref<960000xf32, #tpu.memory_space<hbm>> -> memref<240xf32, #tpu.memory_space<hbm>>
      tpu.wait_dma2 semaphore(%arg39 : memref<!tpu.dma_semaphore, #tpu.memory_space<semaphore_mem>>) src(%arg27 : memref<240xf32, #tpu.memory_space<vmem>>) dst(%dma_wait3A_999 : memref<240xf32, #tpu.memory_space<hbm>>)
      %dma_start3A_1000 = arith.constant 0 : i32
      %dma_start3A_1001 = arith.constant 0 : i32
      %dma_start3A_1002 = tpu.memref_slice %arg2[%dma_start3A_1000, %dma_start3A_1001] : memref<10000x128xf32, #tpu.memory_space<hbm>> -> memref<10000x128xf32, #tpu.memory_space<hbm>>
      tpu.enqueue_indirect_dma source(%dma_start3A_1002 : memref<10000x128xf32, #tpu.memory_space<hbm>>) target(%arg18 : memref<80x128xf32, #tpu.memory_space<vmem>>) offsets(%arg12 : memref<80xi32, #tpu.memory_space<vmem>>) semaphore(%arg36 : memref<!tpu.dma_semaphore, #tpu.memory_space<semaphore_mem>>)
      %dma_start3A_1003 = arith.constant 0 : i32
      %dma_start3A_1004 = arith.constant 0 : i32
      %dma_start3A_1005 = tpu.memref_slice %arg3[%dma_start3A_1003, %dma_start3A_1004] : memref<10000x128xf32, #tpu.memory_space<hbm>> -> memref<10000x128xf32, #tpu.memory_space<hbm>>
      tpu.enqueue_indirect_dma source(%dma_start3A_1005 : memref<10000x128xf32, #tpu.memory_space<hbm>>) target(%arg21 : memref<80x128xf32, #tpu.memory_space<vmem>>) offsets(%arg15 : memref<80xi32, #tpu.memory_space<vmem>>) semaphore(%arg36 : memref<!tpu.dma_semaphore, #tpu.memory_space<semaphore_mem>>)
      %scan3A_1006 = arith.constant 0 : i32
      %scan3A_1007 = arith.constant 0 : i32
      %scan3A_1008 = arith.constant 80 : i32
      %scan3A_1009 = arith.addi %scan3A_1007, %scan3A_1008 : i32
      %scan3A_1010 = arith.constant 1 : i32
      scf.for %scan3A_1281 = %scan3A_1007 to %scan3A_1009 step %scan3A_1010  : i32 {
        %get3A_1282 = arith.index_cast %scan3A_1281 : i32 to index
        %get3A_1283 = arith.constant 0 : index
        %get3A_1284 = tpu.vector_load %arg19[%get3A_1282, %get3A_1283] {strides = array<i32>} : memref<80x128xf32, #tpu.memory_space<vmem>>, vector<16xf32>,
        %get3A_1285 = arith.index_cast %scan3A_1281 : i32 to index
        %get3A_1286 = arith.constant 0 : index
        %get3A_1287 = tpu.vector_load %arg22[%get3A_1285, %get3A_1286] {strides = array<i32>} : memref<80x128xf32, #tpu.memory_space<vmem>>, vector<16xf32>,
        %add3A_1288 = arith.addf %get3A_1284, %get3A_1287 : vector<16xf32>
        %swap3A_1289 = arith.index_cast %scan3A_1281 : i32 to index
        %swap3A_1290 = arith.constant 0 : index
        %swap3A_1291 = tpu.vector_load %arg19[%swap3A_1289, %swap3A_1290] {strides = array<i32>} : memref<80x128xf32, #tpu.memory_space<vmem>>, vector<16xf32>,
        tpu.vector_store %arg19[%swap3A_1289, %swap3A_1290], %add3A_1288 {strides = array<i32>} : memref<80x128xf32, #tpu.memory_space<vmem>>, vector<16xf32>,
        %get3A_1292 = arith.index_cast %scan3A_1281 : i32 to index
        %get3A_1293 = arith.constant 16 : index
        %get3A_1294 = tpu.vector_load %arg19[%get3A_1292, %get3A_1293] {strides = array<i32>} : memref<80x128xf32, #tpu.memory_space<vmem>>, vector<16xf32>,
        %get3A_1295 = arith.index_cast %scan3A_1281 : i32 to index
        %get3A_1296 = arith.constant 16 : index
        %get3A_1297 = tpu.vector_load %arg22[%get3A_1295, %get3A_1296] {strides = array<i32>} : memref<80x128xf32, #tpu.memory_space<vmem>>, vector<16xf32>,
        %add3A_1298 = arith.addf %get3A_1294, %get3A_1297 : vector<16xf32>
        %swap3A_1299 = arith.index_cast %scan3A_1281 : i32 to index
        %swap3A_1300 = arith.constant 16 : index
        %swap3A_1301 = tpu.vector_load %arg19[%swap3A_1299, %swap3A_1300] {strides = array<i32>} : memref<80x128xf32, #tpu.memory_space<vmem>>, vector<16xf32>,
        tpu.vector_store %arg19[%swap3A_1299, %swap3A_1300], %add3A_1298 {strides = array<i32>} : memref<80x128xf32, #tpu.memory_space<vmem>>, vector<16xf32>,
        %get3A_1302 = arith.index_cast %scan3A_1281 : i32 to index
        %get3A_1303 = arith.constant 32 : index
        %get3A_1304 = tpu.vector_load %arg19[%get3A_1302, %get3A_1303] {strides = array<i32>} : memref<80x128xf32, #tpu.memory_space<vmem>>, vector<16xf32>,
        %get3A_1305 = arith.index_cast %scan3A_1281 : i32 to index
        %get3A_1306 = arith.constant 32 : index
        %get3A_1307 = tpu.vector_load %arg22[%get3A_1305, %get3A_1306] {strides = array<i32>} : memref<80x128xf32, #tpu.memory_space<vmem>>, vector<16xf32>,
        %add3A_1308 = arith.addf %get3A_1304, %get3A_1307 : vector<16xf32>
        %swap3A_1309 = arith.index_cast %scan3A_1281 : i32 to index
        %swap3A_1310 = arith.constant 32 : index
        %swap3A_1311 = tpu.vector_load %arg19[%swap3A_1309, %swap3A_1310] {strides = array<i32>} : memref<80x128xf32, #tpu.memory_space<vmem>>, vector<16xf32>,
        tpu.vector_store %arg19[%swap3A_1309, %swap3A_1310], %add3A_1308 {strides = array<i32>} : memref<80x128xf32, #tpu.memory_space<vmem>>, vector<16xf32>,
        %get3A_1312 = arith.index_cast %scan3A_1281 : i32 to index
        %get3A_1313 = arith.constant 48 : index
        %get3A_1314 = tpu.vector_load %arg19[%get3A_1312, %get3A_1313] {strides = array<i32>} : memref<80x128xf32, #tpu.memory_space<vmem>>, vector<16xf32>,
        %get3A_1315 = arith.index_cast %scan3A_1281 : i32 to index
        %get3A_1316 = arith.constant 48 : index
        %get3A_1317 = tpu.vector_load %arg22[%get3A_1315, %get3A_1316] {strides = array<i32>} : memref<80x128xf32, #tpu.memory_space<vmem>>, vector<16xf32>,
        %add3A_1318 = arith.addf %get3A_1314, %get3A_1317 : vector<16xf32>
        %swap3A_1319 = arith.index_cast %scan3A_1281 : i32 to index
        %swap3A_1320 = arith.constant 48 : index
        %swap3A_1321 = tpu.vector_load %arg19[%swap3A_1319, %swap3A_1320] {strides = array<i32>} : memref<80x128xf32, #tpu.memory_space<vmem>>, vector<16xf32>,
        tpu.vector_store %arg19[%swap3A_1319, %swap3A_1320], %add3A_1318 {strides = array<i32>} : memref<80x128xf32, #tpu.memory_space<vmem>>, vector<16xf32>,
        %get3A_1322 = arith.index_cast %scan3A_1281 : i32 to index
        %get3A_1323 = arith.constant 64 : index
        %get3A_1324 = tpu.vector_load %arg19[%get3A_1322, %get3A_1323] {strides = array<i32>} : memref<80x128xf32, #tpu.memory_space<vmem>>, vector<16xf32>,
        %get3A_1325 = arith.index_cast %scan3A_1281 : i32 to index
        %get3A_1326 = arith.constant 64 : index
        %get3A_1327 = tpu.vector_load %arg22[%get3A_1325, %get3A_1326] {strides = array<i32>} : memref<80x128xf32, #tpu.memory_space<vmem>>, vector<16xf32>,
        %add3A_1328 = arith.addf %get3A_1324, %get3A_1327 : vector<16xf32>
        %swap3A_1329 = arith.index_cast %scan3A_1281 : i32 to index
        %swap3A_1330 = arith.constant 64 : index
        %swap3A_1331 = tpu.vector_load %arg19[%swap3A_1329, %swap3A_1330] {strides = array<i32>} : memref<80x128xf32, #tpu.memory_space<vmem>>, vector<16xf32>,
        tpu.vector_store %arg19[%swap3A_1329, %swap3A_1330], %add3A_1328 {strides = array<i32>} : memref<80x128xf32, #tpu.memory_space<vmem>>, vector<16xf32>,
        %get3A_1332 = arith.index_cast %scan3A_1281 : i32 to index
        %get3A_1333 = arith.constant 80 : index
        %get3A_1334 = tpu.vector_load %arg19[%get3A_1332, %get3A_1333] {strides = array<i32>} : memref<80x128xf32, #tpu.memory_space<vmem>>, vector<16xf32>,
        %get3A_1335 = arith.index_cast %scan3A_1281 : i32 to index
        %get3A_1336 = arith.constant 80 : index
        %get3A_1337 = tpu.vector_load %arg22[%get3A_1335, %get3A_1336] {strides = array<i32>} : memref<80x128xf32, #tpu.memory_space<vmem>>, vector<16xf32>,
        %add3A_1338 = arith.addf %get3A_1334, %get3A_1337 : vector<16xf32>
        %swap3A_1339 = arith.index_cast %scan3A_1281 : i32 to index
        %swap3A_1340 = arith.constant 80 : index
        %swap3A_1341 = tpu.vector_load %arg19[%swap3A_1339, %swap3A_1340] {strides = array<i32>} : memref<80x128xf32, #tpu.memory_space<vmem>>, vector<16xf32>,
        tpu.vector_store %arg19[%swap3A_1339, %swap3A_1340], %add3A_1338 {strides = array<i32>} : memref<80x128xf32, #tpu.memory_space<vmem>>, vector<16xf32>,
        %get3A_1342 = arith.index_cast %scan3A_1281 : i32 to index
        %get3A_1343 = arith.constant 96 : index
        %get3A_1344 = tpu.vector_load %arg19[%get3A_1342, %get3A_1343] {strides = array<i32>} : memref<80x128xf32, #tpu.memory_space<vmem>>, vector<16xf32>,
        %get3A_1345 = arith.index_cast %scan3A_1281 : i32 to index
        %get3A_1346 = arith.constant 96 : index
        %get3A_1347 = tpu.vector_load %arg22[%get3A_1345, %get3A_1346] {strides = array<i32>} : memref<80x128xf32, #tpu.memory_space<vmem>>, vector<16xf32>,
        %add3A_1348 = arith.addf %get3A_1344, %get3A_1347 : vector<16xf32>
        %swap3A_1349 = arith.index_cast %scan3A_1281 : i32 to index
        %swap3A_1350 = arith.constant 96 : index
        %swap3A_1351 = tpu.vector_load %arg19[%swap3A_1349, %swap3A_1350] {strides = array<i32>} : memref<80x128xf32, #tpu.memory_space<vmem>>, vector<16xf32>,
        tpu.vector_store %arg19[%swap3A_1349, %swap3A_1350], %add3A_1348 {strides = array<i32>} : memref<80x128xf32, #tpu.memory_space<vmem>>, vector<16xf32>,
        %get3A_1352 = arith.index_cast %scan3A_1281 : i32 to index
        %get3A_1353 = arith.constant 112 : index
        %get3A_1354 = tpu.vector_load %arg19[%get3A_1352, %get3A_1353] {strides = array<i32>} : memref<80x128xf32, #tpu.memory_space<vmem>>, vector<16xf32>,
        %get3A_1355 = arith.index_cast %scan3A_1281 : i32 to index
        %get3A_1356 = arith.constant 112 : index
        %get3A_1357 = tpu.vector_load %arg22[%get3A_1355, %get3A_1356] {strides = array<i32>} : memref<80x128xf32, #tpu.memory_space<vmem>>, vector<16xf32>,
        %add3A_1358 = arith.addf %get3A_1354, %get3A_1357 : vector<16xf32>
        %swap3A_1359 = arith.index_cast %scan3A_1281 : i32 to index
        %swap3A_1360 = arith.constant 112 : index
        %swap3A_1361 = tpu.vector_load %arg19[%swap3A_1359, %swap3A_1360] {strides = array<i32>} : memref<80x128xf32, #tpu.memory_space<vmem>>, vector<16xf32>,
        tpu.vector_store %arg19[%swap3A_1359, %swap3A_1360], %add3A_1358 {strides = array<i32>} : memref<80x128xf32, #tpu.memory_space<vmem>>, vector<16xf32>,
      }
      %scan3A_1011 = arith.constant 80 : i32
      %add3A_1012 = arith.constant 1 : i32
      %add3A_1013 = arith.addi %mul3A_526, %add3A_1012 : i32
      %mul3A_1014 = arith.constant 80 : i32
      %mul3A_1015 = arith.muli %add3A_1013, %mul3A_1014 : i32
      %add3A_1016 = arith.addi %mul3A_2, %mul3A_1015 : i32
      %dma_start3A_1017 = arith.constant 0 : i32
      %dma_start3A_1018 = tpu.memref_slice %arg9[%add3A_1016, %dma_start3A_1017] : memref<320000x128xf32, #tpu.memory_space<hbm>> -> memref<80x128xf32, #tpu.memory_space<hbm>>
      %dma_start3A_1019 = arith.constant 0 : i32
      %dma_start3A_1020 = tpu.memref_slice %arg9[%add3A_1016, %dma_start3A_1019] : memref<320000x128xf32, #tpu.memory_space<hbm>> -> memref<80x128xf32, #tpu.memory_space<hbm>>
      tpu.enqueue_dma source(%arg19 : memref<80x128xf32, #tpu.memory_space<vmem>>) target(%dma_start3A_1020 : memref<80x128xf32, #tpu.memory_space<hbm>>) target_semaphore(%arg40 : memref<!tpu.dma_semaphore, #tpu.memory_space<semaphore_mem>>)
      %dma_start3A_1021 = tpu.memref_slice %arg10[%add3A_1016] : memref<320000xf32, #tpu.memory_space<hbm>> -> memref<80xf32, #tpu.memory_space<hbm>>
      %dma_start3A_1022 = tpu.memref_slice %arg10[%add3A_1016] : memref<320000xf32, #tpu.memory_space<hbm>> -> memref<80xf32, #tpu.memory_space<hbm>>
      tpu.enqueue_dma source(%arg25 : memref<80xf32, #tpu.memory_space<vmem>>) target(%dma_start3A_1022 : memref<80xf32, #tpu.memory_space<hbm>>) target_semaphore(%arg40 : memref<!tpu.dma_semaphore, #tpu.memory_space<semaphore_mem>>)
      %mul3A_1023 = arith.constant 3 : i32
      %mul3A_1024 = arith.muli %mul3A_1023, %add3A_1016 : i32
      %dma_start3A_1025 = tpu.memref_slice %arg11[%mul3A_1024] : memref<960000xf32, #tpu.memory_space<hbm>> -> memref<240xf32, #tpu.memory_space<hbm>>
      %dma_start3A_1026 = tpu.memref_slice %arg11[%mul3A_1024] : memref<960000xf32, #tpu.memory_space<hbm>> -> memref<240xf32, #tpu.memory_space<hbm>>
      tpu.enqueue_dma source(%arg28 : memref<240xf32, #tpu.memory_space<vmem>>) target(%dma_start3A_1026 : memref<240xf32, #tpu.memory_space<hbm>>) target_semaphore(%arg40 : memref<!tpu.dma_semaphore, #tpu.memory_space<semaphore_mem>>)
      %scan3A_1027 = arith.constant 0 : i32
      %scan3A_1028 = arith.constant 0 : i32
      %mul3A_1029 = arith.constant 16 : i32
      %mul3A_1030 = arith.muli %scan3A_1028, %mul3A_1029 : i32
      %get3A_1031 = arith.index_cast %mul3A_1030 : i32 to index
      %get3A_1032 = tpu.vector_load %arg14[%get3A_1031] {strides = array<i32>} : memref<80xi32, #tpu.memory_space<vmem>>, vector<16xi32>,
      %get3A_1033 = arith.index_cast %mul3A_1030 : i32 to index
      %get3A_1034 = tpu.vector_load %arg17[%get3A_1033] {strides = array<i32>} : memref<80xi32, #tpu.memory_space<vmem>>, vector<16xi32>,
      %gather3A_1035 = tpu.vector_load_idx %arg30[%get3A_1034] : memref<10000xf32, #tpu.memory_space<vmem>>[vector<16xi32>], vector<16xf32>,
      %gather3A_1036 = tpu.vector_load_idx %arg30[%get3A_1032] : memref<10000xf32, #tpu.memory_space<vmem>>[vector<16xi32>], vector<16xf32>,
      %sub3A_1037 = arith.subf %gather3A_1035, %gather3A_1036 : vector<16xf32>
      %gather3A_1038 = tpu.vector_load_idx %arg31[%get3A_1034] : memref<10000xf32, #tpu.memory_space<vmem>>[vector<16xi32>], vector<16xf32>,
      %gather3A_1039 = tpu.vector_load_idx %arg31[%get3A_1032] : memref<10000xf32, #tpu.memory_space<vmem>>[vector<16xi32>], vector<16xf32>,
      %sub3A_1040 = arith.subf %gather3A_1038, %gather3A_1039 : vector<16xf32>
      %gather3A_1041 = tpu.vector_load_idx %arg32[%get3A_1034] : memref<10000xf32, #tpu.memory_space<vmem>>[vector<16xi32>], vector<16xf32>,
      %gather3A_1042 = tpu.vector_load_idx %arg32[%get3A_1032] : memref<10000xf32, #tpu.memory_space<vmem>>[vector<16xi32>], vector<16xf32>,
      %sub3A_1043 = arith.subf %gather3A_1041, %gather3A_1042 : vector<16xf32>
      %swap3A_1044 = arith.index_cast %mul3A_1030 : i32 to index
      %swap3A_1045 = tpu.vector_load %arg29[%swap3A_1044] {strides = array<i32>} : memref<240xf32, #tpu.memory_space<vmem>>, vector<16xf32>,
      tpu.vector_store %arg29[%swap3A_1044], %sub3A_1037 {strides = array<i32>} : memref<240xf32, #tpu.memory_space<vmem>>, vector<16xf32>,
      %mul3A_1046 = arith.constant 16 : i32
      %mul3A_1047 = arith.muli %scan3A_1028, %mul3A_1046 : i32
      %add3A_1048 = arith.constant 80 : i32
      %add3A_1049 = arith.addi %add3A_1048, %mul3A_1047 : i32
      %swap3A_1050 = arith.index_cast %add3A_1049 : i32 to index
      %swap3A_1051 = tpu.vector_load %arg29[%swap3A_1050] {strides = array<i32>} : memref<240xf32, #tpu.memory_space<vmem>>, vector<16xf32>,
      tpu.vector_store %arg29[%swap3A_1050], %sub3A_1040 {strides = array<i32>} : memref<240xf32, #tpu.memory_space<vmem>>, vector<16xf32>,
      %mul3A_1052 = arith.constant 16 : i32
      %mul3A_1053 = arith.muli %scan3A_1028, %mul3A_1052 : i32
      %add3A_1054 = arith.constant 160 : i32
      %add3A_1055 = arith.addi %add3A_1054, %mul3A_1053 : i32
      %swap3A_1056 = arith.index_cast %add3A_1055 : i32 to index
      %swap3A_1057 = tpu.vector_load %arg29[%swap3A_1056] {strides = array<i32>} : memref<240xf32, #tpu.memory_space<vmem>>, vector<16xf32>,
      tpu.vector_store %arg29[%swap3A_1056], %sub3A_1043 {strides = array<i32>} : memref<240xf32, #tpu.memory_space<vmem>>, vector<16xf32>,
      %mul3A_1058 = arith.mulf %sub3A_1037, %sub3A_1037 : vector<16xf32>
      %mul3A_1059 = arith.mulf %sub3A_1040, %sub3A_1040 : vector<16xf32>
      %add3A_1060 = arith.addf %mul3A_1058, %mul3A_1059 : vector<16xf32>
      %mul3A_1061 = arith.mulf %sub3A_1043, %sub3A_1043 : vector<16xf32>
      %add3A_1062 = arith.addf %add3A_1060, %mul3A_1061 : vector<16xf32>
      %swap3A_1063 = arith.index_cast %mul3A_1030 : i32 to index
      %swap3A_1064 = tpu.vector_load %arg26[%swap3A_1063] {strides = array<i32>} : memref<80xf32, #tpu.memory_space<vmem>>, vector<16xf32>,
      tpu.vector_store %arg26[%swap3A_1063], %add3A_1062 {strides = array<i32>} : memref<80xf32, #tpu.memory_space<vmem>>, vector<16xf32>,
      %scan3A_1065 = arith.constant 1 : i32
      %mul3A_1066 = arith.constant 16 : i32
      %mul3A_1067 = arith.muli %scan3A_1065, %mul3A_1066 : i32
      %get3A_1068 = arith.index_cast %mul3A_1067 : i32 to index
      %get3A_1069 = tpu.vector_load %arg14[%get3A_1068] {strides = array<i32>} : memref<80xi32, #tpu.memory_space<vmem>>, vector<16xi32>,
      %get3A_1070 = arith.index_cast %mul3A_1067 : i32 to index
      %get3A_1071 = tpu.vector_load %arg17[%get3A_1070] {strides = array<i32>} : memref<80xi32, #tpu.memory_space<vmem>>, vector<16xi32>,
      %gather3A_1072 = tpu.vector_load_idx %arg30[%get3A_1071] : memref<10000xf32, #tpu.memory_space<vmem>>[vector<16xi32>], vector<16xf32>,
      %gather3A_1073 = tpu.vector_load_idx %arg30[%get3A_1069] : memref<10000xf32, #tpu.memory_space<vmem>>[vector<16xi32>], vector<16xf32>,
      %sub3A_1074 = arith.subf %gather3A_1072, %gather3A_1073 : vector<16xf32>
      %gather3A_1075 = tpu.vector_load_idx %arg31[%get3A_1071] : memref<10000xf32, #tpu.memory_space<vmem>>[vector<16xi32>], vector<16xf32>,
      %gather3A_1076 = tpu.vector_load_idx %arg31[%get3A_1069] : memref<10000xf32, #tpu.memory_space<vmem>>[vector<16xi32>], vector<16xf32>,
      %sub3A_1077 = arith.subf %gather3A_1075, %gather3A_1076 : vector<16xf32>
      %gather3A_1078 = tpu.vector_load_idx %arg32[%get3A_1071] : memref<10000xf32, #tpu.memory_space<vmem>>[vector<16xi32>], vector<16xf32>,
      %gather3A_1079 = tpu.vector_load_idx %arg32[%get3A_1069] : memref<10000xf32, #tpu.memory_space<vmem>>[vector<16xi32>], vector<16xf32>,
      %sub3A_1080 = arith.subf %gather3A_1078, %gather3A_1079 : vector<16xf32>
      %swap3A_1081 = arith.index_cast %mul3A_1067 : i32 to index
      %swap3A_1082 = tpu.vector_load %arg29[%swap3A_1081] {strides = array<i32>} : memref<240xf32, #tpu.memory_space<vmem>>, vector<16xf32>,
      tpu.vector_store %arg29[%swap3A_1081], %sub3A_1074 {strides = array<i32>} : memref<240xf32, #tpu.memory_space<vmem>>, vector<16xf32>,
      %mul3A_1083 = arith.constant 16 : i32
      %mul3A_1084 = arith.muli %scan3A_1065, %mul3A_1083 : i32
      %add3A_1085 = arith.constant 80 : i32
      %add3A_1086 = arith.addi %add3A_1085, %mul3A_1084 : i32
      %swap3A_1087 = arith.index_cast %add3A_1086 : i32 to index
      %swap3A_1088 = tpu.vector_load %arg29[%swap3A_1087] {strides = array<i32>} : memref<240xf32, #tpu.memory_space<vmem>>, vector<16xf32>,
      tpu.vector_store %arg29[%swap3A_1087], %sub3A_1077 {strides = array<i32>} : memref<240xf32, #tpu.memory_space<vmem>>, vector<16xf32>,
      %mul3A_1089 = arith.constant 16 : i32
      %mul3A_1090 = arith.muli %scan3A_1065, %mul3A_1089 : i32
      %add3A_1091 = arith.constant 160 : i32
      %add3A_1092 = arith.addi %add3A_1091, %mul3A_1090 : i32
      %swap3A_1093 = arith.index_cast %add3A_1092 : i32 to index
      %swap3A_1094 = tpu.vector_load %arg29[%swap3A_1093] {strides = array<i32>} : memref<240xf32, #tpu.memory_space<vmem>>, vector<16xf32>,
      tpu.vector_store %arg29[%swap3A_1093], %sub3A_1080 {strides = array<i32>} : memref<240xf32, #tpu.memory_space<vmem>>, vector<16xf32>,
      %mul3A_1095 = arith.mulf %sub3A_1074, %sub3A_1074 : vector<16xf32>
      %mul3A_1096 = arith.mulf %sub3A_1077, %sub3A_1077 : vector<16xf32>
      %add3A_1097 = arith.addf %mul3A_1095, %mul3A_1096 : vector<16xf32>
      %mul3A_1098 = arith.mulf %sub3A_1080, %sub3A_1080 : vector<16xf32>
      %add3A_1099 = arith.addf %add3A_1097, %mul3A_1098 : vector<16xf32>
      %swap3A_1100 = arith.index_cast %mul3A_1067 : i32 to index
      %swap3A_1101 = tpu.vector_load %arg26[%swap3A_1100] {strides = array<i32>} : memref<80xf32, #tpu.memory_space<vmem>>, vector<16xf32>,
      tpu.vector_store %arg26[%swap3A_1100], %add3A_1099 {strides = array<i32>} : memref<80xf32, #tpu.memory_space<vmem>>, vector<16xf32>,
      %scan3A_1102 = arith.constant 2 : i32
      %mul3A_1103 = arith.constant 16 : i32
      %mul3A_1104 = arith.muli %scan3A_1102, %mul3A_1103 : i32
      %get3A_1105 = arith.index_cast %mul3A_1104 : i32 to index
      %get3A_1106 = tpu.vector_load %arg14[%get3A_1105] {strides = array<i32>} : memref<80xi32, #tpu.memory_space<vmem>>, vector<16xi32>,
      %get3A_1107 = arith.index_cast %mul3A_1104 : i32 to index
      %get3A_1108 = tpu.vector_load %arg17[%get3A_1107] {strides = array<i32>} : memref<80xi32, #tpu.memory_space<vmem>>, vector<16xi32>,
      %gather3A_1109 = tpu.vector_load_idx %arg30[%get3A_1108] : memref<10000xf32, #tpu.memory_space<vmem>>[vector<16xi32>], vector<16xf32>,
      %gather3A_1110 = tpu.vector_load_idx %arg30[%get3A_1106] : memref<10000xf32, #tpu.memory_space<vmem>>[vector<16xi32>], vector<16xf32>,
      %sub3A_1111 = arith.subf %gather3A_1109, %gather3A_1110 : vector<16xf32>
      %gather3A_1112 = tpu.vector_load_idx %arg31[%get3A_1108] : memref<10000xf32, #tpu.memory_space<vmem>>[vector<16xi32>], vector<16xf32>,
      %gather3A_1113 = tpu.vector_load_idx %arg31[%get3A_1106] : memref<10000xf32, #tpu.memory_space<vmem>>[vector<16xi32>], vector<16xf32>,
      %sub3A_1114 = arith.subf %gather3A_1112, %gather3A_1113 : vector<16xf32>
      %gather3A_1115 = tpu.vector_load_idx %arg32[%get3A_1108] : memref<10000xf32, #tpu.memory_space<vmem>>[vector<16xi32>], vector<16xf32>,
      %gather3A_1116 = tpu.vector_load_idx %arg32[%get3A_1106] : memref<10000xf32, #tpu.memory_space<vmem>>[vector<16xi32>], vector<16xf32>,
      %sub3A_1117 = arith.subf %gather3A_1115, %gather3A_1116 : vector<16xf32>
      %swap3A_1118 = arith.index_cast %mul3A_1104 : i32 to index
      %swap3A_1119 = tpu.vector_load %arg29[%swap3A_1118] {strides = array<i32>} : memref<240xf32, #tpu.memory_space<vmem>>, vector<16xf32>,
      tpu.vector_store %arg29[%swap3A_1118], %sub3A_1111 {strides = array<i32>} : memref<240xf32, #tpu.memory_space<vmem>>, vector<16xf32>,
      %mul3A_1120 = arith.constant 16 : i32
      %mul3A_1121 = arith.muli %scan3A_1102, %mul3A_1120 : i32
      %add3A_1122 = arith.constant 80 : i32
      %add3A_1123 = arith.addi %add3A_1122, %mul3A_1121 : i32
      %swap3A_1124 = arith.index_cast %add3A_1123 : i32 to index
      %swap3A_1125 = tpu.vector_load %arg29[%swap3A_1124] {strides = array<i32>} : memref<240xf32, #tpu.memory_space<vmem>>, vector<16xf32>,
      tpu.vector_store %arg29[%swap3A_1124], %sub3A_1114 {strides = array<i32>} : memref<240xf32, #tpu.memory_space<vmem>>, vector<16xf32>,
      %mul3A_1126 = arith.constant 16 : i32
      %mul3A_1127 = arith.muli %scan3A_1102, %mul3A_1126 : i32
      %add3A_1128 = arith.constant 160 : i32
      %add3A_1129 = arith.addi %add3A_1128, %mul3A_1127 : i32
      %swap3A_1130 = arith.index_cast %add3A_1129 : i32 to index
      %swap3A_1131 = tpu.vector_load %arg29[%swap3A_1130] {strides = array<i32>} : memref<240xf32, #tpu.memory_space<vmem>>, vector<16xf32>,
      tpu.vector_store %arg29[%swap3A_1130], %sub3A_1117 {strides = array<i32>} : memref<240xf32, #tpu.memory_space<vmem>>, vector<16xf32>,
      %mul3A_1132 = arith.mulf %sub3A_1111, %sub3A_1111 : vector<16xf32>
      %mul3A_1133 = arith.mulf %sub3A_1114, %sub3A_1114 : vector<16xf32>
      %add3A_1134 = arith.addf %mul3A_1132, %mul3A_1133 : vector<16xf32>
      %mul3A_1135 = arith.mulf %sub3A_1117, %sub3A_1117 : vector<16xf32>
      %add3A_1136 = arith.addf %add3A_1134, %mul3A_1135 : vector<16xf32>
      %swap3A_1137 = arith.index_cast %mul3A_1104 : i32 to index
      %swap3A_1138 = tpu.vector_load %arg26[%swap3A_1137] {strides = array<i32>} : memref<80xf32, #tpu.memory_space<vmem>>, vector<16xf32>,
      tpu.vector_store %arg26[%swap3A_1137], %add3A_1136 {strides = array<i32>} : memref<80xf32, #tpu.memory_space<vmem>>, vector<16xf32>,
      %scan3A_1139 = arith.constant 3 : i32
      %mul3A_1140 = arith.constant 16 : i32
      %mul3A_1141 = arith.muli %scan3A_1139, %mul3A_1140 : i32
      %get3A_1142 = arith.index_cast %mul3A_1141 : i32 to index
      %get3A_1143 = tpu.vector_load %arg14[%get3A_1142] {strides = array<i32>} : memref<80xi32, #tpu.memory_space<vmem>>, vector<16xi32>,
      %get3A_1144 = arith.index_cast %mul3A_1141 : i32 to index
      %get3A_1145 = tpu.vector_load %arg17[%get3A_1144] {strides = array<i32>} : memref<80xi32, #tpu.memory_space<vmem>>, vector<16xi32>,
      %gather3A_1146 = tpu.vector_load_idx %arg30[%get3A_1145] : memref<10000xf32, #tpu.memory_space<vmem>>[vector<16xi32>], vector<16xf32>,
      %gather3A_1147 = tpu.vector_load_idx %arg30[%get3A_1143] : memref<10000xf32, #tpu.memory_space<vmem>>[vector<16xi32>], vector<16xf32>,
      %sub3A_1148 = arith.subf %gather3A_1146, %gather3A_1147 : vector<16xf32>
      %gather3A_1149 = tpu.vector_load_idx %arg31[%get3A_1145] : memref<10000xf32, #tpu.memory_space<vmem>>[vector<16xi32>], vector<16xf32>,
      %gather3A_1150 = tpu.vector_load_idx %arg31[%get3A_1143] : memref<10000xf32, #tpu.memory_space<vmem>>[vector<16xi32>], vector<16xf32>,
      %sub3A_1151 = arith.subf %gather3A_1149, %gather3A_1150 : vector<16xf32>
      %gather3A_1152 = tpu.vector_load_idx %arg32[%get3A_1145] : memref<10000xf32, #tpu.memory_space<vmem>>[vector<16xi32>], vector<16xf32>,
      %gather3A_1153 = tpu.vector_load_idx %arg32[%get3A_1143] : memref<10000xf32, #tpu.memory_space<vmem>>[vector<16xi32>], vector<16xf32>,
      %sub3A_1154 = arith.subf %gather3A_1152, %gather3A_1153 : vector<16xf32>
      %swap3A_1155 = arith.index_cast %mul3A_1141 : i32 to index
      %swap3A_1156 = tpu.vector_load %arg29[%swap3A_1155] {strides = array<i32>} : memref<240xf32, #tpu.memory_space<vmem>>, vector<16xf32>,
      tpu.vector_store %arg29[%swap3A_1155], %sub3A_1148 {strides = array<i32>} : memref<240xf32, #tpu.memory_space<vmem>>, vector<16xf32>,
      %mul3A_1157 = arith.constant 16 : i32
      %mul3A_1158 = arith.muli %scan3A_1139, %mul3A_1157 : i32
      %add3A_1159 = arith.constant 80 : i32
      %add3A_1160 = arith.addi %add3A_1159, %mul3A_1158 : i32
      %swap3A_1161 = arith.index_cast %add3A_1160 : i32 to index
      %swap3A_1162 = tpu.vector_load %arg29[%swap3A_1161] {strides = array<i32>} : memref<240xf32, #tpu.memory_space<vmem>>, vector<16xf32>,
      tpu.vector_store %arg29[%swap3A_1161], %sub3A_1151 {strides = array<i32>} : memref<240xf32, #tpu.memory_space<vmem>>, vector<16xf32>,
      %mul3A_1163 = arith.constant 16 : i32
      %mul3A_1164 = arith.muli %scan3A_1139, %mul3A_1163 : i32
      %add3A_1165 = arith.constant 160 : i32
      %add3A_1166 = arith.addi %add3A_1165, %mul3A_1164 : i32
      %swap3A_1167 = arith.index_cast %add3A_1166 : i32 to index
      %swap3A_1168 = tpu.vector_load %arg29[%swap3A_1167] {strides = array<i32>} : memref<240xf32, #tpu.memory_space<vmem>>, vector<16xf32>,
      tpu.vector_store %arg29[%swap3A_1167], %sub3A_1154 {strides = array<i32>} : memref<240xf32, #tpu.memory_space<vmem>>, vector<16xf32>,
      %mul3A_1169 = arith.mulf %sub3A_1148, %sub3A_1148 : vector<16xf32>
      %mul3A_1170 = arith.mulf %sub3A_1151, %sub3A_1151 : vector<16xf32>
      %add3A_1171 = arith.addf %mul3A_1169, %mul3A_1170 : vector<16xf32>
      %mul3A_1172 = arith.mulf %sub3A_1154, %sub3A_1154 : vector<16xf32>
      %add3A_1173 = arith.addf %add3A_1171, %mul3A_1172 : vector<16xf32>
      %swap3A_1174 = arith.index_cast %mul3A_1141 : i32 to index
      %swap3A_1175 = tpu.vector_load %arg26[%swap3A_1174] {strides = array<i32>} : memref<80xf32, #tpu.memory_space<vmem>>, vector<16xf32>,
      tpu.vector_store %arg26[%swap3A_1174], %add3A_1173 {strides = array<i32>} : memref<80xf32, #tpu.memory_space<vmem>>, vector<16xf32>,
      %scan3A_1176 = arith.constant 4 : i32
      %mul3A_1177 = arith.constant 16 : i32
      %mul3A_1178 = arith.muli %scan3A_1176, %mul3A_1177 : i32
      %get3A_1179 = arith.index_cast %mul3A_1178 : i32 to index
      %get3A_1180 = tpu.vector_load %arg14[%get3A_1179] {strides = array<i32>} : memref<80xi32, #tpu.memory_space<vmem>>, vector<16xi32>,
      %get3A_1181 = arith.index_cast %mul3A_1178 : i32 to index
      %get3A_1182 = tpu.vector_load %arg17[%get3A_1181] {strides = array<i32>} : memref<80xi32, #tpu.memory_space<vmem>>, vector<16xi32>,
      %gather3A_1183 = tpu.vector_load_idx %arg30[%get3A_1182] : memref<10000xf32, #tpu.memory_space<vmem>>[vector<16xi32>], vector<16xf32>,
      %gather3A_1184 = tpu.vector_load_idx %arg30[%get3A_1180] : memref<10000xf32, #tpu.memory_space<vmem>>[vector<16xi32>], vector<16xf32>,
      %sub3A_1185 = arith.subf %gather3A_1183, %gather3A_1184 : vector<16xf32>
      %gather3A_1186 = tpu.vector_load_idx %arg31[%get3A_1182] : memref<10000xf32, #tpu.memory_space<vmem>>[vector<16xi32>], vector<16xf32>,
      %gather3A_1187 = tpu.vector_load_idx %arg31[%get3A_1180] : memref<10000xf32, #tpu.memory_space<vmem>>[vector<16xi32>], vector<16xf32>,
      %sub3A_1188 = arith.subf %gather3A_1186, %gather3A_1187 : vector<16xf32>
      %gather3A_1189 = tpu.vector_load_idx %arg32[%get3A_1182] : memref<10000xf32, #tpu.memory_space<vmem>>[vector<16xi32>], vector<16xf32>,
      %gather3A_1190 = tpu.vector_load_idx %arg32[%get3A_1180] : memref<10000xf32, #tpu.memory_space<vmem>>[vector<16xi32>], vector<16xf32>,
      %sub3A_1191 = arith.subf %gather3A_1189, %gather3A_1190 : vector<16xf32>
      %swap3A_1192 = arith.index_cast %mul3A_1178 : i32 to index
      %swap3A_1193 = tpu.vector_load %arg29[%swap3A_1192] {strides = array<i32>} : memref<240xf32, #tpu.memory_space<vmem>>, vector<16xf32>,
      tpu.vector_store %arg29[%swap3A_1192], %sub3A_1185 {strides = array<i32>} : memref<240xf32, #tpu.memory_space<vmem>>, vector<16xf32>,
      %mul3A_1194 = arith.constant 16 : i32
      %mul3A_1195 = arith.muli %scan3A_1176, %mul3A_1194 : i32
      %add3A_1196 = arith.constant 80 : i32
      %add3A_1197 = arith.addi %add3A_1196, %mul3A_1195 : i32
      %swap3A_1198 = arith.index_cast %add3A_1197 : i32 to index
      %swap3A_1199 = tpu.vector_load %arg29[%swap3A_1198] {strides = array<i32>} : memref<240xf32, #tpu.memory_space<vmem>>, vector<16xf32>,
      tpu.vector_store %arg29[%swap3A_1198], %sub3A_1188 {strides = array<i32>} : memref<240xf32, #tpu.memory_space<vmem>>, vector<16xf32>,
      %mul3A_1200 = arith.constant 16 : i32
      %mul3A_1201 = arith.muli %scan3A_1176, %mul3A_1200 : i32
      %add3A_1202 = arith.constant 160 : i32
      %add3A_1203 = arith.addi %add3A_1202, %mul3A_1201 : i32
      %swap3A_1204 = arith.index_cast %add3A_1203 : i32 to index
      %swap3A_1205 = tpu.vector_load %arg29[%swap3A_1204] {strides = array<i32>} : memref<240xf32, #tpu.memory_space<vmem>>, vector<16xf32>,
      tpu.vector_store %arg29[%swap3A_1204], %sub3A_1191 {strides = array<i32>} : memref<240xf32, #tpu.memory_space<vmem>>, vector<16xf32>,
      %mul3A_1206 = arith.mulf %sub3A_1185, %sub3A_1185 : vector<16xf32>
      %mul3A_1207 = arith.mulf %sub3A_1188, %sub3A_1188 : vector<16xf32>
      %add3A_1208 = arith.addf %mul3A_1206, %mul3A_1207 : vector<16xf32>
      %mul3A_1209 = arith.mulf %sub3A_1191, %sub3A_1191 : vector<16xf32>
      %add3A_1210 = arith.addf %add3A_1208, %mul3A_1209 : vector<16xf32>
      %swap3A_1211 = arith.index_cast %mul3A_1178 : i32 to index
      %swap3A_1212 = tpu.vector_load %arg26[%swap3A_1211] {strides = array<i32>} : memref<80xf32, #tpu.memory_space<vmem>>, vector<16xf32>,
      tpu.vector_store %arg26[%swap3A_1211], %add3A_1210 {strides = array<i32>} : memref<80xf32, #tpu.memory_space<vmem>>, vector<16xf32>,
      %scan3A_1213 = arith.constant 5 : i32
      %dma_wait3A_1214 = arith.constant 0 : i32
      %dma_wait3A_1215 = arith.constant 0 : i32
      %dma_wait3A_1216 = tpu.memref_slice %arg2[%dma_wait3A_1214, %dma_wait3A_1215] : memref<10000x128xf32, #tpu.memory_space<hbm>> -> memref<80x128xf32, #tpu.memory_space<hbm>>
      %dma_wait3A_1217 = arith.constant 0 : i32
      %dma_wait3A_1218 = arith.constant 0 : i32
      %dma_wait3A_1219 = tpu.memref_slice %arg2[%dma_wait3A_1217, %dma_wait3A_1218] : memref<10000x128xf32, #tpu.memory_space<hbm>> -> memref<80x128xf32, #tpu.memory_space<hbm>>
      tpu.wait_dma2 semaphore(%arg38 : memref<!tpu.dma_semaphore, #tpu.memory_space<semaphore_mem>>) src(%dma_wait3A_1219 : memref<80x128xf32, #tpu.memory_space<hbm>>) dst(%arg20 : memref<80x128xf32, #tpu.memory_space<vmem>>)
      %dma_wait3A_1220 = arith.constant 0 : i32
      %dma_wait3A_1221 = arith.constant 0 : i32
      %dma_wait3A_1222 = tpu.memref_slice %arg3[%dma_wait3A_1220, %dma_wait3A_1221] : memref<10000x128xf32, #tpu.memory_space<hbm>> -> memref<80x128xf32, #tpu.memory_space<hbm>>
      %dma_wait3A_1223 = arith.constant 0 : i32
      %dma_wait3A_1224 = arith.constant 0 : i32
      %dma_wait3A_1225 = tpu.memref_slice %arg3[%dma_wait3A_1223, %dma_wait3A_1224] : memref<10000x128xf32, #tpu.memory_space<hbm>> -> memref<80x128xf32, #tpu.memory_space<hbm>>
      tpu.wait_dma2 semaphore(%arg38 : memref<!tpu.dma_semaphore, #tpu.memory_space<semaphore_mem>>) src(%dma_wait3A_1225 : memref<80x128xf32, #tpu.memory_space<hbm>>) dst(%arg23 : memref<80x128xf32, #tpu.memory_space<vmem>>)
      %add3A_1226 = arith.constant 5 : i32
      %add3A_1227 = arith.addi %mul3A_526, %add3A_1226 : i32
      %lt3A = arith.constant 125 : i32
      %lt3A_1228 = arith.cmpi slt, %add3A_1227, %lt3A : i32
      %convert_element_type3A_1229 = arith.extui %lt3A_1228 : i1 to i32
      %cond3A_1230 = arith.constant 0 : i32
      %cond3A_1231 = arith.cmpi ne, %convert_element_type3A_1229, %cond3A_1230 : i32
      scf.if %cond3A_1231 {
        %add3A_1281 = arith.constant 5 : i32
        %add3A_1282 = arith.addi %mul3A_526, %add3A_1281 : i32
        %mul3A_1283 = arith.constant 80 : i32
        %mul3A_1284 = arith.muli %add3A_1282, %mul3A_1283 : i32
        %add3A_1285 = arith.addi %mul3A_2, %mul3A_1284 : i32
        %dma_start3A_1286 = tpu.memref_slice %arg7[%add3A_1285] : memref<320000xi32, #tpu.memory_space<hbm>> -> memref<80xi32, #tpu.memory_space<hbm>>
        %dma_start3A_1287 = tpu.memref_slice %arg7[%add3A_1285] : memref<320000xi32, #tpu.memory_space<hbm>> -> memref<80xi32, #tpu.memory_space<hbm>>
        tpu.enqueue_dma source(%dma_start3A_1287 : memref<80xi32, #tpu.memory_space<hbm>>) target(%arg14 : memref<80xi32, #tpu.memory_space<vmem>>) target_semaphore(%arg35 : memref<!tpu.dma_semaphore, #tpu.memory_space<semaphore_mem>>)
        %dma_start3A_1288 = tpu.memref_slice %arg8[%add3A_1285] : memref<320000xi32, #tpu.memory_space<hbm>> -> memref<80xi32, #tpu.memory_space<hbm>>
        %dma_start3A_1289 = tpu.memref_slice %arg8[%add3A_1285] : memref<320000xi32, #tpu.memory_space<hbm>> -> memref<80xi32, #tpu.memory_space<hbm>>
        tpu.enqueue_dma source(%dma_start3A_1289 : memref<80xi32, #tpu.memory_space<hbm>>) target(%arg17 : memref<80xi32, #tpu.memory_space<vmem>>) target_semaphore(%arg35 : memref<!tpu.dma_semaphore, #tpu.memory_space<semaphore_mem>>)
      } else {
      }
      %dma_wait3A_1232 = arith.constant 0 : i32
      %dma_wait3A_1233 = tpu.memref_slice %arg7[%dma_wait3A_1232] : memref<320000xi32, #tpu.memory_space<hbm>> -> memref<80xi32, #tpu.memory_space<hbm>>
      %dma_wait3A_1234 = arith.constant 0 : i32
      %dma_wait3A_1235 = tpu.memref_slice %arg7[%dma_wait3A_1234] : memref<320000xi32, #tpu.memory_space<hbm>> -> memref<80xi32, #tpu.memory_space<hbm>>
      tpu.wait_dma2 semaphore(%arg34 : memref<!tpu.dma_semaphore, #tpu.memory_space<semaphore_mem>>) src(%dma_wait3A_1235 : memref<80xi32, #tpu.memory_space<hbm>>) dst(%arg13 : memref<80xi32, #tpu.memory_space<vmem>>)
      %dma_wait3A_1236 = arith.constant 0 : i32
      %dma_wait3A_1237 = tpu.memref_slice %arg7[%dma_wait3A_1236] : memref<320000xi32, #tpu.memory_space<hbm>> -> memref<80xi32, #tpu.memory_space<hbm>>
      %dma_wait3A_1238 = arith.constant 0 : i32
      %dma_wait3A_1239 = tpu.memref_slice %arg7[%dma_wait3A_1238] : memref<320000xi32, #tpu.memory_space<hbm>> -> memref<80xi32, #tpu.memory_space<hbm>>
      tpu.wait_dma2 semaphore(%arg34 : memref<!tpu.dma_semaphore, #tpu.memory_space<semaphore_mem>>) src(%dma_wait3A_1239 : memref<80xi32, #tpu.memory_space<hbm>>) dst(%arg16 : memref<80xi32, #tpu.memory_space<vmem>>)
      %dma_wait3A_1240 = arith.constant 0 : i32
      %dma_wait3A_1241 = arith.constant 0 : i32
      %dma_wait3A_1242 = tpu.memref_slice %arg9[%dma_wait3A_1240, %dma_wait3A_1241] : memref<320000x128xf32, #tpu.memory_space<hbm>> -> memref<80x128xf32, #tpu.memory_space<hbm>>
      %dma_wait3A_1243 = arith.constant 0 : i32
      %dma_wait3A_1244 = arith.constant 0 : i32
      %dma_wait3A_1245 = tpu.memref_slice %arg9[%dma_wait3A_1243, %dma_wait3A_1244] : memref<320000x128xf32, #tpu.memory_space<hbm>> -> memref<80x128xf32, #tpu.memory_space<hbm>>
      tpu.wait_dma2 semaphore(%arg40 : memref<!tpu.dma_semaphore, #tpu.memory_space<semaphore_mem>>) src(%arg19 : memref<80x128xf32, #tpu.memory_space<vmem>>) dst(%dma_wait3A_1245 : memref<80x128xf32, #tpu.memory_space<hbm>>)
      %dma_wait3A_1246 = arith.constant 0 : i32
      %dma_wait3A_1247 = tpu.memref_slice %arg10[%dma_wait3A_1246] : memref<320000xf32, #tpu.memory_space<hbm>> -> memref<80xf32, #tpu.memory_space<hbm>>
      %dma_wait3A_1248 = arith.constant 0 : i32
      %dma_wait3A_1249 = tpu.memref_slice %arg10[%dma_wait3A_1248] : memref<320000xf32, #tpu.memory_space<hbm>> -> memref<80xf32, #tpu.memory_space<hbm>>
      tpu.wait_dma2 semaphore(%arg40 : memref<!tpu.dma_semaphore, #tpu.memory_space<semaphore_mem>>) src(%arg25 : memref<80xf32, #tpu.memory_space<vmem>>) dst(%dma_wait3A_1249 : memref<80xf32, #tpu.memory_space<hbm>>)
      %dma_wait3A_1250 = arith.constant 0 : i32
      %dma_wait3A_1251 = tpu.memref_slice %arg11[%dma_wait3A_1250] : memref<960000xf32, #tpu.memory_space<hbm>> -> memref<240xf32, #tpu.memory_space<hbm>>
      %dma_wait3A_1252 = arith.constant 0 : i32
      %dma_wait3A_1253 = tpu.memref_slice %arg11[%dma_wait3A_1252] : memref<960000xf32, #tpu.memory_space<hbm>> -> memref<240xf32, #tpu.memory_space<hbm>>
      tpu.wait_dma2 semaphore(%arg40 : memref<!tpu.dma_semaphore, #tpu.memory_space<semaphore_mem>>) src(%arg28 : memref<240xf32, #tpu.memory_space<vmem>>) dst(%dma_wait3A_1253 : memref<240xf32, #tpu.memory_space<hbm>>)
      %dma_start3A_1254 = arith.constant 0 : i32
      %dma_start3A_1255 = arith.constant 0 : i32
      %dma_start3A_1256 = tpu.memref_slice %arg2[%dma_start3A_1254, %dma_start3A_1255] : memref<10000x128xf32, #tpu.memory_space<hbm>> -> memref<10000x128xf32, #tpu.memory_space<hbm>>
      tpu.enqueue_indirect_dma source(%dma_start3A_1256 : memref<10000x128xf32, #tpu.memory_space<hbm>>) target(%arg19 : memref<80x128xf32, #tpu.memory_space<vmem>>) offsets(%arg13 : memref<80xi32, #tpu.memory_space<vmem>>) semaphore(%arg37 : memref<!tpu.dma_semaphore, #tpu.memory_space<semaphore_mem>>)
      %dma_start3A_1257 = arith.constant 0 : i32
      %dma_start3A_1258 = arith.constant 0 : i32
      %dma_start3A_1259 = tpu.memref_slice %arg3[%dma_start3A_1257, %dma_start3A_1258] : memref<10000x128xf32, #tpu.memory_space<hbm>> -> memref<10000x128xf32, #tpu.memory_space<hbm>>
      tpu.enqueue_indirect_dma source(%dma_start3A_1259 : memref<10000x128xf32, #tpu.memory_space<hbm>>) target(%arg22 : memref<80x128xf32, #tpu.memory_space<vmem>>) offsets(%arg16 : memref<80xi32, #tpu.memory_space<vmem>>) semaphore(%arg37 : memref<!tpu.dma_semaphore, #tpu.memory_space<semaphore_mem>>)
      %scan3A_1260 = arith.constant 0 : i32
      %scan3A_1261 = arith.constant 0 : i32
      %scan3A_1262 = arith.constant 80 : i32
      %scan3A_1263 = arith.addi %scan3A_1261, %scan3A_1262 : i32
      %scan3A_1264 = arith.constant 1 : i32
      scf.for %scan3A_1281 = %scan3A_1261 to %scan3A_1263 step %scan3A_1264  : i32 {
        %get3A_1282 = arith.index_cast %scan3A_1281 : i32 to index
        %get3A_1283 = arith.constant 0 : index
        %get3A_1284 = tpu.vector_load %arg20[%get3A_1282, %get3A_1283] {strides = array<i32>} : memref<80x128xf32, #tpu.memory_space<vmem>>, vector<16xf32>,
        %get3A_1285 = arith.index_cast %scan3A_1281 : i32 to index
        %get3A_1286 = arith.constant 0 : index
        %get3A_1287 = tpu.vector_load %arg23[%get3A_1285, %get3A_1286] {strides = array<i32>} : memref<80x128xf32, #tpu.memory_space<vmem>>, vector<16xf32>,
        %add3A_1288 = arith.addf %get3A_1284, %get3A_1287 : vector<16xf32>
        %swap3A_1289 = arith.index_cast %scan3A_1281 : i32 to index
        %swap3A_1290 = arith.constant 0 : index
        %swap3A_1291 = tpu.vector_load %arg20[%swap3A_1289, %swap3A_1290] {strides = array<i32>} : memref<80x128xf32, #tpu.memory_space<vmem>>, vector<16xf32>,
        tpu.vector_store %arg20[%swap3A_1289, %swap3A_1290], %add3A_1288 {strides = array<i32>} : memref<80x128xf32, #tpu.memory_space<vmem>>, vector<16xf32>,
        %get3A_1292 = arith.index_cast %scan3A_1281 : i32 to index
        %get3A_1293 = arith.constant 16 : index
        %get3A_1294 = tpu.vector_load %arg20[%get3A_1292, %get3A_1293] {strides = array<i32>} : memref<80x128xf32, #tpu.memory_space<vmem>>, vector<16xf32>,
        %get3A_1295 = arith.index_cast %scan3A_1281 : i32 to index
        %get3A_1296 = arith.constant 16 : index
        %get3A_1297 = tpu.vector_load %arg23[%get3A_1295, %get3A_1296] {strides = array<i32>} : memref<80x128xf32, #tpu.memory_space<vmem>>, vector<16xf32>,
        %add3A_1298 = arith.addf %get3A_1294, %get3A_1297 : vector<16xf32>
        %swap3A_1299 = arith.index_cast %scan3A_1281 : i32 to index
        %swap3A_1300 = arith.constant 16 : index
        %swap3A_1301 = tpu.vector_load %arg20[%swap3A_1299, %swap3A_1300] {strides = array<i32>} : memref<80x128xf32, #tpu.memory_space<vmem>>, vector<16xf32>,
        tpu.vector_store %arg20[%swap3A_1299, %swap3A_1300], %add3A_1298 {strides = array<i32>} : memref<80x128xf32, #tpu.memory_space<vmem>>, vector<16xf32>,
        %get3A_1302 = arith.index_cast %scan3A_1281 : i32 to index
        %get3A_1303 = arith.constant 32 : index
        %get3A_1304 = tpu.vector_load %arg20[%get3A_1302, %get3A_1303] {strides = array<i32>} : memref<80x128xf32, #tpu.memory_space<vmem>>, vector<16xf32>,
        %get3A_1305 = arith.index_cast %scan3A_1281 : i32 to index
        %get3A_1306 = arith.constant 32 : index
        %get3A_1307 = tpu.vector_load %arg23[%get3A_1305, %get3A_1306] {strides = array<i32>} : memref<80x128xf32, #tpu.memory_space<vmem>>, vector<16xf32>,
        %add3A_1308 = arith.addf %get3A_1304, %get3A_1307 : vector<16xf32>
        %swap3A_1309 = arith.index_cast %scan3A_1281 : i32 to index
        %swap3A_1310 = arith.constant 32 : index
        %swap3A_1311 = tpu.vector_load %arg20[%swap3A_1309, %swap3A_1310] {strides = array<i32>} : memref<80x128xf32, #tpu.memory_space<vmem>>, vector<16xf32>,
        tpu.vector_store %arg20[%swap3A_1309, %swap3A_1310], %add3A_1308 {strides = array<i32>} : memref<80x128xf32, #tpu.memory_space<vmem>>, vector<16xf32>,
        %get3A_1312 = arith.index_cast %scan3A_1281 : i32 to index
        %get3A_1313 = arith.constant 48 : index
        %get3A_1314 = tpu.vector_load %arg20[%get3A_1312, %get3A_1313] {strides = array<i32>} : memref<80x128xf32, #tpu.memory_space<vmem>>, vector<16xf32>,
        %get3A_1315 = arith.index_cast %scan3A_1281 : i32 to index
        %get3A_1316 = arith.constant 48 : index
        %get3A_1317 = tpu.vector_load %arg23[%get3A_1315, %get3A_1316] {strides = array<i32>} : memref<80x128xf32, #tpu.memory_space<vmem>>, vector<16xf32>,
        %add3A_1318 = arith.addf %get3A_1314, %get3A_1317 : vector<16xf32>
        %swap3A_1319 = arith.index_cast %scan3A_1281 : i32 to index
        %swap3A_1320 = arith.constant 48 : index
        %swap3A_1321 = tpu.vector_load %arg20[%swap3A_1319, %swap3A_1320] {strides = array<i32>} : memref<80x128xf32, #tpu.memory_space<vmem>>, vector<16xf32>,
        tpu.vector_store %arg20[%swap3A_1319, %swap3A_1320], %add3A_1318 {strides = array<i32>} : memref<80x128xf32, #tpu.memory_space<vmem>>, vector<16xf32>,
        %get3A_1322 = arith.index_cast %scan3A_1281 : i32 to index
        %get3A_1323 = arith.constant 64 : index
        %get3A_1324 = tpu.vector_load %arg20[%get3A_1322, %get3A_1323] {strides = array<i32>} : memref<80x128xf32, #tpu.memory_space<vmem>>, vector<16xf32>,
        %get3A_1325 = arith.index_cast %scan3A_1281 : i32 to index
        %get3A_1326 = arith.constant 64 : index
        %get3A_1327 = tpu.vector_load %arg23[%get3A_1325, %get3A_1326] {strides = array<i32>} : memref<80x128xf32, #tpu.memory_space<vmem>>, vector<16xf32>,
        %add3A_1328 = arith.addf %get3A_1324, %get3A_1327 : vector<16xf32>
        %swap3A_1329 = arith.index_cast %scan3A_1281 : i32 to index
        %swap3A_1330 = arith.constant 64 : index
        %swap3A_1331 = tpu.vector_load %arg20[%swap3A_1329, %swap3A_1330] {strides = array<i32>} : memref<80x128xf32, #tpu.memory_space<vmem>>, vector<16xf32>,
        tpu.vector_store %arg20[%swap3A_1329, %swap3A_1330], %add3A_1328 {strides = array<i32>} : memref<80x128xf32, #tpu.memory_space<vmem>>, vector<16xf32>,
        %get3A_1332 = arith.index_cast %scan3A_1281 : i32 to index
        %get3A_1333 = arith.constant 80 : index
        %get3A_1334 = tpu.vector_load %arg20[%get3A_1332, %get3A_1333] {strides = array<i32>} : memref<80x128xf32, #tpu.memory_space<vmem>>, vector<16xf32>,
        %get3A_1335 = arith.index_cast %scan3A_1281 : i32 to index
        %get3A_1336 = arith.constant 80 : index
        %get3A_1337 = tpu.vector_load %arg23[%get3A_1335, %get3A_1336] {strides = array<i32>} : memref<80x128xf32, #tpu.memory_space<vmem>>, vector<16xf32>,
        %add3A_1338 = arith.addf %get3A_1334, %get3A_1337 : vector<16xf32>
        %swap3A_1339 = arith.index_cast %scan3A_1281 : i32 to index
        %swap3A_1340 = arith.constant 80 : index
        %swap3A_1341 = tpu.vector_load %arg20[%swap3A_1339, %swap3A_1340] {strides = array<i32>} : memref<80x128xf32, #tpu.memory_space<vmem>>, vector<16xf32>,
        tpu.vector_store %arg20[%swap3A_1339, %swap3A_1340], %add3A_1338 {strides = array<i32>} : memref<80x128xf32, #tpu.memory_space<vmem>>, vector<16xf32>,
        %get3A_1342 = arith.index_cast %scan3A_1281 : i32 to index
        %get3A_1343 = arith.constant 96 : index
        %get3A_1344 = tpu.vector_load %arg20[%get3A_1342, %get3A_1343] {strides = array<i32>} : memref<80x128xf32, #tpu.memory_space<vmem>>, vector<16xf32>,
        %get3A_1345 = arith.index_cast %scan3A_1281 : i32 to index
        %get3A_1346 = arith.constant 96 : index
        %get3A_1347 = tpu.vector_load %arg23[%get3A_1345, %get3A_1346] {strides = array<i32>} : memref<80x128xf32, #tpu.memory_space<vmem>>, vector<16xf32>,
        %add3A_1348 = arith.addf %get3A_1344, %get3A_1347 : vector<16xf32>
        %swap3A_1349 = arith.index_cast %scan3A_1281 : i32 to index
        %swap3A_1350 = arith.constant 96 : index
        %swap3A_1351 = tpu.vector_load %arg20[%swap3A_1349, %swap3A_1350] {strides = array<i32>} : memref<80x128xf32, #tpu.memory_space<vmem>>, vector<16xf32>,
        tpu.vector_store %arg20[%swap3A_1349, %swap3A_1350], %add3A_1348 {strides = array<i32>} : memref<80x128xf32, #tpu.memory_space<vmem>>, vector<16xf32>,
        %get3A_1352 = arith.index_cast %scan3A_1281 : i32 to index
        %get3A_1353 = arith.constant 112 : index
        %get3A_1354 = tpu.vector_load %arg20[%get3A_1352, %get3A_1353] {strides = array<i32>} : memref<80x128xf32, #tpu.memory_space<vmem>>, vector<16xf32>,
        %get3A_1355 = arith.index_cast %scan3A_1281 : i32 to index
        %get3A_1356 = arith.constant 112 : index
        %get3A_1357 = tpu.vector_load %arg23[%get3A_1355, %get3A_1356] {strides = array<i32>} : memref<80x128xf32, #tpu.memory_space<vmem>>, vector<16xf32>,
        %add3A_1358 = arith.addf %get3A_1354, %get3A_1357 : vector<16xf32>
        %swap3A_1359 = arith.index_cast %scan3A_1281 : i32 to index
        %swap3A_1360 = arith.constant 112 : index
        %swap3A_1361 = tpu.vector_load %arg20[%swap3A_1359, %swap3A_1360] {strides = array<i32>} : memref<80x128xf32, #tpu.memory_space<vmem>>, vector<16xf32>,
        tpu.vector_store %arg20[%swap3A_1359, %swap3A_1360], %add3A_1358 {strides = array<i32>} : memref<80x128xf32, #tpu.memory_space<vmem>>, vector<16xf32>,
      }
      %scan3A_1265 = arith.constant 80 : i32
      %add3A_1266 = arith.constant 2 : i32
      %add3A_1267 = arith.addi %mul3A_526, %add3A_1266 : i32
      %mul3A_1268 = arith.constant 80 : i32
      %mul3A_1269 = arith.muli %add3A_1267, %mul3A_1268 : i32
      %add3A_1270 = arith.addi %mul3A_2, %mul3A_1269 : i32
      %dma_start3A_1271 = arith.constant 0 : i32
      %dma_start3A_1272 = tpu.memref_slice %arg9[%add3A_1270, %dma_start3A_1271] : memref<320000x128xf32, #tpu.memory_space<hbm>> -> memref<80x128xf32, #tpu.memory_space<hbm>>
      %dma_start3A_1273 = arith.constant 0 : i32
      %dma_start3A_1274 = tpu.memref_slice %arg9[%add3A_1270, %dma_start3A_1273] : memref<320000x128xf32, #tpu.memory_space<hbm>> -> memref<80x128xf32, #tpu.memory_space<hbm>>
      tpu.enqueue_dma source(%arg20 : memref<80x128xf32, #tpu.memory_space<vmem>>) target(%dma_start3A_1274 : memref<80x128xf32, #tpu.memory_space<hbm>>) target_semaphore(%arg41 : memref<!tpu.dma_semaphore, #tpu.memory_space<semaphore_mem>>)
      %dma_start3A_1275 = tpu.memref_slice %arg10[%add3A_1270] : memref<320000xf32, #tpu.memory_space<hbm>> -> memref<80xf32, #tpu.memory_space<hbm>>
      %dma_start3A_1276 = tpu.memref_slice %arg10[%add3A_1270] : memref<320000xf32, #tpu.memory_space<hbm>> -> memref<80xf32, #tpu.memory_space<hbm>>
      tpu.enqueue_dma source(%arg26 : memref<80xf32, #tpu.memory_space<vmem>>) target(%dma_start3A_1276 : memref<80xf32, #tpu.memory_space<hbm>>) target_semaphore(%arg41 : memref<!tpu.dma_semaphore, #tpu.memory_space<semaphore_mem>>)
      %mul3A_1277 = arith.constant 3 : i32
      %mul3A_1278 = arith.muli %mul3A_1277, %add3A_1270 : i32
      %dma_start3A_1279 = tpu.memref_slice %arg11[%mul3A_1278] : memref<960000xf32, #tpu.memory_space<hbm>> -> memref<240xf32, #tpu.memory_space<hbm>>
      %dma_start3A_1280 = tpu.memref_slice %arg11[%mul3A_1278] : memref<960000xf32, #tpu.memory_space<hbm>> -> memref<240xf32, #tpu.memory_space<hbm>>
      tpu.enqueue_dma source(%arg29 : memref<240xf32, #tpu.memory_space<vmem>>) target(%dma_start3A_1280 : memref<240xf32, #tpu.memory_space<hbm>>) target_semaphore(%arg41 : memref<!tpu.dma_semaphore, #tpu.memory_space<semaphore_mem>>)
    }
    %scan3A_51 = arith.constant 41 : i32
    %scan3A_52 = arith.constant 0 : i32
    %scan3A_53 = arith.constant 0 : i32
    %mul3A_54 = arith.constant 16 : i32
    %mul3A_55 = arith.muli %scan3A_53, %mul3A_54 : i32
    %get3A = arith.index_cast %mul3A_55 : i32 to index
    %get3A_56 = tpu.vector_load %arg12[%get3A] {strides = array<i32>} : memref<80xi32, #tpu.memory_space<vmem>>, vector<16xi32>,
    %get3A_57 = arith.index_cast %mul3A_55 : i32 to index
    %get3A_58 = tpu.vector_load %arg15[%get3A_57] {strides = array<i32>} : memref<80xi32, #tpu.memory_space<vmem>>, vector<16xi32>,
    %gather3A = tpu.vector_load_idx %arg30[%get3A_58] : memref<10000xf32, #tpu.memory_space<vmem>>[vector<16xi32>], vector<16xf32>,
    %gather3A_59 = tpu.vector_load_idx %arg30[%get3A_56] : memref<10000xf32, #tpu.memory_space<vmem>>[vector<16xi32>], vector<16xf32>,
    %sub3A = arith.subf %gather3A, %gather3A_59 : vector<16xf32>
    %gather3A_60 = tpu.vector_load_idx %arg31[%get3A_58] : memref<10000xf32, #tpu.memory_space<vmem>>[vector<16xi32>], vector<16xf32>,
    %gather3A_61 = tpu.vector_load_idx %arg31[%get3A_56] : memref<10000xf32, #tpu.memory_space<vmem>>[vector<16xi32>], vector<16xf32>,
    %sub3A_62 = arith.subf %gather3A_60, %gather3A_61 : vector<16xf32>
    %gather3A_63 = tpu.vector_load_idx %arg32[%get3A_58] : memref<10000xf32, #tpu.memory_space<vmem>>[vector<16xi32>], vector<16xf32>,
    %gather3A_64 = tpu.vector_load_idx %arg32[%get3A_56] : memref<10000xf32, #tpu.memory_space<vmem>>[vector<16xi32>], vector<16xf32>,
    %sub3A_65 = arith.subf %gather3A_63, %gather3A_64 : vector<16xf32>
    %swap3A = arith.index_cast %mul3A_55 : i32 to index
    %swap3A_66 = tpu.vector_load %arg27[%swap3A] {strides = array<i32>} : memref<240xf32, #tpu.memory_space<vmem>>, vector<16xf32>,
    tpu.vector_store %arg27[%swap3A], %sub3A {strides = array<i32>} : memref<240xf32, #tpu.memory_space<vmem>>, vector<16xf32>,
    %mul3A_67 = arith.constant 16 : i32
    %mul3A_68 = arith.muli %scan3A_53, %mul3A_67 : i32
    %add3A_69 = arith.constant 80 : i32
    %add3A_70 = arith.addi %add3A_69, %mul3A_68 : i32
    %swap3A_71 = arith.index_cast %add3A_70 : i32 to index
    %swap3A_72 = tpu.vector_load %arg27[%swap3A_71] {strides = array<i32>} : memref<240xf32, #tpu.memory_space<vmem>>, vector<16xf32>,
    tpu.vector_store %arg27[%swap3A_71], %sub3A_62 {strides = array<i32>} : memref<240xf32, #tpu.memory_space<vmem>>, vector<16xf32>,
    %mul3A_73 = arith.constant 16 : i32
    %mul3A_74 = arith.muli %scan3A_53, %mul3A_73 : i32
    %add3A_75 = arith.constant 160 : i32
    %add3A_76 = arith.addi %add3A_75, %mul3A_74 : i32
    %swap3A_77 = arith.index_cast %add3A_76 : i32 to index
    %swap3A_78 = tpu.vector_load %arg27[%swap3A_77] {strides = array<i32>} : memref<240xf32, #tpu.memory_space<vmem>>, vector<16xf32>,
    tpu.vector_store %arg27[%swap3A_77], %sub3A_65 {strides = array<i32>} : memref<240xf32, #tpu.memory_space<vmem>>, vector<16xf32>,
    %mul3A_79 = arith.mulf %sub3A, %sub3A : vector<16xf32>
    %mul3A_80 = arith.mulf %sub3A_62, %sub3A_62 : vector<16xf32>
    %add3A_81 = arith.addf %mul3A_79, %mul3A_80 : vector<16xf32>
    %mul3A_82 = arith.mulf %sub3A_65, %sub3A_65 : vector<16xf32>
    %add3A_83 = arith.addf %add3A_81, %mul3A_82 : vector<16xf32>
    %swap3A_84 = arith.index_cast %mul3A_55 : i32 to index
    %swap3A_85 = tpu.vector_load %arg24[%swap3A_84] {strides = array<i32>} : memref<80xf32, #tpu.memory_space<vmem>>, vector<16xf32>,
    tpu.vector_store %arg24[%swap3A_84], %add3A_83 {strides = array<i32>} : memref<80xf32, #tpu.memory_space<vmem>>, vector<16xf32>,
    %scan3A_86 = arith.constant 1 : i32
    %mul3A_87 = arith.constant 16 : i32
    %mul3A_88 = arith.muli %scan3A_86, %mul3A_87 : i32
    %get3A_89 = arith.index_cast %mul3A_88 : i32 to index
    %get3A_90 = tpu.vector_load %arg12[%get3A_89] {strides = array<i32>} : memref<80xi32, #tpu.memory_space<vmem>>, vector<16xi32>,
    %get3A_91 = arith.index_cast %mul3A_88 : i32 to index
    %get3A_92 = tpu.vector_load %arg15[%get3A_91] {strides = array<i32>} : memref<80xi32, #tpu.memory_space<vmem>>, vector<16xi32>,
    %gather3A_93 = tpu.vector_load_idx %arg30[%get3A_92] : memref<10000xf32, #tpu.memory_space<vmem>>[vector<16xi32>], vector<16xf32>,
    %gather3A_94 = tpu.vector_load_idx %arg30[%get3A_90] : memref<10000xf32, #tpu.memory_space<vmem>>[vector<16xi32>], vector<16xf32>,
    %sub3A_95 = arith.subf %gather3A_93, %gather3A_94 : vector<16xf32>
    %gather3A_96 = tpu.vector_load_idx %arg31[%get3A_92] : memref<10000xf32, #tpu.memory_space<vmem>>[vector<16xi32>], vector<16xf32>,
    %gather3A_97 = tpu.vector_load_idx %arg31[%get3A_90] : memref<10000xf32, #tpu.memory_space<vmem>>[vector<16xi32>], vector<16xf32>,
    %sub3A_98 = arith.subf %gather3A_96, %gather3A_97 : vector<16xf32>
    %gather3A_99 = tpu.vector_load_idx %arg32[%get3A_92] : memref<10000xf32, #tpu.memory_space<vmem>>[vector<16xi32>], vector<16xf32>,
    %gather3A_100 = tpu.vector_load_idx %arg32[%get3A_90] : memref<10000xf32, #tpu.memory_space<vmem>>[vector<16xi32>], vector<16xf32>,
    %sub3A_101 = arith.subf %gather3A_99, %gather3A_100 : vector<16xf32>
    %swap3A_102 = arith.index_cast %mul3A_88 : i32 to index
    %swap3A_103 = tpu.vector_load %arg27[%swap3A_102] {strides = array<i32>} : memref<240xf32, #tpu.memory_space<vmem>>, vector<16xf32>,
    tpu.vector_store %arg27[%swap3A_102], %sub3A_95 {strides = array<i32>} : memref<240xf32, #tpu.memory_space<vmem>>, vector<16xf32>,
    %mul3A_104 = arith.constant 16 : i32
    %mul3A_105 = arith.muli %scan3A_86, %mul3A_104 : i32
    %add3A_106 = arith.constant 80 : i32
    %add3A_107 = arith.addi %add3A_106, %mul3A_105 : i32
    %swap3A_108 = arith.index_cast %add3A_107 : i32 to index
    %swap3A_109 = tpu.vector_load %arg27[%swap3A_108] {strides = array<i32>} : memref<240xf32, #tpu.memory_space<vmem>>, vector<16xf32>,
    tpu.vector_store %arg27[%swap3A_108], %sub3A_98 {strides = array<i32>} : memref<240xf32, #tpu.memory_space<vmem>>, vector<16xf32>,
    %mul3A_110 = arith.constant 16 : i32
    %mul3A_111 = arith.muli %scan3A_86, %mul3A_110 : i32
    %add3A_112 = arith.constant 160 : i32
    %add3A_113 = arith.addi %add3A_112, %mul3A_111 : i32
    %swap3A_114 = arith.index_cast %add3A_113 : i32 to index
    %swap3A_115 = tpu.vector_load %arg27[%swap3A_114] {strides = array<i32>} : memref<240xf32, #tpu.memory_space<vmem>>, vector<16xf32>,
    tpu.vector_store %arg27[%swap3A_114], %sub3A_101 {strides = array<i32>} : memref<240xf32, #tpu.memory_space<vmem>>, vector<16xf32>,
    %mul3A_116 = arith.mulf %sub3A_95, %sub3A_95 : vector<16xf32>
    %mul3A_117 = arith.mulf %sub3A_98, %sub3A_98 : vector<16xf32>
    %add3A_118 = arith.addf %mul3A_116, %mul3A_117 : vector<16xf32>
    %mul3A_119 = arith.mulf %sub3A_101, %sub3A_101 : vector<16xf32>
    %add3A_120 = arith.addf %add3A_118, %mul3A_119 : vector<16xf32>
    %swap3A_121 = arith.index_cast %mul3A_88 : i32 to index
    %swap3A_122 = tpu.vector_load %arg24[%swap3A_121] {strides = array<i32>} : memref<80xf32, #tpu.memory_space<vmem>>, vector<16xf32>,
    tpu.vector_store %arg24[%swap3A_121], %add3A_120 {strides = array<i32>} : memref<80xf32, #tpu.memory_space<vmem>>, vector<16xf32>,
    %scan3A_123 = arith.constant 2 : i32
    %mul3A_124 = arith.constant 16 : i32
    %mul3A_125 = arith.muli %scan3A_123, %mul3A_124 : i32
    %get3A_126 = arith.index_cast %mul3A_125 : i32 to index
    %get3A_127 = tpu.vector_load %arg12[%get3A_126] {strides = array<i32>} : memref<80xi32, #tpu.memory_space<vmem>>, vector<16xi32>,
    %get3A_128 = arith.index_cast %mul3A_125 : i32 to index
    %get3A_129 = tpu.vector_load %arg15[%get3A_128] {strides = array<i32>} : memref<80xi32, #tpu.memory_space<vmem>>, vector<16xi32>,
    %gather3A_130 = tpu.vector_load_idx %arg30[%get3A_129] : memref<10000xf32, #tpu.memory_space<vmem>>[vector<16xi32>], vector<16xf32>,
    %gather3A_131 = tpu.vector_load_idx %arg30[%get3A_127] : memref<10000xf32, #tpu.memory_space<vmem>>[vector<16xi32>], vector<16xf32>,
    %sub3A_132 = arith.subf %gather3A_130, %gather3A_131 : vector<16xf32>
    %gather3A_133 = tpu.vector_load_idx %arg31[%get3A_129] : memref<10000xf32, #tpu.memory_space<vmem>>[vector<16xi32>], vector<16xf32>,
    %gather3A_134 = tpu.vector_load_idx %arg31[%get3A_127] : memref<10000xf32, #tpu.memory_space<vmem>>[vector<16xi32>], vector<16xf32>,
    %sub3A_135 = arith.subf %gather3A_133, %gather3A_134 : vector<16xf32>
    %gather3A_136 = tpu.vector_load_idx %arg32[%get3A_129] : memref<10000xf32, #tpu.memory_space<vmem>>[vector<16xi32>], vector<16xf32>,
    %gather3A_137 = tpu.vector_load_idx %arg32[%get3A_127] : memref<10000xf32, #tpu.memory_space<vmem>>[vector<16xi32>], vector<16xf32>,
    %sub3A_138 = arith.subf %gather3A_136, %gather3A_137 : vector<16xf32>
    %swap3A_139 = arith.index_cast %mul3A_125 : i32 to index
    %swap3A_140 = tpu.vector_load %arg27[%swap3A_139] {strides = array<i32>} : memref<240xf32, #tpu.memory_space<vmem>>, vector<16xf32>,
    tpu.vector_store %arg27[%swap3A_139], %sub3A_132 {strides = array<i32>} : memref<240xf32, #tpu.memory_space<vmem>>, vector<16xf32>,
    %mul3A_141 = arith.constant 16 : i32
    %mul3A_142 = arith.muli %scan3A_123, %mul3A_141 : i32
    %add3A_143 = arith.constant 80 : i32
    %add3A_144 = arith.addi %add3A_143, %mul3A_142 : i32
    %swap3A_145 = arith.index_cast %add3A_144 : i32 to index
    %swap3A_146 = tpu.vector_load %arg27[%swap3A_145] {strides = array<i32>} : memref<240xf32, #tpu.memory_space<vmem>>, vector<16xf32>,
    tpu.vector_store %arg27[%swap3A_145], %sub3A_135 {strides = array<i32>} : memref<240xf32, #tpu.memory_space<vmem>>, vector<16xf32>,
    %mul3A_147 = arith.constant 16 : i32
    %mul3A_148 = arith.muli %scan3A_123, %mul3A_147 : i32
    %add3A_149 = arith.constant 160 : i32
    %add3A_150 = arith.addi %add3A_149, %mul3A_148 : i32
    %swap3A_151 = arith.index_cast %add3A_150 : i32 to index
    %swap3A_152 = tpu.vector_load %arg27[%swap3A_151] {strides = array<i32>} : memref<240xf32, #tpu.memory_space<vmem>>, vector<16xf32>,
    tpu.vector_store %arg27[%swap3A_151], %sub3A_138 {strides = array<i32>} : memref<240xf32, #tpu.memory_space<vmem>>, vector<16xf32>,
    %mul3A_153 = arith.mulf %sub3A_132, %sub3A_132 : vector<16xf32>
    %mul3A_154 = arith.mulf %sub3A_135, %sub3A_135 : vector<16xf32>
    %add3A_155 = arith.addf %mul3A_153, %mul3A_154 : vector<16xf32>
    %mul3A_156 = arith.mulf %sub3A_138, %sub3A_138 : vector<16xf32>
    %add3A_157 = arith.addf %add3A_155, %mul3A_156 : vector<16xf32>
    %swap3A_158 = arith.index_cast %mul3A_125 : i32 to index
    %swap3A_159 = tpu.vector_load %arg24[%swap3A_158] {strides = array<i32>} : memref<80xf32, #tpu.memory_space<vmem>>, vector<16xf32>,
    tpu.vector_store %arg24[%swap3A_158], %add3A_157 {strides = array<i32>} : memref<80xf32, #tpu.memory_space<vmem>>, vector<16xf32>,
    %scan3A_160 = arith.constant 3 : i32
    %mul3A_161 = arith.constant 16 : i32
    %mul3A_162 = arith.muli %scan3A_160, %mul3A_161 : i32
    %get3A_163 = arith.index_cast %mul3A_162 : i32 to index
    %get3A_164 = tpu.vector_load %arg12[%get3A_163] {strides = array<i32>} : memref<80xi32, #tpu.memory_space<vmem>>, vector<16xi32>,
    %get3A_165 = arith.index_cast %mul3A_162 : i32 to index
    %get3A_166 = tpu.vector_load %arg15[%get3A_165] {strides = array<i32>} : memref<80xi32, #tpu.memory_space<vmem>>, vector<16xi32>,
    %gather3A_167 = tpu.vector_load_idx %arg30[%get3A_166] : memref<10000xf32, #tpu.memory_space<vmem>>[vector<16xi32>], vector<16xf32>,
    %gather3A_168 = tpu.vector_load_idx %arg30[%get3A_164] : memref<10000xf32, #tpu.memory_space<vmem>>[vector<16xi32>], vector<16xf32>,
    %sub3A_169 = arith.subf %gather3A_167, %gather3A_168 : vector<16xf32>
    %gather3A_170 = tpu.vector_load_idx %arg31[%get3A_166] : memref<10000xf32, #tpu.memory_space<vmem>>[vector<16xi32>], vector<16xf32>,
    %gather3A_171 = tpu.vector_load_idx %arg31[%get3A_164] : memref<10000xf32, #tpu.memory_space<vmem>>[vector<16xi32>], vector<16xf32>,
    %sub3A_172 = arith.subf %gather3A_170, %gather3A_171 : vector<16xf32>
    %gather3A_173 = tpu.vector_load_idx %arg32[%get3A_166] : memref<10000xf32, #tpu.memory_space<vmem>>[vector<16xi32>], vector<16xf32>,
    %gather3A_174 = tpu.vector_load_idx %arg32[%get3A_164] : memref<10000xf32, #tpu.memory_space<vmem>>[vector<16xi32>], vector<16xf32>,
    %sub3A_175 = arith.subf %gather3A_173, %gather3A_174 : vector<16xf32>
    %swap3A_176 = arith.index_cast %mul3A_162 : i32 to index
    %swap3A_177 = tpu.vector_load %arg27[%swap3A_176] {strides = array<i32>} : memref<240xf32, #tpu.memory_space<vmem>>, vector<16xf32>,
    tpu.vector_store %arg27[%swap3A_176], %sub3A_169 {strides = array<i32>} : memref<240xf32, #tpu.memory_space<vmem>>, vector<16xf32>,
    %mul3A_178 = arith.constant 16 : i32
    %mul3A_179 = arith.muli %scan3A_160, %mul3A_178 : i32
    %add3A_180 = arith.constant 80 : i32
    %add3A_181 = arith.addi %add3A_180, %mul3A_179 : i32
    %swap3A_182 = arith.index_cast %add3A_181 : i32 to index
    %swap3A_183 = tpu.vector_load %arg27[%swap3A_182] {strides = array<i32>} : memref<240xf32, #tpu.memory_space<vmem>>, vector<16xf32>,
    tpu.vector_store %arg27[%swap3A_182], %sub3A_172 {strides = array<i32>} : memref<240xf32, #tpu.memory_space<vmem>>, vector<16xf32>,
    %mul3A_184 = arith.constant 16 : i32
    %mul3A_185 = arith.muli %scan3A_160, %mul3A_184 : i32
    %add3A_186 = arith.constant 160 : i32
    %add3A_187 = arith.addi %add3A_186, %mul3A_185 : i32
    %swap3A_188 = arith.index_cast %add3A_187 : i32 to index
    %swap3A_189 = tpu.vector_load %arg27[%swap3A_188] {strides = array<i32>} : memref<240xf32, #tpu.memory_space<vmem>>, vector<16xf32>,
    tpu.vector_store %arg27[%swap3A_188], %sub3A_175 {strides = array<i32>} : memref<240xf32, #tpu.memory_space<vmem>>, vector<16xf32>,
    %mul3A_190 = arith.mulf %sub3A_169, %sub3A_169 : vector<16xf32>
    %mul3A_191 = arith.mulf %sub3A_172, %sub3A_172 : vector<16xf32>
    %add3A_192 = arith.addf %mul3A_190, %mul3A_191 : vector<16xf32>
    %mul3A_193 = arith.mulf %sub3A_175, %sub3A_175 : vector<16xf32>
    %add3A_194 = arith.addf %add3A_192, %mul3A_193 : vector<16xf32>
    %swap3A_195 = arith.index_cast %mul3A_162 : i32 to index
    %swap3A_196 = tpu.vector_load %arg24[%swap3A_195] {strides = array<i32>} : memref<80xf32, #tpu.memory_space<vmem>>, vector<16xf32>,
    tpu.vector_store %arg24[%swap3A_195], %add3A_194 {strides = array<i32>} : memref<80xf32, #tpu.memory_space<vmem>>, vector<16xf32>,
    %scan3A_197 = arith.constant 4 : i32
    %mul3A_198 = arith.constant 16 : i32
    %mul3A_199 = arith.muli %scan3A_197, %mul3A_198 : i32
    %get3A_200 = arith.index_cast %mul3A_199 : i32 to index
    %get3A_201 = tpu.vector_load %arg12[%get3A_200] {strides = array<i32>} : memref<80xi32, #tpu.memory_space<vmem>>, vector<16xi32>,
    %get3A_202 = arith.index_cast %mul3A_199 : i32 to index
    %get3A_203 = tpu.vector_load %arg15[%get3A_202] {strides = array<i32>} : memref<80xi32, #tpu.memory_space<vmem>>, vector<16xi32>,
    %gather3A_204 = tpu.vector_load_idx %arg30[%get3A_203] : memref<10000xf32, #tpu.memory_space<vmem>>[vector<16xi32>], vector<16xf32>,
    %gather3A_205 = tpu.vector_load_idx %arg30[%get3A_201] : memref<10000xf32, #tpu.memory_space<vmem>>[vector<16xi32>], vector<16xf32>,
    %sub3A_206 = arith.subf %gather3A_204, %gather3A_205 : vector<16xf32>
    %gather3A_207 = tpu.vector_load_idx %arg31[%get3A_203] : memref<10000xf32, #tpu.memory_space<vmem>>[vector<16xi32>], vector<16xf32>,
    %gather3A_208 = tpu.vector_load_idx %arg31[%get3A_201] : memref<10000xf32, #tpu.memory_space<vmem>>[vector<16xi32>], vector<16xf32>,
    %sub3A_209 = arith.subf %gather3A_207, %gather3A_208 : vector<16xf32>
    %gather3A_210 = tpu.vector_load_idx %arg32[%get3A_203] : memref<10000xf32, #tpu.memory_space<vmem>>[vector<16xi32>], vector<16xf32>,
    %gather3A_211 = tpu.vector_load_idx %arg32[%get3A_201] : memref<10000xf32, #tpu.memory_space<vmem>>[vector<16xi32>], vector<16xf32>,
    %sub3A_212 = arith.subf %gather3A_210, %gather3A_211 : vector<16xf32>
    %swap3A_213 = arith.index_cast %mul3A_199 : i32 to index
    %swap3A_214 = tpu.vector_load %arg27[%swap3A_213] {strides = array<i32>} : memref<240xf32, #tpu.memory_space<vmem>>, vector<16xf32>,
    tpu.vector_store %arg27[%swap3A_213], %sub3A_206 {strides = array<i32>} : memref<240xf32, #tpu.memory_space<vmem>>, vector<16xf32>,
    %mul3A_215 = arith.constant 16 : i32
    %mul3A_216 = arith.muli %scan3A_197, %mul3A_215 : i32
    %add3A_217 = arith.constant 80 : i32
    %add3A_218 = arith.addi %add3A_217, %mul3A_216 : i32
    %swap3A_219 = arith.index_cast %add3A_218 : i32 to index
    %swap3A_220 = tpu.vector_load %arg27[%swap3A_219] {strides = array<i32>} : memref<240xf32, #tpu.memory_space<vmem>>, vector<16xf32>,
    tpu.vector_store %arg27[%swap3A_219], %sub3A_209 {strides = array<i32>} : memref<240xf32, #tpu.memory_space<vmem>>, vector<16xf32>,
    %mul3A_221 = arith.constant 16 : i32
    %mul3A_222 = arith.muli %scan3A_197, %mul3A_221 : i32
    %add3A_223 = arith.constant 160 : i32
    %add3A_224 = arith.addi %add3A_223, %mul3A_222 : i32
    %swap3A_225 = arith.index_cast %add3A_224 : i32 to index
    %swap3A_226 = tpu.vector_load %arg27[%swap3A_225] {strides = array<i32>} : memref<240xf32, #tpu.memory_space<vmem>>, vector<16xf32>,
    tpu.vector_store %arg27[%swap3A_225], %sub3A_212 {strides = array<i32>} : memref<240xf32, #tpu.memory_space<vmem>>, vector<16xf32>,
    %mul3A_227 = arith.mulf %sub3A_206, %sub3A_206 : vector<16xf32>
    %mul3A_228 = arith.mulf %sub3A_209, %sub3A_209 : vector<16xf32>
    %add3A_229 = arith.addf %mul3A_227, %mul3A_228 : vector<16xf32>
    %mul3A_230 = arith.mulf %sub3A_212, %sub3A_212 : vector<16xf32>
    %add3A_231 = arith.addf %add3A_229, %mul3A_230 : vector<16xf32>
    %swap3A_232 = arith.index_cast %mul3A_199 : i32 to index
    %swap3A_233 = tpu.vector_load %arg24[%swap3A_232] {strides = array<i32>} : memref<80xf32, #tpu.memory_space<vmem>>, vector<16xf32>,
    tpu.vector_store %arg24[%swap3A_232], %add3A_231 {strides = array<i32>} : memref<80xf32, #tpu.memory_space<vmem>>, vector<16xf32>,
    %scan3A_234 = arith.constant 5 : i32
    %dma_wait3A_235 = arith.constant 0 : i32
    %dma_wait3A_236 = arith.constant 0 : i32
    %dma_wait3A_237 = tpu.memref_slice %arg2[%dma_wait3A_235, %dma_wait3A_236] : memref<10000x128xf32, #tpu.memory_space<hbm>> -> memref<80x128xf32, #tpu.memory_space<hbm>>
    %dma_wait3A_238 = arith.constant 0 : i32
    %dma_wait3A_239 = arith.constant 0 : i32
    %dma_wait3A_240 = tpu.memref_slice %arg2[%dma_wait3A_238, %dma_wait3A_239] : memref<10000x128xf32, #tpu.memory_space<hbm>> -> memref<80x128xf32, #tpu.memory_space<hbm>>
    tpu.wait_dma2 semaphore(%arg36 : memref<!tpu.dma_semaphore, #tpu.memory_space<semaphore_mem>>) src(%dma_wait3A_240 : memref<80x128xf32, #tpu.memory_space<hbm>>) dst(%arg18 : memref<80x128xf32, #tpu.memory_space<vmem>>)
    %dma_wait3A_241 = arith.constant 0 : i32
    %dma_wait3A_242 = arith.constant 0 : i32
    %dma_wait3A_243 = tpu.memref_slice %arg3[%dma_wait3A_241, %dma_wait3A_242] : memref<10000x128xf32, #tpu.memory_space<hbm>> -> memref<80x128xf32, #tpu.memory_space<hbm>>
    %dma_wait3A_244 = arith.constant 0 : i32
    %dma_wait3A_245 = arith.constant 0 : i32
    %dma_wait3A_246 = tpu.memref_slice %arg3[%dma_wait3A_244, %dma_wait3A_245] : memref<10000x128xf32, #tpu.memory_space<hbm>> -> memref<80x128xf32, #tpu.memory_space<hbm>>
    tpu.wait_dma2 semaphore(%arg36 : memref<!tpu.dma_semaphore, #tpu.memory_space<semaphore_mem>>) src(%dma_wait3A_246 : memref<80x128xf32, #tpu.memory_space<hbm>>) dst(%arg21 : memref<80x128xf32, #tpu.memory_space<vmem>>)
    %scan3A_247 = arith.constant 0 : i32
    %scan3A_248 = arith.constant 0 : i32
    %scan3A_249 = arith.constant 80 : i32
    %scan3A_250 = arith.addi %scan3A_248, %scan3A_249 : i32
    %scan3A_251 = arith.constant 1 : i32
    scf.for %scan3A_524 = %scan3A_248 to %scan3A_250 step %scan3A_251  : i32 {
      %get3A_525 = arith.index_cast %scan3A_524 : i32 to index
      %get3A_526 = arith.constant 0 : index
      %get3A_527 = tpu.vector_load %arg18[%get3A_525, %get3A_526] {strides = array<i32>} : memref<80x128xf32, #tpu.memory_space<vmem>>, vector<16xf32>,
      %get3A_528 = arith.index_cast %scan3A_524 : i32 to index
      %get3A_529 = arith.constant 0 : index
      %get3A_530 = tpu.vector_load %arg21[%get3A_528, %get3A_529] {strides = array<i32>} : memref<80x128xf32, #tpu.memory_space<vmem>>, vector<16xf32>,
      %add3A_531 = arith.addf %get3A_527, %get3A_530 : vector<16xf32>
      %swap3A_532 = arith.index_cast %scan3A_524 : i32 to index
      %swap3A_533 = arith.constant 0 : index
      %swap3A_534 = tpu.vector_load %arg18[%swap3A_532, %swap3A_533] {strides = array<i32>} : memref<80x128xf32, #tpu.memory_space<vmem>>, vector<16xf32>,
      tpu.vector_store %arg18[%swap3A_532, %swap3A_533], %add3A_531 {strides = array<i32>} : memref<80x128xf32, #tpu.memory_space<vmem>>, vector<16xf32>,
      %get3A_535 = arith.index_cast %scan3A_524 : i32 to index
      %get3A_536 = arith.constant 16 : index
      %get3A_537 = tpu.vector_load %arg18[%get3A_535, %get3A_536] {strides = array<i32>} : memref<80x128xf32, #tpu.memory_space<vmem>>, vector<16xf32>,
      %get3A_538 = arith.index_cast %scan3A_524 : i32 to index
      %get3A_539 = arith.constant 16 : index
      %get3A_540 = tpu.vector_load %arg21[%get3A_538, %get3A_539] {strides = array<i32>} : memref<80x128xf32, #tpu.memory_space<vmem>>, vector<16xf32>,
      %add3A_541 = arith.addf %get3A_537, %get3A_540 : vector<16xf32>
      %swap3A_542 = arith.index_cast %scan3A_524 : i32 to index
      %swap3A_543 = arith.constant 16 : index
      %swap3A_544 = tpu.vector_load %arg18[%swap3A_542, %swap3A_543] {strides = array<i32>} : memref<80x128xf32, #tpu.memory_space<vmem>>, vector<16xf32>,
      tpu.vector_store %arg18[%swap3A_542, %swap3A_543], %add3A_541 {strides = array<i32>} : memref<80x128xf32, #tpu.memory_space<vmem>>, vector<16xf32>,
      %get3A_545 = arith.index_cast %scan3A_524 : i32 to index
      %get3A_546 = arith.constant 32 : index
      %get3A_547 = tpu.vector_load %arg18[%get3A_545, %get3A_546] {strides = array<i32>} : memref<80x128xf32, #tpu.memory_space<vmem>>, vector<16xf32>,
      %get3A_548 = arith.index_cast %scan3A_524 : i32 to index
      %get3A_549 = arith.constant 32 : index
      %get3A_550 = tpu.vector_load %arg21[%get3A_548, %get3A_549] {strides = array<i32>} : memref<80x128xf32, #tpu.memory_space<vmem>>, vector<16xf32>,
      %add3A_551 = arith.addf %get3A_547, %get3A_550 : vector<16xf32>
      %swap3A_552 = arith.index_cast %scan3A_524 : i32 to index
      %swap3A_553 = arith.constant 32 : index
      %swap3A_554 = tpu.vector_load %arg18[%swap3A_552, %swap3A_553] {strides = array<i32>} : memref<80x128xf32, #tpu.memory_space<vmem>>, vector<16xf32>,
      tpu.vector_store %arg18[%swap3A_552, %swap3A_553], %add3A_551 {strides = array<i32>} : memref<80x128xf32, #tpu.memory_space<vmem>>, vector<16xf32>,
      %get3A_555 = arith.index_cast %scan3A_524 : i32 to index
      %get3A_556 = arith.constant 48 : index
      %get3A_557 = tpu.vector_load %arg18[%get3A_555, %get3A_556] {strides = array<i32>} : memref<80x128xf32, #tpu.memory_space<vmem>>, vector<16xf32>,
      %get3A_558 = arith.index_cast %scan3A_524 : i32 to index
      %get3A_559 = arith.constant 48 : index
      %get3A_560 = tpu.vector_load %arg21[%get3A_558, %get3A_559] {strides = array<i32>} : memref<80x128xf32, #tpu.memory_space<vmem>>, vector<16xf32>,
      %add3A_561 = arith.addf %get3A_557, %get3A_560 : vector<16xf32>
      %swap3A_562 = arith.index_cast %scan3A_524 : i32 to index
      %swap3A_563 = arith.constant 48 : index
      %swap3A_564 = tpu.vector_load %arg18[%swap3A_562, %swap3A_563] {strides = array<i32>} : memref<80x128xf32, #tpu.memory_space<vmem>>, vector<16xf32>,
      tpu.vector_store %arg18[%swap3A_562, %swap3A_563], %add3A_561 {strides = array<i32>} : memref<80x128xf32, #tpu.memory_space<vmem>>, vector<16xf32>,
      %get3A_565 = arith.index_cast %scan3A_524 : i32 to index
      %get3A_566 = arith.constant 64 : index
      %get3A_567 = tpu.vector_load %arg18[%get3A_565, %get3A_566] {strides = array<i32>} : memref<80x128xf32, #tpu.memory_space<vmem>>, vector<16xf32>,
      %get3A_568 = arith.index_cast %scan3A_524 : i32 to index
      %get3A_569 = arith.constant 64 : index
      %get3A_570 = tpu.vector_load %arg21[%get3A_568, %get3A_569] {strides = array<i32>} : memref<80x128xf32, #tpu.memory_space<vmem>>, vector<16xf32>,
      %add3A_571 = arith.addf %get3A_567, %get3A_570 : vector<16xf32>
      %swap3A_572 = arith.index_cast %scan3A_524 : i32 to index
      %swap3A_573 = arith.constant 64 : index
      %swap3A_574 = tpu.vector_load %arg18[%swap3A_572, %swap3A_573] {strides = array<i32>} : memref<80x128xf32, #tpu.memory_space<vmem>>, vector<16xf32>,
      tpu.vector_store %arg18[%swap3A_572, %swap3A_573], %add3A_571 {strides = array<i32>} : memref<80x128xf32, #tpu.memory_space<vmem>>, vector<16xf32>,
      %get3A_575 = arith.index_cast %scan3A_524 : i32 to index
      %get3A_576 = arith.constant 80 : index
      %get3A_577 = tpu.vector_load %arg18[%get3A_575, %get3A_576] {strides = array<i32>} : memref<80x128xf32, #tpu.memory_space<vmem>>, vector<16xf32>,
      %get3A_578 = arith.index_cast %scan3A_524 : i32 to index
      %get3A_579 = arith.constant 80 : index
      %get3A_580 = tpu.vector_load %arg21[%get3A_578, %get3A_579] {strides = array<i32>} : memref<80x128xf32, #tpu.memory_space<vmem>>, vector<16xf32>,
      %add3A_581 = arith.addf %get3A_577, %get3A_580 : vector<16xf32>
      %swap3A_582 = arith.index_cast %scan3A_524 : i32 to index
      %swap3A_583 = arith.constant 80 : index
      %swap3A_584 = tpu.vector_load %arg18[%swap3A_582, %swap3A_583] {strides = array<i32>} : memref<80x128xf32, #tpu.memory_space<vmem>>, vector<16xf32>,
      tpu.vector_store %arg18[%swap3A_582, %swap3A_583], %add3A_581 {strides = array<i32>} : memref<80x128xf32, #tpu.memory_space<vmem>>, vector<16xf32>,
      %get3A_585 = arith.index_cast %scan3A_524 : i32 to index
      %get3A_586 = arith.constant 96 : index
      %get3A_587 = tpu.vector_load %arg18[%get3A_585, %get3A_586] {strides = array<i32>} : memref<80x128xf32, #tpu.memory_space<vmem>>, vector<16xf32>,
      %get3A_588 = arith.index_cast %scan3A_524 : i32 to index
      %get3A_589 = arith.constant 96 : index
      %get3A_590 = tpu.vector_load %arg21[%get3A_588, %get3A_589] {strides = array<i32>} : memref<80x128xf32, #tpu.memory_space<vmem>>, vector<16xf32>,
      %add3A_591 = arith.addf %get3A_587, %get3A_590 : vector<16xf32>
      %swap3A_592 = arith.index_cast %scan3A_524 : i32 to index
      %swap3A_593 = arith.constant 96 : index
      %swap3A_594 = tpu.vector_load %arg18[%swap3A_592, %swap3A_593] {strides = array<i32>} : memref<80x128xf32, #tpu.memory_space<vmem>>, vector<16xf32>,
      tpu.vector_store %arg18[%swap3A_592, %swap3A_593], %add3A_591 {strides = array<i32>} : memref<80x128xf32, #tpu.memory_space<vmem>>, vector<16xf32>,
      %get3A_595 = arith.index_cast %scan3A_524 : i32 to index
      %get3A_596 = arith.constant 112 : index
      %get3A_597 = tpu.vector_load %arg18[%get3A_595, %get3A_596] {strides = array<i32>} : memref<80x128xf32, #tpu.memory_space<vmem>>, vector<16xf32>,
      %get3A_598 = arith.index_cast %scan3A_524 : i32 to index
      %get3A_599 = arith.constant 112 : index
      %get3A_600 = tpu.vector_load %arg21[%get3A_598, %get3A_599] {strides = array<i32>} : memref<80x128xf32, #tpu.memory_space<vmem>>, vector<16xf32>,
      %add3A_601 = arith.addf %get3A_597, %get3A_600 : vector<16xf32>
      %swap3A_602 = arith.index_cast %scan3A_524 : i32 to index
      %swap3A_603 = arith.constant 112 : index
      %swap3A_604 = tpu.vector_load %arg18[%swap3A_602, %swap3A_603] {strides = array<i32>} : memref<80x128xf32, #tpu.memory_space<vmem>>, vector<16xf32>,
      tpu.vector_store %arg18[%swap3A_602, %swap3A_603], %add3A_601 {strides = array<i32>} : memref<80x128xf32, #tpu.memory_space<vmem>>, vector<16xf32>,
    }
    %scan3A_252 = arith.constant 80 : i32
    %add3A_253 = arith.constant 9840 : i32
    %add3A_254 = arith.addi %mul3A_2, %add3A_253 : i32
    %dma_start3A_255 = arith.constant 0 : i32
    %dma_start3A_256 = tpu.memref_slice %arg9[%add3A_254, %dma_start3A_255] : memref<320000x128xf32, #tpu.memory_space<hbm>> -> memref<80x128xf32, #tpu.memory_space<hbm>>
    %dma_start3A_257 = arith.constant 0 : i32
    %dma_start3A_258 = tpu.memref_slice %arg9[%add3A_254, %dma_start3A_257] : memref<320000x128xf32, #tpu.memory_space<hbm>> -> memref<80x128xf32, #tpu.memory_space<hbm>>
    tpu.enqueue_dma source(%arg18 : memref<80x128xf32, #tpu.memory_space<vmem>>) target(%dma_start3A_258 : memref<80x128xf32, #tpu.memory_space<hbm>>) target_semaphore(%arg39 : memref<!tpu.dma_semaphore, #tpu.memory_space<semaphore_mem>>)
    %dma_start3A_259 = tpu.memref_slice %arg10[%add3A_254] : memref<320000xf32, #tpu.memory_space<hbm>> -> memref<80xf32, #tpu.memory_space<hbm>>
    %dma_start3A_260 = tpu.memref_slice %arg10[%add3A_254] : memref<320000xf32, #tpu.memory_space<hbm>> -> memref<80xf32, #tpu.memory_space<hbm>>
    tpu.enqueue_dma source(%arg24 : memref<80xf32, #tpu.memory_space<vmem>>) target(%dma_start3A_260 : memref<80xf32, #tpu.memory_space<hbm>>) target_semaphore(%arg39 : memref<!tpu.dma_semaphore, #tpu.memory_space<semaphore_mem>>)
    %mul3A_261 = arith.constant 3 : i32
    %mul3A_262 = arith.muli %mul3A_261, %add3A_254 : i32
    %dma_start3A_263 = tpu.memref_slice %arg11[%mul3A_262] : memref<960000xf32, #tpu.memory_space<hbm>> -> memref<240xf32, #tpu.memory_space<hbm>>
    %dma_start3A_264 = tpu.memref_slice %arg11[%mul3A_262] : memref<960000xf32, #tpu.memory_space<hbm>> -> memref<240xf32, #tpu.memory_space<hbm>>
    tpu.enqueue_dma source(%arg27 : memref<240xf32, #tpu.memory_space<vmem>>) target(%dma_start3A_264 : memref<240xf32, #tpu.memory_space<hbm>>) target_semaphore(%arg39 : memref<!tpu.dma_semaphore, #tpu.memory_space<semaphore_mem>>)
    %scan3A_265 = arith.constant 0 : i32
    %scan3A_266 = arith.constant 0 : i32
    %mul3A_267 = arith.constant 16 : i32
    %mul3A_268 = arith.muli %scan3A_266, %mul3A_267 : i32
    %get3A_269 = arith.index_cast %mul3A_268 : i32 to index
    %get3A_270 = tpu.vector_load %arg13[%get3A_269] {strides = array<i32>} : memref<80xi32, #tpu.memory_space<vmem>>, vector<16xi32>,
    %get3A_271 = arith.index_cast %mul3A_268 : i32 to index
    %get3A_272 = tpu.vector_load %arg16[%get3A_271] {strides = array<i32>} : memref<80xi32, #tpu.memory_space<vmem>>, vector<16xi32>,
    %gather3A_273 = tpu.vector_load_idx %arg30[%get3A_272] : memref<10000xf32, #tpu.memory_space<vmem>>[vector<16xi32>], vector<16xf32>,
    %gather3A_274 = tpu.vector_load_idx %arg30[%get3A_270] : memref<10000xf32, #tpu.memory_space<vmem>>[vector<16xi32>], vector<16xf32>,
    %sub3A_275 = arith.subf %gather3A_273, %gather3A_274 : vector<16xf32>
    %gather3A_276 = tpu.vector_load_idx %arg31[%get3A_272] : memref<10000xf32, #tpu.memory_space<vmem>>[vector<16xi32>], vector<16xf32>,
    %gather3A_277 = tpu.vector_load_idx %arg31[%get3A_270] : memref<10000xf32, #tpu.memory_space<vmem>>[vector<16xi32>], vector<16xf32>,
    %sub3A_278 = arith.subf %gather3A_276, %gather3A_277 : vector<16xf32>
    %gather3A_279 = tpu.vector_load_idx %arg32[%get3A_272] : memref<10000xf32, #tpu.memory_space<vmem>>[vector<16xi32>], vector<16xf32>,
    %gather3A_280 = tpu.vector_load_idx %arg32[%get3A_270] : memref<10000xf32, #tpu.memory_space<vmem>>[vector<16xi32>], vector<16xf32>,
    %sub3A_281 = arith.subf %gather3A_279, %gather3A_280 : vector<16xf32>
    %swap3A_282 = arith.index_cast %mul3A_268 : i32 to index
    %swap3A_283 = tpu.vector_load %arg28[%swap3A_282] {strides = array<i32>} : memref<240xf32, #tpu.memory_space<vmem>>, vector<16xf32>,
    tpu.vector_store %arg28[%swap3A_282], %sub3A_275 {strides = array<i32>} : memref<240xf32, #tpu.memory_space<vmem>>, vector<16xf32>,
    %mul3A_284 = arith.constant 16 : i32
    %mul3A_285 = arith.muli %scan3A_266, %mul3A_284 : i32
    %add3A_286 = arith.constant 80 : i32
    %add3A_287 = arith.addi %add3A_286, %mul3A_285 : i32
    %swap3A_288 = arith.index_cast %add3A_287 : i32 to index
    %swap3A_289 = tpu.vector_load %arg28[%swap3A_288] {strides = array<i32>} : memref<240xf32, #tpu.memory_space<vmem>>, vector<16xf32>,
    tpu.vector_store %arg28[%swap3A_288], %sub3A_278 {strides = array<i32>} : memref<240xf32, #tpu.memory_space<vmem>>, vector<16xf32>,
    %mul3A_290 = arith.constant 16 : i32
    %mul3A_291 = arith.muli %scan3A_266, %mul3A_290 : i32
    %add3A_292 = arith.constant 160 : i32
    %add3A_293 = arith.addi %add3A_292, %mul3A_291 : i32
    %swap3A_294 = arith.index_cast %add3A_293 : i32 to index
    %swap3A_295 = tpu.vector_load %arg28[%swap3A_294] {strides = array<i32>} : memref<240xf32, #tpu.memory_space<vmem>>, vector<16xf32>,
    tpu.vector_store %arg28[%swap3A_294], %sub3A_281 {strides = array<i32>} : memref<240xf32, #tpu.memory_space<vmem>>, vector<16xf32>,
    %mul3A_296 = arith.mulf %sub3A_275, %sub3A_275 : vector<16xf32>
    %mul3A_297 = arith.mulf %sub3A_278, %sub3A_278 : vector<16xf32>
    %add3A_298 = arith.addf %mul3A_296, %mul3A_297 : vector<16xf32>
    %mul3A_299 = arith.mulf %sub3A_281, %sub3A_281 : vector<16xf32>
    %add3A_300 = arith.addf %add3A_298, %mul3A_299 : vector<16xf32>
    %swap3A_301 = arith.index_cast %mul3A_268 : i32 to index
    %swap3A_302 = tpu.vector_load %arg25[%swap3A_301] {strides = array<i32>} : memref<80xf32, #tpu.memory_space<vmem>>, vector<16xf32>,
    tpu.vector_store %arg25[%swap3A_301], %add3A_300 {strides = array<i32>} : memref<80xf32, #tpu.memory_space<vmem>>, vector<16xf32>,
    %scan3A_303 = arith.constant 1 : i32
    %mul3A_304 = arith.constant 16 : i32
    %mul3A_305 = arith.muli %scan3A_303, %mul3A_304 : i32
    %get3A_306 = arith.index_cast %mul3A_305 : i32 to index
    %get3A_307 = tpu.vector_load %arg13[%get3A_306] {strides = array<i32>} : memref<80xi32, #tpu.memory_space<vmem>>, vector<16xi32>,
    %get3A_308 = arith.index_cast %mul3A_305 : i32 to index
    %get3A_309 = tpu.vector_load %arg16[%get3A_308] {strides = array<i32>} : memref<80xi32, #tpu.memory_space<vmem>>, vector<16xi32>,
    %gather3A_310 = tpu.vector_load_idx %arg30[%get3A_309] : memref<10000xf32, #tpu.memory_space<vmem>>[vector<16xi32>], vector<16xf32>,
    %gather3A_311 = tpu.vector_load_idx %arg30[%get3A_307] : memref<10000xf32, #tpu.memory_space<vmem>>[vector<16xi32>], vector<16xf32>,
    %sub3A_312 = arith.subf %gather3A_310, %gather3A_311 : vector<16xf32>
    %gather3A_313 = tpu.vector_load_idx %arg31[%get3A_309] : memref<10000xf32, #tpu.memory_space<vmem>>[vector<16xi32>], vector<16xf32>,
    %gather3A_314 = tpu.vector_load_idx %arg31[%get3A_307] : memref<10000xf32, #tpu.memory_space<vmem>>[vector<16xi32>], vector<16xf32>,
    %sub3A_315 = arith.subf %gather3A_313, %gather3A_314 : vector<16xf32>
    %gather3A_316 = tpu.vector_load_idx %arg32[%get3A_309] : memref<10000xf32, #tpu.memory_space<vmem>>[vector<16xi32>], vector<16xf32>,
    %gather3A_317 = tpu.vector_load_idx %arg32[%get3A_307] : memref<10000xf32, #tpu.memory_space<vmem>>[vector<16xi32>], vector<16xf32>,
    %sub3A_318 = arith.subf %gather3A_316, %gather3A_317 : vector<16xf32>
    %swap3A_319 = arith.index_cast %mul3A_305 : i32 to index
    %swap3A_320 = tpu.vector_load %arg28[%swap3A_319] {strides = array<i32>} : memref<240xf32, #tpu.memory_space<vmem>>, vector<16xf32>,
    tpu.vector_store %arg28[%swap3A_319], %sub3A_312 {strides = array<i32>} : memref<240xf32, #tpu.memory_space<vmem>>, vector<16xf32>,
    %mul3A_321 = arith.constant 16 : i32
    %mul3A_322 = arith.muli %scan3A_303, %mul3A_321 : i32
    %add3A_323 = arith.constant 80 : i32
    %add3A_324 = arith.addi %add3A_323, %mul3A_322 : i32
    %swap3A_325 = arith.index_cast %add3A_324 : i32 to index
    %swap3A_326 = tpu.vector_load %arg28[%swap3A_325] {strides = array<i32>} : memref<240xf32, #tpu.memory_space<vmem>>, vector<16xf32>,
    tpu.vector_store %arg28[%swap3A_325], %sub3A_315 {strides = array<i32>} : memref<240xf32, #tpu.memory_space<vmem>>, vector<16xf32>,
    %mul3A_327 = arith.constant 16 : i32
    %mul3A_328 = arith.muli %scan3A_303, %mul3A_327 : i32
    %add3A_329 = arith.constant 160 : i32
    %add3A_330 = arith.addi %add3A_329, %mul3A_328 : i32
    %swap3A_331 = arith.index_cast %add3A_330 : i32 to index
    %swap3A_332 = tpu.vector_load %arg28[%swap3A_331] {strides = array<i32>} : memref<240xf32, #tpu.memory_space<vmem>>, vector<16xf32>,
    tpu.vector_store %arg28[%swap3A_331], %sub3A_318 {strides = array<i32>} : memref<240xf32, #tpu.memory_space<vmem>>, vector<16xf32>,
    %mul3A_333 = arith.mulf %sub3A_312, %sub3A_312 : vector<16xf32>
    %mul3A_334 = arith.mulf %sub3A_315, %sub3A_315 : vector<16xf32>
    %add3A_335 = arith.addf %mul3A_333, %mul3A_334 : vector<16xf32>
    %mul3A_336 = arith.mulf %sub3A_318, %sub3A_318 : vector<16xf32>
    %add3A_337 = arith.addf %add3A_335, %mul3A_336 : vector<16xf32>
    %swap3A_338 = arith.index_cast %mul3A_305 : i32 to index
    %swap3A_339 = tpu.vector_load %arg25[%swap3A_338] {strides = array<i32>} : memref<80xf32, #tpu.memory_space<vmem>>, vector<16xf32>,
    tpu.vector_store %arg25[%swap3A_338], %add3A_337 {strides = array<i32>} : memref<80xf32, #tpu.memory_space<vmem>>, vector<16xf32>,
    %scan3A_340 = arith.constant 2 : i32
    %mul3A_341 = arith.constant 16 : i32
    %mul3A_342 = arith.muli %scan3A_340, %mul3A_341 : i32
    %get3A_343 = arith.index_cast %mul3A_342 : i32 to index
    %get3A_344 = tpu.vector_load %arg13[%get3A_343] {strides = array<i32>} : memref<80xi32, #tpu.memory_space<vmem>>, vector<16xi32>,
    %get3A_345 = arith.index_cast %mul3A_342 : i32 to index
    %get3A_346 = tpu.vector_load %arg16[%get3A_345] {strides = array<i32>} : memref<80xi32, #tpu.memory_space<vmem>>, vector<16xi32>,
    %gather3A_347 = tpu.vector_load_idx %arg30[%get3A_346] : memref<10000xf32, #tpu.memory_space<vmem>>[vector<16xi32>], vector<16xf32>,
    %gather3A_348 = tpu.vector_load_idx %arg30[%get3A_344] : memref<10000xf32, #tpu.memory_space<vmem>>[vector<16xi32>], vector<16xf32>,
    %sub3A_349 = arith.subf %gather3A_347, %gather3A_348 : vector<16xf32>
    %gather3A_350 = tpu.vector_load_idx %arg31[%get3A_346] : memref<10000xf32, #tpu.memory_space<vmem>>[vector<16xi32>], vector<16xf32>,
    %gather3A_351 = tpu.vector_load_idx %arg31[%get3A_344] : memref<10000xf32, #tpu.memory_space<vmem>>[vector<16xi32>], vector<16xf32>,
    %sub3A_352 = arith.subf %gather3A_350, %gather3A_351 : vector<16xf32>
    %gather3A_353 = tpu.vector_load_idx %arg32[%get3A_346] : memref<10000xf32, #tpu.memory_space<vmem>>[vector<16xi32>], vector<16xf32>,
    %gather3A_354 = tpu.vector_load_idx %arg32[%get3A_344] : memref<10000xf32, #tpu.memory_space<vmem>>[vector<16xi32>], vector<16xf32>,
    %sub3A_355 = arith.subf %gather3A_353, %gather3A_354 : vector<16xf32>
    %swap3A_356 = arith.index_cast %mul3A_342 : i32 to index
    %swap3A_357 = tpu.vector_load %arg28[%swap3A_356] {strides = array<i32>} : memref<240xf32, #tpu.memory_space<vmem>>, vector<16xf32>,
    tpu.vector_store %arg28[%swap3A_356], %sub3A_349 {strides = array<i32>} : memref<240xf32, #tpu.memory_space<vmem>>, vector<16xf32>,
    %mul3A_358 = arith.constant 16 : i32
    %mul3A_359 = arith.muli %scan3A_340, %mul3A_358 : i32
    %add3A_360 = arith.constant 80 : i32
    %add3A_361 = arith.addi %add3A_360, %mul3A_359 : i32
    %swap3A_362 = arith.index_cast %add3A_361 : i32 to index
    %swap3A_363 = tpu.vector_load %arg28[%swap3A_362] {strides = array<i32>} : memref<240xf32, #tpu.memory_space<vmem>>, vector<16xf32>,
    tpu.vector_store %arg28[%swap3A_362], %sub3A_352 {strides = array<i32>} : memref<240xf32, #tpu.memory_space<vmem>>, vector<16xf32>,
    %mul3A_364 = arith.constant 16 : i32
    %mul3A_365 = arith.muli %scan3A_340, %mul3A_364 : i32
    %add3A_366 = arith.constant 160 : i32
    %add3A_367 = arith.addi %add3A_366, %mul3A_365 : i32
    %swap3A_368 = arith.index_cast %add3A_367 : i32 to index
    %swap3A_369 = tpu.vector_load %arg28[%swap3A_368] {strides = array<i32>} : memref<240xf32, #tpu.memory_space<vmem>>, vector<16xf32>,
    tpu.vector_store %arg28[%swap3A_368], %sub3A_355 {strides = array<i32>} : memref<240xf32, #tpu.memory_space<vmem>>, vector<16xf32>,
    %mul3A_370 = arith.mulf %sub3A_349, %sub3A_349 : vector<16xf32>
    %mul3A_371 = arith.mulf %sub3A_352, %sub3A_352 : vector<16xf32>
    %add3A_372 = arith.addf %mul3A_370, %mul3A_371 : vector<16xf32>
    %mul3A_373 = arith.mulf %sub3A_355, %sub3A_355 : vector<16xf32>
    %add3A_374 = arith.addf %add3A_372, %mul3A_373 : vector<16xf32>
    %swap3A_375 = arith.index_cast %mul3A_342 : i32 to index
    %swap3A_376 = tpu.vector_load %arg25[%swap3A_375] {strides = array<i32>} : memref<80xf32, #tpu.memory_space<vmem>>, vector<16xf32>,
    tpu.vector_store %arg25[%swap3A_375], %add3A_374 {strides = array<i32>} : memref<80xf32, #tpu.memory_space<vmem>>, vector<16xf32>,
    %scan3A_377 = arith.constant 3 : i32
    %mul3A_378 = arith.constant 16 : i32
    %mul3A_379 = arith.muli %scan3A_377, %mul3A_378 : i32
    %get3A_380 = arith.index_cast %mul3A_379 : i32 to index
    %get3A_381 = tpu.vector_load %arg13[%get3A_380] {strides = array<i32>} : memref<80xi32, #tpu.memory_space<vmem>>, vector<16xi32>,
    %get3A_382 = arith.index_cast %mul3A_379 : i32 to index
    %get3A_383 = tpu.vector_load %arg16[%get3A_382] {strides = array<i32>} : memref<80xi32, #tpu.memory_space<vmem>>, vector<16xi32>,
    %gather3A_384 = tpu.vector_load_idx %arg30[%get3A_383] : memref<10000xf32, #tpu.memory_space<vmem>>[vector<16xi32>], vector<16xf32>,
    %gather3A_385 = tpu.vector_load_idx %arg30[%get3A_381] : memref<10000xf32, #tpu.memory_space<vmem>>[vector<16xi32>], vector<16xf32>,
    %sub3A_386 = arith.subf %gather3A_384, %gather3A_385 : vector<16xf32>
    %gather3A_387 = tpu.vector_load_idx %arg31[%get3A_383] : memref<10000xf32, #tpu.memory_space<vmem>>[vector<16xi32>], vector<16xf32>,
    %gather3A_388 = tpu.vector_load_idx %arg31[%get3A_381] : memref<10000xf32, #tpu.memory_space<vmem>>[vector<16xi32>], vector<16xf32>,
    %sub3A_389 = arith.subf %gather3A_387, %gather3A_388 : vector<16xf32>
    %gather3A_390 = tpu.vector_load_idx %arg32[%get3A_383] : memref<10000xf32, #tpu.memory_space<vmem>>[vector<16xi32>], vector<16xf32>,
    %gather3A_391 = tpu.vector_load_idx %arg32[%get3A_381] : memref<10000xf32, #tpu.memory_space<vmem>>[vector<16xi32>], vector<16xf32>,
    %sub3A_392 = arith.subf %gather3A_390, %gather3A_391 : vector<16xf32>
    %swap3A_393 = arith.index_cast %mul3A_379 : i32 to index
    %swap3A_394 = tpu.vector_load %arg28[%swap3A_393] {strides = array<i32>} : memref<240xf32, #tpu.memory_space<vmem>>, vector<16xf32>,
    tpu.vector_store %arg28[%swap3A_393], %sub3A_386 {strides = array<i32>} : memref<240xf32, #tpu.memory_space<vmem>>, vector<16xf32>,
    %mul3A_395 = arith.constant 16 : i32
    %mul3A_396 = arith.muli %scan3A_377, %mul3A_395 : i32
    %add3A_397 = arith.constant 80 : i32
    %add3A_398 = arith.addi %add3A_397, %mul3A_396 : i32
    %swap3A_399 = arith.index_cast %add3A_398 : i32 to index
    %swap3A_400 = tpu.vector_load %arg28[%swap3A_399] {strides = array<i32>} : memref<240xf32, #tpu.memory_space<vmem>>, vector<16xf32>,
    tpu.vector_store %arg28[%swap3A_399], %sub3A_389 {strides = array<i32>} : memref<240xf32, #tpu.memory_space<vmem>>, vector<16xf32>,
    %mul3A_401 = arith.constant 16 : i32
    %mul3A_402 = arith.muli %scan3A_377, %mul3A_401 : i32
    %add3A_403 = arith.constant 160 : i32
    %add3A_404 = arith.addi %add3A_403, %mul3A_402 : i32
    %swap3A_405 = arith.index_cast %add3A_404 : i32 to index
    %swap3A_406 = tpu.vector_load %arg28[%swap3A_405] {strides = array<i32>} : memref<240xf32, #tpu.memory_space<vmem>>, vector<16xf32>,
    tpu.vector_store %arg28[%swap3A_405], %sub3A_392 {strides = array<i32>} : memref<240xf32, #tpu.memory_space<vmem>>, vector<16xf32>,
    %mul3A_407 = arith.mulf %sub3A_386, %sub3A_386 : vector<16xf32>
    %mul3A_408 = arith.mulf %sub3A_389, %sub3A_389 : vector<16xf32>
    %add3A_409 = arith.addf %mul3A_407, %mul3A_408 : vector<16xf32>
    %mul3A_410 = arith.mulf %sub3A_392, %sub3A_392 : vector<16xf32>
    %add3A_411 = arith.addf %add3A_409, %mul3A_410 : vector<16xf32>
    %swap3A_412 = arith.index_cast %mul3A_379 : i32 to index
    %swap3A_413 = tpu.vector_load %arg25[%swap3A_412] {strides = array<i32>} : memref<80xf32, #tpu.memory_space<vmem>>, vector<16xf32>,
    tpu.vector_store %arg25[%swap3A_412], %add3A_411 {strides = array<i32>} : memref<80xf32, #tpu.memory_space<vmem>>, vector<16xf32>,
    %scan3A_414 = arith.constant 4 : i32
    %mul3A_415 = arith.constant 16 : i32
    %mul3A_416 = arith.muli %scan3A_414, %mul3A_415 : i32
    %get3A_417 = arith.index_cast %mul3A_416 : i32 to index
    %get3A_418 = tpu.vector_load %arg13[%get3A_417] {strides = array<i32>} : memref<80xi32, #tpu.memory_space<vmem>>, vector<16xi32>,
    %get3A_419 = arith.index_cast %mul3A_416 : i32 to index
    %get3A_420 = tpu.vector_load %arg16[%get3A_419] {strides = array<i32>} : memref<80xi32, #tpu.memory_space<vmem>>, vector<16xi32>,
    %gather3A_421 = tpu.vector_load_idx %arg30[%get3A_420] : memref<10000xf32, #tpu.memory_space<vmem>>[vector<16xi32>], vector<16xf32>,
    %gather3A_422 = tpu.vector_load_idx %arg30[%get3A_418] : memref<10000xf32, #tpu.memory_space<vmem>>[vector<16xi32>], vector<16xf32>,
    %sub3A_423 = arith.subf %gather3A_421, %gather3A_422 : vector<16xf32>
    %gather3A_424 = tpu.vector_load_idx %arg31[%get3A_420] : memref<10000xf32, #tpu.memory_space<vmem>>[vector<16xi32>], vector<16xf32>,
    %gather3A_425 = tpu.vector_load_idx %arg31[%get3A_418] : memref<10000xf32, #tpu.memory_space<vmem>>[vector<16xi32>], vector<16xf32>,
    %sub3A_426 = arith.subf %gather3A_424, %gather3A_425 : vector<16xf32>
    %gather3A_427 = tpu.vector_load_idx %arg32[%get3A_420] : memref<10000xf32, #tpu.memory_space<vmem>>[vector<16xi32>], vector<16xf32>,
    %gather3A_428 = tpu.vector_load_idx %arg32[%get3A_418] : memref<10000xf32, #tpu.memory_space<vmem>>[vector<16xi32>], vector<16xf32>,
    %sub3A_429 = arith.subf %gather3A_427, %gather3A_428 : vector<16xf32>
    %swap3A_430 = arith.index_cast %mul3A_416 : i32 to index
    %swap3A_431 = tpu.vector_load %arg28[%swap3A_430] {strides = array<i32>} : memref<240xf32, #tpu.memory_space<vmem>>, vector<16xf32>,
    tpu.vector_store %arg28[%swap3A_430], %sub3A_423 {strides = array<i32>} : memref<240xf32, #tpu.memory_space<vmem>>, vector<16xf32>,
    %mul3A_432 = arith.constant 16 : i32
    %mul3A_433 = arith.muli %scan3A_414, %mul3A_432 : i32
    %add3A_434 = arith.constant 80 : i32
    %add3A_435 = arith.addi %add3A_434, %mul3A_433 : i32
    %swap3A_436 = arith.index_cast %add3A_435 : i32 to index
    %swap3A_437 = tpu.vector_load %arg28[%swap3A_436] {strides = array<i32>} : memref<240xf32, #tpu.memory_space<vmem>>, vector<16xf32>,
    tpu.vector_store %arg28[%swap3A_436], %sub3A_426 {strides = array<i32>} : memref<240xf32, #tpu.memory_space<vmem>>, vector<16xf32>,
    %mul3A_438 = arith.constant 16 : i32
    %mul3A_439 = arith.muli %scan3A_414, %mul3A_438 : i32
    %add3A_440 = arith.constant 160 : i32
    %add3A_441 = arith.addi %add3A_440, %mul3A_439 : i32
    %swap3A_442 = arith.index_cast %add3A_441 : i32 to index
    %swap3A_443 = tpu.vector_load %arg28[%swap3A_442] {strides = array<i32>} : memref<240xf32, #tpu.memory_space<vmem>>, vector<16xf32>,
    tpu.vector_store %arg28[%swap3A_442], %sub3A_429 {strides = array<i32>} : memref<240xf32, #tpu.memory_space<vmem>>, vector<16xf32>,
    %mul3A_444 = arith.mulf %sub3A_423, %sub3A_423 : vector<16xf32>
    %mul3A_445 = arith.mulf %sub3A_426, %sub3A_426 : vector<16xf32>
    %add3A_446 = arith.addf %mul3A_444, %mul3A_445 : vector<16xf32>
    %mul3A_447 = arith.mulf %sub3A_429, %sub3A_429 : vector<16xf32>
    %add3A_448 = arith.addf %add3A_446, %mul3A_447 : vector<16xf32>
    %swap3A_449 = arith.index_cast %mul3A_416 : i32 to index
    %swap3A_450 = tpu.vector_load %arg25[%swap3A_449] {strides = array<i32>} : memref<80xf32, #tpu.memory_space<vmem>>, vector<16xf32>,
    tpu.vector_store %arg25[%swap3A_449], %add3A_448 {strides = array<i32>} : memref<80xf32, #tpu.memory_space<vmem>>, vector<16xf32>,
    %scan3A_451 = arith.constant 5 : i32
    %dma_wait3A_452 = arith.constant 0 : i32
    %dma_wait3A_453 = arith.constant 0 : i32
    %dma_wait3A_454 = tpu.memref_slice %arg2[%dma_wait3A_452, %dma_wait3A_453] : memref<10000x128xf32, #tpu.memory_space<hbm>> -> memref<80x128xf32, #tpu.memory_space<hbm>>
    %dma_wait3A_455 = arith.constant 0 : i32
    %dma_wait3A_456 = arith.constant 0 : i32
    %dma_wait3A_457 = tpu.memref_slice %arg2[%dma_wait3A_455, %dma_wait3A_456] : memref<10000x128xf32, #tpu.memory_space<hbm>> -> memref<80x128xf32, #tpu.memory_space<hbm>>
    tpu.wait_dma2 semaphore(%arg37 : memref<!tpu.dma_semaphore, #tpu.memory_space<semaphore_mem>>) src(%dma_wait3A_457 : memref<80x128xf32, #tpu.memory_space<hbm>>) dst(%arg19 : memref<80x128xf32, #tpu.memory_space<vmem>>)
    %dma_wait3A_458 = arith.constant 0 : i32
    %dma_wait3A_459 = arith.constant 0 : i32
    %dma_wait3A_460 = tpu.memref_slice %arg3[%dma_wait3A_458, %dma_wait3A_459] : memref<10000x128xf32, #tpu.memory_space<hbm>> -> memref<80x128xf32, #tpu.memory_space<hbm>>
    %dma_wait3A_461 = arith.constant 0 : i32
    %dma_wait3A_462 = arith.constant 0 : i32
    %dma_wait3A_463 = tpu.memref_slice %arg3[%dma_wait3A_461, %dma_wait3A_462] : memref<10000x128xf32, #tpu.memory_space<hbm>> -> memref<80x128xf32, #tpu.memory_space<hbm>>
    tpu.wait_dma2 semaphore(%arg37 : memref<!tpu.dma_semaphore, #tpu.memory_space<semaphore_mem>>) src(%dma_wait3A_463 : memref<80x128xf32, #tpu.memory_space<hbm>>) dst(%arg22 : memref<80x128xf32, #tpu.memory_space<vmem>>)
    %scan3A_464 = arith.constant 0 : i32
    %scan3A_465 = arith.constant 0 : i32
    %scan3A_466 = arith.constant 80 : i32
    %scan3A_467 = arith.addi %scan3A_465, %scan3A_466 : i32
    %scan3A_468 = arith.constant 1 : i32
    scf.for %scan3A_524 = %scan3A_465 to %scan3A_467 step %scan3A_468  : i32 {
      %get3A_525 = arith.index_cast %scan3A_524 : i32 to index
      %get3A_526 = arith.constant 0 : index
      %get3A_527 = tpu.vector_load %arg19[%get3A_525, %get3A_526] {strides = array<i32>} : memref<80x128xf32, #tpu.memory_space<vmem>>, vector<16xf32>,
      %get3A_528 = arith.index_cast %scan3A_524 : i32 to index
      %get3A_529 = arith.constant 0 : index
      %get3A_530 = tpu.vector_load %arg22[%get3A_528, %get3A_529] {strides = array<i32>} : memref<80x128xf32, #tpu.memory_space<vmem>>, vector<16xf32>,
      %add3A_531 = arith.addf %get3A_527, %get3A_530 : vector<16xf32>
      %swap3A_532 = arith.index_cast %scan3A_524 : i32 to index
      %swap3A_533 = arith.constant 0 : index
      %swap3A_534 = tpu.vector_load %arg19[%swap3A_532, %swap3A_533] {strides = array<i32>} : memref<80x128xf32, #tpu.memory_space<vmem>>, vector<16xf32>,
      tpu.vector_store %arg19[%swap3A_532, %swap3A_533], %add3A_531 {strides = array<i32>} : memref<80x128xf32, #tpu.memory_space<vmem>>, vector<16xf32>,
      %get3A_535 = arith.index_cast %scan3A_524 : i32 to index
      %get3A_536 = arith.constant 16 : index
      %get3A_537 = tpu.vector_load %arg19[%get3A_535, %get3A_536] {strides = array<i32>} : memref<80x128xf32, #tpu.memory_space<vmem>>, vector<16xf32>,
      %get3A_538 = arith.index_cast %scan3A_524 : i32 to index
      %get3A_539 = arith.constant 16 : index
      %get3A_540 = tpu.vector_load %arg22[%get3A_538, %get3A_539] {strides = array<i32>} : memref<80x128xf32, #tpu.memory_space<vmem>>, vector<16xf32>,
      %add3A_541 = arith.addf %get3A_537, %get3A_540 : vector<16xf32>
      %swap3A_542 = arith.index_cast %scan3A_524 : i32 to index
      %swap3A_543 = arith.constant 16 : index
      %swap3A_544 = tpu.vector_load %arg19[%swap3A_542, %swap3A_543] {strides = array<i32>} : memref<80x128xf32, #tpu.memory_space<vmem>>, vector<16xf32>,
      tpu.vector_store %arg19[%swap3A_542, %swap3A_543], %add3A_541 {strides = array<i32>} : memref<80x128xf32, #tpu.memory_space<vmem>>, vector<16xf32>,
      %get3A_545 = arith.index_cast %scan3A_524 : i32 to index
      %get3A_546 = arith.constant 32 : index
      %get3A_547 = tpu.vector_load %arg19[%get3A_545, %get3A_546] {strides = array<i32>} : memref<80x128xf32, #tpu.memory_space<vmem>>, vector<16xf32>,
      %get3A_548 = arith.index_cast %scan3A_524 : i32 to index
      %get3A_549 = arith.constant 32 : index
      %get3A_550 = tpu.vector_load %arg22[%get3A_548, %get3A_549] {strides = array<i32>} : memref<80x128xf32, #tpu.memory_space<vmem>>, vector<16xf32>,
      %add3A_551 = arith.addf %get3A_547, %get3A_550 : vector<16xf32>
      %swap3A_552 = arith.index_cast %scan3A_524 : i32 to index
      %swap3A_553 = arith.constant 32 : index
      %swap3A_554 = tpu.vector_load %arg19[%swap3A_552, %swap3A_553] {strides = array<i32>} : memref<80x128xf32, #tpu.memory_space<vmem>>, vector<16xf32>,
      tpu.vector_store %arg19[%swap3A_552, %swap3A_553], %add3A_551 {strides = array<i32>} : memref<80x128xf32, #tpu.memory_space<vmem>>, vector<16xf32>,
      %get3A_555 = arith.index_cast %scan3A_524 : i32 to index
      %get3A_556 = arith.constant 48 : index
      %get3A_557 = tpu.vector_load %arg19[%get3A_555, %get3A_556] {strides = array<i32>} : memref<80x128xf32, #tpu.memory_space<vmem>>, vector<16xf32>,
      %get3A_558 = arith.index_cast %scan3A_524 : i32 to index
      %get3A_559 = arith.constant 48 : index
      %get3A_560 = tpu.vector_load %arg22[%get3A_558, %get3A_559] {strides = array<i32>} : memref<80x128xf32, #tpu.memory_space<vmem>>, vector<16xf32>,
      %add3A_561 = arith.addf %get3A_557, %get3A_560 : vector<16xf32>
      %swap3A_562 = arith.index_cast %scan3A_524 : i32 to index
      %swap3A_563 = arith.constant 48 : index
      %swap3A_564 = tpu.vector_load %arg19[%swap3A_562, %swap3A_563] {strides = array<i32>} : memref<80x128xf32, #tpu.memory_space<vmem>>, vector<16xf32>,
      tpu.vector_store %arg19[%swap3A_562, %swap3A_563], %add3A_561 {strides = array<i32>} : memref<80x128xf32, #tpu.memory_space<vmem>>, vector<16xf32>,
      %get3A_565 = arith.index_cast %scan3A_524 : i32 to index
      %get3A_566 = arith.constant 64 : index
      %get3A_567 = tpu.vector_load %arg19[%get3A_565, %get3A_566] {strides = array<i32>} : memref<80x128xf32, #tpu.memory_space<vmem>>, vector<16xf32>,
      %get3A_568 = arith.index_cast %scan3A_524 : i32 to index
      %get3A_569 = arith.constant 64 : index
      %get3A_570 = tpu.vector_load %arg22[%get3A_568, %get3A_569] {strides = array<i32>} : memref<80x128xf32, #tpu.memory_space<vmem>>, vector<16xf32>,
      %add3A_571 = arith.addf %get3A_567, %get3A_570 : vector<16xf32>
      %swap3A_572 = arith.index_cast %scan3A_524 : i32 to index
      %swap3A_573 = arith.constant 64 : index
      %swap3A_574 = tpu.vector_load %arg19[%swap3A_572, %swap3A_573] {strides = array<i32>} : memref<80x128xf32, #tpu.memory_space<vmem>>, vector<16xf32>,
      tpu.vector_store %arg19[%swap3A_572, %swap3A_573], %add3A_571 {strides = array<i32>} : memref<80x128xf32, #tpu.memory_space<vmem>>, vector<16xf32>,
      %get3A_575 = arith.index_cast %scan3A_524 : i32 to index
      %get3A_576 = arith.constant 80 : index
      %get3A_577 = tpu.vector_load %arg19[%get3A_575, %get3A_576] {strides = array<i32>} : memref<80x128xf32, #tpu.memory_space<vmem>>, vector<16xf32>,
      %get3A_578 = arith.index_cast %scan3A_524 : i32 to index
      %get3A_579 = arith.constant 80 : index
      %get3A_580 = tpu.vector_load %arg22[%get3A_578, %get3A_579] {strides = array<i32>} : memref<80x128xf32, #tpu.memory_space<vmem>>, vector<16xf32>,
      %add3A_581 = arith.addf %get3A_577, %get3A_580 : vector<16xf32>
      %swap3A_582 = arith.index_cast %scan3A_524 : i32 to index
      %swap3A_583 = arith.constant 80 : index
      %swap3A_584 = tpu.vector_load %arg19[%swap3A_582, %swap3A_583] {strides = array<i32>} : memref<80x128xf32, #tpu.memory_space<vmem>>, vector<16xf32>,
      tpu.vector_store %arg19[%swap3A_582, %swap3A_583], %add3A_581 {strides = array<i32>} : memref<80x128xf32, #tpu.memory_space<vmem>>, vector<16xf32>,
      %get3A_585 = arith.index_cast %scan3A_524 : i32 to index
      %get3A_586 = arith.constant 96 : index
      %get3A_587 = tpu.vector_load %arg19[%get3A_585, %get3A_586] {strides = array<i32>} : memref<80x128xf32, #tpu.memory_space<vmem>>, vector<16xf32>,
      %get3A_588 = arith.index_cast %scan3A_524 : i32 to index
      %get3A_589 = arith.constant 96 : index
      %get3A_590 = tpu.vector_load %arg22[%get3A_588, %get3A_589] {strides = array<i32>} : memref<80x128xf32, #tpu.memory_space<vmem>>, vector<16xf32>,
      %add3A_591 = arith.addf %get3A_587, %get3A_590 : vector<16xf32>
      %swap3A_592 = arith.index_cast %scan3A_524 : i32 to index
      %swap3A_593 = arith.constant 96 : index
      %swap3A_594 = tpu.vector_load %arg19[%swap3A_592, %swap3A_593] {strides = array<i32>} : memref<80x128xf32, #tpu.memory_space<vmem>>, vector<16xf32>,
      tpu.vector_store %arg19[%swap3A_592, %swap3A_593], %add3A_591 {strides = array<i32>} : memref<80x128xf32, #tpu.memory_space<vmem>>, vector<16xf32>,
      %get3A_595 = arith.index_cast %scan3A_524 : i32 to index
      %get3A_596 = arith.constant 112 : index
      %get3A_597 = tpu.vector_load %arg19[%get3A_595, %get3A_596] {strides = array<i32>} : memref<80x128xf32, #tpu.memory_space<vmem>>, vector<16xf32>,
      %get3A_598 = arith.index_cast %scan3A_524 : i32 to index
      %get3A_599 = arith.constant 112 : index
      %get3A_600 = tpu.vector_load %arg22[%get3A_598, %get3A_599] {strides = array<i32>} : memref<80x128xf32, #tpu.memory_space<vmem>>, vector<16xf32>,
      %add3A_601 = arith.addf %get3A_597, %get3A_600 : vector<16xf32>
      %swap3A_602 = arith.index_cast %scan3A_524 : i32 to index
      %swap3A_603 = arith.constant 112 : index
      %swap3A_604 = tpu.vector_load %arg19[%swap3A_602, %swap3A_603] {strides = array<i32>} : memref<80x128xf32, #tpu.memory_space<vmem>>, vector<16xf32>,
      tpu.vector_store %arg19[%swap3A_602, %swap3A_603], %add3A_601 {strides = array<i32>} : memref<80x128xf32, #tpu.memory_space<vmem>>, vector<16xf32>,
    }
    %scan3A_469 = arith.constant 80 : i32
    %add3A_470 = arith.constant 9920 : i32
    %add3A_471 = arith.addi %mul3A_2, %add3A_470 : i32
    %dma_start3A_472 = arith.constant 0 : i32
    %dma_start3A_473 = tpu.memref_slice %arg9[%add3A_471, %dma_start3A_472] : memref<320000x128xf32, #tpu.memory_space<hbm>> -> memref<80x128xf32, #tpu.memory_space<hbm>>
    %dma_start3A_474 = arith.constant 0 : i32
    %dma_start3A_475 = tpu.memref_slice %arg9[%add3A_471, %dma_start3A_474] : memref<320000x128xf32, #tpu.memory_space<hbm>> -> memref<80x128xf32, #tpu.memory_space<hbm>>
    tpu.enqueue_dma source(%arg19 : memref<80x128xf32, #tpu.memory_space<vmem>>) target(%dma_start3A_475 : memref<80x128xf32, #tpu.memory_space<hbm>>) target_semaphore(%arg40 : memref<!tpu.dma_semaphore, #tpu.memory_space<semaphore_mem>>)
    %dma_start3A_476 = tpu.memref_slice %arg10[%add3A_471] : memref<320000xf32, #tpu.memory_space<hbm>> -> memref<80xf32, #tpu.memory_space<hbm>>
    %dma_start3A_477 = tpu.memref_slice %arg10[%add3A_471] : memref<320000xf32, #tpu.memory_space<hbm>> -> memref<80xf32, #tpu.memory_space<hbm>>
    tpu.enqueue_dma source(%arg25 : memref<80xf32, #tpu.memory_space<vmem>>) target(%dma_start3A_477 : memref<80xf32, #tpu.memory_space<hbm>>) target_semaphore(%arg40 : memref<!tpu.dma_semaphore, #tpu.memory_space<semaphore_mem>>)
    %mul3A_478 = arith.constant 3 : i32
    %mul3A_479 = arith.muli %mul3A_478, %add3A_471 : i32
    %dma_start3A_480 = tpu.memref_slice %arg11[%mul3A_479] : memref<960000xf32, #tpu.memory_space<hbm>> -> memref<240xf32, #tpu.memory_space<hbm>>
    %dma_start3A_481 = tpu.memref_slice %arg11[%mul3A_479] : memref<960000xf32, #tpu.memory_space<hbm>> -> memref<240xf32, #tpu.memory_space<hbm>>
    tpu.enqueue_dma source(%arg28 : memref<240xf32, #tpu.memory_space<vmem>>) target(%dma_start3A_481 : memref<240xf32, #tpu.memory_space<hbm>>) target_semaphore(%arg40 : memref<!tpu.dma_semaphore, #tpu.memory_space<semaphore_mem>>)
    %dma_wait3A_482 = arith.constant 0 : i32
    %dma_wait3A_483 = arith.constant 0 : i32
    %dma_wait3A_484 = tpu.memref_slice %arg9[%dma_wait3A_482, %dma_wait3A_483] : memref<320000x128xf32, #tpu.memory_space<hbm>> -> memref<80x128xf32, #tpu.memory_space<hbm>>
    %dma_wait3A_485 = arith.constant 0 : i32
    %dma_wait3A_486 = arith.constant 0 : i32
    %dma_wait3A_487 = tpu.memref_slice %arg9[%dma_wait3A_485, %dma_wait3A_486] : memref<320000x128xf32, #tpu.memory_space<hbm>> -> memref<80x128xf32, #tpu.memory_space<hbm>>
    tpu.wait_dma2 semaphore(%arg39 : memref<!tpu.dma_semaphore, #tpu.memory_space<semaphore_mem>>) src(%arg18 : memref<80x128xf32, #tpu.memory_space<vmem>>) dst(%dma_wait3A_487 : memref<80x128xf32, #tpu.memory_space<hbm>>)
    %dma_wait3A_488 = arith.constant 0 : i32
    %dma_wait3A_489 = tpu.memref_slice %arg10[%dma_wait3A_488] : memref<320000xf32, #tpu.memory_space<hbm>> -> memref<80xf32, #tpu.memory_space<hbm>>
    %dma_wait3A_490 = arith.constant 0 : i32
    %dma_wait3A_491 = tpu.memref_slice %arg10[%dma_wait3A_490] : memref<320000xf32, #tpu.memory_space<hbm>> -> memref<80xf32, #tpu.memory_space<hbm>>
    tpu.wait_dma2 semaphore(%arg39 : memref<!tpu.dma_semaphore, #tpu.memory_space<semaphore_mem>>) src(%arg24 : memref<80xf32, #tpu.memory_space<vmem>>) dst(%dma_wait3A_491 : memref<80xf32, #tpu.memory_space<hbm>>)
    %dma_wait3A_492 = arith.constant 0 : i32
    %dma_wait3A_493 = tpu.memref_slice %arg11[%dma_wait3A_492] : memref<960000xf32, #tpu.memory_space<hbm>> -> memref<240xf32, #tpu.memory_space<hbm>>
    %dma_wait3A_494 = arith.constant 0 : i32
    %dma_wait3A_495 = tpu.memref_slice %arg11[%dma_wait3A_494] : memref<960000xf32, #tpu.memory_space<hbm>> -> memref<240xf32, #tpu.memory_space<hbm>>
    tpu.wait_dma2 semaphore(%arg39 : memref<!tpu.dma_semaphore, #tpu.memory_space<semaphore_mem>>) src(%arg27 : memref<240xf32, #tpu.memory_space<vmem>>) dst(%dma_wait3A_495 : memref<240xf32, #tpu.memory_space<hbm>>)
    %dma_wait3A_496 = arith.constant 0 : i32
    %dma_wait3A_497 = arith.constant 0 : i32
    %dma_wait3A_498 = tpu.memref_slice %arg9[%dma_wait3A_496, %dma_wait3A_497] : memref<320000x128xf32, #tpu.memory_space<hbm>> -> memref<80x128xf32, #tpu.memory_space<hbm>>
    %dma_wait3A_499 = arith.constant 0 : i32
    %dma_wait3A_500 = arith.constant 0 : i32
    %dma_wait3A_501 = tpu.memref_slice %arg9[%dma_wait3A_499, %dma_wait3A_500] : memref<320000x128xf32, #tpu.memory_space<hbm>> -> memref<80x128xf32, #tpu.memory_space<hbm>>
    tpu.wait_dma2 semaphore(%arg40 : memref<!tpu.dma_semaphore, #tpu.memory_space<semaphore_mem>>) src(%arg19 : memref<80x128xf32, #tpu.memory_space<vmem>>) dst(%dma_wait3A_501 : memref<80x128xf32, #tpu.memory_space<hbm>>)
    %dma_wait3A_502 = arith.constant 0 : i32
    %dma_wait3A_503 = tpu.memref_slice %arg10[%dma_wait3A_502] : memref<320000xf32, #tpu.memory_space<hbm>> -> memref<80xf32, #tpu.memory_space<hbm>>
    %dma_wait3A_504 = arith.constant 0 : i32
    %dma_wait3A_505 = tpu.memref_slice %arg10[%dma_wait3A_504] : memref<320000xf32, #tpu.memory_space<hbm>> -> memref<80xf32, #tpu.memory_space<hbm>>
    tpu.wait_dma2 semaphore(%arg40 : memref<!tpu.dma_semaphore, #tpu.memory_space<semaphore_mem>>) src(%arg25 : memref<80xf32, #tpu.memory_space<vmem>>) dst(%dma_wait3A_505 : memref<80xf32, #tpu.memory_space<hbm>>)
    %dma_wait3A_506 = arith.constant 0 : i32
    %dma_wait3A_507 = tpu.memref_slice %arg11[%dma_wait3A_506] : memref<960000xf32, #tpu.memory_space<hbm>> -> memref<240xf32, #tpu.memory_space<hbm>>
    %dma_wait3A_508 = arith.constant 0 : i32
    %dma_wait3A_509 = tpu.memref_slice %arg11[%dma_wait3A_508] : memref<960000xf32, #tpu.memory_space<hbm>> -> memref<240xf32, #tpu.memory_space<hbm>>
    tpu.wait_dma2 semaphore(%arg40 : memref<!tpu.dma_semaphore, #tpu.memory_space<semaphore_mem>>) src(%arg28 : memref<240xf32, #tpu.memory_space<vmem>>) dst(%dma_wait3A_509 : memref<240xf32, #tpu.memory_space<hbm>>)
    %dma_wait3A_510 = arith.constant 0 : i32
    %dma_wait3A_511 = arith.constant 0 : i32
    %dma_wait3A_512 = tpu.memref_slice %arg9[%dma_wait3A_510, %dma_wait3A_511] : memref<320000x128xf32, #tpu.memory_space<hbm>> -> memref<80x128xf32, #tpu.memory_space<hbm>>
    %dma_wait3A_513 = arith.constant 0 : i32
    %dma_wait3A_514 = arith.constant 0 : i32
    %dma_wait3A_515 = tpu.memref_slice %arg9[%dma_wait3A_513, %dma_wait3A_514] : memref<320000x128xf32, #tpu.memory_space<hbm>> -> memref<80x128xf32, #tpu.memory_space<hbm>>
    tpu.wait_dma2 semaphore(%arg41 : memref<!tpu.dma_semaphore, #tpu.memory_space<semaphore_mem>>) src(%arg20 : memref<80x128xf32, #tpu.memory_space<vmem>>) dst(%dma_wait3A_515 : memref<80x128xf32, #tpu.memory_space<hbm>>)
    %dma_wait3A_516 = arith.constant 0 : i32
    %dma_wait3A_517 = tpu.memref_slice %arg10[%dma_wait3A_516] : memref<320000xf32, #tpu.memory_space<hbm>> -> memref<80xf32, #tpu.memory_space<hbm>>
    %dma_wait3A_518 = arith.constant 0 : i32
    %dma_wait3A_519 = tpu.memref_slice %arg10[%dma_wait3A_518] : memref<320000xf32, #tpu.memory_space<hbm>> -> memref<80xf32, #tpu.memory_space<hbm>>
    tpu.wait_dma2 semaphore(%arg41 : memref<!tpu.dma_semaphore, #tpu.memory_space<semaphore_mem>>) src(%arg26 : memref<80xf32, #tpu.memory_space<vmem>>) dst(%dma_wait3A_519 : memref<80xf32, #tpu.memory_space<hbm>>)
    %dma_wait3A_520 = arith.constant 0 : i32
    %dma_wait3A_521 = tpu.memref_slice %arg11[%dma_wait3A_520] : memref<960000xf32, #tpu.memory_space<hbm>> -> memref<240xf32, #tpu.memory_space<hbm>>
    %dma_wait3A_522 = arith.constant 0 : i32
    %dma_wait3A_523 = tpu.memref_slice %arg11[%dma_wait3A_522] : memref<960000xf32, #tpu.memory_space<hbm>> -> memref<240xf32, #tpu.memory_space<hbm>>
    tpu.wait_dma2 semaphore(%arg41 : memref<!tpu.dma_semaphore, #tpu.memory_space<semaphore_mem>>) src(%arg29 : memref<240xf32, #tpu.memory_space<vmem>>) dst(%dma_wait3A_523 : memref<240xf32, #tpu.memory_space<hbm>>)
    return
  }
}

#map = affine_map<(d0, d1) -> (0)>
#map1 = affine_map<(d0, d1) -> (0, 0, 0)>
module attributes {stable_mosaic.version = 14 : i64} {
  func.func @_velscatter_body(%arg0: i32, %arg1: i32, %arg2: memref<320000xf32, #tpu.memory_space<hbm>>, %arg3: memref<320000xi32, #tpu.memory_space<hbm>>, %arg4: memref<960000xf32, #tpu.memory_space<hbm>>, %arg5: memref<10000xf32, #tpu.memory_space<hbm>>, %arg6: memref<32x1x10000xf32, #tpu.memory_space<hbm>>, %arg7: memref<32x1x10000xf32, #tpu.memory_space<hbm>>, %arg8: memref<32x1x10000xf32, #tpu.memory_space<hbm>>, %arg9: memref<80xi32, #tpu.memory_space<vmem>>, %arg10: memref<80xi32, #tpu.memory_space<vmem>>, %arg11: memref<80xi32, #tpu.memory_space<vmem>>, %arg12: memref<80xf32, #tpu.memory_space<vmem>>, %arg13: memref<80xf32, #tpu.memory_space<vmem>>, %arg14: memref<80xf32, #tpu.memory_space<vmem>>, %arg15: memref<240xf32, #tpu.memory_space<vmem>>, %arg16: memref<240xf32, #tpu.memory_space<vmem>>, %arg17: memref<240xf32, #tpu.memory_space<vmem>>, %arg18: memref<10000xf32, #tpu.memory_space<vmem>>, %arg19: memref<10000xf32, #tpu.memory_space<vmem>>, %arg20: memref<10000xf32, #tpu.memory_space<vmem>>, %arg21: memref<!tpu.dma_semaphore, #tpu.memory_space<semaphore_mem>>, %arg22: memref<!tpu.dma_semaphore, #tpu.memory_space<semaphore_mem>>, %arg23: memref<!tpu.dma_semaphore, #tpu.memory_space<semaphore_mem>>) attributes {dimension_semantics = [#tpu.dimension_semantics<core_parallel>, #tpu.dimension_semantics<subcore_parallel>], iteration_bounds = array<i64: 2, 16>, scalar_prefetch = 0 : i64, scratch_operands = 15 : i64, tpu.core_type = #tpu.core_type<sc_vector_subcore>, window_params = [{transform_indices = #map}, {transform_indices = #map}, {transform_indices = #map}, {transform_indices = #map}, {transform_indices = #map1}, {transform_indices = #map1}, {transform_indices = #map1}]} {
    %mul3A = arith.constant 16 : i32
    %mul3A_0 = arith.muli %arg0, %mul3A : i32
    %add3A = arith.addi %mul3A_0, %arg1 : i32
    "tpu.region"() ({
      %run_scoped3A_295 = tpu.sem_alloc : memref<!tpu.dma_semaphore, #tpu.memory_space<semaphore_mem>>
      tpu.enqueue_dma source(%arg5 : memref<10000xf32, #tpu.memory_space<hbm>>) target(%arg18 : memref<10000xf32, #tpu.memory_space<vmem>>) target_semaphore(%run_scoped3A_295 : memref<!tpu.dma_semaphore, #tpu.memory_space<semaphore_mem>>)
      tpu.wait_dma2 semaphore(%run_scoped3A_295 : memref<!tpu.dma_semaphore, #tpu.memory_space<semaphore_mem>>) src(%arg5 : memref<10000xf32, #tpu.memory_space<hbm>>) dst(%arg18 : memref<10000xf32, #tpu.memory_space<vmem>>)
      tpu.yield
    }) : () -> ()
    "tpu.region"() ({
      %run_scoped3A_295 = tpu.sem_alloc : memref<!tpu.dma_semaphore, #tpu.memory_space<semaphore_mem>>
      tpu.enqueue_dma source(%arg5 : memref<10000xf32, #tpu.memory_space<hbm>>) target(%arg19 : memref<10000xf32, #tpu.memory_space<vmem>>) target_semaphore(%run_scoped3A_295 : memref<!tpu.dma_semaphore, #tpu.memory_space<semaphore_mem>>)
      tpu.wait_dma2 semaphore(%run_scoped3A_295 : memref<!tpu.dma_semaphore, #tpu.memory_space<semaphore_mem>>) src(%arg5 : memref<10000xf32, #tpu.memory_space<hbm>>) dst(%arg19 : memref<10000xf32, #tpu.memory_space<vmem>>)
      tpu.yield
    }) : () -> ()
    "tpu.region"() ({
      %run_scoped3A_295 = tpu.sem_alloc : memref<!tpu.dma_semaphore, #tpu.memory_space<semaphore_mem>>
      tpu.enqueue_dma source(%arg5 : memref<10000xf32, #tpu.memory_space<hbm>>) target(%arg20 : memref<10000xf32, #tpu.memory_space<vmem>>) target_semaphore(%run_scoped3A_295 : memref<!tpu.dma_semaphore, #tpu.memory_space<semaphore_mem>>)
      tpu.wait_dma2 semaphore(%run_scoped3A_295 : memref<!tpu.dma_semaphore, #tpu.memory_space<semaphore_mem>>) src(%arg5 : memref<10000xf32, #tpu.memory_space<hbm>>) dst(%arg20 : memref<10000xf32, #tpu.memory_space<vmem>>)
      tpu.yield
    }) : () -> ()
    %mul3A_1 = arith.constant 10000 : i32
    %mul3A_2 = arith.muli %add3A, %mul3A_1 : i32
    %add3A_3 = arith.constant 0 : i32
    %add3A_4 = arith.addi %mul3A_2, %add3A_3 : i32
    %dma_start3A = tpu.memref_slice %arg3[%add3A_4] : memref<320000xi32, #tpu.memory_space<hbm>> -> memref<80xi32, #tpu.memory_space<hbm>>
    %dma_start3A_5 = tpu.memref_slice %arg3[%add3A_4] : memref<320000xi32, #tpu.memory_space<hbm>> -> memref<80xi32, #tpu.memory_space<hbm>>
    tpu.enqueue_dma source(%dma_start3A_5 : memref<80xi32, #tpu.memory_space<hbm>>) target(%arg9 : memref<80xi32, #tpu.memory_space<vmem>>) target_semaphore(%arg21 : memref<!tpu.dma_semaphore, #tpu.memory_space<semaphore_mem>>)
    %dma_start3A_6 = tpu.memref_slice %arg2[%add3A_4] : memref<320000xf32, #tpu.memory_space<hbm>> -> memref<80xf32, #tpu.memory_space<hbm>>
    %dma_start3A_7 = tpu.memref_slice %arg2[%add3A_4] : memref<320000xf32, #tpu.memory_space<hbm>> -> memref<80xf32, #tpu.memory_space<hbm>>
    tpu.enqueue_dma source(%dma_start3A_7 : memref<80xf32, #tpu.memory_space<hbm>>) target(%arg12 : memref<80xf32, #tpu.memory_space<vmem>>) target_semaphore(%arg21 : memref<!tpu.dma_semaphore, #tpu.memory_space<semaphore_mem>>)
    %mul3A_8 = arith.constant 3 : i32
    %mul3A_9 = arith.muli %mul3A_8, %add3A_4 : i32
    %dma_start3A_10 = tpu.memref_slice %arg4[%mul3A_9] : memref<960000xf32, #tpu.memory_space<hbm>> -> memref<240xf32, #tpu.memory_space<hbm>>
    %dma_start3A_11 = tpu.memref_slice %arg4[%mul3A_9] : memref<960000xf32, #tpu.memory_space<hbm>> -> memref<240xf32, #tpu.memory_space<hbm>>
    tpu.enqueue_dma source(%dma_start3A_11 : memref<240xf32, #tpu.memory_space<hbm>>) target(%arg15 : memref<240xf32, #tpu.memory_space<vmem>>) target_semaphore(%arg21 : memref<!tpu.dma_semaphore, #tpu.memory_space<semaphore_mem>>)
    %add3A_12 = arith.constant 80 : i32
    %add3A_13 = arith.addi %mul3A_2, %add3A_12 : i32
    %dma_start3A_14 = tpu.memref_slice %arg3[%add3A_13] : memref<320000xi32, #tpu.memory_space<hbm>> -> memref<80xi32, #tpu.memory_space<hbm>>
    %dma_start3A_15 = tpu.memref_slice %arg3[%add3A_13] : memref<320000xi32, #tpu.memory_space<hbm>> -> memref<80xi32, #tpu.memory_space<hbm>>
    tpu.enqueue_dma source(%dma_start3A_15 : memref<80xi32, #tpu.memory_space<hbm>>) target(%arg10 : memref<80xi32, #tpu.memory_space<vmem>>) target_semaphore(%arg22 : memref<!tpu.dma_semaphore, #tpu.memory_space<semaphore_mem>>)
    %dma_start3A_16 = tpu.memref_slice %arg2[%add3A_13] : memref<320000xf32, #tpu.memory_space<hbm>> -> memref<80xf32, #tpu.memory_space<hbm>>
    %dma_start3A_17 = tpu.memref_slice %arg2[%add3A_13] : memref<320000xf32, #tpu.memory_space<hbm>> -> memref<80xf32, #tpu.memory_space<hbm>>
    tpu.enqueue_dma source(%dma_start3A_17 : memref<80xf32, #tpu.memory_space<hbm>>) target(%arg13 : memref<80xf32, #tpu.memory_space<vmem>>) target_semaphore(%arg22 : memref<!tpu.dma_semaphore, #tpu.memory_space<semaphore_mem>>)
    %mul3A_18 = arith.constant 3 : i32
    %mul3A_19 = arith.muli %mul3A_18, %add3A_13 : i32
    %dma_start3A_20 = tpu.memref_slice %arg4[%mul3A_19] : memref<960000xf32, #tpu.memory_space<hbm>> -> memref<240xf32, #tpu.memory_space<hbm>>
    %dma_start3A_21 = tpu.memref_slice %arg4[%mul3A_19] : memref<960000xf32, #tpu.memory_space<hbm>> -> memref<240xf32, #tpu.memory_space<hbm>>
    tpu.enqueue_dma source(%dma_start3A_21 : memref<240xf32, #tpu.memory_space<hbm>>) target(%arg16 : memref<240xf32, #tpu.memory_space<vmem>>) target_semaphore(%arg22 : memref<!tpu.dma_semaphore, #tpu.memory_space<semaphore_mem>>)
    %scan3A = arith.constant 0 : i32
    %scan3A_22 = arith.constant 0 : i32
    %scan3A_23 = arith.constant 41 : i32
    %scan3A_24 = arith.addi %scan3A_22, %scan3A_23 : i32
    %scan3A_25 = arith.constant 1 : i32
    scf.for %scan3A_295 = %scan3A_22 to %scan3A_24 step %scan3A_25  : i32 {
      %mul3A_296 = arith.constant 3 : i32
      %mul3A_297 = arith.muli %mul3A_296, %scan3A_295 : i32
      %add3A_298 = arith.constant 2 : i32
      %add3A_299 = arith.addi %mul3A_297, %add3A_298 : i32
      %mul3A_300 = arith.constant 80 : i32
      %mul3A_301 = arith.muli %add3A_299, %mul3A_300 : i32
      %add3A_302 = arith.addi %mul3A_2, %mul3A_301 : i32
      %dma_start3A_303 = tpu.memref_slice %arg3[%add3A_302] : memref<320000xi32, #tpu.memory_space<hbm>> -> memref<80xi32, #tpu.memory_space<hbm>>
      %dma_start3A_304 = tpu.memref_slice %arg3[%add3A_302] : memref<320000xi32, #tpu.memory_space<hbm>> -> memref<80xi32, #tpu.memory_space<hbm>>
      tpu.enqueue_dma source(%dma_start3A_304 : memref<80xi32, #tpu.memory_space<hbm>>) target(%arg11 : memref<80xi32, #tpu.memory_space<vmem>>) target_semaphore(%arg23 : memref<!tpu.dma_semaphore, #tpu.memory_space<semaphore_mem>>)
      %dma_start3A_305 = tpu.memref_slice %arg2[%add3A_302] : memref<320000xf32, #tpu.memory_space<hbm>> -> memref<80xf32, #tpu.memory_space<hbm>>
      %dma_start3A_306 = tpu.memref_slice %arg2[%add3A_302] : memref<320000xf32, #tpu.memory_space<hbm>> -> memref<80xf32, #tpu.memory_space<hbm>>
      tpu.enqueue_dma source(%dma_start3A_306 : memref<80xf32, #tpu.memory_space<hbm>>) target(%arg14 : memref<80xf32, #tpu.memory_space<vmem>>) target_semaphore(%arg23 : memref<!tpu.dma_semaphore, #tpu.memory_space<semaphore_mem>>)
      %mul3A_307 = arith.constant 3 : i32
      %mul3A_308 = arith.muli %mul3A_307, %add3A_302 : i32
      %dma_start3A_309 = tpu.memref_slice %arg4[%mul3A_308] : memref<960000xf32, #tpu.memory_space<hbm>> -> memref<240xf32, #tpu.memory_space<hbm>>
      %dma_start3A_310 = tpu.memref_slice %arg4[%mul3A_308] : memref<960000xf32, #tpu.memory_space<hbm>> -> memref<240xf32, #tpu.memory_space<hbm>>
      tpu.enqueue_dma source(%dma_start3A_310 : memref<240xf32, #tpu.memory_space<hbm>>) target(%arg17 : memref<240xf32, #tpu.memory_space<vmem>>) target_semaphore(%arg23 : memref<!tpu.dma_semaphore, #tpu.memory_space<semaphore_mem>>)
      %dma_wait3A_311 = arith.constant 0 : i32
      %dma_wait3A_312 = tpu.memref_slice %arg3[%dma_wait3A_311] : memref<320000xi32, #tpu.memory_space<hbm>> -> memref<80xi32, #tpu.memory_space<hbm>>
      %dma_wait3A_313 = arith.constant 0 : i32
      %dma_wait3A_314 = tpu.memref_slice %arg3[%dma_wait3A_313] : memref<320000xi32, #tpu.memory_space<hbm>> -> memref<80xi32, #tpu.memory_space<hbm>>
      tpu.wait_dma2 semaphore(%arg21 : memref<!tpu.dma_semaphore, #tpu.memory_space<semaphore_mem>>) src(%dma_wait3A_314 : memref<80xi32, #tpu.memory_space<hbm>>) dst(%arg9 : memref<80xi32, #tpu.memory_space<vmem>>)
      %dma_wait3A_315 = arith.constant 0 : i32
      %dma_wait3A_316 = tpu.memref_slice %arg2[%dma_wait3A_315] : memref<320000xf32, #tpu.memory_space<hbm>> -> memref<80xf32, #tpu.memory_space<hbm>>
      %dma_wait3A_317 = arith.constant 0 : i32
      %dma_wait3A_318 = tpu.memref_slice %arg2[%dma_wait3A_317] : memref<320000xf32, #tpu.memory_space<hbm>> -> memref<80xf32, #tpu.memory_space<hbm>>
      tpu.wait_dma2 semaphore(%arg21 : memref<!tpu.dma_semaphore, #tpu.memory_space<semaphore_mem>>) src(%dma_wait3A_318 : memref<80xf32, #tpu.memory_space<hbm>>) dst(%arg12 : memref<80xf32, #tpu.memory_space<vmem>>)
      %dma_wait3A_319 = arith.constant 0 : i32
      %dma_wait3A_320 = tpu.memref_slice %arg4[%dma_wait3A_319] : memref<960000xf32, #tpu.memory_space<hbm>> -> memref<240xf32, #tpu.memory_space<hbm>>
      %dma_wait3A_321 = arith.constant 0 : i32
      %dma_wait3A_322 = tpu.memref_slice %arg4[%dma_wait3A_321] : memref<960000xf32, #tpu.memory_space<hbm>> -> memref<240xf32, #tpu.memory_space<hbm>>
      tpu.wait_dma2 semaphore(%arg21 : memref<!tpu.dma_semaphore, #tpu.memory_space<semaphore_mem>>) src(%dma_wait3A_322 : memref<240xf32, #tpu.memory_space<hbm>>) dst(%arg15 : memref<240xf32, #tpu.memory_space<vmem>>)
      %scan3A_323 = arith.constant 0 : i32
      %scan3A_324 = arith.constant 0 : i32
      %mul3A_325 = arith.constant 16 : i32
      %mul3A_326 = arith.muli %scan3A_324, %mul3A_325 : i32
      %get3A_327 = arith.index_cast %mul3A_326 : i32 to index
      %get3A_328 = tpu.vector_load %arg9[%get3A_327] {strides = array<i32>} : memref<80xi32, #tpu.memory_space<vmem>>, vector<16xi32>,
      %get3A_329 = arith.index_cast %mul3A_326 : i32 to index
      %get3A_330 = tpu.vector_load %arg12[%get3A_329] {strides = array<i32>} : memref<80xf32, #tpu.memory_space<vmem>>, vector<16xf32>,
      %get3A_331 = arith.index_cast %mul3A_326 : i32 to index
      %get3A_332 = tpu.vector_load %arg15[%get3A_331] {strides = array<i32>} : memref<240xf32, #tpu.memory_space<vmem>>, vector<16xf32>,
      %mul3A_333 = arith.mulf %get3A_332, %get3A_330 : vector<16xf32>
      tpu.vector_store_idx %arg18[%get3A_328], %mul3A_333 {add = true} : memref<10000xf32, #tpu.memory_space<vmem>>[vector<16xi32>], vector<16xf32>,
      %mul3A_334 = arith.constant 16 : i32
      %mul3A_335 = arith.muli %scan3A_324, %mul3A_334 : i32
      %add3A_336 = arith.constant 80 : i32
      %add3A_337 = arith.addi %add3A_336, %mul3A_335 : i32
      %get3A_338 = arith.index_cast %add3A_337 : i32 to index
      %get3A_339 = tpu.vector_load %arg15[%get3A_338] {strides = array<i32>} : memref<240xf32, #tpu.memory_space<vmem>>, vector<16xf32>,
      %mul3A_340 = arith.mulf %get3A_339, %get3A_330 : vector<16xf32>
      tpu.vector_store_idx %arg19[%get3A_328], %mul3A_340 {add = true} : memref<10000xf32, #tpu.memory_space<vmem>>[vector<16xi32>], vector<16xf32>,
      %mul3A_341 = arith.constant 16 : i32
      %mul3A_342 = arith.muli %scan3A_324, %mul3A_341 : i32
      %add3A_343 = arith.constant 160 : i32
      %add3A_344 = arith.addi %add3A_343, %mul3A_342 : i32
      %get3A_345 = arith.index_cast %add3A_344 : i32 to index
      %get3A_346 = tpu.vector_load %arg15[%get3A_345] {strides = array<i32>} : memref<240xf32, #tpu.memory_space<vmem>>, vector<16xf32>,
      %mul3A_347 = arith.mulf %get3A_346, %get3A_330 : vector<16xf32>
      tpu.vector_store_idx %arg20[%get3A_328], %mul3A_347 {add = true} : memref<10000xf32, #tpu.memory_space<vmem>>[vector<16xi32>], vector<16xf32>,
      %scan3A_348 = arith.constant 1 : i32
      %mul3A_349 = arith.constant 16 : i32
      %mul3A_350 = arith.muli %scan3A_348, %mul3A_349 : i32
      %get3A_351 = arith.index_cast %mul3A_350 : i32 to index
      %get3A_352 = tpu.vector_load %arg9[%get3A_351] {strides = array<i32>} : memref<80xi32, #tpu.memory_space<vmem>>, vector<16xi32>,
      %get3A_353 = arith.index_cast %mul3A_350 : i32 to index
      %get3A_354 = tpu.vector_load %arg12[%get3A_353] {strides = array<i32>} : memref<80xf32, #tpu.memory_space<vmem>>, vector<16xf32>,
      %get3A_355 = arith.index_cast %mul3A_350 : i32 to index
      %get3A_356 = tpu.vector_load %arg15[%get3A_355] {strides = array<i32>} : memref<240xf32, #tpu.memory_space<vmem>>, vector<16xf32>,
      %mul3A_357 = arith.mulf %get3A_356, %get3A_354 : vector<16xf32>
      tpu.vector_store_idx %arg18[%get3A_352], %mul3A_357 {add = true} : memref<10000xf32, #tpu.memory_space<vmem>>[vector<16xi32>], vector<16xf32>,
      %mul3A_358 = arith.constant 16 : i32
      %mul3A_359 = arith.muli %scan3A_348, %mul3A_358 : i32
      %add3A_360 = arith.constant 80 : i32
      %add3A_361 = arith.addi %add3A_360, %mul3A_359 : i32
      %get3A_362 = arith.index_cast %add3A_361 : i32 to index
      %get3A_363 = tpu.vector_load %arg15[%get3A_362] {strides = array<i32>} : memref<240xf32, #tpu.memory_space<vmem>>, vector<16xf32>,
      %mul3A_364 = arith.mulf %get3A_363, %get3A_354 : vector<16xf32>
      tpu.vector_store_idx %arg19[%get3A_352], %mul3A_364 {add = true} : memref<10000xf32, #tpu.memory_space<vmem>>[vector<16xi32>], vector<16xf32>,
      %mul3A_365 = arith.constant 16 : i32
      %mul3A_366 = arith.muli %scan3A_348, %mul3A_365 : i32
      %add3A_367 = arith.constant 160 : i32
      %add3A_368 = arith.addi %add3A_367, %mul3A_366 : i32
      %get3A_369 = arith.index_cast %add3A_368 : i32 to index
      %get3A_370 = tpu.vector_load %arg15[%get3A_369] {strides = array<i32>} : memref<240xf32, #tpu.memory_space<vmem>>, vector<16xf32>,
      %mul3A_371 = arith.mulf %get3A_370, %get3A_354 : vector<16xf32>
      tpu.vector_store_idx %arg20[%get3A_352], %mul3A_371 {add = true} : memref<10000xf32, #tpu.memory_space<vmem>>[vector<16xi32>], vector<16xf32>,
      %scan3A_372 = arith.constant 2 : i32
      %mul3A_373 = arith.constant 16 : i32
      %mul3A_374 = arith.muli %scan3A_372, %mul3A_373 : i32
      %get3A_375 = arith.index_cast %mul3A_374 : i32 to index
      %get3A_376 = tpu.vector_load %arg9[%get3A_375] {strides = array<i32>} : memref<80xi32, #tpu.memory_space<vmem>>, vector<16xi32>,
      %get3A_377 = arith.index_cast %mul3A_374 : i32 to index
      %get3A_378 = tpu.vector_load %arg12[%get3A_377] {strides = array<i32>} : memref<80xf32, #tpu.memory_space<vmem>>, vector<16xf32>,
      %get3A_379 = arith.index_cast %mul3A_374 : i32 to index
      %get3A_380 = tpu.vector_load %arg15[%get3A_379] {strides = array<i32>} : memref<240xf32, #tpu.memory_space<vmem>>, vector<16xf32>,
      %mul3A_381 = arith.mulf %get3A_380, %get3A_378 : vector<16xf32>
      tpu.vector_store_idx %arg18[%get3A_376], %mul3A_381 {add = true} : memref<10000xf32, #tpu.memory_space<vmem>>[vector<16xi32>], vector<16xf32>,
      %mul3A_382 = arith.constant 16 : i32
      %mul3A_383 = arith.muli %scan3A_372, %mul3A_382 : i32
      %add3A_384 = arith.constant 80 : i32
      %add3A_385 = arith.addi %add3A_384, %mul3A_383 : i32
      %get3A_386 = arith.index_cast %add3A_385 : i32 to index
      %get3A_387 = tpu.vector_load %arg15[%get3A_386] {strides = array<i32>} : memref<240xf32, #tpu.memory_space<vmem>>, vector<16xf32>,
      %mul3A_388 = arith.mulf %get3A_387, %get3A_378 : vector<16xf32>
      tpu.vector_store_idx %arg19[%get3A_376], %mul3A_388 {add = true} : memref<10000xf32, #tpu.memory_space<vmem>>[vector<16xi32>], vector<16xf32>,
      %mul3A_389 = arith.constant 16 : i32
      %mul3A_390 = arith.muli %scan3A_372, %mul3A_389 : i32
      %add3A_391 = arith.constant 160 : i32
      %add3A_392 = arith.addi %add3A_391, %mul3A_390 : i32
      %get3A_393 = arith.index_cast %add3A_392 : i32 to index
      %get3A_394 = tpu.vector_load %arg15[%get3A_393] {strides = array<i32>} : memref<240xf32, #tpu.memory_space<vmem>>, vector<16xf32>,
      %mul3A_395 = arith.mulf %get3A_394, %get3A_378 : vector<16xf32>
      tpu.vector_store_idx %arg20[%get3A_376], %mul3A_395 {add = true} : memref<10000xf32, #tpu.memory_space<vmem>>[vector<16xi32>], vector<16xf32>,
      %scan3A_396 = arith.constant 3 : i32
      %mul3A_397 = arith.constant 16 : i32
      %mul3A_398 = arith.muli %scan3A_396, %mul3A_397 : i32
      %get3A_399 = arith.index_cast %mul3A_398 : i32 to index
      %get3A_400 = tpu.vector_load %arg9[%get3A_399] {strides = array<i32>} : memref<80xi32, #tpu.memory_space<vmem>>, vector<16xi32>,
      %get3A_401 = arith.index_cast %mul3A_398 : i32 to index
      %get3A_402 = tpu.vector_load %arg12[%get3A_401] {strides = array<i32>} : memref<80xf32, #tpu.memory_space<vmem>>, vector<16xf32>,
      %get3A_403 = arith.index_cast %mul3A_398 : i32 to index
      %get3A_404 = tpu.vector_load %arg15[%get3A_403] {strides = array<i32>} : memref<240xf32, #tpu.memory_space<vmem>>, vector<16xf32>,
      %mul3A_405 = arith.mulf %get3A_404, %get3A_402 : vector<16xf32>
      tpu.vector_store_idx %arg18[%get3A_400], %mul3A_405 {add = true} : memref<10000xf32, #tpu.memory_space<vmem>>[vector<16xi32>], vector<16xf32>,
      %mul3A_406 = arith.constant 16 : i32
      %mul3A_407 = arith.muli %scan3A_396, %mul3A_406 : i32
      %add3A_408 = arith.constant 80 : i32
      %add3A_409 = arith.addi %add3A_408, %mul3A_407 : i32
      %get3A_410 = arith.index_cast %add3A_409 : i32 to index
      %get3A_411 = tpu.vector_load %arg15[%get3A_410] {strides = array<i32>} : memref<240xf32, #tpu.memory_space<vmem>>, vector<16xf32>,
      %mul3A_412 = arith.mulf %get3A_411, %get3A_402 : vector<16xf32>
      tpu.vector_store_idx %arg19[%get3A_400], %mul3A_412 {add = true} : memref<10000xf32, #tpu.memory_space<vmem>>[vector<16xi32>], vector<16xf32>,
      %mul3A_413 = arith.constant 16 : i32
      %mul3A_414 = arith.muli %scan3A_396, %mul3A_413 : i32
      %add3A_415 = arith.constant 160 : i32
      %add3A_416 = arith.addi %add3A_415, %mul3A_414 : i32
      %get3A_417 = arith.index_cast %add3A_416 : i32 to index
      %get3A_418 = tpu.vector_load %arg15[%get3A_417] {strides = array<i32>} : memref<240xf32, #tpu.memory_space<vmem>>, vector<16xf32>,
      %mul3A_419 = arith.mulf %get3A_418, %get3A_402 : vector<16xf32>
      tpu.vector_store_idx %arg20[%get3A_400], %mul3A_419 {add = true} : memref<10000xf32, #tpu.memory_space<vmem>>[vector<16xi32>], vector<16xf32>,
      %scan3A_420 = arith.constant 4 : i32
      %mul3A_421 = arith.constant 16 : i32
      %mul3A_422 = arith.muli %scan3A_420, %mul3A_421 : i32
      %get3A_423 = arith.index_cast %mul3A_422 : i32 to index
      %get3A_424 = tpu.vector_load %arg9[%get3A_423] {strides = array<i32>} : memref<80xi32, #tpu.memory_space<vmem>>, vector<16xi32>,
      %get3A_425 = arith.index_cast %mul3A_422 : i32 to index
      %get3A_426 = tpu.vector_load %arg12[%get3A_425] {strides = array<i32>} : memref<80xf32, #tpu.memory_space<vmem>>, vector<16xf32>,
      %get3A_427 = arith.index_cast %mul3A_422 : i32 to index
      %get3A_428 = tpu.vector_load %arg15[%get3A_427] {strides = array<i32>} : memref<240xf32, #tpu.memory_space<vmem>>, vector<16xf32>,
      %mul3A_429 = arith.mulf %get3A_428, %get3A_426 : vector<16xf32>
      tpu.vector_store_idx %arg18[%get3A_424], %mul3A_429 {add = true} : memref<10000xf32, #tpu.memory_space<vmem>>[vector<16xi32>], vector<16xf32>,
      %mul3A_430 = arith.constant 16 : i32
      %mul3A_431 = arith.muli %scan3A_420, %mul3A_430 : i32
      %add3A_432 = arith.constant 80 : i32
      %add3A_433 = arith.addi %add3A_432, %mul3A_431 : i32
      %get3A_434 = arith.index_cast %add3A_433 : i32 to index
      %get3A_435 = tpu.vector_load %arg15[%get3A_434] {strides = array<i32>} : memref<240xf32, #tpu.memory_space<vmem>>, vector<16xf32>,
      %mul3A_436 = arith.mulf %get3A_435, %get3A_426 : vector<16xf32>
      tpu.vector_store_idx %arg19[%get3A_424], %mul3A_436 {add = true} : memref<10000xf32, #tpu.memory_space<vmem>>[vector<16xi32>], vector<16xf32>,
      %mul3A_437 = arith.constant 16 : i32
      %mul3A_438 = arith.muli %scan3A_420, %mul3A_437 : i32
      %add3A_439 = arith.constant 160 : i32
      %add3A_440 = arith.addi %add3A_439, %mul3A_438 : i32
      %get3A_441 = arith.index_cast %add3A_440 : i32 to index
      %get3A_442 = tpu.vector_load %arg15[%get3A_441] {strides = array<i32>} : memref<240xf32, #tpu.memory_space<vmem>>, vector<16xf32>,
      %mul3A_443 = arith.mulf %get3A_442, %get3A_426 : vector<16xf32>
      tpu.vector_store_idx %arg20[%get3A_424], %mul3A_443 {add = true} : memref<10000xf32, #tpu.memory_space<vmem>>[vector<16xi32>], vector<16xf32>,
      %scan3A_444 = arith.constant 5 : i32
      %add3A_445 = arith.constant 3 : i32
      %add3A_446 = arith.addi %mul3A_297, %add3A_445 : i32
      %mul3A_447 = arith.constant 80 : i32
      %mul3A_448 = arith.muli %add3A_446, %mul3A_447 : i32
      %add3A_449 = arith.addi %mul3A_2, %mul3A_448 : i32
      %dma_start3A_450 = tpu.memref_slice %arg3[%add3A_449] : memref<320000xi32, #tpu.memory_space<hbm>> -> memref<80xi32, #tpu.memory_space<hbm>>
      %dma_start3A_451 = tpu.memref_slice %arg3[%add3A_449] : memref<320000xi32, #tpu.memory_space<hbm>> -> memref<80xi32, #tpu.memory_space<hbm>>
      tpu.enqueue_dma source(%dma_start3A_451 : memref<80xi32, #tpu.memory_space<hbm>>) target(%arg9 : memref<80xi32, #tpu.memory_space<vmem>>) target_semaphore(%arg21 : memref<!tpu.dma_semaphore, #tpu.memory_space<semaphore_mem>>)
      %dma_start3A_452 = tpu.memref_slice %arg2[%add3A_449] : memref<320000xf32, #tpu.memory_space<hbm>> -> memref<80xf32, #tpu.memory_space<hbm>>
      %dma_start3A_453 = tpu.memref_slice %arg2[%add3A_449] : memref<320000xf32, #tpu.memory_space<hbm>> -> memref<80xf32, #tpu.memory_space<hbm>>
      tpu.enqueue_dma source(%dma_start3A_453 : memref<80xf32, #tpu.memory_space<hbm>>) target(%arg12 : memref<80xf32, #tpu.memory_space<vmem>>) target_semaphore(%arg21 : memref<!tpu.dma_semaphore, #tpu.memory_space<semaphore_mem>>)
      %mul3A_454 = arith.constant 3 : i32
      %mul3A_455 = arith.muli %mul3A_454, %add3A_449 : i32
      %dma_start3A_456 = tpu.memref_slice %arg4[%mul3A_455] : memref<960000xf32, #tpu.memory_space<hbm>> -> memref<240xf32, #tpu.memory_space<hbm>>
      %dma_start3A_457 = tpu.memref_slice %arg4[%mul3A_455] : memref<960000xf32, #tpu.memory_space<hbm>> -> memref<240xf32, #tpu.memory_space<hbm>>
      tpu.enqueue_dma source(%dma_start3A_457 : memref<240xf32, #tpu.memory_space<hbm>>) target(%arg15 : memref<240xf32, #tpu.memory_space<vmem>>) target_semaphore(%arg21 : memref<!tpu.dma_semaphore, #tpu.memory_space<semaphore_mem>>)
      %dma_wait3A_458 = arith.constant 0 : i32
      %dma_wait3A_459 = tpu.memref_slice %arg3[%dma_wait3A_458] : memref<320000xi32, #tpu.memory_space<hbm>> -> memref<80xi32, #tpu.memory_space<hbm>>
      %dma_wait3A_460 = arith.constant 0 : i32
      %dma_wait3A_461 = tpu.memref_slice %arg3[%dma_wait3A_460] : memref<320000xi32, #tpu.memory_space<hbm>> -> memref<80xi32, #tpu.memory_space<hbm>>
      tpu.wait_dma2 semaphore(%arg22 : memref<!tpu.dma_semaphore, #tpu.memory_space<semaphore_mem>>) src(%dma_wait3A_461 : memref<80xi32, #tpu.memory_space<hbm>>) dst(%arg10 : memref<80xi32, #tpu.memory_space<vmem>>)
      %dma_wait3A_462 = arith.constant 0 : i32
      %dma_wait3A_463 = tpu.memref_slice %arg2[%dma_wait3A_462] : memref<320000xf32, #tpu.memory_space<hbm>> -> memref<80xf32, #tpu.memory_space<hbm>>
      %dma_wait3A_464 = arith.constant 0 : i32
      %dma_wait3A_465 = tpu.memref_slice %arg2[%dma_wait3A_464] : memref<320000xf32, #tpu.memory_space<hbm>> -> memref<80xf32, #tpu.memory_space<hbm>>
      tpu.wait_dma2 semaphore(%arg22 : memref<!tpu.dma_semaphore, #tpu.memory_space<semaphore_mem>>) src(%dma_wait3A_465 : memref<80xf32, #tpu.memory_space<hbm>>) dst(%arg13 : memref<80xf32, #tpu.memory_space<vmem>>)
      %dma_wait3A_466 = arith.constant 0 : i32
      %dma_wait3A_467 = tpu.memref_slice %arg4[%dma_wait3A_466] : memref<960000xf32, #tpu.memory_space<hbm>> -> memref<240xf32, #tpu.memory_space<hbm>>
      %dma_wait3A_468 = arith.constant 0 : i32
      %dma_wait3A_469 = tpu.memref_slice %arg4[%dma_wait3A_468] : memref<960000xf32, #tpu.memory_space<hbm>> -> memref<240xf32, #tpu.memory_space<hbm>>
      tpu.wait_dma2 semaphore(%arg22 : memref<!tpu.dma_semaphore, #tpu.memory_space<semaphore_mem>>) src(%dma_wait3A_469 : memref<240xf32, #tpu.memory_space<hbm>>) dst(%arg16 : memref<240xf32, #tpu.memory_space<vmem>>)
      %scan3A_470 = arith.constant 0 : i32
      %scan3A_471 = arith.constant 0 : i32
      %mul3A_472 = arith.constant 16 : i32
      %mul3A_473 = arith.muli %scan3A_471, %mul3A_472 : i32
      %get3A_474 = arith.index_cast %mul3A_473 : i32 to index
      %get3A_475 = tpu.vector_load %arg10[%get3A_474] {strides = array<i32>} : memref<80xi32, #tpu.memory_space<vmem>>, vector<16xi32>,
      %get3A_476 = arith.index_cast %mul3A_473 : i32 to index
      %get3A_477 = tpu.vector_load %arg13[%get3A_476] {strides = array<i32>} : memref<80xf32, #tpu.memory_space<vmem>>, vector<16xf32>,
      %get3A_478 = arith.index_cast %mul3A_473 : i32 to index
      %get3A_479 = tpu.vector_load %arg16[%get3A_478] {strides = array<i32>} : memref<240xf32, #tpu.memory_space<vmem>>, vector<16xf32>,
      %mul3A_480 = arith.mulf %get3A_479, %get3A_477 : vector<16xf32>
      tpu.vector_store_idx %arg18[%get3A_475], %mul3A_480 {add = true} : memref<10000xf32, #tpu.memory_space<vmem>>[vector<16xi32>], vector<16xf32>,
      %mul3A_481 = arith.constant 16 : i32
      %mul3A_482 = arith.muli %scan3A_471, %mul3A_481 : i32
      %add3A_483 = arith.constant 80 : i32
      %add3A_484 = arith.addi %add3A_483, %mul3A_482 : i32
      %get3A_485 = arith.index_cast %add3A_484 : i32 to index
      %get3A_486 = tpu.vector_load %arg16[%get3A_485] {strides = array<i32>} : memref<240xf32, #tpu.memory_space<vmem>>, vector<16xf32>,
      %mul3A_487 = arith.mulf %get3A_486, %get3A_477 : vector<16xf32>
      tpu.vector_store_idx %arg19[%get3A_475], %mul3A_487 {add = true} : memref<10000xf32, #tpu.memory_space<vmem>>[vector<16xi32>], vector<16xf32>,
      %mul3A_488 = arith.constant 16 : i32
      %mul3A_489 = arith.muli %scan3A_471, %mul3A_488 : i32
      %add3A_490 = arith.constant 160 : i32
      %add3A_491 = arith.addi %add3A_490, %mul3A_489 : i32
      %get3A_492 = arith.index_cast %add3A_491 : i32 to index
      %get3A_493 = tpu.vector_load %arg16[%get3A_492] {strides = array<i32>} : memref<240xf32, #tpu.memory_space<vmem>>, vector<16xf32>,
      %mul3A_494 = arith.mulf %get3A_493, %get3A_477 : vector<16xf32>
      tpu.vector_store_idx %arg20[%get3A_475], %mul3A_494 {add = true} : memref<10000xf32, #tpu.memory_space<vmem>>[vector<16xi32>], vector<16xf32>,
      %scan3A_495 = arith.constant 1 : i32
      %mul3A_496 = arith.constant 16 : i32
      %mul3A_497 = arith.muli %scan3A_495, %mul3A_496 : i32
      %get3A_498 = arith.index_cast %mul3A_497 : i32 to index
      %get3A_499 = tpu.vector_load %arg10[%get3A_498] {strides = array<i32>} : memref<80xi32, #tpu.memory_space<vmem>>, vector<16xi32>,
      %get3A_500 = arith.index_cast %mul3A_497 : i32 to index
      %get3A_501 = tpu.vector_load %arg13[%get3A_500] {strides = array<i32>} : memref<80xf32, #tpu.memory_space<vmem>>, vector<16xf32>,
      %get3A_502 = arith.index_cast %mul3A_497 : i32 to index
      %get3A_503 = tpu.vector_load %arg16[%get3A_502] {strides = array<i32>} : memref<240xf32, #tpu.memory_space<vmem>>, vector<16xf32>,
      %mul3A_504 = arith.mulf %get3A_503, %get3A_501 : vector<16xf32>
      tpu.vector_store_idx %arg18[%get3A_499], %mul3A_504 {add = true} : memref<10000xf32, #tpu.memory_space<vmem>>[vector<16xi32>], vector<16xf32>,
      %mul3A_505 = arith.constant 16 : i32
      %mul3A_506 = arith.muli %scan3A_495, %mul3A_505 : i32
      %add3A_507 = arith.constant 80 : i32
      %add3A_508 = arith.addi %add3A_507, %mul3A_506 : i32
      %get3A_509 = arith.index_cast %add3A_508 : i32 to index
      %get3A_510 = tpu.vector_load %arg16[%get3A_509] {strides = array<i32>} : memref<240xf32, #tpu.memory_space<vmem>>, vector<16xf32>,
      %mul3A_511 = arith.mulf %get3A_510, %get3A_501 : vector<16xf32>
      tpu.vector_store_idx %arg19[%get3A_499], %mul3A_511 {add = true} : memref<10000xf32, #tpu.memory_space<vmem>>[vector<16xi32>], vector<16xf32>,
      %mul3A_512 = arith.constant 16 : i32
      %mul3A_513 = arith.muli %scan3A_495, %mul3A_512 : i32
      %add3A_514 = arith.constant 160 : i32
      %add3A_515 = arith.addi %add3A_514, %mul3A_513 : i32
      %get3A_516 = arith.index_cast %add3A_515 : i32 to index
      %get3A_517 = tpu.vector_load %arg16[%get3A_516] {strides = array<i32>} : memref<240xf32, #tpu.memory_space<vmem>>, vector<16xf32>,
      %mul3A_518 = arith.mulf %get3A_517, %get3A_501 : vector<16xf32>
      tpu.vector_store_idx %arg20[%get3A_499], %mul3A_518 {add = true} : memref<10000xf32, #tpu.memory_space<vmem>>[vector<16xi32>], vector<16xf32>,
      %scan3A_519 = arith.constant 2 : i32
      %mul3A_520 = arith.constant 16 : i32
      %mul3A_521 = arith.muli %scan3A_519, %mul3A_520 : i32
      %get3A_522 = arith.index_cast %mul3A_521 : i32 to index
      %get3A_523 = tpu.vector_load %arg10[%get3A_522] {strides = array<i32>} : memref<80xi32, #tpu.memory_space<vmem>>, vector<16xi32>,
      %get3A_524 = arith.index_cast %mul3A_521 : i32 to index
      %get3A_525 = tpu.vector_load %arg13[%get3A_524] {strides = array<i32>} : memref<80xf32, #tpu.memory_space<vmem>>, vector<16xf32>,
      %get3A_526 = arith.index_cast %mul3A_521 : i32 to index
      %get3A_527 = tpu.vector_load %arg16[%get3A_526] {strides = array<i32>} : memref<240xf32, #tpu.memory_space<vmem>>, vector<16xf32>,
      %mul3A_528 = arith.mulf %get3A_527, %get3A_525 : vector<16xf32>
      tpu.vector_store_idx %arg18[%get3A_523], %mul3A_528 {add = true} : memref<10000xf32, #tpu.memory_space<vmem>>[vector<16xi32>], vector<16xf32>,
      %mul3A_529 = arith.constant 16 : i32
      %mul3A_530 = arith.muli %scan3A_519, %mul3A_529 : i32
      %add3A_531 = arith.constant 80 : i32
      %add3A_532 = arith.addi %add3A_531, %mul3A_530 : i32
      %get3A_533 = arith.index_cast %add3A_532 : i32 to index
      %get3A_534 = tpu.vector_load %arg16[%get3A_533] {strides = array<i32>} : memref<240xf32, #tpu.memory_space<vmem>>, vector<16xf32>,
      %mul3A_535 = arith.mulf %get3A_534, %get3A_525 : vector<16xf32>
      tpu.vector_store_idx %arg19[%get3A_523], %mul3A_535 {add = true} : memref<10000xf32, #tpu.memory_space<vmem>>[vector<16xi32>], vector<16xf32>,
      %mul3A_536 = arith.constant 16 : i32
      %mul3A_537 = arith.muli %scan3A_519, %mul3A_536 : i32
      %add3A_538 = arith.constant 160 : i32
      %add3A_539 = arith.addi %add3A_538, %mul3A_537 : i32
      %get3A_540 = arith.index_cast %add3A_539 : i32 to index
      %get3A_541 = tpu.vector_load %arg16[%get3A_540] {strides = array<i32>} : memref<240xf32, #tpu.memory_space<vmem>>, vector<16xf32>,
      %mul3A_542 = arith.mulf %get3A_541, %get3A_525 : vector<16xf32>
      tpu.vector_store_idx %arg20[%get3A_523], %mul3A_542 {add = true} : memref<10000xf32, #tpu.memory_space<vmem>>[vector<16xi32>], vector<16xf32>,
      %scan3A_543 = arith.constant 3 : i32
      %mul3A_544 = arith.constant 16 : i32
      %mul3A_545 = arith.muli %scan3A_543, %mul3A_544 : i32
      %get3A_546 = arith.index_cast %mul3A_545 : i32 to index
      %get3A_547 = tpu.vector_load %arg10[%get3A_546] {strides = array<i32>} : memref<80xi32, #tpu.memory_space<vmem>>, vector<16xi32>,
      %get3A_548 = arith.index_cast %mul3A_545 : i32 to index
      %get3A_549 = tpu.vector_load %arg13[%get3A_548] {strides = array<i32>} : memref<80xf32, #tpu.memory_space<vmem>>, vector<16xf32>,
      %get3A_550 = arith.index_cast %mul3A_545 : i32 to index
      %get3A_551 = tpu.vector_load %arg16[%get3A_550] {strides = array<i32>} : memref<240xf32, #tpu.memory_space<vmem>>, vector<16xf32>,
      %mul3A_552 = arith.mulf %get3A_551, %get3A_549 : vector<16xf32>
      tpu.vector_store_idx %arg18[%get3A_547], %mul3A_552 {add = true} : memref<10000xf32, #tpu.memory_space<vmem>>[vector<16xi32>], vector<16xf32>,
      %mul3A_553 = arith.constant 16 : i32
      %mul3A_554 = arith.muli %scan3A_543, %mul3A_553 : i32
      %add3A_555 = arith.constant 80 : i32
      %add3A_556 = arith.addi %add3A_555, %mul3A_554 : i32
      %get3A_557 = arith.index_cast %add3A_556 : i32 to index
      %get3A_558 = tpu.vector_load %arg16[%get3A_557] {strides = array<i32>} : memref<240xf32, #tpu.memory_space<vmem>>, vector<16xf32>,
      %mul3A_559 = arith.mulf %get3A_558, %get3A_549 : vector<16xf32>
      tpu.vector_store_idx %arg19[%get3A_547], %mul3A_559 {add = true} : memref<10000xf32, #tpu.memory_space<vmem>>[vector<16xi32>], vector<16xf32>,
      %mul3A_560 = arith.constant 16 : i32
      %mul3A_561 = arith.muli %scan3A_543, %mul3A_560 : i32
      %add3A_562 = arith.constant 160 : i32
      %add3A_563 = arith.addi %add3A_562, %mul3A_561 : i32
      %get3A_564 = arith.index_cast %add3A_563 : i32 to index
      %get3A_565 = tpu.vector_load %arg16[%get3A_564] {strides = array<i32>} : memref<240xf32, #tpu.memory_space<vmem>>, vector<16xf32>,
      %mul3A_566 = arith.mulf %get3A_565, %get3A_549 : vector<16xf32>
      tpu.vector_store_idx %arg20[%get3A_547], %mul3A_566 {add = true} : memref<10000xf32, #tpu.memory_space<vmem>>[vector<16xi32>], vector<16xf32>,
      %scan3A_567 = arith.constant 4 : i32
      %mul3A_568 = arith.constant 16 : i32
      %mul3A_569 = arith.muli %scan3A_567, %mul3A_568 : i32
      %get3A_570 = arith.index_cast %mul3A_569 : i32 to index
      %get3A_571 = tpu.vector_load %arg10[%get3A_570] {strides = array<i32>} : memref<80xi32, #tpu.memory_space<vmem>>, vector<16xi32>,
      %get3A_572 = arith.index_cast %mul3A_569 : i32 to index
      %get3A_573 = tpu.vector_load %arg13[%get3A_572] {strides = array<i32>} : memref<80xf32, #tpu.memory_space<vmem>>, vector<16xf32>,
      %get3A_574 = arith.index_cast %mul3A_569 : i32 to index
      %get3A_575 = tpu.vector_load %arg16[%get3A_574] {strides = array<i32>} : memref<240xf32, #tpu.memory_space<vmem>>, vector<16xf32>,
      %mul3A_576 = arith.mulf %get3A_575, %get3A_573 : vector<16xf32>
      tpu.vector_store_idx %arg18[%get3A_571], %mul3A_576 {add = true} : memref<10000xf32, #tpu.memory_space<vmem>>[vector<16xi32>], vector<16xf32>,
      %mul3A_577 = arith.constant 16 : i32
      %mul3A_578 = arith.muli %scan3A_567, %mul3A_577 : i32
      %add3A_579 = arith.constant 80 : i32
      %add3A_580 = arith.addi %add3A_579, %mul3A_578 : i32
      %get3A_581 = arith.index_cast %add3A_580 : i32 to index
      %get3A_582 = tpu.vector_load %arg16[%get3A_581] {strides = array<i32>} : memref<240xf32, #tpu.memory_space<vmem>>, vector<16xf32>,
      %mul3A_583 = arith.mulf %get3A_582, %get3A_573 : vector<16xf32>
      tpu.vector_store_idx %arg19[%get3A_571], %mul3A_583 {add = true} : memref<10000xf32, #tpu.memory_space<vmem>>[vector<16xi32>], vector<16xf32>,
      %mul3A_584 = arith.constant 16 : i32
      %mul3A_585 = arith.muli %scan3A_567, %mul3A_584 : i32
      %add3A_586 = arith.constant 160 : i32
      %add3A_587 = arith.addi %add3A_586, %mul3A_585 : i32
      %get3A_588 = arith.index_cast %add3A_587 : i32 to index
      %get3A_589 = tpu.vector_load %arg16[%get3A_588] {strides = array<i32>} : memref<240xf32, #tpu.memory_space<vmem>>, vector<16xf32>,
      %mul3A_590 = arith.mulf %get3A_589, %get3A_573 : vector<16xf32>
      tpu.vector_store_idx %arg20[%get3A_571], %mul3A_590 {add = true} : memref<10000xf32, #tpu.memory_space<vmem>>[vector<16xi32>], vector<16xf32>,
      %scan3A_591 = arith.constant 5 : i32
      %add3A_592 = arith.constant 4 : i32
      %add3A_593 = arith.addi %mul3A_297, %add3A_592 : i32
      %mul3A_594 = arith.constant 80 : i32
      %mul3A_595 = arith.muli %add3A_593, %mul3A_594 : i32
      %add3A_596 = arith.addi %mul3A_2, %mul3A_595 : i32
      %dma_start3A_597 = tpu.memref_slice %arg3[%add3A_596] : memref<320000xi32, #tpu.memory_space<hbm>> -> memref<80xi32, #tpu.memory_space<hbm>>
      %dma_start3A_598 = tpu.memref_slice %arg3[%add3A_596] : memref<320000xi32, #tpu.memory_space<hbm>> -> memref<80xi32, #tpu.memory_space<hbm>>
      tpu.enqueue_dma source(%dma_start3A_598 : memref<80xi32, #tpu.memory_space<hbm>>) target(%arg10 : memref<80xi32, #tpu.memory_space<vmem>>) target_semaphore(%arg22 : memref<!tpu.dma_semaphore, #tpu.memory_space<semaphore_mem>>)
      %dma_start3A_599 = tpu.memref_slice %arg2[%add3A_596] : memref<320000xf32, #tpu.memory_space<hbm>> -> memref<80xf32, #tpu.memory_space<hbm>>
      %dma_start3A_600 = tpu.memref_slice %arg2[%add3A_596] : memref<320000xf32, #tpu.memory_space<hbm>> -> memref<80xf32, #tpu.memory_space<hbm>>
      tpu.enqueue_dma source(%dma_start3A_600 : memref<80xf32, #tpu.memory_space<hbm>>) target(%arg13 : memref<80xf32, #tpu.memory_space<vmem>>) target_semaphore(%arg22 : memref<!tpu.dma_semaphore, #tpu.memory_space<semaphore_mem>>)
      %mul3A_601 = arith.constant 3 : i32
      %mul3A_602 = arith.muli %mul3A_601, %add3A_596 : i32
      %dma_start3A_603 = tpu.memref_slice %arg4[%mul3A_602] : memref<960000xf32, #tpu.memory_space<hbm>> -> memref<240xf32, #tpu.memory_space<hbm>>
      %dma_start3A_604 = tpu.memref_slice %arg4[%mul3A_602] : memref<960000xf32, #tpu.memory_space<hbm>> -> memref<240xf32, #tpu.memory_space<hbm>>
      tpu.enqueue_dma source(%dma_start3A_604 : memref<240xf32, #tpu.memory_space<hbm>>) target(%arg16 : memref<240xf32, #tpu.memory_space<vmem>>) target_semaphore(%arg22 : memref<!tpu.dma_semaphore, #tpu.memory_space<semaphore_mem>>)
      %dma_wait3A_605 = arith.constant 0 : i32
      %dma_wait3A_606 = tpu.memref_slice %arg3[%dma_wait3A_605] : memref<320000xi32, #tpu.memory_space<hbm>> -> memref<80xi32, #tpu.memory_space<hbm>>
      %dma_wait3A_607 = arith.constant 0 : i32
      %dma_wait3A_608 = tpu.memref_slice %arg3[%dma_wait3A_607] : memref<320000xi32, #tpu.memory_space<hbm>> -> memref<80xi32, #tpu.memory_space<hbm>>
      tpu.wait_dma2 semaphore(%arg23 : memref<!tpu.dma_semaphore, #tpu.memory_space<semaphore_mem>>) src(%dma_wait3A_608 : memref<80xi32, #tpu.memory_space<hbm>>) dst(%arg11 : memref<80xi32, #tpu.memory_space<vmem>>)
      %dma_wait3A_609 = arith.constant 0 : i32
      %dma_wait3A_610 = tpu.memref_slice %arg2[%dma_wait3A_609] : memref<320000xf32, #tpu.memory_space<hbm>> -> memref<80xf32, #tpu.memory_space<hbm>>
      %dma_wait3A_611 = arith.constant 0 : i32
      %dma_wait3A_612 = tpu.memref_slice %arg2[%dma_wait3A_611] : memref<320000xf32, #tpu.memory_space<hbm>> -> memref<80xf32, #tpu.memory_space<hbm>>
      tpu.wait_dma2 semaphore(%arg23 : memref<!tpu.dma_semaphore, #tpu.memory_space<semaphore_mem>>) src(%dma_wait3A_612 : memref<80xf32, #tpu.memory_space<hbm>>) dst(%arg14 : memref<80xf32, #tpu.memory_space<vmem>>)
      %dma_wait3A_613 = arith.constant 0 : i32
      %dma_wait3A_614 = tpu.memref_slice %arg4[%dma_wait3A_613] : memref<960000xf32, #tpu.memory_space<hbm>> -> memref<240xf32, #tpu.memory_space<hbm>>
      %dma_wait3A_615 = arith.constant 0 : i32
      %dma_wait3A_616 = tpu.memref_slice %arg4[%dma_wait3A_615] : memref<960000xf32, #tpu.memory_space<hbm>> -> memref<240xf32, #tpu.memory_space<hbm>>
      tpu.wait_dma2 semaphore(%arg23 : memref<!tpu.dma_semaphore, #tpu.memory_space<semaphore_mem>>) src(%dma_wait3A_616 : memref<240xf32, #tpu.memory_space<hbm>>) dst(%arg17 : memref<240xf32, #tpu.memory_space<vmem>>)
      %scan3A_617 = arith.constant 0 : i32
      %scan3A_618 = arith.constant 0 : i32
      %mul3A_619 = arith.constant 16 : i32
      %mul3A_620 = arith.muli %scan3A_618, %mul3A_619 : i32
      %get3A_621 = arith.index_cast %mul3A_620 : i32 to index
      %get3A_622 = tpu.vector_load %arg11[%get3A_621] {strides = array<i32>} : memref<80xi32, #tpu.memory_space<vmem>>, vector<16xi32>,
      %get3A_623 = arith.index_cast %mul3A_620 : i32 to index
      %get3A_624 = tpu.vector_load %arg14[%get3A_623] {strides = array<i32>} : memref<80xf32, #tpu.memory_space<vmem>>, vector<16xf32>,
      %get3A_625 = arith.index_cast %mul3A_620 : i32 to index
      %get3A_626 = tpu.vector_load %arg17[%get3A_625] {strides = array<i32>} : memref<240xf32, #tpu.memory_space<vmem>>, vector<16xf32>,
      %mul3A_627 = arith.mulf %get3A_626, %get3A_624 : vector<16xf32>
      tpu.vector_store_idx %arg18[%get3A_622], %mul3A_627 {add = true} : memref<10000xf32, #tpu.memory_space<vmem>>[vector<16xi32>], vector<16xf32>,
      %mul3A_628 = arith.constant 16 : i32
      %mul3A_629 = arith.muli %scan3A_618, %mul3A_628 : i32
      %add3A_630 = arith.constant 80 : i32
      %add3A_631 = arith.addi %add3A_630, %mul3A_629 : i32
      %get3A_632 = arith.index_cast %add3A_631 : i32 to index
      %get3A_633 = tpu.vector_load %arg17[%get3A_632] {strides = array<i32>} : memref<240xf32, #tpu.memory_space<vmem>>, vector<16xf32>,
      %mul3A_634 = arith.mulf %get3A_633, %get3A_624 : vector<16xf32>
      tpu.vector_store_idx %arg19[%get3A_622], %mul3A_634 {add = true} : memref<10000xf32, #tpu.memory_space<vmem>>[vector<16xi32>], vector<16xf32>,
      %mul3A_635 = arith.constant 16 : i32
      %mul3A_636 = arith.muli %scan3A_618, %mul3A_635 : i32
      %add3A_637 = arith.constant 160 : i32
      %add3A_638 = arith.addi %add3A_637, %mul3A_636 : i32
      %get3A_639 = arith.index_cast %add3A_638 : i32 to index
      %get3A_640 = tpu.vector_load %arg17[%get3A_639] {strides = array<i32>} : memref<240xf32, #tpu.memory_space<vmem>>, vector<16xf32>,
      %mul3A_641 = arith.mulf %get3A_640, %get3A_624 : vector<16xf32>
      tpu.vector_store_idx %arg20[%get3A_622], %mul3A_641 {add = true} : memref<10000xf32, #tpu.memory_space<vmem>>[vector<16xi32>], vector<16xf32>,
      %scan3A_642 = arith.constant 1 : i32
      %mul3A_643 = arith.constant 16 : i32
      %mul3A_644 = arith.muli %scan3A_642, %mul3A_643 : i32
      %get3A_645 = arith.index_cast %mul3A_644 : i32 to index
      %get3A_646 = tpu.vector_load %arg11[%get3A_645] {strides = array<i32>} : memref<80xi32, #tpu.memory_space<vmem>>, vector<16xi32>,
      %get3A_647 = arith.index_cast %mul3A_644 : i32 to index
      %get3A_648 = tpu.vector_load %arg14[%get3A_647] {strides = array<i32>} : memref<80xf32, #tpu.memory_space<vmem>>, vector<16xf32>,
      %get3A_649 = arith.index_cast %mul3A_644 : i32 to index
      %get3A_650 = tpu.vector_load %arg17[%get3A_649] {strides = array<i32>} : memref<240xf32, #tpu.memory_space<vmem>>, vector<16xf32>,
      %mul3A_651 = arith.mulf %get3A_650, %get3A_648 : vector<16xf32>
      tpu.vector_store_idx %arg18[%get3A_646], %mul3A_651 {add = true} : memref<10000xf32, #tpu.memory_space<vmem>>[vector<16xi32>], vector<16xf32>,
      %mul3A_652 = arith.constant 16 : i32
      %mul3A_653 = arith.muli %scan3A_642, %mul3A_652 : i32
      %add3A_654 = arith.constant 80 : i32
      %add3A_655 = arith.addi %add3A_654, %mul3A_653 : i32
      %get3A_656 = arith.index_cast %add3A_655 : i32 to index
      %get3A_657 = tpu.vector_load %arg17[%get3A_656] {strides = array<i32>} : memref<240xf32, #tpu.memory_space<vmem>>, vector<16xf32>,
      %mul3A_658 = arith.mulf %get3A_657, %get3A_648 : vector<16xf32>
      tpu.vector_store_idx %arg19[%get3A_646], %mul3A_658 {add = true} : memref<10000xf32, #tpu.memory_space<vmem>>[vector<16xi32>], vector<16xf32>,
      %mul3A_659 = arith.constant 16 : i32
      %mul3A_660 = arith.muli %scan3A_642, %mul3A_659 : i32
      %add3A_661 = arith.constant 160 : i32
      %add3A_662 = arith.addi %add3A_661, %mul3A_660 : i32
      %get3A_663 = arith.index_cast %add3A_662 : i32 to index
      %get3A_664 = tpu.vector_load %arg17[%get3A_663] {strides = array<i32>} : memref<240xf32, #tpu.memory_space<vmem>>, vector<16xf32>,
      %mul3A_665 = arith.mulf %get3A_664, %get3A_648 : vector<16xf32>
      tpu.vector_store_idx %arg20[%get3A_646], %mul3A_665 {add = true} : memref<10000xf32, #tpu.memory_space<vmem>>[vector<16xi32>], vector<16xf32>,
      %scan3A_666 = arith.constant 2 : i32
      %mul3A_667 = arith.constant 16 : i32
      %mul3A_668 = arith.muli %scan3A_666, %mul3A_667 : i32
      %get3A_669 = arith.index_cast %mul3A_668 : i32 to index
      %get3A_670 = tpu.vector_load %arg11[%get3A_669] {strides = array<i32>} : memref<80xi32, #tpu.memory_space<vmem>>, vector<16xi32>,
      %get3A_671 = arith.index_cast %mul3A_668 : i32 to index
      %get3A_672 = tpu.vector_load %arg14[%get3A_671] {strides = array<i32>} : memref<80xf32, #tpu.memory_space<vmem>>, vector<16xf32>,
      %get3A_673 = arith.index_cast %mul3A_668 : i32 to index
      %get3A_674 = tpu.vector_load %arg17[%get3A_673] {strides = array<i32>} : memref<240xf32, #tpu.memory_space<vmem>>, vector<16xf32>,
      %mul3A_675 = arith.mulf %get3A_674, %get3A_672 : vector<16xf32>
      tpu.vector_store_idx %arg18[%get3A_670], %mul3A_675 {add = true} : memref<10000xf32, #tpu.memory_space<vmem>>[vector<16xi32>], vector<16xf32>,
      %mul3A_676 = arith.constant 16 : i32
      %mul3A_677 = arith.muli %scan3A_666, %mul3A_676 : i32
      %add3A_678 = arith.constant 80 : i32
      %add3A_679 = arith.addi %add3A_678, %mul3A_677 : i32
      %get3A_680 = arith.index_cast %add3A_679 : i32 to index
      %get3A_681 = tpu.vector_load %arg17[%get3A_680] {strides = array<i32>} : memref<240xf32, #tpu.memory_space<vmem>>, vector<16xf32>,
      %mul3A_682 = arith.mulf %get3A_681, %get3A_672 : vector<16xf32>
      tpu.vector_store_idx %arg19[%get3A_670], %mul3A_682 {add = true} : memref<10000xf32, #tpu.memory_space<vmem>>[vector<16xi32>], vector<16xf32>,
      %mul3A_683 = arith.constant 16 : i32
      %mul3A_684 = arith.muli %scan3A_666, %mul3A_683 : i32
      %add3A_685 = arith.constant 160 : i32
      %add3A_686 = arith.addi %add3A_685, %mul3A_684 : i32
      %get3A_687 = arith.index_cast %add3A_686 : i32 to index
      %get3A_688 = tpu.vector_load %arg17[%get3A_687] {strides = array<i32>} : memref<240xf32, #tpu.memory_space<vmem>>, vector<16xf32>,
      %mul3A_689 = arith.mulf %get3A_688, %get3A_672 : vector<16xf32>
      tpu.vector_store_idx %arg20[%get3A_670], %mul3A_689 {add = true} : memref<10000xf32, #tpu.memory_space<vmem>>[vector<16xi32>], vector<16xf32>,
      %scan3A_690 = arith.constant 3 : i32
      %mul3A_691 = arith.constant 16 : i32
      %mul3A_692 = arith.muli %scan3A_690, %mul3A_691 : i32
      %get3A_693 = arith.index_cast %mul3A_692 : i32 to index
      %get3A_694 = tpu.vector_load %arg11[%get3A_693] {strides = array<i32>} : memref<80xi32, #tpu.memory_space<vmem>>, vector<16xi32>,
      %get3A_695 = arith.index_cast %mul3A_692 : i32 to index
      %get3A_696 = tpu.vector_load %arg14[%get3A_695] {strides = array<i32>} : memref<80xf32, #tpu.memory_space<vmem>>, vector<16xf32>,
      %get3A_697 = arith.index_cast %mul3A_692 : i32 to index
      %get3A_698 = tpu.vector_load %arg17[%get3A_697] {strides = array<i32>} : memref<240xf32, #tpu.memory_space<vmem>>, vector<16xf32>,
      %mul3A_699 = arith.mulf %get3A_698, %get3A_696 : vector<16xf32>
      tpu.vector_store_idx %arg18[%get3A_694], %mul3A_699 {add = true} : memref<10000xf32, #tpu.memory_space<vmem>>[vector<16xi32>], vector<16xf32>,
      %mul3A_700 = arith.constant 16 : i32
      %mul3A_701 = arith.muli %scan3A_690, %mul3A_700 : i32
      %add3A_702 = arith.constant 80 : i32
      %add3A_703 = arith.addi %add3A_702, %mul3A_701 : i32
      %get3A_704 = arith.index_cast %add3A_703 : i32 to index
      %get3A_705 = tpu.vector_load %arg17[%get3A_704] {strides = array<i32>} : memref<240xf32, #tpu.memory_space<vmem>>, vector<16xf32>,
      %mul3A_706 = arith.mulf %get3A_705, %get3A_696 : vector<16xf32>
      tpu.vector_store_idx %arg19[%get3A_694], %mul3A_706 {add = true} : memref<10000xf32, #tpu.memory_space<vmem>>[vector<16xi32>], vector<16xf32>,
      %mul3A_707 = arith.constant 16 : i32
      %mul3A_708 = arith.muli %scan3A_690, %mul3A_707 : i32
      %add3A_709 = arith.constant 160 : i32
      %add3A_710 = arith.addi %add3A_709, %mul3A_708 : i32
      %get3A_711 = arith.index_cast %add3A_710 : i32 to index
      %get3A_712 = tpu.vector_load %arg17[%get3A_711] {strides = array<i32>} : memref<240xf32, #tpu.memory_space<vmem>>, vector<16xf32>,
      %mul3A_713 = arith.mulf %get3A_712, %get3A_696 : vector<16xf32>
      tpu.vector_store_idx %arg20[%get3A_694], %mul3A_713 {add = true} : memref<10000xf32, #tpu.memory_space<vmem>>[vector<16xi32>], vector<16xf32>,
      %scan3A_714 = arith.constant 4 : i32
      %mul3A_715 = arith.constant 16 : i32
      %mul3A_716 = arith.muli %scan3A_714, %mul3A_715 : i32
      %get3A_717 = arith.index_cast %mul3A_716 : i32 to index
      %get3A_718 = tpu.vector_load %arg11[%get3A_717] {strides = array<i32>} : memref<80xi32, #tpu.memory_space<vmem>>, vector<16xi32>,
      %get3A_719 = arith.index_cast %mul3A_716 : i32 to index
      %get3A_720 = tpu.vector_load %arg14[%get3A_719] {strides = array<i32>} : memref<80xf32, #tpu.memory_space<vmem>>, vector<16xf32>,
      %get3A_721 = arith.index_cast %mul3A_716 : i32 to index
      %get3A_722 = tpu.vector_load %arg17[%get3A_721] {strides = array<i32>} : memref<240xf32, #tpu.memory_space<vmem>>, vector<16xf32>,
      %mul3A_723 = arith.mulf %get3A_722, %get3A_720 : vector<16xf32>
      tpu.vector_store_idx %arg18[%get3A_718], %mul3A_723 {add = true} : memref<10000xf32, #tpu.memory_space<vmem>>[vector<16xi32>], vector<16xf32>,
      %mul3A_724 = arith.constant 16 : i32
      %mul3A_725 = arith.muli %scan3A_714, %mul3A_724 : i32
      %add3A_726 = arith.constant 80 : i32
      %add3A_727 = arith.addi %add3A_726, %mul3A_725 : i32
      %get3A_728 = arith.index_cast %add3A_727 : i32 to index
      %get3A_729 = tpu.vector_load %arg17[%get3A_728] {strides = array<i32>} : memref<240xf32, #tpu.memory_space<vmem>>, vector<16xf32>,
      %mul3A_730 = arith.mulf %get3A_729, %get3A_720 : vector<16xf32>
      tpu.vector_store_idx %arg19[%get3A_718], %mul3A_730 {add = true} : memref<10000xf32, #tpu.memory_space<vmem>>[vector<16xi32>], vector<16xf32>,
      %mul3A_731 = arith.constant 16 : i32
      %mul3A_732 = arith.muli %scan3A_714, %mul3A_731 : i32
      %add3A_733 = arith.constant 160 : i32
      %add3A_734 = arith.addi %add3A_733, %mul3A_732 : i32
      %get3A_735 = arith.index_cast %add3A_734 : i32 to index
      %get3A_736 = tpu.vector_load %arg17[%get3A_735] {strides = array<i32>} : memref<240xf32, #tpu.memory_space<vmem>>, vector<16xf32>,
      %mul3A_737 = arith.mulf %get3A_736, %get3A_720 : vector<16xf32>
      tpu.vector_store_idx %arg20[%get3A_718], %mul3A_737 {add = true} : memref<10000xf32, #tpu.memory_space<vmem>>[vector<16xi32>], vector<16xf32>,
      %scan3A_738 = arith.constant 5 : i32
    }
    %scan3A_26 = arith.constant 41 : i32
    %dma_wait3A = arith.constant 0 : i32
    %dma_wait3A_27 = tpu.memref_slice %arg3[%dma_wait3A] : memref<320000xi32, #tpu.memory_space<hbm>> -> memref<80xi32, #tpu.memory_space<hbm>>
    %dma_wait3A_28 = arith.constant 0 : i32
    %dma_wait3A_29 = tpu.memref_slice %arg3[%dma_wait3A_28] : memref<320000xi32, #tpu.memory_space<hbm>> -> memref<80xi32, #tpu.memory_space<hbm>>
    tpu.wait_dma2 semaphore(%arg21 : memref<!tpu.dma_semaphore, #tpu.memory_space<semaphore_mem>>) src(%dma_wait3A_29 : memref<80xi32, #tpu.memory_space<hbm>>) dst(%arg9 : memref<80xi32, #tpu.memory_space<vmem>>)
    %dma_wait3A_30 = arith.constant 0 : i32
    %dma_wait3A_31 = tpu.memref_slice %arg2[%dma_wait3A_30] : memref<320000xf32, #tpu.memory_space<hbm>> -> memref<80xf32, #tpu.memory_space<hbm>>
    %dma_wait3A_32 = arith.constant 0 : i32
    %dma_wait3A_33 = tpu.memref_slice %arg2[%dma_wait3A_32] : memref<320000xf32, #tpu.memory_space<hbm>> -> memref<80xf32, #tpu.memory_space<hbm>>
    tpu.wait_dma2 semaphore(%arg21 : memref<!tpu.dma_semaphore, #tpu.memory_space<semaphore_mem>>) src(%dma_wait3A_33 : memref<80xf32, #tpu.memory_space<hbm>>) dst(%arg12 : memref<80xf32, #tpu.memory_space<vmem>>)
    %dma_wait3A_34 = arith.constant 0 : i32
    %dma_wait3A_35 = tpu.memref_slice %arg4[%dma_wait3A_34] : memref<960000xf32, #tpu.memory_space<hbm>> -> memref<240xf32, #tpu.memory_space<hbm>>
    %dma_wait3A_36 = arith.constant 0 : i32
    %dma_wait3A_37 = tpu.memref_slice %arg4[%dma_wait3A_36] : memref<960000xf32, #tpu.memory_space<hbm>> -> memref<240xf32, #tpu.memory_space<hbm>>
    tpu.wait_dma2 semaphore(%arg21 : memref<!tpu.dma_semaphore, #tpu.memory_space<semaphore_mem>>) src(%dma_wait3A_37 : memref<240xf32, #tpu.memory_space<hbm>>) dst(%arg15 : memref<240xf32, #tpu.memory_space<vmem>>)
    %scan3A_38 = arith.constant 0 : i32
    %scan3A_39 = arith.constant 0 : i32
    %mul3A_40 = arith.constant 16 : i32
    %mul3A_41 = arith.muli %scan3A_39, %mul3A_40 : i32
    %get3A = arith.index_cast %mul3A_41 : i32 to index
    %get3A_42 = tpu.vector_load %arg9[%get3A] {strides = array<i32>} : memref<80xi32, #tpu.memory_space<vmem>>, vector<16xi32>,
    %get3A_43 = arith.index_cast %mul3A_41 : i32 to index
    %get3A_44 = tpu.vector_load %arg12[%get3A_43] {strides = array<i32>} : memref<80xf32, #tpu.memory_space<vmem>>, vector<16xf32>,
    %get3A_45 = arith.index_cast %mul3A_41 : i32 to index
    %get3A_46 = tpu.vector_load %arg15[%get3A_45] {strides = array<i32>} : memref<240xf32, #tpu.memory_space<vmem>>, vector<16xf32>,
    %mul3A_47 = arith.mulf %get3A_46, %get3A_44 : vector<16xf32>
    tpu.vector_store_idx %arg18[%get3A_42], %mul3A_47 {add = true} : memref<10000xf32, #tpu.memory_space<vmem>>[vector<16xi32>], vector<16xf32>,
    %mul3A_48 = arith.constant 16 : i32
    %mul3A_49 = arith.muli %scan3A_39, %mul3A_48 : i32
    %add3A_50 = arith.constant 80 : i32
    %add3A_51 = arith.addi %add3A_50, %mul3A_49 : i32
    %get3A_52 = arith.index_cast %add3A_51 : i32 to index
    %get3A_53 = tpu.vector_load %arg15[%get3A_52] {strides = array<i32>} : memref<240xf32, #tpu.memory_space<vmem>>, vector<16xf32>,
    %mul3A_54 = arith.mulf %get3A_53, %get3A_44 : vector<16xf32>
    tpu.vector_store_idx %arg19[%get3A_42], %mul3A_54 {add = true} : memref<10000xf32, #tpu.memory_space<vmem>>[vector<16xi32>], vector<16xf32>,
    %mul3A_55 = arith.constant 16 : i32
    %mul3A_56 = arith.muli %scan3A_39, %mul3A_55 : i32
    %add3A_57 = arith.constant 160 : i32
    %add3A_58 = arith.addi %add3A_57, %mul3A_56 : i32
    %get3A_59 = arith.index_cast %add3A_58 : i32 to index
    %get3A_60 = tpu.vector_load %arg15[%get3A_59] {strides = array<i32>} : memref<240xf32, #tpu.memory_space<vmem>>, vector<16xf32>,
    %mul3A_61 = arith.mulf %get3A_60, %get3A_44 : vector<16xf32>
    tpu.vector_store_idx %arg20[%get3A_42], %mul3A_61 {add = true} : memref<10000xf32, #tpu.memory_space<vmem>>[vector<16xi32>], vector<16xf32>,
    %scan3A_62 = arith.constant 1 : i32
    %mul3A_63 = arith.constant 16 : i32
    %mul3A_64 = arith.muli %scan3A_62, %mul3A_63 : i32
    %get3A_65 = arith.index_cast %mul3A_64 : i32 to index
    %get3A_66 = tpu.vector_load %arg9[%get3A_65] {strides = array<i32>} : memref<80xi32, #tpu.memory_space<vmem>>, vector<16xi32>,
    %get3A_67 = arith.index_cast %mul3A_64 : i32 to index
    %get3A_68 = tpu.vector_load %arg12[%get3A_67] {strides = array<i32>} : memref<80xf32, #tpu.memory_space<vmem>>, vector<16xf32>,
    %get3A_69 = arith.index_cast %mul3A_64 : i32 to index
    %get3A_70 = tpu.vector_load %arg15[%get3A_69] {strides = array<i32>} : memref<240xf32, #tpu.memory_space<vmem>>, vector<16xf32>,
    %mul3A_71 = arith.mulf %get3A_70, %get3A_68 : vector<16xf32>
    tpu.vector_store_idx %arg18[%get3A_66], %mul3A_71 {add = true} : memref<10000xf32, #tpu.memory_space<vmem>>[vector<16xi32>], vector<16xf32>,
    %mul3A_72 = arith.constant 16 : i32
    %mul3A_73 = arith.muli %scan3A_62, %mul3A_72 : i32
    %add3A_74 = arith.constant 80 : i32
    %add3A_75 = arith.addi %add3A_74, %mul3A_73 : i32
    %get3A_76 = arith.index_cast %add3A_75 : i32 to index
    %get3A_77 = tpu.vector_load %arg15[%get3A_76] {strides = array<i32>} : memref<240xf32, #tpu.memory_space<vmem>>, vector<16xf32>,
    %mul3A_78 = arith.mulf %get3A_77, %get3A_68 : vector<16xf32>
    tpu.vector_store_idx %arg19[%get3A_66], %mul3A_78 {add = true} : memref<10000xf32, #tpu.memory_space<vmem>>[vector<16xi32>], vector<16xf32>,
    %mul3A_79 = arith.constant 16 : i32
    %mul3A_80 = arith.muli %scan3A_62, %mul3A_79 : i32
    %add3A_81 = arith.constant 160 : i32
    %add3A_82 = arith.addi %add3A_81, %mul3A_80 : i32
    %get3A_83 = arith.index_cast %add3A_82 : i32 to index
    %get3A_84 = tpu.vector_load %arg15[%get3A_83] {strides = array<i32>} : memref<240xf32, #tpu.memory_space<vmem>>, vector<16xf32>,
    %mul3A_85 = arith.mulf %get3A_84, %get3A_68 : vector<16xf32>
    tpu.vector_store_idx %arg20[%get3A_66], %mul3A_85 {add = true} : memref<10000xf32, #tpu.memory_space<vmem>>[vector<16xi32>], vector<16xf32>,
    %scan3A_86 = arith.constant 2 : i32
    %mul3A_87 = arith.constant 16 : i32
    %mul3A_88 = arith.muli %scan3A_86, %mul3A_87 : i32
    %get3A_89 = arith.index_cast %mul3A_88 : i32 to index
    %get3A_90 = tpu.vector_load %arg9[%get3A_89] {strides = array<i32>} : memref<80xi32, #tpu.memory_space<vmem>>, vector<16xi32>,
    %get3A_91 = arith.index_cast %mul3A_88 : i32 to index
    %get3A_92 = tpu.vector_load %arg12[%get3A_91] {strides = array<i32>} : memref<80xf32, #tpu.memory_space<vmem>>, vector<16xf32>,
    %get3A_93 = arith.index_cast %mul3A_88 : i32 to index
    %get3A_94 = tpu.vector_load %arg15[%get3A_93] {strides = array<i32>} : memref<240xf32, #tpu.memory_space<vmem>>, vector<16xf32>,
    %mul3A_95 = arith.mulf %get3A_94, %get3A_92 : vector<16xf32>
    tpu.vector_store_idx %arg18[%get3A_90], %mul3A_95 {add = true} : memref<10000xf32, #tpu.memory_space<vmem>>[vector<16xi32>], vector<16xf32>,
    %mul3A_96 = arith.constant 16 : i32
    %mul3A_97 = arith.muli %scan3A_86, %mul3A_96 : i32
    %add3A_98 = arith.constant 80 : i32
    %add3A_99 = arith.addi %add3A_98, %mul3A_97 : i32
    %get3A_100 = arith.index_cast %add3A_99 : i32 to index
    %get3A_101 = tpu.vector_load %arg15[%get3A_100] {strides = array<i32>} : memref<240xf32, #tpu.memory_space<vmem>>, vector<16xf32>,
    %mul3A_102 = arith.mulf %get3A_101, %get3A_92 : vector<16xf32>
    tpu.vector_store_idx %arg19[%get3A_90], %mul3A_102 {add = true} : memref<10000xf32, #tpu.memory_space<vmem>>[vector<16xi32>], vector<16xf32>,
    %mul3A_103 = arith.constant 16 : i32
    %mul3A_104 = arith.muli %scan3A_86, %mul3A_103 : i32
    %add3A_105 = arith.constant 160 : i32
    %add3A_106 = arith.addi %add3A_105, %mul3A_104 : i32
    %get3A_107 = arith.index_cast %add3A_106 : i32 to index
    %get3A_108 = tpu.vector_load %arg15[%get3A_107] {strides = array<i32>} : memref<240xf32, #tpu.memory_space<vmem>>, vector<16xf32>,
    %mul3A_109 = arith.mulf %get3A_108, %get3A_92 : vector<16xf32>
    tpu.vector_store_idx %arg20[%get3A_90], %mul3A_109 {add = true} : memref<10000xf32, #tpu.memory_space<vmem>>[vector<16xi32>], vector<16xf32>,
    %scan3A_110 = arith.constant 3 : i32
    %mul3A_111 = arith.constant 16 : i32
    %mul3A_112 = arith.muli %scan3A_110, %mul3A_111 : i32
    %get3A_113 = arith.index_cast %mul3A_112 : i32 to index
    %get3A_114 = tpu.vector_load %arg9[%get3A_113] {strides = array<i32>} : memref<80xi32, #tpu.memory_space<vmem>>, vector<16xi32>,
    %get3A_115 = arith.index_cast %mul3A_112 : i32 to index
    %get3A_116 = tpu.vector_load %arg12[%get3A_115] {strides = array<i32>} : memref<80xf32, #tpu.memory_space<vmem>>, vector<16xf32>,
    %get3A_117 = arith.index_cast %mul3A_112 : i32 to index
    %get3A_118 = tpu.vector_load %arg15[%get3A_117] {strides = array<i32>} : memref<240xf32, #tpu.memory_space<vmem>>, vector<16xf32>,
    %mul3A_119 = arith.mulf %get3A_118, %get3A_116 : vector<16xf32>
    tpu.vector_store_idx %arg18[%get3A_114], %mul3A_119 {add = true} : memref<10000xf32, #tpu.memory_space<vmem>>[vector<16xi32>], vector<16xf32>,
    %mul3A_120 = arith.constant 16 : i32
    %mul3A_121 = arith.muli %scan3A_110, %mul3A_120 : i32
    %add3A_122 = arith.constant 80 : i32
    %add3A_123 = arith.addi %add3A_122, %mul3A_121 : i32
    %get3A_124 = arith.index_cast %add3A_123 : i32 to index
    %get3A_125 = tpu.vector_load %arg15[%get3A_124] {strides = array<i32>} : memref<240xf32, #tpu.memory_space<vmem>>, vector<16xf32>,
    %mul3A_126 = arith.mulf %get3A_125, %get3A_116 : vector<16xf32>
    tpu.vector_store_idx %arg19[%get3A_114], %mul3A_126 {add = true} : memref<10000xf32, #tpu.memory_space<vmem>>[vector<16xi32>], vector<16xf32>,
    %mul3A_127 = arith.constant 16 : i32
    %mul3A_128 = arith.muli %scan3A_110, %mul3A_127 : i32
    %add3A_129 = arith.constant 160 : i32
    %add3A_130 = arith.addi %add3A_129, %mul3A_128 : i32
    %get3A_131 = arith.index_cast %add3A_130 : i32 to index
    %get3A_132 = tpu.vector_load %arg15[%get3A_131] {strides = array<i32>} : memref<240xf32, #tpu.memory_space<vmem>>, vector<16xf32>,
    %mul3A_133 = arith.mulf %get3A_132, %get3A_116 : vector<16xf32>
    tpu.vector_store_idx %arg20[%get3A_114], %mul3A_133 {add = true} : memref<10000xf32, #tpu.memory_space<vmem>>[vector<16xi32>], vector<16xf32>,
    %scan3A_134 = arith.constant 4 : i32
    %mul3A_135 = arith.constant 16 : i32
    %mul3A_136 = arith.muli %scan3A_134, %mul3A_135 : i32
    %get3A_137 = arith.index_cast %mul3A_136 : i32 to index
    %get3A_138 = tpu.vector_load %arg9[%get3A_137] {strides = array<i32>} : memref<80xi32, #tpu.memory_space<vmem>>, vector<16xi32>,
    %get3A_139 = arith.index_cast %mul3A_136 : i32 to index
    %get3A_140 = tpu.vector_load %arg12[%get3A_139] {strides = array<i32>} : memref<80xf32, #tpu.memory_space<vmem>>, vector<16xf32>,
    %get3A_141 = arith.index_cast %mul3A_136 : i32 to index
    %get3A_142 = tpu.vector_load %arg15[%get3A_141] {strides = array<i32>} : memref<240xf32, #tpu.memory_space<vmem>>, vector<16xf32>,
    %mul3A_143 = arith.mulf %get3A_142, %get3A_140 : vector<16xf32>
    tpu.vector_store_idx %arg18[%get3A_138], %mul3A_143 {add = true} : memref<10000xf32, #tpu.memory_space<vmem>>[vector<16xi32>], vector<16xf32>,
    %mul3A_144 = arith.constant 16 : i32
    %mul3A_145 = arith.muli %scan3A_134, %mul3A_144 : i32
    %add3A_146 = arith.constant 80 : i32
    %add3A_147 = arith.addi %add3A_146, %mul3A_145 : i32
    %get3A_148 = arith.index_cast %add3A_147 : i32 to index
    %get3A_149 = tpu.vector_load %arg15[%get3A_148] {strides = array<i32>} : memref<240xf32, #tpu.memory_space<vmem>>, vector<16xf32>,
    %mul3A_150 = arith.mulf %get3A_149, %get3A_140 : vector<16xf32>
    tpu.vector_store_idx %arg19[%get3A_138], %mul3A_150 {add = true} : memref<10000xf32, #tpu.memory_space<vmem>>[vector<16xi32>], vector<16xf32>,
    %mul3A_151 = arith.constant 16 : i32
    %mul3A_152 = arith.muli %scan3A_134, %mul3A_151 : i32
    %add3A_153 = arith.constant 160 : i32
    %add3A_154 = arith.addi %add3A_153, %mul3A_152 : i32
    %get3A_155 = arith.index_cast %add3A_154 : i32 to index
    %get3A_156 = tpu.vector_load %arg15[%get3A_155] {strides = array<i32>} : memref<240xf32, #tpu.memory_space<vmem>>, vector<16xf32>,
    %mul3A_157 = arith.mulf %get3A_156, %get3A_140 : vector<16xf32>
    tpu.vector_store_idx %arg20[%get3A_138], %mul3A_157 {add = true} : memref<10000xf32, #tpu.memory_space<vmem>>[vector<16xi32>], vector<16xf32>,
    %scan3A_158 = arith.constant 5 : i32
    %dma_wait3A_159 = arith.constant 0 : i32
    %dma_wait3A_160 = tpu.memref_slice %arg3[%dma_wait3A_159] : memref<320000xi32, #tpu.memory_space<hbm>> -> memref<80xi32, #tpu.memory_space<hbm>>
    %dma_wait3A_161 = arith.constant 0 : i32
    %dma_wait3A_162 = tpu.memref_slice %arg3[%dma_wait3A_161] : memref<320000xi32, #tpu.memory_space<hbm>> -> memref<80xi32, #tpu.memory_space<hbm>>
    tpu.wait_dma2 semaphore(%arg22 : memref<!tpu.dma_semaphore, #tpu.memory_space<semaphore_mem>>) src(%dma_wait3A_162 : memref<80xi32, #tpu.memory_space<hbm>>) dst(%arg10 : memref<80xi32, #tpu.memory_space<vmem>>)
    %dma_wait3A_163 = arith.constant 0 : i32
    %dma_wait3A_164 = tpu.memref_slice %arg2[%dma_wait3A_163] : memref<320000xf32, #tpu.memory_space<hbm>> -> memref<80xf32, #tpu.memory_space<hbm>>
    %dma_wait3A_165 = arith.constant 0 : i32
    %dma_wait3A_166 = tpu.memref_slice %arg2[%dma_wait3A_165] : memref<320000xf32, #tpu.memory_space<hbm>> -> memref<80xf32, #tpu.memory_space<hbm>>
    tpu.wait_dma2 semaphore(%arg22 : memref<!tpu.dma_semaphore, #tpu.memory_space<semaphore_mem>>) src(%dma_wait3A_166 : memref<80xf32, #tpu.memory_space<hbm>>) dst(%arg13 : memref<80xf32, #tpu.memory_space<vmem>>)
    %dma_wait3A_167 = arith.constant 0 : i32
    %dma_wait3A_168 = tpu.memref_slice %arg4[%dma_wait3A_167] : memref<960000xf32, #tpu.memory_space<hbm>> -> memref<240xf32, #tpu.memory_space<hbm>>
    %dma_wait3A_169 = arith.constant 0 : i32
    %dma_wait3A_170 = tpu.memref_slice %arg4[%dma_wait3A_169] : memref<960000xf32, #tpu.memory_space<hbm>> -> memref<240xf32, #tpu.memory_space<hbm>>
    tpu.wait_dma2 semaphore(%arg22 : memref<!tpu.dma_semaphore, #tpu.memory_space<semaphore_mem>>) src(%dma_wait3A_170 : memref<240xf32, #tpu.memory_space<hbm>>) dst(%arg16 : memref<240xf32, #tpu.memory_space<vmem>>)
    %scan3A_171 = arith.constant 0 : i32
    %scan3A_172 = arith.constant 0 : i32
    %mul3A_173 = arith.constant 16 : i32
    %mul3A_174 = arith.muli %scan3A_172, %mul3A_173 : i32
    %get3A_175 = arith.index_cast %mul3A_174 : i32 to index
    %get3A_176 = tpu.vector_load %arg10[%get3A_175] {strides = array<i32>} : memref<80xi32, #tpu.memory_space<vmem>>, vector<16xi32>,
    %get3A_177 = arith.index_cast %mul3A_174 : i32 to index
    %get3A_178 = tpu.vector_load %arg13[%get3A_177] {strides = array<i32>} : memref<80xf32, #tpu.memory_space<vmem>>, vector<16xf32>,
    %get3A_179 = arith.index_cast %mul3A_174 : i32 to index
    %get3A_180 = tpu.vector_load %arg16[%get3A_179] {strides = array<i32>} : memref<240xf32, #tpu.memory_space<vmem>>, vector<16xf32>,
    %mul3A_181 = arith.mulf %get3A_180, %get3A_178 : vector<16xf32>
    tpu.vector_store_idx %arg18[%get3A_176], %mul3A_181 {add = true} : memref<10000xf32, #tpu.memory_space<vmem>>[vector<16xi32>], vector<16xf32>,
    %mul3A_182 = arith.constant 16 : i32
    %mul3A_183 = arith.muli %scan3A_172, %mul3A_182 : i32
    %add3A_184 = arith.constant 80 : i32
    %add3A_185 = arith.addi %add3A_184, %mul3A_183 : i32
    %get3A_186 = arith.index_cast %add3A_185 : i32 to index
    %get3A_187 = tpu.vector_load %arg16[%get3A_186] {strides = array<i32>} : memref<240xf32, #tpu.memory_space<vmem>>, vector<16xf32>,
    %mul3A_188 = arith.mulf %get3A_187, %get3A_178 : vector<16xf32>
    tpu.vector_store_idx %arg19[%get3A_176], %mul3A_188 {add = true} : memref<10000xf32, #tpu.memory_space<vmem>>[vector<16xi32>], vector<16xf32>,
    %mul3A_189 = arith.constant 16 : i32
    %mul3A_190 = arith.muli %scan3A_172, %mul3A_189 : i32
    %add3A_191 = arith.constant 160 : i32
    %add3A_192 = arith.addi %add3A_191, %mul3A_190 : i32
    %get3A_193 = arith.index_cast %add3A_192 : i32 to index
    %get3A_194 = tpu.vector_load %arg16[%get3A_193] {strides = array<i32>} : memref<240xf32, #tpu.memory_space<vmem>>, vector<16xf32>,
    %mul3A_195 = arith.mulf %get3A_194, %get3A_178 : vector<16xf32>
    tpu.vector_store_idx %arg20[%get3A_176], %mul3A_195 {add = true} : memref<10000xf32, #tpu.memory_space<vmem>>[vector<16xi32>], vector<16xf32>,
    %scan3A_196 = arith.constant 1 : i32
    %mul3A_197 = arith.constant 16 : i32
    %mul3A_198 = arith.muli %scan3A_196, %mul3A_197 : i32
    %get3A_199 = arith.index_cast %mul3A_198 : i32 to index
    %get3A_200 = tpu.vector_load %arg10[%get3A_199] {strides = array<i32>} : memref<80xi32, #tpu.memory_space<vmem>>, vector<16xi32>,
    %get3A_201 = arith.index_cast %mul3A_198 : i32 to index
    %get3A_202 = tpu.vector_load %arg13[%get3A_201] {strides = array<i32>} : memref<80xf32, #tpu.memory_space<vmem>>, vector<16xf32>,
    %get3A_203 = arith.index_cast %mul3A_198 : i32 to index
    %get3A_204 = tpu.vector_load %arg16[%get3A_203] {strides = array<i32>} : memref<240xf32, #tpu.memory_space<vmem>>, vector<16xf32>,
    %mul3A_205 = arith.mulf %get3A_204, %get3A_202 : vector<16xf32>
    tpu.vector_store_idx %arg18[%get3A_200], %mul3A_205 {add = true} : memref<10000xf32, #tpu.memory_space<vmem>>[vector<16xi32>], vector<16xf32>,
    %mul3A_206 = arith.constant 16 : i32
    %mul3A_207 = arith.muli %scan3A_196, %mul3A_206 : i32
    %add3A_208 = arith.constant 80 : i32
    %add3A_209 = arith.addi %add3A_208, %mul3A_207 : i32
    %get3A_210 = arith.index_cast %add3A_209 : i32 to index
    %get3A_211 = tpu.vector_load %arg16[%get3A_210] {strides = array<i32>} : memref<240xf32, #tpu.memory_space<vmem>>, vector<16xf32>,
    %mul3A_212 = arith.mulf %get3A_211, %get3A_202 : vector<16xf32>
    tpu.vector_store_idx %arg19[%get3A_200], %mul3A_212 {add = true} : memref<10000xf32, #tpu.memory_space<vmem>>[vector<16xi32>], vector<16xf32>,
    %mul3A_213 = arith.constant 16 : i32
    %mul3A_214 = arith.muli %scan3A_196, %mul3A_213 : i32
    %add3A_215 = arith.constant 160 : i32
    %add3A_216 = arith.addi %add3A_215, %mul3A_214 : i32
    %get3A_217 = arith.index_cast %add3A_216 : i32 to index
    %get3A_218 = tpu.vector_load %arg16[%get3A_217] {strides = array<i32>} : memref<240xf32, #tpu.memory_space<vmem>>, vector<16xf32>,
    %mul3A_219 = arith.mulf %get3A_218, %get3A_202 : vector<16xf32>
    tpu.vector_store_idx %arg20[%get3A_200], %mul3A_219 {add = true} : memref<10000xf32, #tpu.memory_space<vmem>>[vector<16xi32>], vector<16xf32>,
    %scan3A_220 = arith.constant 2 : i32
    %mul3A_221 = arith.constant 16 : i32
    %mul3A_222 = arith.muli %scan3A_220, %mul3A_221 : i32
    %get3A_223 = arith.index_cast %mul3A_222 : i32 to index
    %get3A_224 = tpu.vector_load %arg10[%get3A_223] {strides = array<i32>} : memref<80xi32, #tpu.memory_space<vmem>>, vector<16xi32>,
    %get3A_225 = arith.index_cast %mul3A_222 : i32 to index
    %get3A_226 = tpu.vector_load %arg13[%get3A_225] {strides = array<i32>} : memref<80xf32, #tpu.memory_space<vmem>>, vector<16xf32>,
    %get3A_227 = arith.index_cast %mul3A_222 : i32 to index
    %get3A_228 = tpu.vector_load %arg16[%get3A_227] {strides = array<i32>} : memref<240xf32, #tpu.memory_space<vmem>>, vector<16xf32>,
    %mul3A_229 = arith.mulf %get3A_228, %get3A_226 : vector<16xf32>
    tpu.vector_store_idx %arg18[%get3A_224], %mul3A_229 {add = true} : memref<10000xf32, #tpu.memory_space<vmem>>[vector<16xi32>], vector<16xf32>,
    %mul3A_230 = arith.constant 16 : i32
    %mul3A_231 = arith.muli %scan3A_220, %mul3A_230 : i32
    %add3A_232 = arith.constant 80 : i32
    %add3A_233 = arith.addi %add3A_232, %mul3A_231 : i32
    %get3A_234 = arith.index_cast %add3A_233 : i32 to index
    %get3A_235 = tpu.vector_load %arg16[%get3A_234] {strides = array<i32>} : memref<240xf32, #tpu.memory_space<vmem>>, vector<16xf32>,
    %mul3A_236 = arith.mulf %get3A_235, %get3A_226 : vector<16xf32>
    tpu.vector_store_idx %arg19[%get3A_224], %mul3A_236 {add = true} : memref<10000xf32, #tpu.memory_space<vmem>>[vector<16xi32>], vector<16xf32>,
    %mul3A_237 = arith.constant 16 : i32
    %mul3A_238 = arith.muli %scan3A_220, %mul3A_237 : i32
    %add3A_239 = arith.constant 160 : i32
    %add3A_240 = arith.addi %add3A_239, %mul3A_238 : i32
    %get3A_241 = arith.index_cast %add3A_240 : i32 to index
    %get3A_242 = tpu.vector_load %arg16[%get3A_241] {strides = array<i32>} : memref<240xf32, #tpu.memory_space<vmem>>, vector<16xf32>,
    %mul3A_243 = arith.mulf %get3A_242, %get3A_226 : vector<16xf32>
    tpu.vector_store_idx %arg20[%get3A_224], %mul3A_243 {add = true} : memref<10000xf32, #tpu.memory_space<vmem>>[vector<16xi32>], vector<16xf32>,
    %scan3A_244 = arith.constant 3 : i32
    %mul3A_245 = arith.constant 16 : i32
    %mul3A_246 = arith.muli %scan3A_244, %mul3A_245 : i32
    %get3A_247 = arith.index_cast %mul3A_246 : i32 to index
    %get3A_248 = tpu.vector_load %arg10[%get3A_247] {strides = array<i32>} : memref<80xi32, #tpu.memory_space<vmem>>, vector<16xi32>,
    %get3A_249 = arith.index_cast %mul3A_246 : i32 to index
    %get3A_250 = tpu.vector_load %arg13[%get3A_249] {strides = array<i32>} : memref<80xf32, #tpu.memory_space<vmem>>, vector<16xf32>,
    %get3A_251 = arith.index_cast %mul3A_246 : i32 to index
    %get3A_252 = tpu.vector_load %arg16[%get3A_251] {strides = array<i32>} : memref<240xf32, #tpu.memory_space<vmem>>, vector<16xf32>,
    %mul3A_253 = arith.mulf %get3A_252, %get3A_250 : vector<16xf32>
    tpu.vector_store_idx %arg18[%get3A_248], %mul3A_253 {add = true} : memref<10000xf32, #tpu.memory_space<vmem>>[vector<16xi32>], vector<16xf32>,
    %mul3A_254 = arith.constant 16 : i32
    %mul3A_255 = arith.muli %scan3A_244, %mul3A_254 : i32
    %add3A_256 = arith.constant 80 : i32
    %add3A_257 = arith.addi %add3A_256, %mul3A_255 : i32
    %get3A_258 = arith.index_cast %add3A_257 : i32 to index
    %get3A_259 = tpu.vector_load %arg16[%get3A_258] {strides = array<i32>} : memref<240xf32, #tpu.memory_space<vmem>>, vector<16xf32>,
    %mul3A_260 = arith.mulf %get3A_259, %get3A_250 : vector<16xf32>
    tpu.vector_store_idx %arg19[%get3A_248], %mul3A_260 {add = true} : memref<10000xf32, #tpu.memory_space<vmem>>[vector<16xi32>], vector<16xf32>,
    %mul3A_261 = arith.constant 16 : i32
    %mul3A_262 = arith.muli %scan3A_244, %mul3A_261 : i32
    %add3A_263 = arith.constant 160 : i32
    %add3A_264 = arith.addi %add3A_263, %mul3A_262 : i32
    %get3A_265 = arith.index_cast %add3A_264 : i32 to index
    %get3A_266 = tpu.vector_load %arg16[%get3A_265] {strides = array<i32>} : memref<240xf32, #tpu.memory_space<vmem>>, vector<16xf32>,
    %mul3A_267 = arith.mulf %get3A_266, %get3A_250 : vector<16xf32>
    tpu.vector_store_idx %arg20[%get3A_248], %mul3A_267 {add = true} : memref<10000xf32, #tpu.memory_space<vmem>>[vector<16xi32>], vector<16xf32>,
    %scan3A_268 = arith.constant 4 : i32
    %mul3A_269 = arith.constant 16 : i32
    %mul3A_270 = arith.muli %scan3A_268, %mul3A_269 : i32
    %get3A_271 = arith.index_cast %mul3A_270 : i32 to index
    %get3A_272 = tpu.vector_load %arg10[%get3A_271] {strides = array<i32>} : memref<80xi32, #tpu.memory_space<vmem>>, vector<16xi32>,
    %get3A_273 = arith.index_cast %mul3A_270 : i32 to index
    %get3A_274 = tpu.vector_load %arg13[%get3A_273] {strides = array<i32>} : memref<80xf32, #tpu.memory_space<vmem>>, vector<16xf32>,
    %get3A_275 = arith.index_cast %mul3A_270 : i32 to index
    %get3A_276 = tpu.vector_load %arg16[%get3A_275] {strides = array<i32>} : memref<240xf32, #tpu.memory_space<vmem>>, vector<16xf32>,
    %mul3A_277 = arith.mulf %get3A_276, %get3A_274 : vector<16xf32>
    tpu.vector_store_idx %arg18[%get3A_272], %mul3A_277 {add = true} : memref<10000xf32, #tpu.memory_space<vmem>>[vector<16xi32>], vector<16xf32>,
    %mul3A_278 = arith.constant 16 : i32
    %mul3A_279 = arith.muli %scan3A_268, %mul3A_278 : i32
    %add3A_280 = arith.constant 80 : i32
    %add3A_281 = arith.addi %add3A_280, %mul3A_279 : i32
    %get3A_282 = arith.index_cast %add3A_281 : i32 to index
    %get3A_283 = tpu.vector_load %arg16[%get3A_282] {strides = array<i32>} : memref<240xf32, #tpu.memory_space<vmem>>, vector<16xf32>,
    %mul3A_284 = arith.mulf %get3A_283, %get3A_274 : vector<16xf32>
    tpu.vector_store_idx %arg19[%get3A_272], %mul3A_284 {add = true} : memref<10000xf32, #tpu.memory_space<vmem>>[vector<16xi32>], vector<16xf32>,
    %mul3A_285 = arith.constant 16 : i32
    %mul3A_286 = arith.muli %scan3A_268, %mul3A_285 : i32
    %add3A_287 = arith.constant 160 : i32
    %add3A_288 = arith.addi %add3A_287, %mul3A_286 : i32
    %get3A_289 = arith.index_cast %add3A_288 : i32 to index
    %get3A_290 = tpu.vector_load %arg16[%get3A_289] {strides = array<i32>} : memref<240xf32, #tpu.memory_space<vmem>>, vector<16xf32>,
    %mul3A_291 = arith.mulf %get3A_290, %get3A_274 : vector<16xf32>
    tpu.vector_store_idx %arg20[%get3A_272], %mul3A_291 {add = true} : memref<10000xf32, #tpu.memory_space<vmem>>[vector<16xi32>], vector<16xf32>,
    %scan3A_292 = arith.constant 5 : i32
    %run_scoped3A = arith.constant 0 : i32
    "tpu.region"() ({
      %run_scoped3A_295 = tpu.sem_alloc : memref<!tpu.dma_semaphore, #tpu.memory_space<semaphore_mem>>
      %dma_start3A_296 = arith.constant 0 : i32
      %dma_start3A_297 = tpu.memref_slice %arg6[%add3A, %run_scoped3A, %dma_start3A_296] : memref<32x1x10000xf32, #tpu.memory_space<hbm>> -> memref<1x1x10000xf32, #tpu.memory_space<hbm>>
      %dma_start3A_298 = tpu.memref_squeeze %dma_start3A_297 : memref<1x1x10000xf32, #tpu.memory_space<hbm>> -> memref<10000xf32, #tpu.memory_space<hbm>>
      %dma_start3A_299 = arith.constant 0 : i32
      %dma_start3A_300 = tpu.memref_slice %arg6[%add3A, %run_scoped3A, %dma_start3A_299] : memref<32x1x10000xf32, #tpu.memory_space<hbm>> -> memref<1x1x10000xf32, #tpu.memory_space<hbm>>
      %dma_start3A_301 = tpu.memref_squeeze %dma_start3A_300 : memref<1x1x10000xf32, #tpu.memory_space<hbm>> -> memref<10000xf32, #tpu.memory_space<hbm>>
      tpu.enqueue_dma source(%arg18 : memref<10000xf32, #tpu.memory_space<vmem>>) target(%dma_start3A_301 : memref<10000xf32, #tpu.memory_space<hbm>>) target_semaphore(%run_scoped3A_295 : memref<!tpu.dma_semaphore, #tpu.memory_space<semaphore_mem>>)
      %dma_wait3A_302 = arith.constant 0 : i32
      %dma_wait3A_303 = tpu.memref_slice %arg6[%add3A, %run_scoped3A, %dma_wait3A_302] : memref<32x1x10000xf32, #tpu.memory_space<hbm>> -> memref<1x1x10000xf32, #tpu.memory_space<hbm>>
      %dma_wait3A_304 = tpu.memref_squeeze %dma_wait3A_303 : memref<1x1x10000xf32, #tpu.memory_space<hbm>> -> memref<10000xf32, #tpu.memory_space<hbm>>
      %dma_wait3A_305 = arith.constant 0 : i32
      %dma_wait3A_306 = tpu.memref_slice %arg6[%add3A, %run_scoped3A, %dma_wait3A_305] : memref<32x1x10000xf32, #tpu.memory_space<hbm>> -> memref<1x1x10000xf32, #tpu.memory_space<hbm>>
      %dma_wait3A_307 = tpu.memref_squeeze %dma_wait3A_306 : memref<1x1x10000xf32, #tpu.memory_space<hbm>> -> memref<10000xf32, #tpu.memory_space<hbm>>
      tpu.wait_dma2 semaphore(%run_scoped3A_295 : memref<!tpu.dma_semaphore, #tpu.memory_space<semaphore_mem>>) src(%arg18 : memref<10000xf32, #tpu.memory_space<vmem>>) dst(%dma_wait3A_307 : memref<10000xf32, #tpu.memory_space<hbm>>)
      tpu.yield
    }) : () -> ()
    %run_scoped3A_293 = arith.constant 0 : i32
    "tpu.region"() ({
      %run_scoped3A_295 = tpu.sem_alloc : memref<!tpu.dma_semaphore, #tpu.memory_space<semaphore_mem>>
      %dma_start3A_296 = arith.constant 0 : i32
      %dma_start3A_297 = tpu.memref_slice %arg7[%add3A, %run_scoped3A_293, %dma_start3A_296] : memref<32x1x10000xf32, #tpu.memory_space<hbm>> -> memref<1x1x10000xf32, #tpu.memory_space<hbm>>
      %dma_start3A_298 = tpu.memref_squeeze %dma_start3A_297 : memref<1x1x10000xf32, #tpu.memory_space<hbm>> -> memref<10000xf32, #tpu.memory_space<hbm>>
      %dma_start3A_299 = arith.constant 0 : i32
      %dma_start3A_300 = tpu.memref_slice %arg7[%add3A, %run_scoped3A_293, %dma_start3A_299] : memref<32x1x10000xf32, #tpu.memory_space<hbm>> -> memref<1x1x10000xf32, #tpu.memory_space<hbm>>
      %dma_start3A_301 = tpu.memref_squeeze %dma_start3A_300 : memref<1x1x10000xf32, #tpu.memory_space<hbm>> -> memref<10000xf32, #tpu.memory_space<hbm>>
      tpu.enqueue_dma source(%arg19 : memref<10000xf32, #tpu.memory_space<vmem>>) target(%dma_start3A_301 : memref<10000xf32, #tpu.memory_space<hbm>>) target_semaphore(%run_scoped3A_295 : memref<!tpu.dma_semaphore, #tpu.memory_space<semaphore_mem>>)
      %dma_wait3A_302 = arith.constant 0 : i32
      %dma_wait3A_303 = tpu.memref_slice %arg7[%add3A, %run_scoped3A_293, %dma_wait3A_302] : memref<32x1x10000xf32, #tpu.memory_space<hbm>> -> memref<1x1x10000xf32, #tpu.memory_space<hbm>>
      %dma_wait3A_304 = tpu.memref_squeeze %dma_wait3A_303 : memref<1x1x10000xf32, #tpu.memory_space<hbm>> -> memref<10000xf32, #tpu.memory_space<hbm>>
      %dma_wait3A_305 = arith.constant 0 : i32
      %dma_wait3A_306 = tpu.memref_slice %arg7[%add3A, %run_scoped3A_293, %dma_wait3A_305] : memref<32x1x10000xf32, #tpu.memory_space<hbm>> -> memref<1x1x10000xf32, #tpu.memory_space<hbm>>
      %dma_wait3A_307 = tpu.memref_squeeze %dma_wait3A_306 : memref<1x1x10000xf32, #tpu.memory_space<hbm>> -> memref<10000xf32, #tpu.memory_space<hbm>>
      tpu.wait_dma2 semaphore(%run_scoped3A_295 : memref<!tpu.dma_semaphore, #tpu.memory_space<semaphore_mem>>) src(%arg19 : memref<10000xf32, #tpu.memory_space<vmem>>) dst(%dma_wait3A_307 : memref<10000xf32, #tpu.memory_space<hbm>>)
      tpu.yield
    }) : () -> ()
    %run_scoped3A_294 = arith.constant 0 : i32
    "tpu.region"() ({
      %run_scoped3A_295 = tpu.sem_alloc : memref<!tpu.dma_semaphore, #tpu.memory_space<semaphore_mem>>
      %dma_start3A_296 = arith.constant 0 : i32
      %dma_start3A_297 = tpu.memref_slice %arg8[%add3A, %run_scoped3A_294, %dma_start3A_296] : memref<32x1x10000xf32, #tpu.memory_space<hbm>> -> memref<1x1x10000xf32, #tpu.memory_space<hbm>>
      %dma_start3A_298 = tpu.memref_squeeze %dma_start3A_297 : memref<1x1x10000xf32, #tpu.memory_space<hbm>> -> memref<10000xf32, #tpu.memory_space<hbm>>
      %dma_start3A_299 = arith.constant 0 : i32
      %dma_start3A_300 = tpu.memref_slice %arg8[%add3A, %run_scoped3A_294, %dma_start3A_299] : memref<32x1x10000xf32, #tpu.memory_space<hbm>> -> memref<1x1x10000xf32, #tpu.memory_space<hbm>>
      %dma_start3A_301 = tpu.memref_squeeze %dma_start3A_300 : memref<1x1x10000xf32, #tpu.memory_space<hbm>> -> memref<10000xf32, #tpu.memory_space<hbm>>
      tpu.enqueue_dma source(%arg20 : memref<10000xf32, #tpu.memory_space<vmem>>) target(%dma_start3A_301 : memref<10000xf32, #tpu.memory_space<hbm>>) target_semaphore(%run_scoped3A_295 : memref<!tpu.dma_semaphore, #tpu.memory_space<semaphore_mem>>)
      %dma_wait3A_302 = arith.constant 0 : i32
      %dma_wait3A_303 = tpu.memref_slice %arg8[%add3A, %run_scoped3A_294, %dma_wait3A_302] : memref<32x1x10000xf32, #tpu.memory_space<hbm>> -> memref<1x1x10000xf32, #tpu.memory_space<hbm>>
      %dma_wait3A_304 = tpu.memref_squeeze %dma_wait3A_303 : memref<1x1x10000xf32, #tpu.memory_space<hbm>> -> memref<10000xf32, #tpu.memory_space<hbm>>
      %dma_wait3A_305 = arith.constant 0 : i32
      %dma_wait3A_306 = tpu.memref_slice %arg8[%add3A, %run_scoped3A_294, %dma_wait3A_305] : memref<32x1x10000xf32, #tpu.memory_space<hbm>> -> memref<1x1x10000xf32, #tpu.memory_space<hbm>>
      %dma_wait3A_307 = tpu.memref_squeeze %dma_wait3A_306 : memref<1x1x10000xf32, #tpu.memory_space<hbm>> -> memref<10000xf32, #tpu.memory_space<hbm>>
      tpu.wait_dma2 semaphore(%run_scoped3A_295 : memref<!tpu.dma_semaphore, #tpu.memory_space<semaphore_mem>>) src(%arg20 : memref<10000xf32, #tpu.memory_space<vmem>>) dst(%dma_wait3A_307 : memref<10000xf32, #tpu.memory_space<hbm>>)
      tpu.yield
    }) : () -> ()
    return
  }
}

#map = affine_map<(d0, d1) -> (0, 0)>
#map1 = affine_map<(d0, d1) -> (0)>
#map2 = affine_map<(d0, d1) -> (0, 0, 0)>
module attributes {stable_mosaic.version = 14 : i64} {
  func.func @_aggscatter_body(%arg0: i32, %arg1: i32, %arg2: memref<320000x128xf32, #tpu.memory_space<hbm>>, %arg3: memref<320000xi32, #tpu.memory_space<hbm>>, %arg4: memref<10000x128xf32, #tpu.memory_space<hbm>>, %arg5: memref<2x10000x128xf32, #tpu.memory_space<hbm>>, %arg6: memref<80xi32, #tpu.memory_space<vmem>>, %arg7: memref<80xi32, #tpu.memory_space<vmem>>, %arg8: memref<80xi32, #tpu.memory_space<vmem>>, %arg9: memref<80xi32, #tpu.memory_space<vmem>>, %arg10: memref<80x128xf32, #tpu.memory_space<vmem>>, %arg11: memref<80x128xf32, #tpu.memory_space<vmem>>, %arg12: memref<80x128xf32, #tpu.memory_space<vmem>>, %arg13: memref<80x128xf32, #tpu.memory_space<vmem>>, %arg14: memref<!tpu.dma_semaphore, #tpu.memory_space<semaphore_mem>>, %arg15: memref<!tpu.dma_semaphore, #tpu.memory_space<semaphore_mem>>, %arg16: memref<!tpu.dma_semaphore, #tpu.memory_space<semaphore_mem>>, %arg17: memref<!tpu.dma_semaphore, #tpu.memory_space<semaphore_mem>>, %arg18: memref<!tpu.dma_semaphore, #tpu.memory_space<semaphore_mem>>, %arg19: memref<!tpu.dma_semaphore, #tpu.memory_space<semaphore_mem>>, %arg20: memref<!tpu.dma_semaphore, #tpu.memory_space<semaphore_mem>>, %arg21: memref<!tpu.dma_semaphore, #tpu.memory_space<semaphore_mem>>, %arg22: memref<10000x128xf32, #tpu.memory_space<vmem_shared>>) attributes {dimension_semantics = [#tpu.dimension_semantics<core_parallel>, #tpu.dimension_semantics<subcore_parallel>], iteration_bounds = array<i64: 2, 16>, scalar_prefetch = 0 : i64, scratch_operands = 17 : i64, tpu.core_type = #tpu.core_type<sc_vector_subcore>, window_params = [{transform_indices = #map}, {transform_indices = #map1}, {transform_indices = #map}, {transform_indices = #map2}]} {
    %mul3A = arith.constant 16 : i32
    %mul3A_0 = arith.muli %arg0, %mul3A : i32
    %add3A = arith.addi %mul3A_0, %arg1 : i32
    %lt3A = arith.constant 15 : i32
    %lt3A_1 = arith.cmpi slt, %arg1, %lt3A : i32
    %convert_element_type3A = arith.extui %lt3A_1 : i1 to i32
    %cond3A = arith.constant 0 : i32
    %cond3A_2 = arith.cmpi ne, %convert_element_type3A, %cond3A : i32
    scf.if %cond3A_2 {
      %mul3A_72 = arith.constant 632 : i32
      %mul3A_73 = arith.muli %arg1, %mul3A_72 : i32
      "tpu.region"() ({
        %run_scoped3A = tpu.sem_alloc : memref<!tpu.dma_semaphore, #tpu.memory_space<semaphore_mem>>
        %dma_start3A_74 = arith.constant 0 : i32
        %dma_start3A_75 = tpu.memref_slice %arg22[%mul3A_73, %dma_start3A_74] : memref<10000x128xf32, #tpu.memory_space<vmem_shared>> -> memref<632x128xf32, #tpu.memory_space<vmem_shared>>
        %dma_start3A_76 = arith.constant 0 : i32
        %dma_start3A_77 = tpu.memref_slice %arg4[%mul3A_73, %dma_start3A_76] : memref<10000x128xf32, #tpu.memory_space<hbm>> -> memref<632x128xf32, #tpu.memory_space<hbm>>
        tpu.enqueue_dma source(%dma_start3A_77 : memref<632x128xf32, #tpu.memory_space<hbm>>) target(%dma_start3A_75 : memref<632x128xf32, #tpu.memory_space<vmem_shared>>) target_semaphore(%run_scoped3A : memref<!tpu.dma_semaphore, #tpu.memory_space<semaphore_mem>>)
        %dma_wait3A_78 = arith.constant 0 : i32
        %dma_wait3A_79 = tpu.memref_slice %arg22[%mul3A_73, %dma_wait3A_78] : memref<10000x128xf32, #tpu.memory_space<vmem_shared>> -> memref<632x128xf32, #tpu.memory_space<vmem_shared>>
        %dma_wait3A_80 = arith.constant 0 : i32
        %dma_wait3A_81 = tpu.memref_slice %arg4[%mul3A_73, %dma_wait3A_80] : memref<10000x128xf32, #tpu.memory_space<hbm>> -> memref<632x128xf32, #tpu.memory_space<hbm>>
        tpu.wait_dma2 semaphore(%run_scoped3A : memref<!tpu.dma_semaphore, #tpu.memory_space<semaphore_mem>>) src(%dma_wait3A_81 : memref<632x128xf32, #tpu.memory_space<hbm>>) dst(%dma_wait3A_79 : memref<632x128xf32, #tpu.memory_space<vmem_shared>>)
        tpu.yield
      }) : () -> ()
    } else {
    }
    %eq3A = arith.constant 15 : i32
    %eq3A_3 = arith.cmpi eq, %arg1, %eq3A : i32
    %convert_element_type3A_4 = arith.extui %eq3A_3 : i1 to i32
    %cond3A_5 = arith.constant 0 : i32
    %cond3A_6 = arith.cmpi ne, %convert_element_type3A_4, %cond3A_5 : i32
    scf.if %cond3A_6 {
      "tpu.region"() ({
        %run_scoped3A = tpu.sem_alloc : memref<!tpu.dma_semaphore, #tpu.memory_space<semaphore_mem>>
        %dma_start3A_72 = arith.constant 9480 : i32
        %dma_start3A_73 = arith.constant 0 : i32
        %dma_start3A_74 = tpu.memref_slice %arg22[%dma_start3A_72, %dma_start3A_73] : memref<10000x128xf32, #tpu.memory_space<vmem_shared>> -> memref<520x128xf32, #tpu.memory_space<vmem_shared>>
        %dma_start3A_75 = arith.constant 9480 : i32
        %dma_start3A_76 = arith.constant 0 : i32
        %dma_start3A_77 = tpu.memref_slice %arg4[%dma_start3A_75, %dma_start3A_76] : memref<10000x128xf32, #tpu.memory_space<hbm>> -> memref<520x128xf32, #tpu.memory_space<hbm>>
        tpu.enqueue_dma source(%dma_start3A_77 : memref<520x128xf32, #tpu.memory_space<hbm>>) target(%dma_start3A_74 : memref<520x128xf32, #tpu.memory_space<vmem_shared>>) target_semaphore(%run_scoped3A : memref<!tpu.dma_semaphore, #tpu.memory_space<semaphore_mem>>)
        %dma_wait3A_78 = arith.constant 9480 : i32
        %dma_wait3A_79 = arith.constant 0 : i32
        %dma_wait3A_80 = tpu.memref_slice %arg22[%dma_wait3A_78, %dma_wait3A_79] : memref<10000x128xf32, #tpu.memory_space<vmem_shared>> -> memref<520x128xf32, #tpu.memory_space<vmem_shared>>
        %dma_wait3A_81 = arith.constant 9480 : i32
        %dma_wait3A_82 = arith.constant 0 : i32
        %dma_wait3A_83 = tpu.memref_slice %arg4[%dma_wait3A_81, %dma_wait3A_82] : memref<10000x128xf32, #tpu.memory_space<hbm>> -> memref<520x128xf32, #tpu.memory_space<hbm>>
        tpu.wait_dma2 semaphore(%run_scoped3A : memref<!tpu.dma_semaphore, #tpu.memory_space<semaphore_mem>>) src(%dma_wait3A_83 : memref<520x128xf32, #tpu.memory_space<hbm>>) dst(%dma_wait3A_80 : memref<520x128xf32, #tpu.memory_space<vmem_shared>>)
        tpu.yield
      }) : () -> ()
    } else {
    }
    %barrier3A = arith.constant 0 : index
    tpu.barrier barrier_id(%barrier3A)
    %mul3A_7 = arith.constant 10000 : i32
    %mul3A_8 = arith.muli %add3A, %mul3A_7 : i32
    %add3A_9 = arith.constant 0 : i32
    %add3A_10 = arith.addi %mul3A_8, %add3A_9 : i32
    %dma_start3A = tpu.memref_slice %arg3[%add3A_10] : memref<320000xi32, #tpu.memory_space<hbm>> -> memref<80xi32, #tpu.memory_space<hbm>>
    %dma_start3A_11 = tpu.memref_slice %arg3[%add3A_10] : memref<320000xi32, #tpu.memory_space<hbm>> -> memref<80xi32, #tpu.memory_space<hbm>>
    tpu.enqueue_dma source(%dma_start3A_11 : memref<80xi32, #tpu.memory_space<hbm>>) target(%arg6 : memref<80xi32, #tpu.memory_space<vmem>>) target_semaphore(%arg14 : memref<!tpu.dma_semaphore, #tpu.memory_space<semaphore_mem>>)
    %dma_start3A_12 = arith.constant 0 : i32
    %dma_start3A_13 = tpu.memref_slice %arg2[%add3A_10, %dma_start3A_12] : memref<320000x128xf32, #tpu.memory_space<hbm>> -> memref<80x128xf32, #tpu.memory_space<hbm>>
    %dma_start3A_14 = arith.constant 0 : i32
    %dma_start3A_15 = tpu.memref_slice %arg2[%add3A_10, %dma_start3A_14] : memref<320000x128xf32, #tpu.memory_space<hbm>> -> memref<80x128xf32, #tpu.memory_space<hbm>>
    tpu.enqueue_dma source(%dma_start3A_15 : memref<80x128xf32, #tpu.memory_space<hbm>>) target(%arg10 : memref<80x128xf32, #tpu.memory_space<vmem>>) target_semaphore(%arg14 : memref<!tpu.dma_semaphore, #tpu.memory_space<semaphore_mem>>)
    %add3A_16 = arith.constant 80 : i32
    %add3A_17 = arith.addi %mul3A_8, %add3A_16 : i32
    %dma_start3A_18 = tpu.memref_slice %arg3[%add3A_17] : memref<320000xi32, #tpu.memory_space<hbm>> -> memref<80xi32, #tpu.memory_space<hbm>>
    %dma_start3A_19 = tpu.memref_slice %arg3[%add3A_17] : memref<320000xi32, #tpu.memory_space<hbm>> -> memref<80xi32, #tpu.memory_space<hbm>>
    tpu.enqueue_dma source(%dma_start3A_19 : memref<80xi32, #tpu.memory_space<hbm>>) target(%arg7 : memref<80xi32, #tpu.memory_space<vmem>>) target_semaphore(%arg15 : memref<!tpu.dma_semaphore, #tpu.memory_space<semaphore_mem>>)
    %dma_start3A_20 = arith.constant 0 : i32
    %dma_start3A_21 = tpu.memref_slice %arg2[%add3A_17, %dma_start3A_20] : memref<320000x128xf32, #tpu.memory_space<hbm>> -> memref<80x128xf32, #tpu.memory_space<hbm>>
    %dma_start3A_22 = arith.constant 0 : i32
    %dma_start3A_23 = tpu.memref_slice %arg2[%add3A_17, %dma_start3A_22] : memref<320000x128xf32, #tpu.memory_space<hbm>> -> memref<80x128xf32, #tpu.memory_space<hbm>>
    tpu.enqueue_dma source(%dma_start3A_23 : memref<80x128xf32, #tpu.memory_space<hbm>>) target(%arg11 : memref<80x128xf32, #tpu.memory_space<vmem>>) target_semaphore(%arg15 : memref<!tpu.dma_semaphore, #tpu.memory_space<semaphore_mem>>)
    %add3A_24 = arith.constant 160 : i32
    %add3A_25 = arith.addi %mul3A_8, %add3A_24 : i32
    %dma_start3A_26 = tpu.memref_slice %arg3[%add3A_25] : memref<320000xi32, #tpu.memory_space<hbm>> -> memref<80xi32, #tpu.memory_space<hbm>>
    %dma_start3A_27 = tpu.memref_slice %arg3[%add3A_25] : memref<320000xi32, #tpu.memory_space<hbm>> -> memref<80xi32, #tpu.memory_space<hbm>>
    tpu.enqueue_dma source(%dma_start3A_27 : memref<80xi32, #tpu.memory_space<hbm>>) target(%arg8 : memref<80xi32, #tpu.memory_space<vmem>>) target_semaphore(%arg16 : memref<!tpu.dma_semaphore, #tpu.memory_space<semaphore_mem>>)
    %dma_start3A_28 = arith.constant 0 : i32
    %dma_start3A_29 = tpu.memref_slice %arg2[%add3A_25, %dma_start3A_28] : memref<320000x128xf32, #tpu.memory_space<hbm>> -> memref<80x128xf32, #tpu.memory_space<hbm>>
    %dma_start3A_30 = arith.constant 0 : i32
    %dma_start3A_31 = tpu.memref_slice %arg2[%add3A_25, %dma_start3A_30] : memref<320000x128xf32, #tpu.memory_space<hbm>> -> memref<80x128xf32, #tpu.memory_space<hbm>>
    tpu.enqueue_dma source(%dma_start3A_31 : memref<80x128xf32, #tpu.memory_space<hbm>>) target(%arg12 : memref<80x128xf32, #tpu.memory_space<vmem>>) target_semaphore(%arg16 : memref<!tpu.dma_semaphore, #tpu.memory_space<semaphore_mem>>)
    %scan3A = arith.constant 0 : i32
    %scan3A_32 = arith.constant 0 : i32
    %scan3A_33 = arith.constant 31 : i32
    %scan3A_34 = arith.addi %scan3A_32, %scan3A_33 : i32
    %scan3A_35 = arith.constant 1 : i32
    scf.for %scan3A_72 = %scan3A_32 to %scan3A_34 step %scan3A_35  : i32 {
      %mul3A_73 = arith.constant 4 : i32
      %mul3A_74 = arith.muli %mul3A_73, %scan3A_72 : i32
      %dma_wait3A_75 = arith.constant 0 : i32
      %dma_wait3A_76 = tpu.memref_slice %arg3[%dma_wait3A_75] : memref<320000xi32, #tpu.memory_space<hbm>> -> memref<80xi32, #tpu.memory_space<hbm>>
      %dma_wait3A_77 = arith.constant 0 : i32
      %dma_wait3A_78 = tpu.memref_slice %arg3[%dma_wait3A_77] : memref<320000xi32, #tpu.memory_space<hbm>> -> memref<80xi32, #tpu.memory_space<hbm>>
      tpu.wait_dma2 semaphore(%arg14 : memref<!tpu.dma_semaphore, #tpu.memory_space<semaphore_mem>>) src(%dma_wait3A_78 : memref<80xi32, #tpu.memory_space<hbm>>) dst(%arg6 : memref<80xi32, #tpu.memory_space<vmem>>)
      %dma_wait3A_79 = arith.constant 0 : i32
      %dma_wait3A_80 = arith.constant 0 : i32
      %dma_wait3A_81 = tpu.memref_slice %arg2[%dma_wait3A_79, %dma_wait3A_80] : memref<320000x128xf32, #tpu.memory_space<hbm>> -> memref<80x128xf32, #tpu.memory_space<hbm>>
      %dma_wait3A_82 = arith.constant 0 : i32
      %dma_wait3A_83 = arith.constant 0 : i32
      %dma_wait3A_84 = tpu.memref_slice %arg2[%dma_wait3A_82, %dma_wait3A_83] : memref<320000x128xf32, #tpu.memory_space<hbm>> -> memref<80x128xf32, #tpu.memory_space<hbm>>
      tpu.wait_dma2 semaphore(%arg14 : memref<!tpu.dma_semaphore, #tpu.memory_space<semaphore_mem>>) src(%dma_wait3A_84 : memref<80x128xf32, #tpu.memory_space<hbm>>) dst(%arg10 : memref<80x128xf32, #tpu.memory_space<vmem>>)
      %dma_start3A_85 = arith.constant 0 : i32
      %dma_start3A_86 = arith.constant 0 : i32
      %dma_start3A_87 = tpu.memref_slice %arg22[%dma_start3A_85, %dma_start3A_86] : memref<10000x128xf32, #tpu.memory_space<vmem_shared>> -> memref<10000x128xf32, #tpu.memory_space<vmem_shared>>
      tpu.enqueue_indirect_dma source(%arg10 : memref<80x128xf32, #tpu.memory_space<vmem>>) target(%dma_start3A_87 : memref<10000x128xf32, #tpu.memory_space<vmem_shared>>) offsets(%arg6 : memref<80xi32, #tpu.memory_space<vmem>>) semaphore(%arg18 : memref<!tpu.dma_semaphore, #tpu.memory_space<semaphore_mem>>) {add = true}
      %gt3A = arith.constant 0 : i32
      %gt3A_88 = arith.cmpi sgt, %scan3A_72, %gt3A : i32
      %convert_element_type3A_89 = arith.extui %gt3A_88 : i1 to i32
      %cond3A_90 = arith.constant 0 : i32
      %cond3A_91 = arith.cmpi ne, %convert_element_type3A_89, %cond3A_90 : i32
      scf.if %cond3A_91 {
        %dma_wait3A_185 = arith.constant 0 : i32
        %dma_wait3A_186 = arith.constant 0 : i32
        %dma_wait3A_187 = tpu.memref_slice %arg22[%dma_wait3A_185, %dma_wait3A_186] : memref<10000x128xf32, #tpu.memory_space<vmem_shared>> -> memref<80x128xf32, #tpu.memory_space<vmem_shared>>
        %dma_wait3A_188 = arith.constant 0 : i32
        %dma_wait3A_189 = arith.constant 0 : i32
        %dma_wait3A_190 = tpu.memref_slice %arg22[%dma_wait3A_188, %dma_wait3A_189] : memref<10000x128xf32, #tpu.memory_space<vmem_shared>> -> memref<80x128xf32, #tpu.memory_space<vmem_shared>>
        tpu.wait_dma2 semaphore(%arg21 : memref<!tpu.dma_semaphore, #tpu.memory_space<semaphore_mem>>) src(%arg13 : memref<80x128xf32, #tpu.memory_space<vmem>>) dst(%dma_wait3A_190 : memref<80x128xf32, #tpu.memory_space<vmem_shared>>)
      } else {
      }
      %add3A_92 = arith.constant 3 : i32
      %add3A_93 = arith.addi %mul3A_74, %add3A_92 : i32
      %mul3A_94 = arith.constant 80 : i32
      %mul3A_95 = arith.muli %add3A_93, %mul3A_94 : i32
      %add3A_96 = arith.addi %mul3A_8, %mul3A_95 : i32
      %dma_start3A_97 = tpu.memref_slice %arg3[%add3A_96] : memref<320000xi32, #tpu.memory_space<hbm>> -> memref<80xi32, #tpu.memory_space<hbm>>
      %dma_start3A_98 = tpu.memref_slice %arg3[%add3A_96] : memref<320000xi32, #tpu.memory_space<hbm>> -> memref<80xi32, #tpu.memory_space<hbm>>
      tpu.enqueue_dma source(%dma_start3A_98 : memref<80xi32, #tpu.memory_space<hbm>>) target(%arg9 : memref<80xi32, #tpu.memory_space<vmem>>) target_semaphore(%arg17 : memref<!tpu.dma_semaphore, #tpu.memory_space<semaphore_mem>>)
      %dma_start3A_99 = arith.constant 0 : i32
      %dma_start3A_100 = tpu.memref_slice %arg2[%add3A_96, %dma_start3A_99] : memref<320000x128xf32, #tpu.memory_space<hbm>> -> memref<80x128xf32, #tpu.memory_space<hbm>>
      %dma_start3A_101 = arith.constant 0 : i32
      %dma_start3A_102 = tpu.memref_slice %arg2[%add3A_96, %dma_start3A_101] : memref<320000x128xf32, #tpu.memory_space<hbm>> -> memref<80x128xf32, #tpu.memory_space<hbm>>
      tpu.enqueue_dma source(%dma_start3A_102 : memref<80x128xf32, #tpu.memory_space<hbm>>) target(%arg13 : memref<80x128xf32, #tpu.memory_space<vmem>>) target_semaphore(%arg17 : memref<!tpu.dma_semaphore, #tpu.memory_space<semaphore_mem>>)
      %dma_wait3A_103 = arith.constant 0 : i32
      %dma_wait3A_104 = tpu.memref_slice %arg3[%dma_wait3A_103] : memref<320000xi32, #tpu.memory_space<hbm>> -> memref<80xi32, #tpu.memory_space<hbm>>
      %dma_wait3A_105 = arith.constant 0 : i32
      %dma_wait3A_106 = tpu.memref_slice %arg3[%dma_wait3A_105] : memref<320000xi32, #tpu.memory_space<hbm>> -> memref<80xi32, #tpu.memory_space<hbm>>
      tpu.wait_dma2 semaphore(%arg15 : memref<!tpu.dma_semaphore, #tpu.memory_space<semaphore_mem>>) src(%dma_wait3A_106 : memref<80xi32, #tpu.memory_space<hbm>>) dst(%arg7 : memref<80xi32, #tpu.memory_space<vmem>>)
      %dma_wait3A_107 = arith.constant 0 : i32
      %dma_wait3A_108 = arith.constant 0 : i32
      %dma_wait3A_109 = tpu.memref_slice %arg2[%dma_wait3A_107, %dma_wait3A_108] : memref<320000x128xf32, #tpu.memory_space<hbm>> -> memref<80x128xf32, #tpu.memory_space<hbm>>
      %dma_wait3A_110 = arith.constant 0 : i32
      %dma_wait3A_111 = arith.constant 0 : i32
      %dma_wait3A_112 = tpu.memref_slice %arg2[%dma_wait3A_110, %dma_wait3A_111] : memref<320000x128xf32, #tpu.memory_space<hbm>> -> memref<80x128xf32, #tpu.memory_space<hbm>>
      tpu.wait_dma2 semaphore(%arg15 : memref<!tpu.dma_semaphore, #tpu.memory_space<semaphore_mem>>) src(%dma_wait3A_112 : memref<80x128xf32, #tpu.memory_space<hbm>>) dst(%arg11 : memref<80x128xf32, #tpu.memory_space<vmem>>)
      %dma_start3A_113 = arith.constant 0 : i32
      %dma_start3A_114 = arith.constant 0 : i32
      %dma_start3A_115 = tpu.memref_slice %arg22[%dma_start3A_113, %dma_start3A_114] : memref<10000x128xf32, #tpu.memory_space<vmem_shared>> -> memref<10000x128xf32, #tpu.memory_space<vmem_shared>>
      tpu.enqueue_indirect_dma source(%arg11 : memref<80x128xf32, #tpu.memory_space<vmem>>) target(%dma_start3A_115 : memref<10000x128xf32, #tpu.memory_space<vmem_shared>>) offsets(%arg7 : memref<80xi32, #tpu.memory_space<vmem>>) semaphore(%arg19 : memref<!tpu.dma_semaphore, #tpu.memory_space<semaphore_mem>>) {add = true}
      %dma_wait3A_116 = arith.constant 0 : i32
      %dma_wait3A_117 = arith.constant 0 : i32
      %dma_wait3A_118 = tpu.memref_slice %arg22[%dma_wait3A_116, %dma_wait3A_117] : memref<10000x128xf32, #tpu.memory_space<vmem_shared>> -> memref<80x128xf32, #tpu.memory_space<vmem_shared>>
      %dma_wait3A_119 = arith.constant 0 : i32
      %dma_wait3A_120 = arith.constant 0 : i32
      %dma_wait3A_121 = tpu.memref_slice %arg22[%dma_wait3A_119, %dma_wait3A_120] : memref<10000x128xf32, #tpu.memory_space<vmem_shared>> -> memref<80x128xf32, #tpu.memory_space<vmem_shared>>
      tpu.wait_dma2 semaphore(%arg18 : memref<!tpu.dma_semaphore, #tpu.memory_space<semaphore_mem>>) src(%arg10 : memref<80x128xf32, #tpu.memory_space<vmem>>) dst(%dma_wait3A_121 : memref<80x128xf32, #tpu.memory_space<vmem_shared>>)
      %add3A_122 = arith.constant 4 : i32
      %add3A_123 = arith.addi %mul3A_74, %add3A_122 : i32
      %mul3A_124 = arith.constant 80 : i32
      %mul3A_125 = arith.muli %add3A_123, %mul3A_124 : i32
      %add3A_126 = arith.addi %mul3A_8, %mul3A_125 : i32
      %dma_start3A_127 = tpu.memref_slice %arg3[%add3A_126] : memref<320000xi32, #tpu.memory_space<hbm>> -> memref<80xi32, #tpu.memory_space<hbm>>
      %dma_start3A_128 = tpu.memref_slice %arg3[%add3A_126] : memref<320000xi32, #tpu.memory_space<hbm>> -> memref<80xi32, #tpu.memory_space<hbm>>
      tpu.enqueue_dma source(%dma_start3A_128 : memref<80xi32, #tpu.memory_space<hbm>>) target(%arg6 : memref<80xi32, #tpu.memory_space<vmem>>) target_semaphore(%arg14 : memref<!tpu.dma_semaphore, #tpu.memory_space<semaphore_mem>>)
      %dma_start3A_129 = arith.constant 0 : i32
      %dma_start3A_130 = tpu.memref_slice %arg2[%add3A_126, %dma_start3A_129] : memref<320000x128xf32, #tpu.memory_space<hbm>> -> memref<80x128xf32, #tpu.memory_space<hbm>>
      %dma_start3A_131 = arith.constant 0 : i32
      %dma_start3A_132 = tpu.memref_slice %arg2[%add3A_126, %dma_start3A_131] : memref<320000x128xf32, #tpu.memory_space<hbm>> -> memref<80x128xf32, #tpu.memory_space<hbm>>
      tpu.enqueue_dma source(%dma_start3A_132 : memref<80x128xf32, #tpu.memory_space<hbm>>) target(%arg10 : memref<80x128xf32, #tpu.memory_space<vmem>>) target_semaphore(%arg14 : memref<!tpu.dma_semaphore, #tpu.memory_space<semaphore_mem>>)
      %dma_wait3A_133 = arith.constant 0 : i32
      %dma_wait3A_134 = tpu.memref_slice %arg3[%dma_wait3A_133] : memref<320000xi32, #tpu.memory_space<hbm>> -> memref<80xi32, #tpu.memory_space<hbm>>
      %dma_wait3A_135 = arith.constant 0 : i32
      %dma_wait3A_136 = tpu.memref_slice %arg3[%dma_wait3A_135] : memref<320000xi32, #tpu.memory_space<hbm>> -> memref<80xi32, #tpu.memory_space<hbm>>
      tpu.wait_dma2 semaphore(%arg16 : memref<!tpu.dma_semaphore, #tpu.memory_space<semaphore_mem>>) src(%dma_wait3A_136 : memref<80xi32, #tpu.memory_space<hbm>>) dst(%arg8 : memref<80xi32, #tpu.memory_space<vmem>>)
      %dma_wait3A_137 = arith.constant 0 : i32
      %dma_wait3A_138 = arith.constant 0 : i32
      %dma_wait3A_139 = tpu.memref_slice %arg2[%dma_wait3A_137, %dma_wait3A_138] : memref<320000x128xf32, #tpu.memory_space<hbm>> -> memref<80x128xf32, #tpu.memory_space<hbm>>
      %dma_wait3A_140 = arith.constant 0 : i32
      %dma_wait3A_141 = arith.constant 0 : i32
      %dma_wait3A_142 = tpu.memref_slice %arg2[%dma_wait3A_140, %dma_wait3A_141] : memref<320000x128xf32, #tpu.memory_space<hbm>> -> memref<80x128xf32, #tpu.memory_space<hbm>>
      tpu.wait_dma2 semaphore(%arg16 : memref<!tpu.dma_semaphore, #tpu.memory_space<semaphore_mem>>) src(%dma_wait3A_142 : memref<80x128xf32, #tpu.memory_space<hbm>>) dst(%arg12 : memref<80x128xf32, #tpu.memory_space<vmem>>)
      %dma_start3A_143 = arith.constant 0 : i32
      %dma_start3A_144 = arith.constant 0 : i32
      %dma_start3A_145 = tpu.memref_slice %arg22[%dma_start3A_143, %dma_start3A_144] : memref<10000x128xf32, #tpu.memory_space<vmem_shared>> -> memref<10000x128xf32, #tpu.memory_space<vmem_shared>>
      tpu.enqueue_indirect_dma source(%arg12 : memref<80x128xf32, #tpu.memory_space<vmem>>) target(%dma_start3A_145 : memref<10000x128xf32, #tpu.memory_space<vmem_shared>>) offsets(%arg8 : memref<80xi32, #tpu.memory_space<vmem>>) semaphore(%arg20 : memref<!tpu.dma_semaphore, #tpu.memory_space<semaphore_mem>>) {add = true}
      %dma_wait3A_146 = arith.constant 0 : i32
      %dma_wait3A_147 = arith.constant 0 : i32
      %dma_wait3A_148 = tpu.memref_slice %arg22[%dma_wait3A_146, %dma_wait3A_147] : memref<10000x128xf32, #tpu.memory_space<vmem_shared>> -> memref<80x128xf32, #tpu.memory_space<vmem_shared>>
      %dma_wait3A_149 = arith.constant 0 : i32
      %dma_wait3A_150 = arith.constant 0 : i32
      %dma_wait3A_151 = tpu.memref_slice %arg22[%dma_wait3A_149, %dma_wait3A_150] : memref<10000x128xf32, #tpu.memory_space<vmem_shared>> -> memref<80x128xf32, #tpu.memory_space<vmem_shared>>
      tpu.wait_dma2 semaphore(%arg19 : memref<!tpu.dma_semaphore, #tpu.memory_space<semaphore_mem>>) src(%arg11 : memref<80x128xf32, #tpu.memory_space<vmem>>) dst(%dma_wait3A_151 : memref<80x128xf32, #tpu.memory_space<vmem_shared>>)
      %add3A_152 = arith.constant 5 : i32
      %add3A_153 = arith.addi %mul3A_74, %add3A_152 : i32
      %lt3A_154 = arith.constant 125 : i32
      %lt3A_155 = arith.cmpi slt, %add3A_153, %lt3A_154 : i32
      %convert_element_type3A_156 = arith.extui %lt3A_155 : i1 to i32
      %cond3A_157 = arith.constant 0 : i32
      %cond3A_158 = arith.cmpi ne, %convert_element_type3A_156, %cond3A_157 : i32
      scf.if %cond3A_158 {
        %add3A_185 = arith.constant 5 : i32
        %add3A_186 = arith.addi %mul3A_74, %add3A_185 : i32
        %mul3A_187 = arith.constant 80 : i32
        %mul3A_188 = arith.muli %add3A_186, %mul3A_187 : i32
        %add3A_189 = arith.addi %mul3A_8, %mul3A_188 : i32
        %dma_start3A_190 = tpu.memref_slice %arg3[%add3A_189] : memref<320000xi32, #tpu.memory_space<hbm>> -> memref<80xi32, #tpu.memory_space<hbm>>
        %dma_start3A_191 = tpu.memref_slice %arg3[%add3A_189] : memref<320000xi32, #tpu.memory_space<hbm>> -> memref<80xi32, #tpu.memory_space<hbm>>
        tpu.enqueue_dma source(%dma_start3A_191 : memref<80xi32, #tpu.memory_space<hbm>>) target(%arg7 : memref<80xi32, #tpu.memory_space<vmem>>) target_semaphore(%arg15 : memref<!tpu.dma_semaphore, #tpu.memory_space<semaphore_mem>>)
        %dma_start3A_192 = arith.constant 0 : i32
        %dma_start3A_193 = tpu.memref_slice %arg2[%add3A_189, %dma_start3A_192] : memref<320000x128xf32, #tpu.memory_space<hbm>> -> memref<80x128xf32, #tpu.memory_space<hbm>>
        %dma_start3A_194 = arith.constant 0 : i32
        %dma_start3A_195 = tpu.memref_slice %arg2[%add3A_189, %dma_start3A_194] : memref<320000x128xf32, #tpu.memory_space<hbm>> -> memref<80x128xf32, #tpu.memory_space<hbm>>
        tpu.enqueue_dma source(%dma_start3A_195 : memref<80x128xf32, #tpu.memory_space<hbm>>) target(%arg11 : memref<80x128xf32, #tpu.memory_space<vmem>>) target_semaphore(%arg15 : memref<!tpu.dma_semaphore, #tpu.memory_space<semaphore_mem>>)
      } else {
      }
      %dma_wait3A_159 = arith.constant 0 : i32
      %dma_wait3A_160 = tpu.memref_slice %arg3[%dma_wait3A_159] : memref<320000xi32, #tpu.memory_space<hbm>> -> memref<80xi32, #tpu.memory_space<hbm>>
      %dma_wait3A_161 = arith.constant 0 : i32
      %dma_wait3A_162 = tpu.memref_slice %arg3[%dma_wait3A_161] : memref<320000xi32, #tpu.memory_space<hbm>> -> memref<80xi32, #tpu.memory_space<hbm>>
      tpu.wait_dma2 semaphore(%arg17 : memref<!tpu.dma_semaphore, #tpu.memory_space<semaphore_mem>>) src(%dma_wait3A_162 : memref<80xi32, #tpu.memory_space<hbm>>) dst(%arg9 : memref<80xi32, #tpu.memory_space<vmem>>)
      %dma_wait3A_163 = arith.constant 0 : i32
      %dma_wait3A_164 = arith.constant 0 : i32
      %dma_wait3A_165 = tpu.memref_slice %arg2[%dma_wait3A_163, %dma_wait3A_164] : memref<320000x128xf32, #tpu.memory_space<hbm>> -> memref<80x128xf32, #tpu.memory_space<hbm>>
      %dma_wait3A_166 = arith.constant 0 : i32
      %dma_wait3A_167 = arith.constant 0 : i32
      %dma_wait3A_168 = tpu.memref_slice %arg2[%dma_wait3A_166, %dma_wait3A_167] : memref<320000x128xf32, #tpu.memory_space<hbm>> -> memref<80x128xf32, #tpu.memory_space<hbm>>
      tpu.wait_dma2 semaphore(%arg17 : memref<!tpu.dma_semaphore, #tpu.memory_space<semaphore_mem>>) src(%dma_wait3A_168 : memref<80x128xf32, #tpu.memory_space<hbm>>) dst(%arg13 : memref<80x128xf32, #tpu.memory_space<vmem>>)
      %dma_start3A_169 = arith.constant 0 : i32
      %dma_start3A_170 = arith.constant 0 : i32
      %dma_start3A_171 = tpu.memref_slice %arg22[%dma_start3A_169, %dma_start3A_170] : memref<10000x128xf32, #tpu.memory_space<vmem_shared>> -> memref<10000x128xf32, #tpu.memory_space<vmem_shared>>
      tpu.enqueue_indirect_dma source(%arg13 : memref<80x128xf32, #tpu.memory_space<vmem>>) target(%dma_start3A_171 : memref<10000x128xf32, #tpu.memory_space<vmem_shared>>) offsets(%arg9 : memref<80xi32, #tpu.memory_space<vmem>>) semaphore(%arg21 : memref<!tpu.dma_semaphore, #tpu.memory_space<semaphore_mem>>) {add = true}
      %dma_wait3A_172 = arith.constant 0 : i32
      %dma_wait3A_173 = arith.constant 0 : i32
      %dma_wait3A_174 = tpu.memref_slice %arg22[%dma_wait3A_172, %dma_wait3A_173] : memref<10000x128xf32, #tpu.memory_space<vmem_shared>> -> memref<80x128xf32, #tpu.memory_space<vmem_shared>>
      %dma_wait3A_175 = arith.constant 0 : i32
      %dma_wait3A_176 = arith.constant 0 : i32
      %dma_wait3A_177 = tpu.memref_slice %arg22[%dma_wait3A_175, %dma_wait3A_176] : memref<10000x128xf32, #tpu.memory_space<vmem_shared>> -> memref<80x128xf32, #tpu.memory_space<vmem_shared>>
      tpu.wait_dma2 semaphore(%arg20 : memref<!tpu.dma_semaphore, #tpu.memory_space<semaphore_mem>>) src(%arg12 : memref<80x128xf32, #tpu.memory_space<vmem>>) dst(%dma_wait3A_177 : memref<80x128xf32, #tpu.memory_space<vmem_shared>>)
      %add3A_178 = arith.constant 6 : i32
      %add3A_179 = arith.addi %mul3A_74, %add3A_178 : i32
      %lt3A_180 = arith.constant 125 : i32
      %lt3A_181 = arith.cmpi slt, %add3A_179, %lt3A_180 : i32
      %convert_element_type3A_182 = arith.extui %lt3A_181 : i1 to i32
      %cond3A_183 = arith.constant 0 : i32
      %cond3A_184 = arith.cmpi ne, %convert_element_type3A_182, %cond3A_183 : i32
      scf.if %cond3A_184 {
        %add3A_185 = arith.constant 6 : i32
        %add3A_186 = arith.addi %mul3A_74, %add3A_185 : i32
        %mul3A_187 = arith.constant 80 : i32
        %mul3A_188 = arith.muli %add3A_186, %mul3A_187 : i32
        %add3A_189 = arith.addi %mul3A_8, %mul3A_188 : i32
        %dma_start3A_190 = tpu.memref_slice %arg3[%add3A_189] : memref<320000xi32, #tpu.memory_space<hbm>> -> memref<80xi32, #tpu.memory_space<hbm>>
        %dma_start3A_191 = tpu.memref_slice %arg3[%add3A_189] : memref<320000xi32, #tpu.memory_space<hbm>> -> memref<80xi32, #tpu.memory_space<hbm>>
        tpu.enqueue_dma source(%dma_start3A_191 : memref<80xi32, #tpu.memory_space<hbm>>) target(%arg8 : memref<80xi32, #tpu.memory_space<vmem>>) target_semaphore(%arg16 : memref<!tpu.dma_semaphore, #tpu.memory_space<semaphore_mem>>)
        %dma_start3A_192 = arith.constant 0 : i32
        %dma_start3A_193 = tpu.memref_slice %arg2[%add3A_189, %dma_start3A_192] : memref<320000x128xf32, #tpu.memory_space<hbm>> -> memref<80x128xf32, #tpu.memory_space<hbm>>
        %dma_start3A_194 = arith.constant 0 : i32
        %dma_start3A_195 = tpu.memref_slice %arg2[%add3A_189, %dma_start3A_194] : memref<320000x128xf32, #tpu.memory_space<hbm>> -> memref<80x128xf32, #tpu.memory_space<hbm>>
        tpu.enqueue_dma source(%dma_start3A_195 : memref<80x128xf32, #tpu.memory_space<hbm>>) target(%arg12 : memref<80x128xf32, #tpu.memory_space<vmem>>) target_semaphore(%arg16 : memref<!tpu.dma_semaphore, #tpu.memory_space<semaphore_mem>>)
      } else {
      }
    }
    %scan3A_36 = arith.constant 31 : i32
    %dma_wait3A = arith.constant 0 : i32
    %dma_wait3A_37 = arith.constant 0 : i32
    %dma_wait3A_38 = tpu.memref_slice %arg22[%dma_wait3A, %dma_wait3A_37] : memref<10000x128xf32, #tpu.memory_space<vmem_shared>> -> memref<80x128xf32, #tpu.memory_space<vmem_shared>>
    %dma_wait3A_39 = arith.constant 0 : i32
    %dma_wait3A_40 = arith.constant 0 : i32
    %dma_wait3A_41 = tpu.memref_slice %arg22[%dma_wait3A_39, %dma_wait3A_40] : memref<10000x128xf32, #tpu.memory_space<vmem_shared>> -> memref<80x128xf32, #tpu.memory_space<vmem_shared>>
    tpu.wait_dma2 semaphore(%arg21 : memref<!tpu.dma_semaphore, #tpu.memory_space<semaphore_mem>>) src(%arg13 : memref<80x128xf32, #tpu.memory_space<vmem>>) dst(%dma_wait3A_41 : memref<80x128xf32, #tpu.memory_space<vmem_shared>>)
    %dma_wait3A_42 = arith.constant 0 : i32
    %dma_wait3A_43 = tpu.memref_slice %arg3[%dma_wait3A_42] : memref<320000xi32, #tpu.memory_space<hbm>> -> memref<80xi32, #tpu.memory_space<hbm>>
    %dma_wait3A_44 = arith.constant 0 : i32
    %dma_wait3A_45 = tpu.memref_slice %arg3[%dma_wait3A_44] : memref<320000xi32, #tpu.memory_space<hbm>> -> memref<80xi32, #tpu.memory_space<hbm>>
    tpu.wait_dma2 semaphore(%arg14 : memref<!tpu.dma_semaphore, #tpu.memory_space<semaphore_mem>>) src(%dma_wait3A_45 : memref<80xi32, #tpu.memory_space<hbm>>) dst(%arg6 : memref<80xi32, #tpu.memory_space<vmem>>)
    %dma_wait3A_46 = arith.constant 0 : i32
    %dma_wait3A_47 = arith.constant 0 : i32
    %dma_wait3A_48 = tpu.memref_slice %arg2[%dma_wait3A_46, %dma_wait3A_47] : memref<320000x128xf32, #tpu.memory_space<hbm>> -> memref<80x128xf32, #tpu.memory_space<hbm>>
    %dma_wait3A_49 = arith.constant 0 : i32
    %dma_wait3A_50 = arith.constant 0 : i32
    %dma_wait3A_51 = tpu.memref_slice %arg2[%dma_wait3A_49, %dma_wait3A_50] : memref<320000x128xf32, #tpu.memory_space<hbm>> -> memref<80x128xf32, #tpu.memory_space<hbm>>
    tpu.wait_dma2 semaphore(%arg14 : memref<!tpu.dma_semaphore, #tpu.memory_space<semaphore_mem>>) src(%dma_wait3A_51 : memref<80x128xf32, #tpu.memory_space<hbm>>) dst(%arg10 : memref<80x128xf32, #tpu.memory_space<vmem>>)
    %dma_start3A_52 = arith.constant 0 : i32
    %dma_start3A_53 = arith.constant 0 : i32
    %dma_start3A_54 = tpu.memref_slice %arg22[%dma_start3A_52, %dma_start3A_53] : memref<10000x128xf32, #tpu.memory_space<vmem_shared>> -> memref<10000x128xf32, #tpu.memory_space<vmem_shared>>
    tpu.enqueue_indirect_dma source(%arg10 : memref<80x128xf32, #tpu.memory_space<vmem>>) target(%dma_start3A_54 : memref<10000x128xf32, #tpu.memory_space<vmem_shared>>) offsets(%arg6 : memref<80xi32, #tpu.memory_space<vmem>>) semaphore(%arg18 : memref<!tpu.dma_semaphore, #tpu.memory_space<semaphore_mem>>) {add = true}
    %dma_wait3A_55 = arith.constant 0 : i32
    %dma_wait3A_56 = arith.constant 0 : i32
    %dma_wait3A_57 = tpu.memref_slice %arg22[%dma_wait3A_55, %dma_wait3A_56] : memref<10000x128xf32, #tpu.memory_space<vmem_shared>> -> memref<80x128xf32, #tpu.memory_space<vmem_shared>>
    %dma_wait3A_58 = arith.constant 0 : i32
    %dma_wait3A_59 = arith.constant 0 : i32
    %dma_wait3A_60 = tpu.memref_slice %arg22[%dma_wait3A_58, %dma_wait3A_59] : memref<10000x128xf32, #tpu.memory_space<vmem_shared>> -> memref<80x128xf32, #tpu.memory_space<vmem_shared>>
    tpu.wait_dma2 semaphore(%arg18 : memref<!tpu.dma_semaphore, #tpu.memory_space<semaphore_mem>>) src(%arg10 : memref<80x128xf32, #tpu.memory_space<vmem>>) dst(%dma_wait3A_60 : memref<80x128xf32, #tpu.memory_space<vmem_shared>>)
    %barrier3A_61 = arith.constant 0 : index
    tpu.barrier barrier_id(%barrier3A_61)
    %lt3A_62 = arith.constant 15 : i32
    %lt3A_63 = arith.cmpi slt, %arg1, %lt3A_62 : i32
    %convert_element_type3A_64 = arith.extui %lt3A_63 : i1 to i32
    %cond3A_65 = arith.constant 0 : i32
    %cond3A_66 = arith.cmpi ne, %convert_element_type3A_64, %cond3A_65 : i32
    scf.if %cond3A_66 {
      %mul3A_72 = arith.constant 632 : i32
      %mul3A_73 = arith.muli %arg1, %mul3A_72 : i32
      "tpu.region"() ({
        %run_scoped3A = tpu.sem_alloc : memref<!tpu.dma_semaphore, #tpu.memory_space<semaphore_mem>>
        %dma_start3A_74 = arith.constant 0 : i32
        %dma_start3A_75 = tpu.memref_slice %arg5[%arg0, %mul3A_73, %dma_start3A_74] : memref<2x10000x128xf32, #tpu.memory_space<hbm>> -> memref<1x632x128xf32, #tpu.memory_space<hbm>>
        %dma_start3A_76 = tpu.memref_squeeze %dma_start3A_75 : memref<1x632x128xf32, #tpu.memory_space<hbm>> -> memref<632x128xf32, #tpu.memory_space<hbm>>
        %dma_start3A_77 = arith.constant 0 : i32
        %dma_start3A_78 = tpu.memref_slice %arg22[%mul3A_73, %dma_start3A_77] : memref<10000x128xf32, #tpu.memory_space<vmem_shared>> -> memref<632x128xf32, #tpu.memory_space<vmem_shared>>
        tpu.enqueue_dma source(%dma_start3A_78 : memref<632x128xf32, #tpu.memory_space<vmem_shared>>) target(%dma_start3A_76 : memref<632x128xf32, #tpu.memory_space<hbm>>) target_semaphore(%run_scoped3A : memref<!tpu.dma_semaphore, #tpu.memory_space<semaphore_mem>>)
        %dma_wait3A_79 = arith.constant 0 : i32
        %dma_wait3A_80 = tpu.memref_slice %arg5[%arg0, %mul3A_73, %dma_wait3A_79] : memref<2x10000x128xf32, #tpu.memory_space<hbm>> -> memref<1x632x128xf32, #tpu.memory_space<hbm>>
        %dma_wait3A_81 = tpu.memref_squeeze %dma_wait3A_80 : memref<1x632x128xf32, #tpu.memory_space<hbm>> -> memref<632x128xf32, #tpu.memory_space<hbm>>
        %dma_wait3A_82 = arith.constant 0 : i32
        %dma_wait3A_83 = tpu.memref_slice %arg22[%mul3A_73, %dma_wait3A_82] : memref<10000x128xf32, #tpu.memory_space<vmem_shared>> -> memref<632x128xf32, #tpu.memory_space<vmem_shared>>
        tpu.wait_dma2 semaphore(%run_scoped3A : memref<!tpu.dma_semaphore, #tpu.memory_space<semaphore_mem>>) src(%dma_wait3A_83 : memref<632x128xf32, #tpu.memory_space<vmem_shared>>) dst(%dma_wait3A_81 : memref<632x128xf32, #tpu.memory_space<hbm>>)
        tpu.yield
      }) : () -> ()
    } else {
    }
    %eq3A_67 = arith.constant 15 : i32
    %eq3A_68 = arith.cmpi eq, %arg1, %eq3A_67 : i32
    %convert_element_type3A_69 = arith.extui %eq3A_68 : i1 to i32
    %cond3A_70 = arith.constant 0 : i32
    %cond3A_71 = arith.cmpi ne, %convert_element_type3A_69, %cond3A_70 : i32
    scf.if %cond3A_71 {
      "tpu.region"() ({
        %run_scoped3A = tpu.sem_alloc : memref<!tpu.dma_semaphore, #tpu.memory_space<semaphore_mem>>
        %dma_start3A_72 = arith.constant 9480 : i32
        %dma_start3A_73 = arith.constant 0 : i32
        %dma_start3A_74 = tpu.memref_slice %arg5[%arg0, %dma_start3A_72, %dma_start3A_73] : memref<2x10000x128xf32, #tpu.memory_space<hbm>> -> memref<1x520x128xf32, #tpu.memory_space<hbm>>
        %dma_start3A_75 = tpu.memref_squeeze %dma_start3A_74 : memref<1x520x128xf32, #tpu.memory_space<hbm>> -> memref<520x128xf32, #tpu.memory_space<hbm>>
        %dma_start3A_76 = arith.constant 9480 : i32
        %dma_start3A_77 = arith.constant 0 : i32
        %dma_start3A_78 = tpu.memref_slice %arg22[%dma_start3A_76, %dma_start3A_77] : memref<10000x128xf32, #tpu.memory_space<vmem_shared>> -> memref<520x128xf32, #tpu.memory_space<vmem_shared>>
        tpu.enqueue_dma source(%dma_start3A_78 : memref<520x128xf32, #tpu.memory_space<vmem_shared>>) target(%dma_start3A_75 : memref<520x128xf32, #tpu.memory_space<hbm>>) target_semaphore(%run_scoped3A : memref<!tpu.dma_semaphore, #tpu.memory_space<semaphore_mem>>)
        %dma_wait3A_79 = arith.constant 9480 : i32
        %dma_wait3A_80 = arith.constant 0 : i32
        %dma_wait3A_81 = tpu.memref_slice %arg5[%arg0, %dma_wait3A_79, %dma_wait3A_80] : memref<2x10000x128xf32, #tpu.memory_space<hbm>> -> memref<1x520x128xf32, #tpu.memory_space<hbm>>
        %dma_wait3A_82 = tpu.memref_squeeze %dma_wait3A_81 : memref<1x520x128xf32, #tpu.memory_space<hbm>> -> memref<520x128xf32, #tpu.memory_space<hbm>>
        %dma_wait3A_83 = arith.constant 9480 : i32
        %dma_wait3A_84 = arith.constant 0 : i32
        %dma_wait3A_85 = tpu.memref_slice %arg22[%dma_wait3A_83, %dma_wait3A_84] : memref<10000x128xf32, #tpu.memory_space<vmem_shared>> -> memref<520x128xf32, #tpu.memory_space<vmem_shared>>
        tpu.wait_dma2 semaphore(%run_scoped3A : memref<!tpu.dma_semaphore, #tpu.memory_space<semaphore_mem>>) src(%dma_wait3A_85 : memref<520x128xf32, #tpu.memory_space<vmem_shared>>) dst(%dma_wait3A_82 : memref<520x128xf32, #tpu.memory_space<hbm>>)
        tpu.yield
      }) : () -> ()
    } else {
    }
    return
  }
}

module attributes {stable_mosaic.version = 14 : i64} {
  func.func @_pool_body(%arg0: i32, %arg1: memref<2000x128xf32, #tpu.memory_space<vmem>>, %arg2: memref<2000x1xf32, #tpu.memory_space<vmem>>, %arg3: memref<128x256xf32, #tpu.memory_space<vmem>>, %arg4: memref<1x256xf32, #tpu.memory_space<vmem>>, %arg5: memref<256x128xf32, #tpu.memory_space<vmem>>, %arg6: memref<1x128xf32, #tpu.memory_space<vmem>>, %arg7: memref<16x128xf32, #tpu.memory_space<vmem>>, %arg8: memref<16x128xf32, #tpu.memory_space<vmem>>, %arg9: memref<16x1xf32, #tpu.memory_space<vmem>>) attributes {dimension_semantics = [#tpu.dimension_semantics<arbitrary>], iteration_bounds = array<i64: 5>, scalar_prefetch = 0 : i64, scratch_operands = 2 : i64, tpu.core_type = #tpu.core_type<tc>, window_params = [{transform_indices = @transform_0, window_bounds = array<i64: 2000, 128>}, {transform_indices = @transform_1, window_bounds = array<i64: 2000, 1>}, {pipeline_mode = #tpu.pipeline_mode<synchronous>, transform_indices = @transform_2, window_bounds = array<i64: 128, 256>}, {pipeline_mode = #tpu.pipeline_mode<synchronous>, transform_indices = @transform_3, window_bounds = array<i64: 1, 256>}, {pipeline_mode = #tpu.pipeline_mode<synchronous>, transform_indices = @transform_4, window_bounds = array<i64: 256, 128>}, {pipeline_mode = #tpu.pipeline_mode<synchronous>, transform_indices = @transform_5, window_bounds = array<i64: 1, 128>}, {pipeline_mode = #tpu.pipeline_mode<synchronous>, transform_indices = @transform_6, window_bounds = array<i64: 16, 128>}]} {
    %eq3A = arith.constant 0 : i32
    %eq3A_0 = arith.cmpi eq, %arg0, %eq3A : i32
    %convert_element_type3A = arith.extui %eq3A_0 : i1 to i32
    %cond3A = arith.constant 0 : i32
    %cond3A_1 = arith.cmpi ne, %convert_element_type3A, %cond3A : i32
    scf.if %cond3A_1 {
      %broadcast_in_dim3A_58 = arith.constant 0.000000e+00 : f32
      %broadcast_in_dim3A_59 = vector.broadcast %broadcast_in_dim3A_58 : f32 to vector<16x128xf32>
      %swap3A_60 = arith.constant 0 : index
      %swap3A_61 = arith.constant 0 : index
      %swap3A_62 = vector.load %arg8[%swap3A_60, %swap3A_61] : memref<16x128xf32, #tpu.memory_space<vmem>>, vector<16x128xf32>
      tpu.vector_store %arg8[%swap3A_60, %swap3A_61], %broadcast_in_dim3A_59 {strides = array<i32>} : memref<16x128xf32, #tpu.memory_space<vmem>>, vector<16x128xf32>,
      %broadcast_in_dim3A_63 = arith.constant 0.000000e+00 : f32
      %broadcast_in_dim3A_64 = vector.broadcast %broadcast_in_dim3A_63 : f32 to vector<16x1xf32>
      %swap3A_65 = arith.constant 0 : index
      %swap3A_66 = arith.constant 0 : index
      %swap3A_67 = vector.load %arg9[%swap3A_65, %swap3A_66] : memref<16x1xf32, #tpu.memory_space<vmem>>, vector<16x1xf32>
      tpu.vector_store %arg9[%swap3A_65, %swap3A_66], %broadcast_in_dim3A_64 {strides = array<i32>} : memref<16x1xf32, #tpu.memory_space<vmem>>, vector<16x1xf32>,
    } else {
    }
    %get3A = arith.constant 0 : index
    %get3A_2 = arith.constant 0 : index
    %get3A_3 = vector.load %arg1[%get3A, %get3A_2] : memref<2000x128xf32, #tpu.memory_space<vmem>>, vector<2000x128xf32>
    %get3A_4 = arith.constant 0 : index
    %get3A_5 = arith.constant 0 : index
    %get3A_6 = vector.load %arg3[%get3A_4, %get3A_5] : memref<128x256xf32, #tpu.memory_space<vmem>>, vector<128x256xf32>
    %dot_general3A = arith.constant dense<0.000000e+00> : vector<2000x256xf32>
    %dot_general3A_7 = tpu.matmul %get3A_3, %get3A_6, %dot_general3A {dimension_numbers = #tpu.dot_dimension_numbers<[1], [0], [0], [1], [0, 0, 1, 1], [], []>, transpose_lhs_hint = false} : vector<2000x128xf32>, vector<128x256xf32>, vector<2000x256xf32> -> vector<2000x256xf32>
    %get3A_8 = arith.constant 0 : index
    %get3A_9 = arith.constant 0 : index
    %get3A_10 = vector.load %arg4[%get3A_8, %get3A_9] : memref<1x256xf32, #tpu.memory_space<vmem>>, vector<1x256xf32>
    %add3A = vector.broadcast %get3A_10 : vector<1x256xf32> to vector<2000x256xf32>
    %add3A_11 = arith.addf %dot_general3A_7, %add3A : vector<2000x256xf32>
    %logistic3A = arith.negf %add3A_11 : vector<2000x256xf32>
    %logistic3A_12 = math.exp %logistic3A : vector<2000x256xf32>
    %logistic3A_13 = arith.constant 1.000000e+00 : f32
    %logistic3A_14 = vector.broadcast %logistic3A_13 : f32 to vector<2000x256xf32>
    %logistic3A_15 = arith.addf %logistic3A_14, %logistic3A_12 : vector<2000x256xf32>
    %logistic3A_16 = arith.divf %logistic3A_14, %logistic3A_15 : vector<2000x256xf32>
    %mul3A = arith.mulf %add3A_11, %logistic3A_16 : vector<2000x256xf32>
    %get3A_17 = arith.constant 0 : index
    %get3A_18 = arith.constant 0 : index
    %get3A_19 = vector.load %arg5[%get3A_17, %get3A_18] : memref<256x128xf32, #tpu.memory_space<vmem>>, vector<256x128xf32>
    %dot_general3A_20 = arith.constant dense<0.000000e+00> : vector<2000x128xf32>
    %dot_general3A_21 = tpu.matmul %mul3A, %get3A_19, %dot_general3A_20 {dimension_numbers = #tpu.dot_dimension_numbers<[1], [0], [0], [1], [0, 0, 1, 1], [], []>, transpose_lhs_hint = false} : vector<2000x256xf32>, vector<256x128xf32>, vector<2000x128xf32> -> vector<2000x128xf32>
    %get3A_22 = arith.constant 0 : index
    %get3A_23 = arith.constant 0 : index
    %get3A_24 = vector.load %arg6[%get3A_22, %get3A_23] : memref<1x128xf32, #tpu.memory_space<vmem>>, vector<1x128xf32>
    %add3A_25 = vector.broadcast %get3A_24 : vector<1x128xf32> to vector<2000x128xf32>
    %add3A_26 = arith.addf %dot_general3A_21, %add3A_25 : vector<2000x128xf32>
    %iota3A = tpu.iota {dimensions = array<i32: 1>} : vector<2000x16xi32>
    %convert_element_type3A_27 = arith.sitofp %iota3A : vector<2000x16xi32> to vector<2000x16xf32>
    %get3A_28 = arith.constant 0 : index
    %get3A_29 = arith.constant 0 : index
    %get3A_30 = vector.load %arg2[%get3A_28, %get3A_29] : memref<2000x1xf32, #tpu.memory_space<vmem>>, vector<2000x1xf32>
    %eq3A_31 = vector.broadcast %get3A_30 : vector<2000x1xf32> to vector<2000x16xf32>
    %eq3A_32 = arith.cmpf oeq, %eq3A_31, %convert_element_type3A_27 : vector<2000x16xf32>
    %convert_element_type3A_33 = arith.extui %eq3A_32 : vector<2000x16xi1> to vector<2000x16xi32>
    %convert_element_type3A_34 = arith.sitofp %convert_element_type3A_33 : vector<2000x16xi32> to vector<2000x16xf32>
    %get3A_35 = arith.constant 0 : index
    %get3A_36 = arith.constant 0 : index
    %get3A_37 = vector.load %arg8[%get3A_35, %get3A_36] : memref<16x128xf32, #tpu.memory_space<vmem>>, vector<16x128xf32>
    %dot_general3A_38 = arith.constant dense<0.000000e+00> : vector<16x128xf32>
    %dot_general3A_39 = tpu.matmul %convert_element_type3A_34, %add3A_26, %dot_general3A_38 {dimension_numbers = #tpu.dot_dimension_numbers<[0], [0], [1], [1], [0, 1, 1, 1], [], []>, transpose_lhs_hint = false} : vector<2000x16xf32>, vector<2000x128xf32>, vector<16x128xf32> -> vector<16x128xf32>
    %add3A_40 = arith.addf %get3A_37, %dot_general3A_39 : vector<16x128xf32>
    %swap3A = arith.constant 0 : index
    %swap3A_41 = arith.constant 0 : index
    %swap3A_42 = vector.load %arg8[%swap3A, %swap3A_41] : memref<16x128xf32, #tpu.memory_space<vmem>>, vector<16x128xf32>
    tpu.vector_store %arg8[%swap3A, %swap3A_41], %add3A_40 {strides = array<i32>} : memref<16x128xf32, #tpu.memory_space<vmem>>, vector<16x128xf32>,
    %broadcast_in_dim3A = arith.constant 1.000000e+00 : f32
    %broadcast_in_dim3A_43 = vector.broadcast %broadcast_in_dim3A : f32 to vector<2000x1xf32>
    %get3A_44 = arith.constant 0 : index
    %get3A_45 = arith.constant 0 : index
    %get3A_46 = vector.load %arg9[%get3A_44, %get3A_45] : memref<16x1xf32, #tpu.memory_space<vmem>>, vector<16x1xf32>
    %dot_general3A_47 = arith.constant dense<0.000000e+00> : vector<16x1xf32>
    %dot_general3A_48 = tpu.matmul %convert_element_type3A_34, %broadcast_in_dim3A_43, %dot_general3A_47 {dimension_numbers = #tpu.dot_dimension_numbers<[0], [0], [1], [1], [0, 1, 1, 1], [], []>, transpose_lhs_hint = false} : vector<2000x16xf32>, vector<2000x1xf32>, vector<16x1xf32> -> vector<16x1xf32>
    %add3A_49 = arith.addf %get3A_46, %dot_general3A_48 : vector<16x1xf32>
    %swap3A_50 = arith.constant 0 : index
    %swap3A_51 = arith.constant 0 : index
    %swap3A_52 = vector.load %arg9[%swap3A_50, %swap3A_51] : memref<16x1xf32, #tpu.memory_space<vmem>>, vector<16x1xf32>
    tpu.vector_store %arg9[%swap3A_50, %swap3A_51], %add3A_49 {strides = array<i32>} : memref<16x1xf32, #tpu.memory_space<vmem>>, vector<16x1xf32>,
    %eq3A_53 = arith.constant 4 : i32
    %eq3A_54 = arith.cmpi eq, %arg0, %eq3A_53 : i32
    %convert_element_type3A_55 = arith.extui %eq3A_54 : i1 to i32
    %cond3A_56 = arith.constant 0 : i32
    %cond3A_57 = arith.cmpi ne, %convert_element_type3A_55, %cond3A_56 : i32
    scf.if %cond3A_57 {
      %get3A_58 = arith.constant 0 : index
      %get3A_59 = arith.constant 0 : index
      %get3A_60 = vector.load %arg8[%get3A_58, %get3A_59] : memref<16x128xf32, #tpu.memory_space<vmem>>, vector<16x128xf32>
      %get3A_61 = arith.constant 0 : index
      %get3A_62 = arith.constant 0 : index
      %get3A_63 = vector.load %arg9[%get3A_61, %get3A_62] : memref<16x1xf32, #tpu.memory_space<vmem>>, vector<16x1xf32>
      %max3A = arith.constant 1.000000e+00 : f32
      %max3A_64 = vector.broadcast %max3A : f32 to vector<16x1xf32>
      %max3A_65 = arith.maximumf %get3A_63, %max3A_64 : vector<16x1xf32>
      %div3A = vector.broadcast %max3A_65 : vector<16x1xf32> to vector<16x128xf32>
      %div3A_66 = arith.divf %get3A_60, %div3A : vector<16x128xf32>
      %swap3A_67 = arith.constant 0 : index
      %swap3A_68 = arith.constant 0 : index
      %swap3A_69 = vector.load %arg7[%swap3A_67, %swap3A_68] : memref<16x128xf32, #tpu.memory_space<vmem>>, vector<16x128xf32>
      tpu.vector_store %arg7[%swap3A_67, %swap3A_68], %div3A_66 {strides = array<i32>} : memref<16x128xf32, #tpu.memory_space<vmem>>, vector<16x128xf32>,
    } else {
    }
    return
  }
  func.func @transform_0(%arg0: i32) -> (i32, i32) {
    %c0_i32 = arith.constant 0 : i32
    %c0_i32_0 = arith.constant 0 : i32
    return %arg0, %c0_i32 : i32, i32
  }
  func.func @transform_1(%arg0: i32) -> (i32, i32) {
    %c0_i32 = arith.constant 0 : i32
    %c0_i32_0 = arith.constant 0 : i32
    return %arg0, %c0_i32 : i32, i32
  }
  func.func @transform_2(%arg0: i32) -> (i32, i32) {
    %c0_i32 = arith.constant 0 : i32
    %c0_i32_0 = arith.constant 0 : i32
    %c0_i32_1 = arith.constant 0 : i32
    return %c0_i32, %c0_i32_0 : i32, i32
  }
  func.func @transform_3(%arg0: i32) -> (i32, i32) {
    %c0_i32 = arith.constant 0 : i32
    %c0_i32_0 = arith.constant 0 : i32
    %c0_i32_1 = arith.constant 0 : i32
    return %c0_i32, %c0_i32_0 : i32, i32
  }
  func.func @transform_4(%arg0: i32) -> (i32, i32) {
    %c0_i32 = arith.constant 0 : i32
    %c0_i32_0 = arith.constant 0 : i32
    %c0_i32_1 = arith.constant 0 : i32
    return %c0_i32, %c0_i32_0 : i32, i32
  }
  func.func @transform_5(%arg0: i32) -> (i32, i32) {
    %c0_i32 = arith.constant 0 : i32
    %c0_i32_0 = arith.constant 0 : i32
    %c0_i32_1 = arith.constant 0 : i32
    return %c0_i32, %c0_i32_0 : i32, i32
  }
  func.func @transform_6(%arg0: i32) -> (i32, i32) {
    %c0_i32 = arith.constant 0 : i32
    %c0_i32_0 = arith.constant 0 : i32
    %c0_i32_1 = arith.constant 0 : i32
    return %c0_i32, %c0_i32_0 : i32, i32
  }
}

module attributes {stable_mosaic.version = 14 : i64} {
  func.func @_node_body(%arg0: i32, %arg1: memref<2000x128xf32, #tpu.memory_space<vmem>>, %arg2: memref<2000x1xf32, #tpu.memory_space<vmem>>, %arg3: memref<16x128xf32, #tpu.memory_space<vmem>>, %arg4: memref<16x1xf32, #tpu.memory_space<vmem>>, %arg5: memref<128x256xf32, #tpu.memory_space<vmem>>, %arg6: memref<1x256xf32, #tpu.memory_space<vmem>>, %arg7: memref<256x128xf32, #tpu.memory_space<vmem>>, %arg8: memref<1x128xf32, #tpu.memory_space<vmem>>, %arg9: memref<128x128xf32, #tpu.memory_space<vmem>>, %arg10: memref<128x128xf32, #tpu.memory_space<vmem>>, %arg11: memref<1x128xf32, #tpu.memory_space<vmem>>, %arg12: memref<2000x128xf32, #tpu.memory_space<vmem>>, %arg13: memref<2000x128xf32, #tpu.memory_space<vmem>>, %arg14: memref<2000x128xf32, #tpu.memory_space<vmem>>) attributes {dimension_semantics = [#tpu.dimension_semantics<arbitrary>], iteration_bounds = array<i64: 5>, scalar_prefetch = 0 : i64, scratch_operands = 0 : i64, tpu.core_type = #tpu.core_type<tc>, window_params = [{transform_indices = @transform_0, window_bounds = array<i64: 2000, 128>}, {transform_indices = @transform_1, window_bounds = array<i64: 2000, 1>}, {pipeline_mode = #tpu.pipeline_mode<synchronous>, transform_indices = @transform_2, window_bounds = array<i64: 16, 128>}, {pipeline_mode = #tpu.pipeline_mode<synchronous>, transform_indices = @transform_3, window_bounds = array<i64: 16, 1>}, {pipeline_mode = #tpu.pipeline_mode<synchronous>, transform_indices = @transform_4, window_bounds = array<i64: 128, 256>}, {pipeline_mode = #tpu.pipeline_mode<synchronous>, transform_indices = @transform_5, window_bounds = array<i64: 1, 256>}, {pipeline_mode = #tpu.pipeline_mode<synchronous>, transform_indices = @transform_6, window_bounds = array<i64: 256, 128>}, {pipeline_mode = #tpu.pipeline_mode<synchronous>, transform_indices = @transform_7, window_bounds = array<i64: 1, 128>}, {pipeline_mode = #tpu.pipeline_mode<synchronous>, transform_indices = @transform_8, window_bounds = array<i64: 128, 128>}, {pipeline_mode = #tpu.pipeline_mode<synchronous>, transform_indices = @transform_9, window_bounds = array<i64: 128, 128>}, {pipeline_mode = #tpu.pipeline_mode<synchronous>, transform_indices = @transform_10, window_bounds = array<i64: 1, 128>}, {transform_indices = @transform_11, window_bounds = array<i64: 2000, 128>}, {transform_indices = @transform_12, window_bounds = array<i64: 2000, 128>}, {transform_indices = @transform_13, window_bounds = array<i64: 2000, 128>}]} {
    %get3A = arith.constant 0 : index
    %get3A_0 = arith.constant 0 : index
    %get3A_1 = vector.load %arg1[%get3A, %get3A_0] : memref<2000x128xf32, #tpu.memory_space<vmem>>, vector<2000x128xf32>
    %get3A_2 = arith.constant 0 : index
    %get3A_3 = arith.constant 0 : index
    %get3A_4 = vector.load %arg5[%get3A_2, %get3A_3] : memref<128x256xf32, #tpu.memory_space<vmem>>, vector<128x256xf32>
    %dot_general3A = arith.constant dense<0.000000e+00> : vector<2000x256xf32>
    %dot_general3A_5 = tpu.matmul %get3A_1, %get3A_4, %dot_general3A {dimension_numbers = #tpu.dot_dimension_numbers<[1], [0], [0], [1], [0, 0, 1, 1], [], []>, transpose_lhs_hint = false} : vector<2000x128xf32>, vector<128x256xf32>, vector<2000x256xf32> -> vector<2000x256xf32>
    %get3A_6 = arith.constant 0 : index
    %get3A_7 = arith.constant 0 : index
    %get3A_8 = vector.load %arg6[%get3A_6, %get3A_7] : memref<1x256xf32, #tpu.memory_space<vmem>>, vector<1x256xf32>
    %add3A = vector.broadcast %get3A_8 : vector<1x256xf32> to vector<2000x256xf32>
    %add3A_9 = arith.addf %dot_general3A_5, %add3A : vector<2000x256xf32>
    %logistic3A = arith.negf %add3A_9 : vector<2000x256xf32>
    %logistic3A_10 = math.exp %logistic3A : vector<2000x256xf32>
    %logistic3A_11 = arith.constant 1.000000e+00 : f32
    %logistic3A_12 = vector.broadcast %logistic3A_11 : f32 to vector<2000x256xf32>
    %logistic3A_13 = arith.addf %logistic3A_12, %logistic3A_10 : vector<2000x256xf32>
    %logistic3A_14 = arith.divf %logistic3A_12, %logistic3A_13 : vector<2000x256xf32>
    %mul3A = arith.mulf %add3A_9, %logistic3A_14 : vector<2000x256xf32>
    %get3A_15 = arith.constant 0 : index
    %get3A_16 = arith.constant 0 : index
    %get3A_17 = vector.load %arg7[%get3A_15, %get3A_16] : memref<256x128xf32, #tpu.memory_space<vmem>>, vector<256x128xf32>
    %dot_general3A_18 = arith.constant dense<0.000000e+00> : vector<2000x128xf32>
    %dot_general3A_19 = tpu.matmul %mul3A, %get3A_17, %dot_general3A_18 {dimension_numbers = #tpu.dot_dimension_numbers<[1], [0], [0], [1], [0, 0, 1, 1], [], []>, transpose_lhs_hint = false} : vector<2000x256xf32>, vector<256x128xf32>, vector<2000x128xf32> -> vector<2000x128xf32>
    %get3A_20 = arith.constant 0 : index
    %get3A_21 = arith.constant 0 : index
    %get3A_22 = vector.load %arg8[%get3A_20, %get3A_21] : memref<1x128xf32, #tpu.memory_space<vmem>>, vector<1x128xf32>
    %add3A_23 = vector.broadcast %get3A_22 : vector<1x128xf32> to vector<2000x128xf32>
    %add3A_24 = arith.addf %dot_general3A_19, %add3A_23 : vector<2000x128xf32>
    %iota3A = tpu.iota {dimensions = array<i32: 1>} : vector<2000x16xi32>
    %convert_element_type3A = arith.sitofp %iota3A : vector<2000x16xi32> to vector<2000x16xf32>
    %get3A_25 = arith.constant 0 : index
    %get3A_26 = arith.constant 0 : index
    %get3A_27 = vector.load %arg2[%get3A_25, %get3A_26] : memref<2000x1xf32, #tpu.memory_space<vmem>>, vector<2000x1xf32>
    %eq3A = vector.broadcast %get3A_27 : vector<2000x1xf32> to vector<2000x16xf32>
    %eq3A_28 = arith.cmpf oeq, %eq3A, %convert_element_type3A : vector<2000x16xf32>
    %convert_element_type3A_29 = arith.extui %eq3A_28 : vector<2000x16xi1> to vector<2000x16xi32>
    %convert_element_type3A_30 = arith.sitofp %convert_element_type3A_29 : vector<2000x16xi32> to vector<2000x16xf32>
    %get3A_31 = arith.constant 0 : index
    %get3A_32 = arith.constant 0 : index
    %get3A_33 = vector.load %arg4[%get3A_31, %get3A_32] : memref<16x1xf32, #tpu.memory_space<vmem>>, vector<16x1xf32>
    %dot_general3A_34 = arith.constant dense<0.000000e+00> : vector<2000x1xf32>
    %dot_general3A_35 = tpu.matmul %convert_element_type3A_30, %get3A_33, %dot_general3A_34 {dimension_numbers = #tpu.dot_dimension_numbers<[1], [0], [0], [1], [0, 0, 1, 1], [], []>, transpose_lhs_hint = false} : vector<2000x16xf32>, vector<16x1xf32>, vector<2000x1xf32> -> vector<2000x1xf32>
    %add3A_36 = vector.broadcast %dot_general3A_35 : vector<2000x1xf32> to vector<2000x128xf32>
    %add3A_37 = arith.addf %add3A_24, %add3A_36 : vector<2000x128xf32>
    %get3A_38 = arith.constant 0 : index
    %get3A_39 = arith.constant 0 : index
    %get3A_40 = vector.load %arg3[%get3A_38, %get3A_39] : memref<16x128xf32, #tpu.memory_space<vmem>>, vector<16x128xf32>
    %dot_general3A_41 = arith.constant dense<0.000000e+00> : vector<2000x128xf32>
    %dot_general3A_42 = tpu.matmul %convert_element_type3A_30, %get3A_40, %dot_general3A_41 {dimension_numbers = #tpu.dot_dimension_numbers<[1], [0], [0], [1], [0, 0, 1, 1], [], []>, transpose_lhs_hint = false} : vector<2000x16xf32>, vector<16x128xf32>, vector<2000x128xf32> -> vector<2000x128xf32>
    %add3A_43 = arith.addf %add3A_37, %dot_general3A_42 : vector<2000x128xf32>
    %swap3A = arith.constant 0 : index
    %swap3A_44 = arith.constant 0 : index
    %swap3A_45 = vector.load %arg12[%swap3A, %swap3A_44] : memref<2000x128xf32, #tpu.memory_space<vmem>>, vector<2000x128xf32>
    tpu.vector_store %arg12[%swap3A, %swap3A_44], %add3A_43 {strides = array<i32>} : memref<2000x128xf32, #tpu.memory_space<vmem>>, vector<2000x128xf32>,
    %get3A_46 = arith.constant 0 : index
    %get3A_47 = arith.constant 0 : index
    %get3A_48 = vector.load %arg9[%get3A_46, %get3A_47] : memref<128x128xf32, #tpu.memory_space<vmem>>, vector<128x128xf32>
    %dot_general3A_49 = arith.constant dense<0.000000e+00> : vector<2000x128xf32>
    %dot_general3A_50 = tpu.matmul %add3A_43, %get3A_48, %dot_general3A_49 {dimension_numbers = #tpu.dot_dimension_numbers<[1], [0], [0], [1], [0, 0, 1, 1], [], []>, transpose_lhs_hint = false} : vector<2000x128xf32>, vector<128x128xf32>, vector<2000x128xf32> -> vector<2000x128xf32>
    %swap3A_51 = arith.constant 0 : index
    %swap3A_52 = arith.constant 0 : index
    %swap3A_53 = vector.load %arg13[%swap3A_51, %swap3A_52] : memref<2000x128xf32, #tpu.memory_space<vmem>>, vector<2000x128xf32>
    tpu.vector_store %arg13[%swap3A_51, %swap3A_52], %dot_general3A_50 {strides = array<i32>} : memref<2000x128xf32, #tpu.memory_space<vmem>>, vector<2000x128xf32>,
    %get3A_54 = arith.constant 0 : index
    %get3A_55 = arith.constant 0 : index
    %get3A_56 = vector.load %arg10[%get3A_54, %get3A_55] : memref<128x128xf32, #tpu.memory_space<vmem>>, vector<128x128xf32>
    %dot_general3A_57 = arith.constant dense<0.000000e+00> : vector<2000x128xf32>
    %dot_general3A_58 = tpu.matmul %add3A_43, %get3A_56, %dot_general3A_57 {dimension_numbers = #tpu.dot_dimension_numbers<[1], [0], [0], [1], [0, 0, 1, 1], [], []>, transpose_lhs_hint = false} : vector<2000x128xf32>, vector<128x128xf32>, vector<2000x128xf32> -> vector<2000x128xf32>
    %get3A_59 = arith.constant 0 : index
    %get3A_60 = arith.constant 0 : index
    %get3A_61 = vector.load %arg11[%get3A_59, %get3A_60] : memref<1x128xf32, #tpu.memory_space<vmem>>, vector<1x128xf32>
    %add3A_62 = vector.broadcast %get3A_61 : vector<1x128xf32> to vector<2000x128xf32>
    %add3A_63 = arith.addf %dot_general3A_58, %add3A_62 : vector<2000x128xf32>
    %swap3A_64 = arith.constant 0 : index
    %swap3A_65 = arith.constant 0 : index
    %swap3A_66 = vector.load %arg14[%swap3A_64, %swap3A_65] : memref<2000x128xf32, #tpu.memory_space<vmem>>, vector<2000x128xf32>
    tpu.vector_store %arg14[%swap3A_64, %swap3A_65], %add3A_63 {strides = array<i32>} : memref<2000x128xf32, #tpu.memory_space<vmem>>, vector<2000x128xf32>,
    return
  }
  func.func @transform_0(%arg0: i32) -> (i32, i32) {
    %c0_i32 = arith.constant 0 : i32
    %c0_i32_0 = arith.constant 0 : i32
    return %arg0, %c0_i32 : i32, i32
  }
  func.func @transform_1(%arg0: i32) -> (i32, i32) {
    %c0_i32 = arith.constant 0 : i32
    %c0_i32_0 = arith.constant 0 : i32
    return %arg0, %c0_i32 : i32, i32
  }
  func.func @transform_2(%arg0: i32) -> (i32, i32) {
    %c0_i32 = arith.constant 0 : i32
    %c0_i32_0 = arith.constant 0 : i32
    %c0_i32_1 = arith.constant 0 : i32
    return %c0_i32, %c0_i32_0 : i32, i32
  }
  func.func @transform_3(%arg0: i32) -> (i32, i32) {
    %c0_i32 = arith.constant 0 : i32
    %c0_i32_0 = arith.constant 0 : i32
    %c0_i32_1 = arith.constant 0 : i32
    return %c0_i32, %c0_i32_0 : i32, i32
  }
  func.func @transform_4(%arg0: i32) -> (i32, i32) {
    %c0_i32 = arith.constant 0 : i32
    %c0_i32_0 = arith.constant 0 : i32
    %c0_i32_1 = arith.constant 0 : i32
    return %c0_i32, %c0_i32_0 : i32, i32
  }
  func.func @transform_5(%arg0: i32) -> (i32, i32) {
    %c0_i32 = arith.constant 0 : i32
    %c0_i32_0 = arith.constant 0 : i32
    %c0_i32_1 = arith.constant 0 : i32
    return %c0_i32, %c0_i32_0 : i32, i32
  }
  func.func @transform_6(%arg0: i32) -> (i32, i32) {
    %c0_i32 = arith.constant 0 : i32
    %c0_i32_0 = arith.constant 0 : i32
    %c0_i32_1 = arith.constant 0 : i32
    return %c0_i32, %c0_i32_0 : i32, i32
  }
  func.func @transform_7(%arg0: i32) -> (i32, i32) {
    %c0_i32 = arith.constant 0 : i32
    %c0_i32_0 = arith.constant 0 : i32
    %c0_i32_1 = arith.constant 0 : i32
    return %c0_i32, %c0_i32_0 : i32, i32
  }
  func.func @transform_8(%arg0: i32) -> (i32, i32) {
    %c0_i32 = arith.constant 0 : i32
    %c0_i32_0 = arith.constant 0 : i32
    %c0_i32_1 = arith.constant 0 : i32
    return %c0_i32, %c0_i32_0 : i32, i32
  }
  func.func @transform_9(%arg0: i32) -> (i32, i32) {
    %c0_i32 = arith.constant 0 : i32
    %c0_i32_0 = arith.constant 0 : i32
    %c0_i32_1 = arith.constant 0 : i32
    return %c0_i32, %c0_i32_0 : i32, i32
  }
  func.func @transform_10(%arg0: i32) -> (i32, i32) {
    %c0_i32 = arith.constant 0 : i32
    %c0_i32_0 = arith.constant 0 : i32
    %c0_i32_1 = arith.constant 0 : i32
    return %c0_i32, %c0_i32_0 : i32, i32
  }
  func.func @transform_11(%arg0: i32) -> (i32, i32) {
    %c0_i32 = arith.constant 0 : i32
    %c0_i32_0 = arith.constant 0 : i32
    return %arg0, %c0_i32 : i32, i32
  }
  func.func @transform_12(%arg0: i32) -> (i32, i32) {
    %c0_i32 = arith.constant 0 : i32
    %c0_i32_0 = arith.constant 0 : i32
    return %arg0, %c0_i32 : i32, i32
  }
  func.func @transform_13(%arg0: i32) -> (i32, i32) {
    %c0_i32 = arith.constant 0 : i32
    %c0_i32_0 = arith.constant 0 : i32
    return %arg0, %c0_i32 : i32, i32
  }
}

module attributes {stable_mosaic.version = 14 : i64} {
  func.func @_edge_body(%arg0: i32, %arg1: memref<8000x128xf32, #tpu.memory_space<vmem>>, %arg2: memref<1x1x8000xf32, #tpu.memory_space<vmem>>, %arg3: memref<1x5x8000xf32, #tpu.memory_space<vmem>>, %arg4: memref<5x128xf32, #tpu.memory_space<vmem>>, %arg5: memref<1x128xf32, #tpu.memory_space<vmem>>, %arg6: memref<128x16xf32, #tpu.memory_space<vmem>>, %arg7: memref<1x16xf32, #tpu.memory_space<vmem>>, %arg8: memref<16x128xf32, #tpu.memory_space<vmem>>, %arg9: memref<1x128xf32, #tpu.memory_space<vmem>>, %arg10: memref<128x1xf32, #tpu.memory_space<vmem>>, %arg11: memref<128x128xf32, #tpu.memory_space<vmem>>, %arg12: memref<1x128xf32, #tpu.memory_space<vmem>>, %arg13: memref<128x5xf32, #tpu.memory_space<vmem>>, %arg14: memref<1x5xf32, #tpu.memory_space<vmem>>, %arg15: memref<8000x128xf32, #tpu.memory_space<vmem>>, %arg16: memref<8000x5xf32, #tpu.memory_space<vmem>>, %arg17: memref<1x1x8000xf32, #tpu.memory_space<vmem>>) attributes {dimension_semantics = [#tpu.dimension_semantics<arbitrary>], iteration_bounds = array<i64: 40>, scalar_prefetch = 0 : i64, scratch_operands = 0 : i64, tpu.core_type = #tpu.core_type<tc>, window_params = [{transform_indices = @transform_0, window_bounds = array<i64: 8000, 128>}, {transform_indices = @transform_1, window_bounds = array<i64: 1, 1, 8000>}, {transform_indices = @transform_2, window_bounds = array<i64: 1, 5, 8000>}, {pipeline_mode = #tpu.pipeline_mode<synchronous>, transform_indices = @transform_3, window_bounds = array<i64: 5, 128>}, {pipeline_mode = #tpu.pipeline_mode<synchronous>, transform_indices = @transform_4, window_bounds = array<i64: 1, 128>}, {pipeline_mode = #tpu.pipeline_mode<synchronous>, transform_indices = @transform_5, window_bounds = array<i64: 128, 16>}, {pipeline_mode = #tpu.pipeline_mode<synchronous>, transform_indices = @transform_6, window_bounds = array<i64: 1, 16>}, {pipeline_mode = #tpu.pipeline_mode<synchronous>, transform_indices = @transform_7, window_bounds = array<i64: 16, 128>}, {pipeline_mode = #tpu.pipeline_mode<synchronous>, transform_indices = @transform_8, window_bounds = array<i64: 1, 128>}, {pipeline_mode = #tpu.pipeline_mode<synchronous>, transform_indices = @transform_9, window_bounds = array<i64: 128, 1>}, {pipeline_mode = #tpu.pipeline_mode<synchronous>, transform_indices = @transform_10, window_bounds = array<i64: 128, 128>}, {pipeline_mode = #tpu.pipeline_mode<synchronous>, transform_indices = @transform_11, window_bounds = array<i64: 1, 128>}, {pipeline_mode = #tpu.pipeline_mode<synchronous>, transform_indices = @transform_12, window_bounds = array<i64: 128, 5>}, {pipeline_mode = #tpu.pipeline_mode<synchronous>, transform_indices = @transform_13, window_bounds = array<i64: 1, 5>}, {transform_indices = @transform_14, window_bounds = array<i64: 8000, 128>}, {transform_indices = @transform_15, window_bounds = array<i64: 8000, 5>}, {transform_indices = @transform_16, window_bounds = array<i64: 1, 1, 8000>}]} {
    %get3A = arith.constant 0 : index
    %get3A_0 = arith.constant 0 : index
    %get3A_1 = arith.constant 0 : index
    %get3A_2 = vector.load %arg3[%get3A, %get3A_0, %get3A_1] : memref<1x5x8000xf32, #tpu.memory_space<vmem>>, vector<1x5x8000xf32>
    %get3A_3 = vector.shape_cast %get3A_2 : vector<1x5x8000xf32> to vector<5x8000xf32>
    %get3A_4 = arith.constant 0 : index
    %get3A_5 = arith.constant 0 : index
    %get3A_6 = vector.load %arg4[%get3A_4, %get3A_5] : memref<5x128xf32, #tpu.memory_space<vmem>>, vector<5x128xf32>
    %dot_general3A = arith.constant dense<0.000000e+00> : vector<8000x128xf32>
    %dot_general3A_7 = tpu.matmul %get3A_3, %get3A_6, %dot_general3A {dimension_numbers = #tpu.dot_dimension_numbers<[0], [0], [1], [1], [0, 1, 1, 1], [], []>, transpose_lhs_hint = false} : vector<5x8000xf32>, vector<5x128xf32>, vector<8000x128xf32> -> vector<8000x128xf32>
    %get3A_8 = arith.constant 0 : index
    %get3A_9 = arith.constant 0 : index
    %get3A_10 = vector.load %arg5[%get3A_8, %get3A_9] : memref<1x128xf32, #tpu.memory_space<vmem>>, vector<1x128xf32>
    %add3A = vector.broadcast %get3A_10 : vector<1x128xf32> to vector<8000x128xf32>
    %add3A_11 = arith.addf %dot_general3A_7, %add3A : vector<8000x128xf32>
    %logistic3A = arith.negf %add3A_11 : vector<8000x128xf32>
    %logistic3A_12 = math.exp %logistic3A : vector<8000x128xf32>
    %logistic3A_13 = arith.constant 1.000000e+00 : f32
    %logistic3A_14 = vector.broadcast %logistic3A_13 : f32 to vector<8000x128xf32>
    %logistic3A_15 = arith.addf %logistic3A_14, %logistic3A_12 : vector<8000x128xf32>
    %logistic3A_16 = arith.divf %logistic3A_14, %logistic3A_15 : vector<8000x128xf32>
    %mul3A = arith.mulf %add3A_11, %logistic3A_16 : vector<8000x128xf32>
    %get3A_17 = arith.constant 0 : index
    %get3A_18 = arith.constant 0 : index
    %get3A_19 = vector.load %arg6[%get3A_17, %get3A_18] : memref<128x16xf32, #tpu.memory_space<vmem>>, vector<128x16xf32>
    %dot_general3A_20 = arith.constant dense<0.000000e+00> : vector<8000x16xf32>
    %dot_general3A_21 = tpu.matmul %mul3A, %get3A_19, %dot_general3A_20 {dimension_numbers = #tpu.dot_dimension_numbers<[1], [0], [0], [1], [0, 0, 1, 1], [], []>, transpose_lhs_hint = false} : vector<8000x128xf32>, vector<128x16xf32>, vector<8000x16xf32> -> vector<8000x16xf32>
    %get3A_22 = arith.constant 0 : index
    %get3A_23 = arith.constant 0 : index
    %get3A_24 = vector.load %arg7[%get3A_22, %get3A_23] : memref<1x16xf32, #tpu.memory_space<vmem>>, vector<1x16xf32>
    %add3A_25 = vector.broadcast %get3A_24 : vector<1x16xf32> to vector<8000x16xf32>
    %add3A_26 = arith.addf %dot_general3A_21, %add3A_25 : vector<8000x16xf32>
    %get3A_27 = arith.constant 0 : index
    %get3A_28 = arith.constant 0 : index
    %get3A_29 = arith.constant 0 : index
    %get3A_30 = vector.load %arg2[%get3A_27, %get3A_28, %get3A_29] : memref<1x1x8000xf32, #tpu.memory_space<vmem>>, vector<1x1x8000xf32>
    %get3A_31 = vector.shape_cast %get3A_30 : vector<1x1x8000xf32> to vector<1x8000xf32>
    %get3A_32 = arith.constant 0 : index
    %get3A_33 = arith.constant 0 : index
    %get3A_34 = vector.load %arg9[%get3A_32, %get3A_33] : memref<1x128xf32, #tpu.memory_space<vmem>>, vector<1x128xf32>
    %dot_general3A_35 = arith.constant dense<0.000000e+00> : vector<8000x128xf32>
    %dot_general3A_36 = tpu.matmul %get3A_31, %get3A_34, %dot_general3A_35 {dimension_numbers = #tpu.dot_dimension_numbers<[0], [0], [1], [1], [0, 1, 1, 1], [], []>, transpose_lhs_hint = false} : vector<1x8000xf32>, vector<1x128xf32>, vector<8000x128xf32> -> vector<8000x128xf32>
    %get3A_37 = arith.constant 0 : index
    %get3A_38 = arith.constant 0 : index
    %get3A_39 = vector.load %arg1[%get3A_37, %get3A_38] : memref<8000x128xf32, #tpu.memory_space<vmem>>, vector<8000x128xf32>
    %add3A_40 = arith.addf %get3A_39, %dot_general3A_36 : vector<8000x128xf32>
    %get3A_41 = arith.constant 0 : index
    %get3A_42 = arith.constant 0 : index
    %get3A_43 = vector.load %arg8[%get3A_41, %get3A_42] : memref<16x128xf32, #tpu.memory_space<vmem>>, vector<16x128xf32>
    %dot_general3A_44 = arith.constant dense<0.000000e+00> : vector<8000x128xf32>
    %dot_general3A_45 = tpu.matmul %add3A_26, %get3A_43, %dot_general3A_44 {dimension_numbers = #tpu.dot_dimension_numbers<[1], [0], [0], [1], [0, 0, 1, 1], [], []>, transpose_lhs_hint = false} : vector<8000x16xf32>, vector<16x128xf32>, vector<8000x128xf32> -> vector<8000x128xf32>
    %add3A_46 = arith.addf %add3A_40, %dot_general3A_45 : vector<8000x128xf32>
    %logistic3A_47 = arith.negf %add3A_46 : vector<8000x128xf32>
    %logistic3A_48 = math.exp %logistic3A_47 : vector<8000x128xf32>
    %logistic3A_49 = arith.constant 1.000000e+00 : f32
    %logistic3A_50 = vector.broadcast %logistic3A_49 : f32 to vector<8000x128xf32>
    %logistic3A_51 = arith.addf %logistic3A_50, %logistic3A_48 : vector<8000x128xf32>
    %logistic3A_52 = arith.divf %logistic3A_50, %logistic3A_51 : vector<8000x128xf32>
    %mul3A_53 = arith.mulf %add3A_46, %logistic3A_52 : vector<8000x128xf32>
    %swap3A = arith.constant 0 : index
    %swap3A_54 = arith.constant 0 : index
    %swap3A_55 = vector.load %arg15[%swap3A, %swap3A_54] : memref<8000x128xf32, #tpu.memory_space<vmem>>, vector<8000x128xf32>
    tpu.vector_store %arg15[%swap3A, %swap3A_54], %mul3A_53 {strides = array<i32>} : memref<8000x128xf32, #tpu.memory_space<vmem>>, vector<8000x128xf32>,
    %get3A_56 = arith.constant 0 : index
    %get3A_57 = arith.constant 0 : index
    %get3A_58 = vector.load %arg11[%get3A_56, %get3A_57] : memref<128x128xf32, #tpu.memory_space<vmem>>, vector<128x128xf32>
    %dot_general3A_59 = arith.constant dense<0.000000e+00> : vector<8000x128xf32>
    %dot_general3A_60 = tpu.matmul %mul3A_53, %get3A_58, %dot_general3A_59 {dimension_numbers = #tpu.dot_dimension_numbers<[1], [0], [0], [1], [0, 0, 1, 1], [], []>, transpose_lhs_hint = false} : vector<8000x128xf32>, vector<128x128xf32>, vector<8000x128xf32> -> vector<8000x128xf32>
    %get3A_61 = arith.constant 0 : index
    %get3A_62 = arith.constant 0 : index
    %get3A_63 = vector.load %arg12[%get3A_61, %get3A_62] : memref<1x128xf32, #tpu.memory_space<vmem>>, vector<1x128xf32>
    %add3A_64 = vector.broadcast %get3A_63 : vector<1x128xf32> to vector<8000x128xf32>
    %add3A_65 = arith.addf %dot_general3A_60, %add3A_64 : vector<8000x128xf32>
    %logistic3A_66 = arith.negf %add3A_65 : vector<8000x128xf32>
    %logistic3A_67 = math.exp %logistic3A_66 : vector<8000x128xf32>
    %logistic3A_68 = arith.constant 1.000000e+00 : f32
    %logistic3A_69 = vector.broadcast %logistic3A_68 : f32 to vector<8000x128xf32>
    %logistic3A_70 = arith.addf %logistic3A_69, %logistic3A_67 : vector<8000x128xf32>
    %logistic3A_71 = arith.divf %logistic3A_69, %logistic3A_70 : vector<8000x128xf32>
    %mul3A_72 = arith.mulf %add3A_65, %logistic3A_71 : vector<8000x128xf32>
    %get3A_73 = arith.constant 0 : index
    %get3A_74 = arith.constant 0 : index
    %get3A_75 = vector.load %arg13[%get3A_73, %get3A_74] : memref<128x5xf32, #tpu.memory_space<vmem>>, vector<128x5xf32>
    %dot_general3A_76 = arith.constant dense<0.000000e+00> : vector<8000x5xf32>
    %dot_general3A_77 = tpu.matmul %mul3A_72, %get3A_75, %dot_general3A_76 {dimension_numbers = #tpu.dot_dimension_numbers<[1], [0], [0], [1], [0, 0, 1, 1], [], []>, transpose_lhs_hint = false} : vector<8000x128xf32>, vector<128x5xf32>, vector<8000x5xf32> -> vector<8000x5xf32>
    %get3A_78 = arith.constant 0 : index
    %get3A_79 = arith.constant 0 : index
    %get3A_80 = vector.load %arg14[%get3A_78, %get3A_79] : memref<1x5xf32, #tpu.memory_space<vmem>>, vector<1x5xf32>
    %add3A_81 = vector.broadcast %get3A_80 : vector<1x5xf32> to vector<8000x5xf32>
    %add3A_82 = arith.addf %dot_general3A_77, %add3A_81 : vector<8000x5xf32>
    %swap3A_83 = arith.constant 0 : index
    %swap3A_84 = arith.constant 0 : index
    %swap3A_85 = vector.load %arg16[%swap3A_83, %swap3A_84] : memref<8000x5xf32, #tpu.memory_space<vmem>>, vector<8000x5xf32>
    tpu.vector_store %arg16[%swap3A_83, %swap3A_84], %add3A_82 {strides = array<i32>} : memref<8000x5xf32, #tpu.memory_space<vmem>>, vector<8000x5xf32>,
    %get3A_86 = arith.constant 0 : index
    %get3A_87 = arith.constant 0 : index
    %get3A_88 = vector.load %arg10[%get3A_86, %get3A_87] : memref<128x1xf32, #tpu.memory_space<vmem>>, vector<128x1xf32>
    %dot_general3A_89 = arith.constant dense<0.000000e+00> : vector<1x8000xf32>
    %dot_general3A_90 = tpu.matmul %get3A_88, %mul3A_53, %dot_general3A_89 {dimension_numbers = #tpu.dot_dimension_numbers<[0], [1], [1], [0], [0, 1, 1, 0], [], []>, transpose_lhs_hint = false} : vector<128x1xf32>, vector<8000x128xf32>, vector<1x8000xf32> -> vector<1x8000xf32>
    %swap3A_91 = arith.constant 0 : index
    %swap3A_92 = arith.constant 0 : index
    %swap3A_93 = arith.constant 0 : index
    %swap3A_94 = vector.load %arg17[%swap3A_91, %swap3A_92, %swap3A_93] : memref<1x1x8000xf32, #tpu.memory_space<vmem>>, vector<1x1x8000xf32>
    %swap3A_95 = vector.shape_cast %swap3A_94 : vector<1x1x8000xf32> to vector<1x8000xf32>
    %swap3A_96 = vector.shape_cast %dot_general3A_90 : vector<1x8000xf32> to vector<1x1x8000xf32>
    tpu.vector_store %arg17[%swap3A_91, %swap3A_92, %swap3A_93], %swap3A_96 {strides = array<i32>} : memref<1x1x8000xf32, #tpu.memory_space<vmem>>, vector<1x1x8000xf32>,
    return
  }
  func.func @transform_0(%arg0: i32) -> (i32, i32) {
    %c0_i32 = arith.constant 0 : i32
    %c0_i32_0 = arith.constant 0 : i32
    return %arg0, %c0_i32 : i32, i32
  }
  func.func @transform_1(%arg0: i32) -> (i32, i32, i32) {
    %c0_i32 = arith.constant 0 : i32
    %c0_i32_0 = arith.constant 0 : i32
    %c0_i32_1 = arith.constant 0 : i32
    return %arg0, %c0_i32, %c0_i32_0 : i32, i32, i32
  }
  func.func @transform_2(%arg0: i32) -> (i32, i32, i32) {
    %c0_i32 = arith.constant 0 : i32
    %c0_i32_0 = arith.constant 0 : i32
    %c0_i32_1 = arith.constant 0 : i32
    return %arg0, %c0_i32, %c0_i32_0 : i32, i32, i32
  }
  func.func @transform_3(%arg0: i32) -> (i32, i32) {
    %c0_i32 = arith.constant 0 : i32
    %c0_i32_0 = arith.constant 0 : i32
    %c0_i32_1 = arith.constant 0 : i32
    return %c0_i32, %c0_i32_0 : i32, i32
  }
  func.func @transform_4(%arg0: i32) -> (i32, i32) {
    %c0_i32 = arith.constant 0 : i32
    %c0_i32_0 = arith.constant 0 : i32
    %c0_i32_1 = arith.constant 0 : i32
    return %c0_i32, %c0_i32_0 : i32, i32
  }
  func.func @transform_5(%arg0: i32) -> (i32, i32) {
    %c0_i32 = arith.constant 0 : i32
    %c0_i32_0 = arith.constant 0 : i32
    %c0_i32_1 = arith.constant 0 : i32
    return %c0_i32, %c0_i32_0 : i32, i32
  }
  func.func @transform_6(%arg0: i32) -> (i32, i32) {
    %c0_i32 = arith.constant 0 : i32
    %c0_i32_0 = arith.constant 0 : i32
    %c0_i32_1 = arith.constant 0 : i32
    return %c0_i32, %c0_i32_0 : i32, i32
  }
  func.func @transform_7(%arg0: i32) -> (i32, i32) {
    %c0_i32 = arith.constant 0 : i32
    %c0_i32_0 = arith.constant 0 : i32
    %c0_i32_1 = arith.constant 0 : i32
    return %c0_i32, %c0_i32_0 : i32, i32
  }
  func.func @transform_8(%arg0: i32) -> (i32, i32) {
    %c0_i32 = arith.constant 0 : i32
    %c0_i32_0 = arith.constant 0 : i32
    %c0_i32_1 = arith.constant 0 : i32
    return %c0_i32, %c0_i32_0 : i32, i32
  }
  func.func @transform_9(%arg0: i32) -> (i32, i32) {
    %c0_i32 = arith.constant 0 : i32
    %c0_i32_0 = arith.constant 0 : i32
    %c0_i32_1 = arith.constant 0 : i32
    return %c0_i32, %c0_i32_0 : i32, i32
  }
  func.func @transform_10(%arg0: i32) -> (i32, i32) {
    %c0_i32 = arith.constant 0 : i32
    %c0_i32_0 = arith.constant 0 : i32
    %c0_i32_1 = arith.constant 0 : i32
    return %c0_i32, %c0_i32_0 : i32, i32
  }
  func.func @transform_11(%arg0: i32) -> (i32, i32) {
    %c0_i32 = arith.constant 0 : i32
    %c0_i32_0 = arith.constant 0 : i32
    %c0_i32_1 = arith.constant 0 : i32
    return %c0_i32, %c0_i32_0 : i32, i32
  }
  func.func @transform_12(%arg0: i32) -> (i32, i32) {
    %c0_i32 = arith.constant 0 : i32
    %c0_i32_0 = arith.constant 0 : i32
    %c0_i32_1 = arith.constant 0 : i32
    return %c0_i32, %c0_i32_0 : i32, i32
  }
  func.func @transform_13(%arg0: i32) -> (i32, i32) {
    %c0_i32 = arith.constant 0 : i32
    %c0_i32_0 = arith.constant 0 : i32
    %c0_i32_1 = arith.constant 0 : i32
    return %c0_i32, %c0_i32_0 : i32, i32
  }
  func.func @transform_14(%arg0: i32) -> (i32, i32) {
    %c0_i32 = arith.constant 0 : i32
    %c0_i32_0 = arith.constant 0 : i32
    return %arg0, %c0_i32 : i32, i32
  }
  func.func @transform_15(%arg0: i32) -> (i32, i32) {
    %c0_i32 = arith.constant 0 : i32
    %c0_i32_0 = arith.constant 0 : i32
    return %arg0, %c0_i32 : i32, i32
  }
  func.func @transform_16(%arg0: i32) -> (i32, i32, i32) {
    %c0_i32 = arith.constant 0 : i32
    %c0_i32_0 = arith.constant 0 : i32
    %c0_i32_1 = arith.constant 0 : i32
    return %arg0, %c0_i32, %c0_i32_0 : i32, i32, i32
  }
}

module attributes {stable_mosaic.version = 14 : i64} {
  func.func @_dec_body(%arg0: i32, %arg1: memref<2000x128xf32, #tpu.memory_space<vmem>>, %arg2: memref<2x2000x128xf32, #tpu.memory_space<vmem>>, %arg3: memref<2000x32xf32, #tpu.memory_space<vmem>>, %arg4: memref<2000x32xf32, #tpu.memory_space<vmem>>, %arg5: memref<2000x32xf32, #tpu.memory_space<vmem>>, %arg6: memref<128x128xf32, #tpu.memory_space<vmem>>, %arg7: memref<128x256xf32, #tpu.memory_space<vmem>>, %arg8: memref<1x256xf32, #tpu.memory_space<vmem>>, %arg9: memref<256x128xf32, #tpu.memory_space<vmem>>, %arg10: memref<1x128xf32, #tpu.memory_space<vmem>>, %arg11: memref<2000x3xf32, #tpu.memory_space<vmem>>, %arg12: memref<2000x128xf32, #tpu.memory_space<vmem>>) attributes {dimension_semantics = [#tpu.dimension_semantics<arbitrary>], iteration_bounds = array<i64: 5>, scalar_prefetch = 0 : i64, scratch_operands = 0 : i64, tpu.core_type = #tpu.core_type<tc>, window_params = [{transform_indices = @transform_0, window_bounds = array<i64: 2000, 128>}, {transform_indices = @transform_1, window_bounds = array<i64: 2, 2000, 128>}, {transform_indices = @transform_2, window_bounds = array<i64: 2000, 32>}, {transform_indices = @transform_3, window_bounds = array<i64: 2000, 32>}, {transform_indices = @transform_4, window_bounds = array<i64: 2000, 32>}, {pipeline_mode = #tpu.pipeline_mode<synchronous>, transform_indices = @transform_5, window_bounds = array<i64: 128, 128>}, {pipeline_mode = #tpu.pipeline_mode<synchronous>, transform_indices = @transform_6, window_bounds = array<i64: 128, 256>}, {pipeline_mode = #tpu.pipeline_mode<synchronous>, transform_indices = @transform_7, window_bounds = array<i64: 1, 256>}, {pipeline_mode = #tpu.pipeline_mode<synchronous>, transform_indices = @transform_8, window_bounds = array<i64: 256, 128>}, {pipeline_mode = #tpu.pipeline_mode<synchronous>, transform_indices = @transform_9, window_bounds = array<i64: 1, 128>}, {transform_indices = @transform_10, window_bounds = array<i64: 2000, 3>}, {transform_indices = @transform_11, window_bounds = array<i64: 2000, 128>}]} {
    %get3A = arith.constant 0 : index
    %get3A_0 = arith.constant 0 : index
    %get3A_1 = arith.constant 0 : index
    %get3A_2 = vector.load %arg2[%get3A, %get3A_0, %get3A_1] : memref<2x2000x128xf32, #tpu.memory_space<vmem>>, vector<1x2000x128xf32>
    %get3A_3 = vector.shape_cast %get3A_2 : vector<1x2000x128xf32> to vector<2000x128xf32>
    %get3A_4 = arith.constant 1 : index
    %get3A_5 = arith.constant 0 : index
    %get3A_6 = arith.constant 0 : index
    %get3A_7 = vector.load %arg2[%get3A_4, %get3A_5, %get3A_6] : memref<2x2000x128xf32, #tpu.memory_space<vmem>>, vector<1x2000x128xf32>
    %get3A_8 = vector.shape_cast %get3A_7 : vector<1x2000x128xf32> to vector<2000x128xf32>
    %add3A = arith.addf %get3A_3, %get3A_8 : vector<2000x128xf32>
    %get3A_9 = arith.constant 0 : index
    %get3A_10 = arith.constant 0 : index
    %get3A_11 = vector.load %arg1[%get3A_9, %get3A_10] : memref<2000x128xf32, #tpu.memory_space<vmem>>, vector<2000x128xf32>
    %get3A_12 = arith.constant 0 : index
    %get3A_13 = arith.constant 0 : index
    %get3A_14 = vector.load %arg6[%get3A_12, %get3A_13] : memref<128x128xf32, #tpu.memory_space<vmem>>, vector<128x128xf32>
    %dot_general3A = arith.constant dense<0.000000e+00> : vector<2000x128xf32>
    %dot_general3A_15 = tpu.matmul %add3A, %get3A_14, %dot_general3A {dimension_numbers = #tpu.dot_dimension_numbers<[1], [0], [0], [1], [0, 0, 1, 1], [], []>, transpose_lhs_hint = false} : vector<2000x128xf32>, vector<128x128xf32>, vector<2000x128xf32> -> vector<2000x128xf32>
    %add3A_16 = arith.addf %get3A_11, %dot_general3A_15 : vector<2000x128xf32>
    %get3A_17 = arith.constant 0 : index
    %get3A_18 = arith.constant 0 : index
    %get3A_19 = vector.load %arg7[%get3A_17, %get3A_18] : memref<128x256xf32, #tpu.memory_space<vmem>>, vector<128x256xf32>
    %dot_general3A_20 = arith.constant dense<0.000000e+00> : vector<2000x256xf32>
    %dot_general3A_21 = tpu.matmul %add3A_16, %get3A_19, %dot_general3A_20 {dimension_numbers = #tpu.dot_dimension_numbers<[1], [0], [0], [1], [0, 0, 1, 1], [], []>, transpose_lhs_hint = false} : vector<2000x128xf32>, vector<128x256xf32>, vector<2000x256xf32> -> vector<2000x256xf32>
    %get3A_22 = arith.constant 0 : index
    %get3A_23 = arith.constant 0 : index
    %get3A_24 = vector.load %arg8[%get3A_22, %get3A_23] : memref<1x256xf32, #tpu.memory_space<vmem>>, vector<1x256xf32>
    %add3A_25 = vector.broadcast %get3A_24 : vector<1x256xf32> to vector<2000x256xf32>
    %add3A_26 = arith.addf %dot_general3A_21, %add3A_25 : vector<2000x256xf32>
    %logistic3A = arith.negf %add3A_26 : vector<2000x256xf32>
    %logistic3A_27 = math.exp %logistic3A : vector<2000x256xf32>
    %logistic3A_28 = arith.constant 1.000000e+00 : f32
    %logistic3A_29 = vector.broadcast %logistic3A_28 : f32 to vector<2000x256xf32>
    %logistic3A_30 = arith.addf %logistic3A_29, %logistic3A_27 : vector<2000x256xf32>
    %logistic3A_31 = arith.divf %logistic3A_29, %logistic3A_30 : vector<2000x256xf32>
    %mul3A = arith.mulf %add3A_26, %logistic3A_31 : vector<2000x256xf32>
    %get3A_32 = arith.constant 0 : index
    %get3A_33 = arith.constant 0 : index
    %get3A_34 = vector.load %arg9[%get3A_32, %get3A_33] : memref<256x128xf32, #tpu.memory_space<vmem>>, vector<256x128xf32>
    %dot_general3A_35 = arith.constant dense<0.000000e+00> : vector<2000x128xf32>
    %dot_general3A_36 = tpu.matmul %mul3A, %get3A_34, %dot_general3A_35 {dimension_numbers = #tpu.dot_dimension_numbers<[1], [0], [0], [1], [0, 0, 1, 1], [], []>, transpose_lhs_hint = false} : vector<2000x256xf32>, vector<256x128xf32>, vector<2000x128xf32> -> vector<2000x128xf32>
    %get3A_37 = arith.constant 0 : index
    %get3A_38 = arith.constant 0 : index
    %get3A_39 = vector.load %arg10[%get3A_37, %get3A_38] : memref<1x128xf32, #tpu.memory_space<vmem>>, vector<1x128xf32>
    %add3A_40 = vector.broadcast %get3A_39 : vector<1x128xf32> to vector<2000x128xf32>
    %add3A_41 = arith.addf %dot_general3A_36, %add3A_40 : vector<2000x128xf32>
    %swap3A = arith.constant 0 : index
    %swap3A_42 = arith.constant 0 : index
    %swap3A_43 = vector.load %arg12[%swap3A, %swap3A_42] : memref<2000x128xf32, #tpu.memory_space<vmem>>, vector<2000x128xf32>
    tpu.vector_store %arg12[%swap3A, %swap3A_42], %add3A_41 {strides = array<i32>} : memref<2000x128xf32, #tpu.memory_space<vmem>>, vector<2000x128xf32>,
    %get3A_44 = arith.constant 0 : index
    %get3A_45 = arith.constant 0 : index
    %get3A_46 = vector.load %arg3[%get3A_44, %get3A_45] : memref<2000x32xf32, #tpu.memory_space<vmem>>, vector<2000x32xf32>
    %reduce_sum3A = arith.constant dense<0.000000e+00> : vector<2000xf32>
    %reduce_sum3A_47 = vector.multi_reduction <add>, %get3A_46, %reduce_sum3A [1] : vector<2000x32xf32> to vector<2000xf32>
    %broadcast_in_dim3A = vector.shape_cast %reduce_sum3A_47 : vector<2000xf32> to vector<2000x1xf32>
    %get3A_48 = arith.constant 0 : index
    %get3A_49 = arith.constant 0 : index
    %get3A_50 = vector.load %arg4[%get3A_48, %get3A_49] : memref<2000x32xf32, #tpu.memory_space<vmem>>, vector<2000x32xf32>
    %reduce_sum3A_51 = arith.constant dense<0.000000e+00> : vector<2000xf32>
    %reduce_sum3A_52 = vector.multi_reduction <add>, %get3A_50, %reduce_sum3A_51 [1] : vector<2000x32xf32> to vector<2000xf32>
    %broadcast_in_dim3A_53 = vector.shape_cast %reduce_sum3A_52 : vector<2000xf32> to vector<2000x1xf32>
    %get3A_54 = arith.constant 0 : index
    %get3A_55 = arith.constant 0 : index
    %get3A_56 = vector.load %arg5[%get3A_54, %get3A_55] : memref<2000x32xf32, #tpu.memory_space<vmem>>, vector<2000x32xf32>
    %reduce_sum3A_57 = arith.constant dense<0.000000e+00> : vector<2000xf32>
    %reduce_sum3A_58 = vector.multi_reduction <add>, %get3A_56, %reduce_sum3A_57 [1] : vector<2000x32xf32> to vector<2000xf32>
    %broadcast_in_dim3A_59 = vector.shape_cast %reduce_sum3A_58 : vector<2000xf32> to vector<2000x1xf32>
    %concatenate3A = tpu.concatenate %broadcast_in_dim3A, %broadcast_in_dim3A_53, %broadcast_in_dim3A_59 in 1 : vector<2000x1xf32>, vector<2000x1xf32>, vector<2000x1xf32> -> vector<2000x3xf32>
    %swap3A_60 = arith.constant 0 : index
    %swap3A_61 = arith.constant 0 : index
    %swap3A_62 = vector.load %arg11[%swap3A_60, %swap3A_61] : memref<2000x3xf32, #tpu.memory_space<vmem>>, vector<2000x3xf32>
    tpu.vector_store %arg11[%swap3A_60, %swap3A_61], %concatenate3A {strides = array<i32>} : memref<2000x3xf32, #tpu.memory_space<vmem>>, vector<2000x3xf32>,
    return
  }
  func.func @transform_0(%arg0: i32) -> (i32, i32) {
    %c0_i32 = arith.constant 0 : i32
    %c0_i32_0 = arith.constant 0 : i32
    return %arg0, %c0_i32 : i32, i32
  }
  func.func @transform_1(%arg0: i32) -> (i32, i32, i32) {
    %c0_i32 = arith.constant 0 : i32
    %c0_i32_0 = arith.constant 0 : i32
    %c0_i32_1 = arith.constant 0 : i32
    return %c0_i32, %arg0, %c0_i32_0 : i32, i32, i32
  }
  func.func @transform_2(%arg0: i32) -> (i32, i32) {
    %c0_i32 = arith.constant 0 : i32
    %c0_i32_0 = arith.constant 0 : i32
    return %arg0, %c0_i32 : i32, i32
  }
  func.func @transform_3(%arg0: i32) -> (i32, i32) {
    %c0_i32 = arith.constant 0 : i32
    %c0_i32_0 = arith.constant 0 : i32
    return %arg0, %c0_i32 : i32, i32
  }
  func.func @transform_4(%arg0: i32) -> (i32, i32) {
    %c0_i32 = arith.constant 0 : i32
    %c0_i32_0 = arith.constant 0 : i32
    return %arg0, %c0_i32 : i32, i32
  }
  func.func @transform_5(%arg0: i32) -> (i32, i32) {
    %c0_i32 = arith.constant 0 : i32
    %c0_i32_0 = arith.constant 0 : i32
    %c0_i32_1 = arith.constant 0 : i32
    return %c0_i32, %c0_i32_0 : i32, i32
  }
  func.func @transform_6(%arg0: i32) -> (i32, i32) {
    %c0_i32 = arith.constant 0 : i32
    %c0_i32_0 = arith.constant 0 : i32
    %c0_i32_1 = arith.constant 0 : i32
    return %c0_i32, %c0_i32_0 : i32, i32
  }
  func.func @transform_7(%arg0: i32) -> (i32, i32) {
    %c0_i32 = arith.constant 0 : i32
    %c0_i32_0 = arith.constant 0 : i32
    %c0_i32_1 = arith.constant 0 : i32
    return %c0_i32, %c0_i32_0 : i32, i32
  }
  func.func @transform_8(%arg0: i32) -> (i32, i32) {
    %c0_i32 = arith.constant 0 : i32
    %c0_i32_0 = arith.constant 0 : i32
    %c0_i32_1 = arith.constant 0 : i32
    return %c0_i32, %c0_i32_0 : i32, i32
  }
  func.func @transform_9(%arg0: i32) -> (i32, i32) {
    %c0_i32 = arith.constant 0 : i32
    %c0_i32_0 = arith.constant 0 : i32
    %c0_i32_1 = arith.constant 0 : i32
    return %c0_i32, %c0_i32_0 : i32, i32
  }
  func.func @transform_10(%arg0: i32) -> (i32, i32) {
    %c0_i32 = arith.constant 0 : i32
    %c0_i32_0 = arith.constant 0 : i32
    return %arg0, %c0_i32 : i32, i32
  }
  func.func @transform_11(%arg0: i32) -> (i32, i32) {
    %c0_i32 = arith.constant 0 : i32
    %c0_i32_0 = arith.constant 0 : i32
    return %arg0, %c0_i32 : i32, i32
  }
}

</mosaic_0001>

<sc_bundles>
// kernel: kernel.12.cloned.1.call-start
scs
__scs_entry_jumppad:
0x0: {  	(pc) =	sbr.rel $0x88, $3  }
0x1: {  	(tag) =	ssettag $0x0;
	lr =	simm.s32 $0x1  }
0x2: {  	[smem:$0x3F81] =	sst lr;
	_ =	strace $0xD0000000  }
0x3: {  	_ = 	snop  }
0x4: {  	_ = 	snop  }
0x5: {  	_ = 	snop  }
0x6: {  	_ = 	snop  }
0x7: {  	_ = 	snop  }
__scs_overlays_trampoline_lowered:
0x8: {  	[smem:$0x3F90] =	sst s0  }
0x9: {  	[smem:$0x3F91] =	sst s1  }
0xa: {  	[smem:$0x3F92] =	sst s2  }
0xb: {  	[smem:$0x3F93] =	sst s3  }
0xc: {  	[smem:$0x3F94] =	sst s4  }
0xd: {  	[smem:$0x3F95] =	sst s5  }
0xe: {  	[smem:$0x3F96] =	sst s6  }
0xf: {  	[smem:$0x3F97] =	sst s7  }
0x10: {  	[smem:$0x3F98] =	sst s8  }
0x11: {  	[smem:$0x3F99] =	sst s9;
	s0 =	simm.s32 @!p0 $0x0  }
0x12: {  	s1 =	sld [smem:$0x3F7F];
	s0 =	simm.s32 @p0 $0x1  }
0x13: {  	[smem:$0x3F9A] =	sst s0;
	s0 =	simm.s32 @!p1 $0x0  }
0x14: {  	s2 =	sld [smem:$0x3F7E];
	s0 =	simm.s32 @p1 $0x1  }
0x15: {  	[smem:$0x3F9B] =	sst s0;
	s0 =	simm.s32 @!p2 $0x0  }
0x16: {  	s3 =	sld [smem:$0x3FDB];
	s0 =	simm.s32 @p2 $0x1  }
0x17: {  	s4 =	simm.s32 $0x1BF5;
	[smem:$0x3F9D] =	sst s0  }
0x18: {  	s0 =	sld [smem:$0x3F80];
	_ =	swait.ge [sflag:s4], $0x0  }
0x19: {  	s7 =	sld [smem:$0x3F81]  }
0x1a: {  	s8 =	sadd.s32 $0xFFFFE003, lr  }
0x1b: {  	s9 =	sadd.s32 $0xFFFFFEF7, lr;
	s5 =	simm.s32 $0xFFFFFFFF;
	p2 =	slt.u32 s8, $0xFFFFF086  }
0x1c: {  	p1 =	slt.u32 s9, $0xF7A;
	s5 =	simm.s32 @!p2 $0x0  }
0x1d: {  	s5 =	simm.s32 @p1 $0x1;
	p0 =	seq.s32 s7, s2  }
0x1e: {  	s7 =	smul.u32 @!p0 $0xF7A, s2;
	p2 =	seq.s32 @!p0 s5, $0x0  }
0x1f: {  	s9 =	smul.u32 $0xF7A, s1;
	s8 =	simm.s32 @!p0 $0x1BF5;
	p2 =	por !p2, p0  }
0x20: {  	[sflag:s8] =	ssyncset.s32 @!p0 $0xFFFFF086;
	s6 =	sadd.s32 @!p0 s3, s7;
	s7 =	simm.s32 @!p0 $0x108  }
0x21: {  	s3 =	sadd.s32 s3, s9;
	s6 =	sadd.s32 @!p0 $0x88, s6;
	s7 =	simm.s32 @p2 $0x1082  }
0x22: {  	[simem:s7], [sflag:s8] =	dma.local @!p0 [hbm:s6], $0xF7A  }
0x23: {  	s9 =	sor.u32 $0xD0000000, s2;
	s6 =	simm.s32 $0x108;
	_ =	swait.ge @!p0 [sflag:s8], $0x0  }
0x24: {  	s3 =	sadd.s32 $0x88, s3;
	s6 =	simm.s32 @!p1 $0x1082;
	[sflag:s4] =	ssyncset.s32 $0xFFFFF086  }
0x25: {  	[simem:s6], [sflag:s4] =	dma.local [hbm:s3], $0xF7A  }
0x26: {  	[smem:$0x3F81] =	sst s1;
	(tag) =	ssettag s2;
	_ =	strace s9  }
0x27: {  	s1 =	sld [smem:$0x3F91]  }
0x28: {  	s2 =	sld [smem:$0x3F92]  }
0x29: {  	s4 =	sld [smem:$0x3F94]  }
0x2a: {  	p0 =	seq.s32 s5, $0x0;
	s5 =	sld [smem:$0x3F95]  }
0x2b: {  	s6 =	sld [smem:$0x3F96]  }
0x2c: {  	s7 =	sld [smem:$0x3F97]  }
0x2d: {  	s3 =	simm.s32 $0x108;
	s8 =	sld [smem:$0x3F98]  }
0x2e: {  	s3 =	simm.s32 @!p0 $0x1082;
	s9 =	sld [smem:$0x3F99]  }
0x2f: {  	lr =	sadd.s32 s0, s3;
	s0 =	sld [smem:$0x3F90]  }
0x30: {  	s3 =	sld [smem:$0x3F93]  }
0x31: {  	[smem:$0x3F9C] =	sst s10  }
0x32: {  	s10 =	sld [smem:$0x3F9A];
	_ =	sdelay $0x3  }
0x33: {  	p0 =	seq.s32 s10, $0x1;
	s10 =	sld [smem:$0x3F9C];
	_ =	sdelay $0x3  }
0x34: {  	[smem:$0x3F9C] =	sst s10  }
0x35: {  	s10 =	sld [smem:$0x3F9B];
	_ =	sdelay $0x3  }
0x36: {  	p1 =	seq.s32 s10, $0x1;
	s10 =	sld [smem:$0x3F9C];
	_ =	sdelay $0x3  }
0x37: {  	[smem:$0x3F9C] =	sst s10  }
0x38: {  	s10 =	sld [smem:$0x3F9D]  }
0x39: {  	_ = 	snop;
	(pc) =	sbr.ind lr, $3  }
0x3a: {  	_ = 	snop  }
0x3b: {  	_ = 	snop  }
0x3c: {  	p2 =	seq.s32 s10, $0x1;
	s10 =	sld [smem:$0x3F9C]  }
0x3d: {  	_ =	shalt  }
0x3e: {  	_ =	shalt  }
0x3f: {  	_ =	shalt  }
0x40: {  	_ =	shalt  }
0x41: {  	_ =	shalt  }
0x42: {  	_ =	shalt  }
0x43: {  	_ =	shalt  }
0x44: {  	_ =	shalt  }
0x45: {  	_ =	shalt  }
0x46: {  	_ =	shalt  }
0x47: {  	_ =	shalt  }
0x48: {  	_ =	shalt  }
0x49: {  	_ =	shalt  }
0x4a: {  	_ =	shalt  }
0x4b: {  	_ =	shalt  }
0x4c: {  	_ =	shalt  }
0x4d: {  	_ =	shalt  }
0x4e: {  	_ =	shalt  }
0x4f: {  	_ =	shalt  }
0x50: {  	_ =	shalt  }
0x51: {  	_ =	shalt  }
0x52: {  	_ =	shalt  }
0x53: {  	_ =	shalt  }
0x54: {  	_ =	shalt  }
0x55: {  	_ =	shalt  }
0x56: {  	_ =	shalt  }
0x57: {  	_ =	shalt  }
0x58: {  	_ =	shalt  }
0x59: {  	_ =	shalt  }
0x5a: {  	_ =	shalt  }
0x5b: {  	_ =	shalt  }
0x5c: {  	_ =	shalt  }
0x5d: {  	_ =	shalt  }
0x5e: {  	_ =	shalt  }
0x5f: {  	_ =	shalt  }
0x60: {  	_ =	shalt  }
0x61: {  	_ =	shalt  }
0x62: {  	_ =	shalt  }
0x63: {  	_ =	shalt  }
0x64: {  	_ =	shalt  }
0x65: {  	_ =	shalt  }
0x66: {  	_ =	shalt  }
0x67: {  	_ =	shalt  }
0x68: {  	_ =	shalt  }
0x69: {  	_ =	shalt  }
0x6a: {  	_ =	shalt  }
0x6b: {  	_ =	shalt  }
0x6c: {  	_ =	shalt  }
0x6d: {  	_ =	shalt  }
0x6e: {  	_ =	shalt  }
0x6f: {  	_ =	shalt  }
0x70: {  	_ =	shalt  }
0x71: {  	_ =	shalt  }
0x72: {  	_ =	shalt  }
0x73: {  	_ =	shalt  }
0x74: {  	_ =	shalt  }
0x75: {  	_ =	shalt  }
0x76: {  	_ =	shalt  }
0x77: {  	_ =	shalt  }
0x78: {  	_ =	shalt  }
0x79: {  	_ =	shalt  }
0x7a: {  	_ =	shalt  }
0x7b: {  	_ =	shalt  }
0x7c: {  	_ =	shalt  }
0x7d: {  	_ =	shalt  }
0x7e: {  	_ =	shalt  }
0x7f: {  	_ =	shalt  }
0x80: {  	_ =	shalt  }
0x81: {  	_ =	shalt  }
0x82: {  	_ =	shalt  }
0x83: {  	_ =	shalt  }
0x84: {  	_ =	shalt  }
0x85: {  	_ =	shalt  }
0x86: {  	_ =	shalt  }
0x87: {  	_ =	shalt  }
.Lfunc_end0:
.L_simem_size_0:
called_computation.1_lowered:
.L_overlay_start_0:
0x88: {  	s2 =	sld [smem:$0x3FD9]  }
0x89: {  	s3 =	sld [smem:$0x3FFE];
	_ =	sdelay $0x1  }
0x8a: {  	s1 =	srdreg.scid  }
0x8b: {  	s0 =	sand.u32 $0x1, s1  }
0x8c: {  	s17 =	sshll.u32 s0, $0xA;
	s2 =	sadd.s32 s3, s2  }
0x8d: {  	s2 =	sadd.s32 s2, s17  }
0x8e: {  	[smem:$0x3FA8] =	sst s2  }
0x8f: {  	_ = 	snop  }
0x90: {  	(tm) =	ssettm $0x1  }
0x91: {  	s18 =	sld [smem:$0x3FFB];
	_ =	sdelay $0x3  }
0x92: {  	_ =	strace s18  }
0x93: {  	s2 =	sld [smem:$0x3FFC];
	_ =	sdelay $0x3  }
0x94: {  	_ =	strace s2  }
0x95: {  	s2 =	sld [smem:$0x3FFD];
	_ =	sdelay $0x3  }
0x96: {  	_ =	strace s2  }
0x97: {  	_ =	strace $0x8FFFFFFF  }
0x98: {  	s19 =	sld [smem:$0x3FDB];
	_ =	sdelay $0x1  }
0x99: {  	s20 =	simm.s32 $_scs_section_size  }
0x9a: {  	s4 =	simm.s32 $_size__tile_overlayer_lowered;
	s5 =	simm.s32 $_tile_overlayer_lowered  }
0x9b: {  	s6 =	simm.s32 $0x1BFF;
	s21 =	sshll.u32 s5, $0x1;
	s3 =	sadd.s32 s20, s19  }
0x9c: {  	s22 =	simm.s32 $0x0;
	s4 =	sshll.u32 s4, $0x1;
	s5 =	sadd.s32 s21, s3  }
0x9d: {  	[timem:s22], [sflag:s6] =	dma.local [hbm:s5], s4  }
0x9e: {  	_ =	swait.ge [sflag:s6], s4  }
0x9f: {  	s4 =	ssub.s32 $0x0, s4;
	[sflag:s6] =	ssyncset.done $0x0  }
0xa0: {  	[sflag:s6] =	ssyncadd.s32 s4;
	_ =	sdelay $0x1  }
0xa1: {  	s23 =	simm.s32 $0x1B8B  }
0xa2: {  	_ =	swait.ge [sflag:s23], $0x1  }
0xa3: {  	[sflag:s23] =	ssyncset.done $0x0  }
0xa4: {  	[sflag:s23] =	ssyncadd.s32 $0xFFFFFFFF  }
0xa5: {  	s4 =	sld [smem:$0x0]  }
0xa6: {  	s5 =	sand.u32 $0xFFFFFFFE, s1  }
0xa7: {  	p0 =	sne.s32 s1, s5  }
0xa8: {  	s5 =	sshll.u32 @p0 s5, $0xE  }
0xa9: {  	s5 =	sadd.s32 @p0 $0x11B8D, s5;
	s6 =	sshll.u32 @p0 s4, $0x11  }
0xaa: {  	s5 =	sor.u32 @p0 s6, s5  }
0xab: {  	[sflag:s5] =	ssyncadd.remote.s32 @p0 $0x1;
	_ =	sdelay $0x1  }
0xac: {  	s5 =	simm.s32 @p0 $0x1B8D  }
0xad: {  	_ =	swait.eq @p0 [sflag:s5], $0x1  }
0xae: {  	[sflag:s5] =	ssyncadd.s32 @p0 $0xFFFFFFFF  }
0xaf: {  	s6 =	sshll.u32 @!p0 s1, $0xE  }
0xb0: {  	s6 =	sor.u32 @!p0 $0x4000, s6;
	s5 =	simm.s32 @!p0 $0x1B8D  }
0xb1: {  	s4 =	sshll.u32 @!p0 s4, $0x11;
	s6 =	sadd.s32 @!p0 $0x11B8D, s6;
	_ =	swait.eq @!p0 [sflag:s5], $0x1  }
0xb2: {  	s4 =	sor.u32 @!p0 s4, s6;
	[sflag:s5] =	ssyncadd.s32 @!p0 $0xFFFFFFFF  }
0xb3: {  	s25 =	simm.s32 $0x1B8E;
	s24 =	sld [smem:$0x3FFE];
	[sflag:s4] =	ssyncadd.remote.s32 @!p0 $0x1  }
0xb4: {  	s26 =	simm.s32 $execute0_lowered;
	[smem:$0x3FD2] =	sst s25  }
0xb5: {  	s5 =	sshll.u32 s26, $0x1;
	_ =	strace $0x8000004C;
	[dreg:$0x1] =	wrdreg $0xFFFFFFFF  }
0xb6: {  	s28 =	simm.s32 $_size_execute0_lowered;
	s3 =	sadd.s32 s3, s5;
	[dreg:$0x0] =	wrdreg $0x0  }
0xb7: {  	s5 =	sshll.u32 s28, $0x1;
	[dreg:$0x2] =	wrdreg s3  }
0xb8: {  	[dreg:$0x3] =	wrdreg s5  }
0xb9: {  	[dreg:$0x4] =	wrdreg $0xC0  }
0xba: {  	_ =	task [dreg:s22], $0x5FFFF  }
0xbb: {  	[dreg:$0x1] =	wrdreg $0xFFFFFFFF  }
0xbc: {  	[dreg:$0x0] =	wrdreg $0x60  }
0xbd: {  	[dreg:$0x2] =	wrdreg s24  }
0xbe: {  	[dreg:$0x3] =	wrdreg $0xA2000  }
0xbf: {  	[dreg:$0x4] =	wrdreg $0x9  }
0xc0: {  	_ =	task.clear_ibuf [dreg:s22], $0x5FFFF;
	_ =	strace $0x9000004C  }
0xc1: {  	s29 =	simm.s32 $0x9;
	_ =	strace $0x8000004E  }
0xc2: {  	_ =	swait.ge [sflag:s29], $0x1  }
0xc3: {  	[sflag:s29] =	ssyncadd.s32 $0xFFFFFFFF  }
0xc4: {  	_ =	strace $0x9000004E  }
0xc5: {  	_ =	sfence  }
0xc6: {  	s30 =	sld [smem:$0x0];
	_ =	sdelay $0x2  }
0xc7: {  	s31 =	sshll.u32 s1, $0xD;
	s1 =	sshrl.u32 s1, $0x2  }
0xc8: {  	s4 =	sand.u32 $0x4000, s31;
	s1 =	sadd.s32 s1, s30  }
0xc9: {  	s0 =	sor.u32 s4, s0;
	s1 =	sshll.u32 s1, $0x11  }
0xca: {  	s0 =	sor.u32 s1, s0  }
0xcb: {  	s0 =	sadd.s32 $0x8F2B, s0  }
0xcc: {  	[sflag:s0] =	ssyncadd.remote.s32 $0x1  }
0xcd: {  	_ =	sfence.sel $0xFFFF  }
0xce: {  	[dreg:$0x0] =	wrdreg $0xFFFFFFFF;
	(pc) =	sbr.abs _section_cstart, $3  }
0xcf: {  	[dreg:$0x1] =	wrdreg $0xFFFFFFFF  }
0xd0: {  	_ =	task.clear_ibuf [dreg:s22], $0x2FFFF;
	_ =	strace $0x9FFFFFFF  }
0xd1: {  	(tm) =	ssettm $0x7FFFFFFF  }
tec
execute0_lowered:
.L_overlay_start_1:
0x0: {  	(tag) =	ssettag $0x1  }
0x1: {  	s0 =	rddreg [dreg:$0x0]  }
0x2: {  	s2 =	rddreg [dreg:$0x1]  }
0x3: {  	s3 =	simm.s32 $0x0;
	s13 =	stileid.u32;
	s5 =	srdreg.scid  }
0x4: {  	s28 =	simm.s32 $0x5200;
	s30 =	simm.s32 $0x50;
	s31 =	simm.s32 $0x180  }
0x5: {  	[smem:$0x7FF] =	sst s3;
	s1 =	smul.u32 $0x2780, s13;
	s6 =	sadd.s32 $0xA2D200, s0  }
0x6: {  	s4 =	sadd.s32 $0x10E00, s0;
	s5 =	sand.u32 $0x1, s5;
	s8 =	smul.u32 $0x4F000, s13  }
0x7: {  	s9 =	sadd.s32 $0x5F800, s0;
	s24 =	smul.u32 $0x13C00, s13;
	p0 =	seq.s32 s13, $0xF  }
0x8: {  	s29 =	simm.s32 $0x1;
	_ =	strace $0x8000004D;
	s22 =	smul.u32 $0x138800, s5  }
0x9: {  	s7 =	sshll.u32 s5, $0x4;
	s10 =	ssub.s32 $0x2, s5;
	s26 =	smul.u32 $0x271000, s5  }
0xa: {  	s5 =	smul.u32 $0x27100, s5;
	s1 =	sadd.s32 s1, s0;
	s7 =	sor.u32 s13, s7  }
0xb: {  	s11 =	sshrl.u32 s10, $0x1;
	s8 =	sshrl.u32 s8, $0x2;
	s0 =	sadd.s32 $0x5D680, s0  }
0xc: {  	s12 =	smul.u32 $0x2710, s7;
	s8 =	sadd.s32 s8, s2;
	[dreg:$0x6] =	wrdreg s0  }
0xd: {  	s10 =	ssub.s32 s10, s11;
	s1 =	sadd.s32 $0x38600, s1;
	[dreg:$0x3] =	wrdreg s8  }
0xe: {  	s11 =	sadd.s32 $0x128400, s2;
	s14 =	smul.u32 $0x27100, s7;
	[dreg:$0x4] =	wrdreg s1  }
0xf: {  	s7 =	sshrl.u32 s22, $0x3;
	[dreg:$0x5] =	wrdreg s11;
	s11 =	sadd.s32 s24, s22  }
0x10: {  	s1 =	simm.s32 $0x2;
	s8 =	simm.s32 $0x4;
	s15 =	sadd.s32 $0x50, s12  }
0x11: {  	s16 =	sshrl.u32 s12, $0x3;
	s18 =	sadd.s32 s6, s14;
	s21 =	sadd.s32 $0xA0, s12  }
0x12: {  	s12 =	smul.u32 $0x2710, s13;
	s14 =	sadd.s32 s9, s7;
	s7 =	simm.s32 $0x6  }
0x13: {  	s17 =	sshrl.u32 s15, $0x3;
	s0 =	sadd.s32 s4, s16;
	[dreg:$0x8] =	wrdreg s18  }
0x14: {  	s20 =	sshll.u32 s15, $0x4;
	s23 =	sshrl.u32 s21, $0x3;
	s25 =	sshll.u32 s21, $0x4  }
0x15: {  	s15 =	smul.u32 $0x27100, s13;
	[dreg:$0x7] =	wrdreg s0;
	s19 =	sadd.s32 s4, s17  }
0x16: {  	s16 =	sadd.s32 s26, s6;
	s0 =	sadd.s32 s6, s20;
	[dreg:$0x9] =	wrdreg s19  }
0x17: {  	s17 =	sadd.s32 s12, s5;
	s5 =	simm.s32 $0x5;
	[dreg:$0xa] =	wrdreg s0  }
0x18: {  	s0 =	sadd.s32 s4, s23;
	s19 =	smax.u32 s10, $0x1;
	s18 =	sadd.s32 s15, s16  }
0x19: {  	s20 =	sadd.s32 $0x1E0, s17;
	s21 =	sadd.s32 $0x190, s17;
	s22 =	sadd.s32 $0xF0, s17  }
0x1a: {  	s10 =	simm.s32 $0x8;
	[dreg:$0xb] =	wrdreg s0;
	s0 =	sadd.s32 s6, s25  }
0x1b: {  	[dreg:$0xf] =	wrdreg s19;
	s23 =	sshrl.u32 s21, $0x3;
	s24 =	sshrl.u32 s22, $0x3  }
0x1c: {  	s25 =	sadd.s32 $0x140, s17;
	s6 =	simm.s32 $0x3;
	[dreg:$0xc] =	wrdreg s0  }
0x1d: {  	s0 =	sshrl.u32 s11, $0x3;
	[dreg:$0x12] =	wrdreg s25;
	s26 =	sadd.s32 s24, s4  }
0x1e: {  	s24 =	simm.s32 $0x80;
	s25 =	simm.s32 $0x2A00;
	s0 =	sadd.s32 s9, s0  }
.Ltmp0:
0x1f: {  	[dreg:$0xd] =	wrdreg s0;
	s0 =	sadd.s32 $0x25080, s14;
	(pc) =	sbr.rel .LBB2_1-.Ltmp0, $4  }
0x20: {  	s11 =	simm.s32 $0x0;
	[dreg:$0xe] =	wrdreg s0;
	s0 =	sshrl.u32 s20, $0x3  }
0x21: {  	[dreg:$0x13] =	wrdreg s26;
	s26 =	simm.s32 $0x100;
	s0 =	sadd.s32 s0, s4  }
0x22: {  	s9 =	simm.s32 $0x7;
	[dreg:$0x10] =	wrdreg s0;
	s0 =	sadd.s32 s23, s4  }
0x23: {  	s23 =	simm.s32 $0x200;
	[dreg:$0x11] =	wrdreg s0;
	s0 =	simm.s32 $0x7A00  }
.LBB2_4:
0x24: {  	_ =	swait.ge [sflag:s8], $0x50  }
0x25: {  	[sflag:s8] =	ssyncset.done $0x0  }
0x26: {  	[sflag:s8] =	ssyncadd.s32 $0xFFFFFFB0  }
0x27: {  	_ =	swait.ge [sflag:s8], $0x2800  }
0x28: {  	[sflag:s8] =	ssyncset.done $0x0  }
0x29: {  	[sflag:s8] =	ssyncadd.s32 $0xFFFFD800  }
0x2a: {  	[spmem:s2] =	stream.indirect.scatter.add.f32 [tilespmem:s0], [sflag:$0x8], $0x80, s31, s30, $0xb8;
	[tilespmem:$0x1DA80] =	vst v63  }
0x2b: {  	_ =	swait.ge [sflag:s9], $0x2800  }
0x2c: {  	[sflag:s9] =	ssyncset.done $0x0  }
0x2d: {  	[sflag:s9] =	ssyncadd.s32 $0xFFFFD800  }
0x2e: {  	_ =	swait.ge [sflag:s10], $0x2800  }
0x2f: {  	[sflag:s10] =	ssyncset.done $0x0  }
0x30: {  	[sflag:s10] =	ssyncadd.s32 $0xFFFFD800  }
0x31: {  	_ =	swait.ge [sflag:s29], $0x50  }
0x32: {  	[sflag:s29] =	ssyncset.done $0x0  }
0x33: {  	[sflag:s29] =	ssyncadd.s32 $0xFFFFFFB0  }
0x34: {  	_ =	swait.ge [sflag:s29], $0x2800  }
0x35: {  	[sflag:s29] =	ssyncset.done $0x0  }
0x36: {  	[sflag:s29] =	ssyncadd.s32 $0xFFFFD800  }
0x37: {  	[spmem:s2] =	stream.indirect.scatter.add.f32 [tilespmem:s23], [sflag:$0x5], $0x80, s3, s30, $0xb8;
	[tilespmem:$0x1DA80] =	vst v63  }
0x38: {  	_ =	swait.ge [sflag:s5], $0x2800  }
0x39: {  	[sflag:s5] =	ssyncset.done $0x0  }
0x3a: {  	[sflag:s5] =	ssyncadd.s32 $0xFFFFD800  }
0x3b: {  	[bflag:$0x0] =	sbarrier.arrive $0xFFFF  }
0x3c: {  	s15 =	simm.s32 @p0 $0x1FC9;
	s16 =	rddreg [dreg:$0xe]  }
0x3d: {  	[hbm:s16], [sflag:s15] =	dma.local @p0 [spmem:s12], $0x2080  }
0x3e: {  	s12 =	simm.s32 @p0 $0x9  }
0x3f: {  	_ =	swait.ge @p0 [sflag:s12], $0x2080  }
0x40: {  	[sflag:s12] =	ssyncset.done @p0 $0x0  }
0x41: {  	[sflag:s12] =	ssyncadd.s32 @p0 $0xFFFFDF80;
	s12 =	rddreg [dreg:$0xd]  }
0x42: {  	[hbm:s12], [sflag:s13] =	dma.local @!p0 [spmem:s14], $0x2780  }
0x43: {  	s12 =	simm.s32 @!p0 $0x9  }
0x44: {  	_ =	swait.ge @!p0 [sflag:s12], $0x2780  }
0x45: {  	s11 =	sadd.s32 $0x1, s11;
	s22 =	rddreg [dreg:$0xf]  }
0x46: {  	p1 =	sne.s32 s11, s22  }
.Ltmp1:
0x47: {  	_ = 	snop;
	(pc) =	sbr.rel @!p1 .LBB2_5-.Ltmp1, $3  }
0x48: {  	_ =	sdelay $0x1  }
0x49: {  	[sflag:s12] =	ssyncset.done @!p0 $0x0  }
0x4a: {  	[sflag:s12] =	ssyncadd.s32 @!p0 $0xFFFFD880  }
.LBB2_1:
0x4b: {  	s12 =	rddreg [dreg:$0x5]  }
0x4c: {  	s13 =	simm.s32 @p0 $0x1FC9;
	s14 =	rddreg [dreg:$0x6];
	s12 =	sshrl.u32 @p0 s12, $0x3  }
0x4d: {  	[spmem:s12], [sflag:s13] =	dma.local @p0 [hbm:s14], $0x2080  }
0x4e: {  	s13 =	simm.s32 @p0 $0x9  }
0x4f: {  	s14 =	stileid.u32;
	_ =	swait.ge @p0 [sflag:s13], $0x2080  }
0x50: {  	s14 =	sshll.u32 @!p0 s14, $0x6;
	[sflag:s13] =	ssyncset.done @p0 $0x0  }
0x51: {  	[sflag:s13] =	ssyncadd.s32 @p0 $0xFFFFDF80;
	s13 =	sor.u32 @!p0 $0x1C09, s14;
	s14 =	rddreg [dreg:$0x3]  }
0x52: {  	s16 =	simm.s32 @!p0 $0x9;
	s15 =	rddreg [dreg:$0x4];
	s14 =	sshrl.u32 @!p0 s14, $0x3  }
0x53: {  	[spmem:s14], [sflag:s13] =	dma.local @!p0 [hbm:s15], $0x2780  }
0x54: {  	_ =	swait.ge @!p0 [sflag:s16], $0x2780  }
0x55: {  	[sflag:s16] =	ssyncset.done @!p0 $0x0  }
0x56: {  	[sflag:s16] =	ssyncadd.s32 @!p0 $0xFFFFD880  }
0x57: {  	[bflag:$0x0] =	sbarrier.arrive $0xFFFF  }
0x58: {  	s16 =	rddreg [dreg:$0x7]  }
0x59: {  	s17 =	rddreg [dreg:$0x8]  }
0x5a: {  	s19 =	rddreg [dreg:$0x9]  }
0x5b: {  	s20 =	rddreg [dreg:$0xa]  }
0x5c: {  	[tilespmem:s3], [sflag:$0x1] =	stream.linear.gather [hbm4b:s16+s3], $0x50, $0x38;
	[tilespmem:$0x1DA80] =	vst v63  }
0x5d: {  	s21 =	rddreg [dreg:$0xb]  }
0x5e: {  	[tilespmem:s23], [sflag:$0x1] =	stream.linear.gather [hbm4b:s17+s3], $0x2800, $0x38;
	[tilespmem:$0x1DA80] =	vst v63  }
0x5f: {  	s22 =	rddreg [dreg:$0xc]  }
0x60: {  	[tilespmem:s24], [sflag:$0x2] =	stream.linear.gather [hbm4b:s19+s3], $0x50, $0x38;
	[tilespmem:$0x1DA80] =	vst v63  }
0x61: {  	s19 =	rddreg [dreg:$0x10]  }
0x62: {  	[tilespmem:s25], [sflag:$0x2] =	stream.linear.gather [hbm4b:s20+s3], $0x2800, $0x38;
	[tilespmem:$0x1DA80] =	vst v63  }
0x63: {  	s20 =	rddreg [dreg:$0x11]  }
0x64: {  	[tilespmem:s26], [sflag:$0x3] =	stream.linear.gather [hbm4b:s21+s3], $0x50, $0x38;
	[tilespmem:$0x1DA80] =	vst v63  }
0x65: {  	s21 =	rddreg [dreg:$0x12]  }
0x66: {  	[tilespmem:s28], [sflag:$0x3] =	stream.linear.gather [hbm4b:s22+s3], $0x2800, $0x38;
	[tilespmem:$0x1DA80] =	vst v63  }
0x67: {  	s17 =	simm.s32 $0x0;
	s22 =	rddreg [dreg:$0x13]  }
.LBB2_2:
0x68: {  	_ =	swait.ge [sflag:s29], $0x50  }
0x69: {  	[sflag:s29] =	ssyncset.done $0x0  }
0x6a: {  	[sflag:s29] =	ssyncadd.s32 $0xFFFFFFB0  }
0x6b: {  	_ =	swait.ge [sflag:s29], $0x2800  }
0x6c: {  	p1 =	seq.s32 s17, $0x0;
	[sflag:s29] =	ssyncset.done $0x0  }
0x6d: {  	s16 =	simm.s32 @!p1 $0x8;
	[sflag:s29] =	ssyncadd.s32 $0xFFFFD800  }
0x6e: {  	[spmem:s2] =	stream.indirect.scatter.add.f32 [tilespmem:s23], [sflag:$0x5], $0x80, s3, s30, $0xb8;
	[tilespmem:$0x1DA80] =	vst v63  }
0x6f: {  	_ =	swait.ge @!p1 [sflag:s16], $0x2800  }
0x70: {  	[sflag:s16] =	ssyncset.done @!p1 $0x0  }
0x71: {  	[sflag:s16] =	ssyncadd.s32 @!p1 $0xFFFFD800;
	s16 =	sadd.s32 s17, s18  }
0x72: {  	[tilespmem:s31], [sflag:$0x4] =	stream.linear.gather [hbm4b:s22+s3], $0x50, $0x38;
	[tilespmem:$0x1DA80] =	vst v63  }
0x73: {  	s15 =	sadd.s32 $0xF00, s16  }
0x74: {  	[tilespmem:s0], [sflag:$0x4] =	stream.linear.gather [hbm4b:s15+s3], $0x2800, $0x38;
	[tilespmem:$0x1DA80] =	vst v63  }
0x75: {  	_ =	swait.ge [sflag:s1], $0x50  }
0x76: {  	[sflag:s1] =	ssyncset.done $0x0  }
0x77: {  	[sflag:s1] =	ssyncadd.s32 $0xFFFFFFB0  }
0x78: {  	_ =	swait.ge [sflag:s1], $0x2800  }
0x79: {  	[sflag:s1] =	ssyncset.done $0x0  }
0x7a: {  	[sflag:s1] =	ssyncadd.s32 $0xFFFFD800  }
0x7b: {  	[spmem:s2] =	stream.indirect.scatter.add.f32 [tilespmem:s25], [sflag:$0x6], $0x80, s24, s30, $0xb8;
	[tilespmem:$0x1DA80] =	vst v63  }
0x7c: {  	_ =	swait.ge [sflag:s5], $0x2800  }
0x7d: {  	s15 =	sshrl.u32 s21, $0x3;
	[sflag:s5] =	ssyncset.done $0x0  }
0x7e: {  	s15 =	sadd.s32 s4, s15;
	[sflag:s5] =	ssyncadd.s32 $0xFFFFD800  }
0x7f: {  	[tilespmem:s3], [sflag:$0x1] =	stream.linear.gather [hbm4b:s15+s3], $0x50, $0x38;
	[tilespmem:$0x1DA80] =	vst v63  }
0x80: {  	s15 =	sadd.s32 $0x1400, s16  }
0x81: {  	[tilespmem:s23], [sflag:$0x1] =	stream.linear.gather [hbm4b:s15+s3], $0x2800, $0x38;
	[tilespmem:$0x1DA80] =	vst v63  }
0x82: {  	_ =	swait.ge [sflag:s6], $0x50  }
0x83: {  	[sflag:s6] =	ssyncset.done $0x0  }
0x84: {  	[sflag:s6] =	ssyncadd.s32 $0xFFFFFFB0  }
0x85: {  	_ =	swait.ge [sflag:s6], $0x2800  }
0x86: {  	p1 =	seq.s32 s17, $0x25800;
	[sflag:s6] =	ssyncset.done $0x0  }
.Ltmp2:
0x87: {  	[sflag:s6] =	ssyncadd.s32 $0xFFFFD800;
	(pc) =	sbr.rel @p1 .LBB2_4-.Ltmp2, $4  }
0x88: {  	[spmem:s2] =	stream.indirect.scatter.add.f32 [tilespmem:s28], [sflag:$0x7], $0x80, s26, s30, $0xb8;
	[tilespmem:$0x1DA80] =	vst v63  }
0x89: {  	_ =	swait.ge [sflag:s7], $0x2800  }
0x8a: {  	[sflag:s7] =	ssyncset.done $0x0  }
0x8b: {  	[sflag:s7] =	ssyncadd.s32 $0xFFFFD800  }
0x8c: {  	[tilespmem:s24], [sflag:$0x2] =	stream.linear.gather [hbm4b:s20+s3], $0x50, $0x38;
	[tilespmem:$0x1DA80] =	vst v63  }
0x8d: {  	s15 =	sadd.s32 $0x1900, s16  }
0x8e: {  	[tilespmem:s25], [sflag:$0x2] =	stream.linear.gather [hbm4b:s15+s3], $0x2800, $0x38;
	[tilespmem:$0x1DA80] =	vst v63  }
0x8f: {  	_ =	swait.ge [sflag:s8], $0x50  }
0x90: {  	[sflag:s8] =	ssyncset.done $0x0  }
0x91: {  	[sflag:s8] =	ssyncadd.s32 $0xFFFFFFB0  }
0x92: {  	_ =	swait.ge [sflag:s8], $0x2800  }
0x93: {  	[sflag:s8] =	ssyncset.done $0x0  }
0x94: {  	[sflag:s8] =	ssyncadd.s32 $0xFFFFD800  }
0x95: {  	[spmem:s2] =	stream.indirect.scatter.add.f32 [tilespmem:s0], [sflag:$0x8], $0x80, s31, s30, $0xb8;
	[tilespmem:$0x1DA80] =	vst v63  }
0x96: {  	_ =	swait.ge [sflag:s9], $0x2800  }
.Ltmp3:
0x97: {  	s16 =	sadd.s32 $0x1E00, s16;
	[sflag:s9] =	ssyncset.done $0x0;
	(pc) =	sbr.rel .LBB2_2-.Ltmp3, $4  }
0x98: {  	s17 =	sadd.s32 $0x1400, s17;
	s20 =	sadd.s32 $0x28, s20;
	[sflag:s9] =	ssyncadd.s32 $0xFFFFD800  }
0x99: {  	[tilespmem:s26], [sflag:$0x3] =	stream.linear.gather [hbm4b:s19+s3], $0x50, $0x38;
	[tilespmem:$0x1DA80] =	vst v63  }
0x9a: {  	s21 =	sadd.s32 $0x140, s21;
	s22 =	sadd.s32 $0x28, s22;
	s19 =	sadd.s32 $0x28, s19  }
0x9b: {  	[tilespmem:s28], [sflag:$0x3] =	stream.linear.gather [hbm4b:s16+s3], $0x2800, $0x38;
	[tilespmem:$0x1DA80] =	vst v63  }
.LBB2_5:
0x9c: {  	_ =	sfence.sel $0x180000  }
0x9d: {  	[bflag:$0x0] =	sbarrier.arrive $0xFFFF  }
0x9e: {  	_ =	strace $0x9000004D  }
0x9f: {  	s0 =	stileid.u32;
	[bflag:$0x2] =	sbarrier.arrive $0xFFFF  }
0xa0: {  	p0 =	sne.s32 s0, $0x0;
	s0 =	rddreg [dreg:$0x2]  }
0xa1: {  	s0 =	sadd.s32 @!p0 $0x100000, s0  }
0xa2: {  	[sflag:s0] =	ssyncadd.tile.s32 @!p0 $0x1;
	_ =	shalt  }
.Lfunc_end2:
_tile_overlayer_lowered:
.L_overlay_start_2:
0xa3: {  	(tag) =	ssettag $0x2  }
0xa4: {  	s0 =	rddreg [dreg:$0x0];
	s2 =	stileid.u32  }
0xa5: {  	s1 =	rddreg [dreg:$0x1];
	p0 =	sne.s32 s2, $0x0  }
0xa6: {  	s3 =	rddreg [dreg:$0x2];
	[bflag:$0x3] =	sbarrier.arrive $0xFFFF;
	s2 =	simm.s32 @!p0 $0x1C09  }
0xa7: {  	[timem:s3], [sflag:s2] =	dma.local @!p0 [hbm:s0], s1  }
0xa8: {  	s0 =	simm.s32 @!p0 $0x9  }
0xa9: {  	_ =	swait.ge @!p0 [sflag:s0], s1  }
0xaa: {  	s1 =	ssub.s32 @!p0 $0x0, s1;
	[sflag:s0] =	ssyncset.done @!p0 $0x0  }
0xab: {  	[sflag:s0] =	ssyncadd.s32 @!p0 s1  }
0xac: {  	[bflag:$0x3] =	sbarrier.arrive $0xFFFF  }
0xad: {  	_ =	shalt  }

// kernel: kernel.15.cloned.1.call-start
scs
__scs_entry_jumppad:
0x0: {  	(pc) =	sbr.rel $0x88, $3  }
0x1: {  	(tag) =	ssettag $0x0;
	lr =	simm.s32 $0x1  }
0x2: {  	[smem:$0x3F81] =	sst lr;
	_ =	strace $0xD0000000  }
0x3: {  	_ = 	snop  }
0x4: {  	_ = 	snop  }
0x5: {  	_ = 	snop  }
0x6: {  	_ = 	snop  }
0x7: {  	_ = 	snop  }
__scs_overlays_trampoline_lowered:
0x8: {  	[smem:$0x3F90] =	sst s0  }
0x9: {  	[smem:$0x3F91] =	sst s1  }
0xa: {  	[smem:$0x3F92] =	sst s2  }
0xb: {  	[smem:$0x3F93] =	sst s3  }
0xc: {  	[smem:$0x3F94] =	sst s4  }
0xd: {  	[smem:$0x3F95] =	sst s5  }
0xe: {  	[smem:$0x3F96] =	sst s6  }
0xf: {  	[smem:$0x3F97] =	sst s7  }
0x10: {  	[smem:$0x3F98] =	sst s8  }
0x11: {  	[smem:$0x3F99] =	sst s9;
	s0 =	simm.s32 @!p0 $0x0  }
0x12: {  	s1 =	sld [smem:$0x3F7F];
	s0 =	simm.s32 @p0 $0x1  }
0x13: {  	[smem:$0x3F9A] =	sst s0;
	s0 =	simm.s32 @!p1 $0x0  }
0x14: {  	s2 =	sld [smem:$0x3F7E];
	s0 =	simm.s32 @p1 $0x1  }
0x15: {  	[smem:$0x3F9B] =	sst s0;
	s0 =	simm.s32 @!p2 $0x0  }
0x16: {  	s3 =	sld [smem:$0x3FDB];
	s0 =	simm.s32 @p2 $0x1  }
0x17: {  	s4 =	simm.s32 $0x1BF5;
	[smem:$0x3F9D] =	sst s0  }
0x18: {  	s0 =	sld [smem:$0x3F80];
	_ =	swait.ge [sflag:s4], $0x0  }
0x19: {  	s7 =	sld [smem:$0x3F81]  }
0x1a: {  	s8 =	sadd.s32 $0xFFFFE003, lr  }
0x1b: {  	s9 =	sadd.s32 $0xFFFFFEF7, lr;
	s5 =	simm.s32 $0xFFFFFFFF;
	p2 =	slt.u32 s8, $0xFFFFF086  }
0x1c: {  	p1 =	slt.u32 s9, $0xF7A;
	s5 =	simm.s32 @!p2 $0x0  }
0x1d: {  	s5 =	simm.s32 @p1 $0x1;
	p0 =	seq.s32 s7, s2  }
0x1e: {  	s7 =	smul.u32 @!p0 $0xF7A, s2;
	p2 =	seq.s32 @!p0 s5, $0x0  }
0x1f: {  	s9 =	smul.u32 $0xF7A, s1;
	s8 =	simm.s32 @!p0 $0x1BF5;
	p2 =	por !p2, p0  }
0x20: {  	[sflag:s8] =	ssyncset.s32 @!p0 $0xFFFFF086;
	s6 =	sadd.s32 @!p0 s3, s7;
	s7 =	simm.s32 @!p0 $0x108  }
0x21: {  	s3 =	sadd.s32 s3, s9;
	s6 =	sadd.s32 @!p0 $0x88, s6;
	s7 =	simm.s32 @p2 $0x1082  }
0x22: {  	[simem:s7], [sflag:s8] =	dma.local @!p0 [hbm:s6], $0xF7A  }
0x23: {  	s9 =	sor.u32 $0xD0000000, s2;
	s6 =	simm.s32 $0x108;
	_ =	swait.ge @!p0 [sflag:s8], $0x0  }
0x24: {  	s3 =	sadd.s32 $0x88, s3;
	s6 =	simm.s32 @!p1 $0x1082;
	[sflag:s4] =	ssyncset.s32 $0xFFFFF086  }
0x25: {  	[simem:s6], [sflag:s4] =	dma.local [hbm:s3], $0xF7A  }
0x26: {  	[smem:$0x3F81] =	sst s1;
	(tag) =	ssettag s2;
	_ =	strace s9  }
0x27: {  	s1 =	sld [smem:$0x3F91]  }
0x28: {  	s2 =	sld [smem:$0x3F92]  }
0x29: {  	s4 =	sld [smem:$0x3F94]  }
0x2a: {  	p0 =	seq.s32 s5, $0x0;
	s5 =	sld [smem:$0x3F95]  }
0x2b: {  	s6 =	sld [smem:$0x3F96]  }
0x2c: {  	s7 =	sld [smem:$0x3F97]  }
0x2d: {  	s3 =	simm.s32 $0x108;
	s8 =	sld [smem:$0x3F98]  }
0x2e: {  	s3 =	simm.s32 @!p0 $0x1082;
	s9 =	sld [smem:$0x3F99]  }
0x2f: {  	lr =	sadd.s32 s0, s3;
	s0 =	sld [smem:$0x3F90]  }
0x30: {  	s3 =	sld [smem:$0x3F93]  }
0x31: {  	[smem:$0x3F9C] =	sst s10  }
0x32: {  	s10 =	sld [smem:$0x3F9A];
	_ =	sdelay $0x3  }
0x33: {  	p0 =	seq.s32 s10, $0x1;
	s10 =	sld [smem:$0x3F9C];
	_ =	sdelay $0x3  }
0x34: {  	[smem:$0x3F9C] =	sst s10  }
0x35: {  	s10 =	sld [smem:$0x3F9B];
	_ =	sdelay $0x3  }
0x36: {  	p1 =	seq.s32 s10, $0x1;
	s10 =	sld [smem:$0x3F9C];
	_ =	sdelay $0x3  }
0x37: {  	[smem:$0x3F9C] =	sst s10  }
0x38: {  	s10 =	sld [smem:$0x3F9D]  }
0x39: {  	_ = 	snop;
	(pc) =	sbr.ind lr, $3  }
0x3a: {  	_ = 	snop  }
0x3b: {  	_ = 	snop  }
0x3c: {  	p2 =	seq.s32 s10, $0x1;
	s10 =	sld [smem:$0x3F9C]  }
0x3d: {  	_ =	shalt  }
0x3e: {  	_ =	shalt  }
0x3f: {  	_ =	shalt  }
0x40: {  	_ =	shalt  }
0x41: {  	_ =	shalt  }
0x42: {  	_ =	shalt  }
0x43: {  	_ =	shalt  }
0x44: {  	_ =	shalt  }
0x45: {  	_ =	shalt  }
0x46: {  	_ =	shalt  }
0x47: {  	_ =	shalt  }
0x48: {  	_ =	shalt  }
0x49: {  	_ =	shalt  }
0x4a: {  	_ =	shalt  }
0x4b: {  	_ =	shalt  }
0x4c: {  	_ =	shalt  }
0x4d: {  	_ =	shalt  }
0x4e: {  	_ =	shalt  }
0x4f: {  	_ =	shalt  }
0x50: {  	_ =	shalt  }
0x51: {  	_ =	shalt  }
0x52: {  	_ =	shalt  }
0x53: {  	_ =	shalt  }
0x54: {  	_ =	shalt  }
0x55: {  	_ =	shalt  }
0x56: {  	_ =	shalt  }
0x57: {  	_ =	shalt  }
0x58: {  	_ =	shalt  }
0x59: {  	_ =	shalt  }
0x5a: {  	_ =	shalt  }
0x5b: {  	_ =	shalt  }
0x5c: {  	_ =	shalt  }
0x5d: {  	_ =	shalt  }
0x5e: {  	_ =	shalt  }
0x5f: {  	_ =	shalt  }
0x60: {  	_ =	shalt  }
0x61: {  	_ =	shalt  }
0x62: {  	_ =	shalt  }
0x63: {  	_ =	shalt  }
0x64: {  	_ =	shalt  }
0x65: {  	_ =	shalt  }
0x66: {  	_ =	shalt  }
0x67: {  	_ =	shalt  }
0x68: {  	_ =	shalt  }
0x69: {  	_ =	shalt  }
0x6a: {  	_ =	shalt  }
0x6b: {  	_ =	shalt  }
0x6c: {  	_ =	shalt  }
0x6d: {  	_ =	shalt  }
0x6e: {  	_ =	shalt  }
0x6f: {  	_ =	shalt  }
0x70: {  	_ =	shalt  }
0x71: {  	_ =	shalt  }
0x72: {  	_ =	shalt  }
0x73: {  	_ =	shalt  }
0x74: {  	_ =	shalt  }
0x75: {  	_ =	shalt  }
0x76: {  	_ =	shalt  }
0x77: {  	_ =	shalt  }
0x78: {  	_ =	shalt  }
0x79: {  	_ =	shalt  }
0x7a: {  	_ =	shalt  }
0x7b: {  	_ =	shalt  }
0x7c: {  	_ =	shalt  }
0x7d: {  	_ =	shalt  }
0x7e: {  	_ =	shalt  }
0x7f: {  	_ =	shalt  }
0x80: {  	_ =	shalt  }
0x81: {  	_ =	shalt  }
0x82: {  	_ =	shalt  }
0x83: {  	_ =	shalt  }
0x84: {  	_ =	shalt  }
0x85: {  	_ =	shalt  }
0x86: {  	_ =	shalt  }
0x87: {  	_ =	shalt  }
.Lfunc_end0:
.L_simem_size_0:
called_computation.2_lowered:
.L_overlay_start_0:
0x88: {  	s2 =	sld [smem:$0x3FD9]  }
0x89: {  	s3 =	sld [smem:$0x3FFE];
	_ =	sdelay $0x1  }
0x8a: {  	s1 =	srdreg.scid  }
0x8b: {  	s0 =	sand.u32 $0x1, s1  }
0x8c: {  	s14 =	sshll.u32 s0, $0xA;
	s2 =	sadd.s32 s3, s2  }
0x8d: {  	s2 =	sadd.s32 s2, s14  }
0x8e: {  	[smem:$0x3FA8] =	sst s2  }
0x8f: {  	_ = 	snop  }
0x90: {  	s2 =	sld [smem:$0x3FD0];
	_ =	sdelay $0x2  }
0x91: {  	s15 =	simm.s32 $0xB;
	s4 =	simm.s32 $0x10  }
0x92: {  	[smem:s4], [sflag:s15] =	dma.local [hbm:s2], $0x1  }
0x93: {  	_ =	swait.eq [sflag:s15], $0x1  }
0x94: {  	[sflag:s15] =	ssyncset.done $0x0  }
0x95: {  	[sflag:s15] =	ssyncadd.s32 $0xFFFFFFFF  }
0x96: {  	s16 =	sld [smem:$0x10];
	(tm) =	ssettm $0x1  }
0x97: {  	s17 =	sld [smem:$0x3FFB];
	_ =	sdelay $0x3  }
0x98: {  	_ =	strace s17  }
0x99: {  	s3 =	sld [smem:$0x3FFC];
	_ =	sdelay $0x3  }
0x9a: {  	_ =	strace s3  }
0x9b: {  	s3 =	sld [smem:$0x3FFD];
	_ =	sdelay $0x3  }
0x9c: {  	_ =	strace s3  }
0x9d: {  	_ =	strace $0x8FFFFFFF  }
0x9e: {  	s18 =	sld [smem:$0x3FDB];
	_ =	sdelay $0x1  }
0x9f: {  	s19 =	simm.s32 $_scs_section_size  }
0xa0: {  	s5 =	simm.s32 $_size__tile_overlayer_lowered;
	s6 =	simm.s32 $_tile_overlayer_lowered  }
0xa1: {  	s22 =	simm.s32 $0x1BFF;
	s21 =	sshll.u32 s6, $0x1;
	s3 =	sadd.s32 s19, s18  }
0xa2: {  	s7 =	simm.s32 $0x0;
	s20 =	sshll.u32 s5, $0x1;
	s5 =	sadd.s32 s21, s3  }
0xa3: {  	[timem:s7], [sflag:s22] =	dma.local [hbm:s5], s20  }
0xa4: {  	_ =	swait.ge [sflag:s22], s20  }
0xa5: {  	s4 =	ssub.s32 $0x0, s20;
	[sflag:s22] =	ssyncset.done $0x0  }
0xa6: {  	[sflag:s22] =	ssyncadd.s32 s4;
	_ =	sdelay $0x1  }
0xa7: {  	s23 =	simm.s32 $0x1B8B  }
0xa8: {  	_ =	swait.ge [sflag:s23], $0x1  }
0xa9: {  	[sflag:s23] =	ssyncset.done $0x0  }
0xaa: {  	s25 =	simm.s32 $0x1B8E;
	s24 =	sld [smem:$0x3FFE];
	[sflag:s23] =	ssyncadd.s32 $0xFFFFFFFF  }
0xab: {  	s26 =	simm.s32 $execute0_lowered;
	[smem:$0x3FD2] =	sst s25  }
0xac: {  	s5 =	sshll.u32 s26, $0x1;
	_ =	strace $0x80000049;
	[dreg:$0x1] =	wrdreg $0xFFFFFFFF  }
0xad: {  	s28 =	simm.s32 $_size_execute0_lowered;
	s3 =	sadd.s32 s3, s5;
	[dreg:$0x0] =	wrdreg $0x0  }
0xae: {  	s5 =	sshll.u32 s28, $0x1;
	[dreg:$0x2] =	wrdreg s3  }
0xaf: {  	[dreg:$0x3] =	wrdreg s5  }
0xb0: {  	[dreg:$0x4] =	wrdreg $0xC0  }
0xb1: {  	_ =	task [dreg:s7], $0x5FFFF  }
0xb2: {  	[dreg:$0x1] =	wrdreg $0xFFFFFFFF  }
0xb3: {  	[dreg:$0x0] =	wrdreg $0x60  }
0xb4: {  	[dreg:$0x2] =	wrdreg s24  }
0xb5: {  	[dreg:$0x3] =	wrdreg s16  }
0xb6: {  	[dreg:$0x4] =	wrdreg $0xA  }
0xb7: {  	_ =	task.clear_ibuf [dreg:s7], $0x5FFFF;
	_ =	strace $0x90000049  }
0xb8: {  	s29 =	simm.s32 $0xA;
	_ =	strace $0x8000004B  }
0xb9: {  	_ =	swait.ge [sflag:s29], $0x1  }
0xba: {  	[sflag:s29] =	ssyncadd.s32 $0xFFFFFFFF  }
0xbb: {  	_ =	strace $0x9000004B  }
0xbc: {  	_ =	sfence  }
0xbd: {  	s30 =	sld [smem:$0x0];
	_ =	sdelay $0x2  }
0xbe: {  	s31 =	sshll.u32 s1, $0xD;
	s1 =	sshrl.u32 s1, $0x2  }
0xbf: {  	s3 =	sand.u32 $0x4000, s31;
	s1 =	sadd.s32 s1, s30  }
0xc0: {  	s0 =	sor.u32 s3, s0;
	s1 =	sshll.u32 s1, $0x11  }
0xc1: {  	s0 =	sor.u32 s1, s0  }
0xc2: {  	s0 =	sadd.s32 $0x8F2B, s0  }
0xc3: {  	[sflag:s0] =	ssyncadd.remote.s32 $0x1  }
0xc4: {  	_ =	sfence.sel $0xFFFF  }
0xc5: {  	[dreg:$0x0] =	wrdreg $0xFFFFFFFF;
	(pc) =	sbr.abs _section_cstart, $3  }
0xc6: {  	[dreg:$0x1] =	wrdreg $0xFFFFFFFF  }
0xc7: {  	_ =	task.clear_ibuf [dreg:s7], $0x2FFFF;
	_ =	strace $0x9FFFFFFF  }
0xc8: {  	(tm) =	ssettm $0x7FFFFFFF  }
0xc9: {  	_ =	shalt  }
tec
execute0_lowered:
.L_overlay_start_1:
0x0: {  	(tag) =	ssettag $0x1  }
0x1: {  	s0 =	rddreg [dreg:$0x0]  }
0x2: {  	s1 =	rddreg [dreg:$0x1];
	s2 =	srdreg.scid;
	s3 =	simm.s32 $0x0  }
0x3: {  	s13 =	stileid.u32;
	s28 =	simm.s32 $0x200;
	s29 =	simm.s32 $0x400  }
0x4: {  	s30 =	simm.s32 $0x280;
	s31 =	simm.s32 $0x500;
	s2 =	sand.u32 $0x1, s2  }
0x5: {  	[smem:$0x7FF] =	sst s3;
	s25 =	smul.u32 $0x2710, s13;
	s4 =	sshll.u32 s2, $0x4  }
0x6: {  	s10 =	ssub.s32 $0x2, s2;
	s2 =	smul.u32 $0x27100, s2;
	s6 =	sor.u32 s13, s4  }
0x7: {  	s5 =	sadd.s32 $0x10E00, s0;
	s8 =	sadd.s32 $0x52DC00, s0;
	s7 =	smul.u32 $0x2710, s6  }
0x8: {  	_ =	strace $0x8000004A;
	s4 =	sadd.s32 $0x6400, s0;
	s9 =	smul.u32 $0x4F0, s6  }
0x9: {  	s22 =	sshrl.u32 s10, $0x1;
	s6 =	smul.u32 $0xEA6, s6;
	s2 =	sadd.s32 s25, s2  }
0xa: {  	s14 =	smul.u32 $0x3, s2;
	s20 =	sadd.s32 $0xA0, s2;
	s11 =	sadd.s32 $0x50, s7  }
0xb: {  	s0 =	sadd.s32 s9, s0;
	s7 =	sshrl.u32 s7, $0x3;
	s6 =	sadd.s32 s8, s6  }
0xc: {  	s9 =	ssub.s32 s10, s22;
	s23 =	sadd.s32 s5, s7;
	[dreg:$0xa] =	wrdreg s6  }
0xd: {  	s12 =	smul.u32 $0x3, s11;
	s7 =	sadd.s32 s4, s7;
	[dreg:$0x8] =	wrdreg s23  }
0xe: {  	s24 =	sshrl.u32 s11, $0x3;
	s11 =	sadd.s32 $0x1AC00, s0;
	[dreg:$0x9] =	wrdreg s7  }
0xf: {  	s13 =	sadd.s32 $0x24A00, s0;
	s0 =	sadd.s32 $0x2E800, s0;
	[dreg:$0xe] =	wrdreg s11  }
0x10: {  	s15 =	smax.u32 s9, $0x1;
	s18 =	sadd.s32 $0x3C0, s14;
	[dreg:$0xf] =	wrdreg s13  }
0x11: {  	s21 =	sadd.s32 $0x2D0, s14;
	s26 =	sadd.s32 s5, s24;
	[dreg:$0x10] =	wrdreg s0  }
0x12: {  	s7 =	sadd.s32 s4, s24;
	[dreg:$0x11] =	wrdreg s15;
	s19 =	sshrl.u32 s18, $0x3  }
0x13: {  	s0 =	sshrl.u32 s21, $0x3;
	s24 =	sadd.s32 $0x1E0, s14;
	[dreg:$0xb] =	wrdreg s26  }
0x14: {  	s21 =	simm.s32 $0x4;
	[dreg:$0xc] =	wrdreg s7;
	s10 =	sshrl.u32 s12, $0x3  }
0x15: {  	s12 =	sadd.s32 $0x140, s2;
	s11 =	sadd.s32 s19, s8;
	s9 =	sadd.s32 s0, s8  }
0x16: {  	s25 =	sshrl.u32 s24, $0x3;
	s26 =	simm.s32 $0x100;
	s24 =	simm.s32 $0x180  }
0x17: {  	s0 =	simm.s32 $0x1;
	s7 =	simm.s32 $0x0;
	s6 =	sadd.s32 s8, s10  }
0x18: {  	s10 =	sadd.s32 $0xF0, s2;
	s8 =	sadd.s32 s25, s8;
	[dreg:$0x7] =	wrdreg s26  }
0x19: {  	s25 =	simm.s32 $0x300;
	[dreg:$0xd] =	wrdreg s6;
	s6 =	sshrl.u32 s12, $0x3  }
0x1a: {  	s26 =	simm.s32 $0x80;
	s2 =	simm.s32 $0x2;
	s16 =	sadd.s32 s6, s4  }
0x1b: {  	s17 =	sadd.s32 s6, s5;
	s6 =	sshrl.u32 s20, $0x3;
	[dreg:$0x3] =	wrdreg s16  }
0x1c: {  	s20 =	simm.s32 $0x600;
	[dreg:$0x4] =	wrdreg s17;
	s22 =	sadd.s32 s6, s4  }
0x1d: {  	s23 =	sadd.s32 s6, s5;
	s6 =	simm.s32 $0x3;
	[dreg:$0x5] =	wrdreg s22  }
0x1e: {  	[dreg:$0x6] =	wrdreg s23;
	s22 =	simm.s32 $0x2D80;
	s23 =	simm.s32 $0x5500  }
.LBB2_1:
0x1f: {  	[tilespmem:s20], [sflag:$0x4] =	stream.linear.gather [hbm4b:s1+s3], $0x2780, $0x38;
	[tilespmem:$0x7C80] =	vst v63  }
0x20: {  	_ =	swait.ge [sflag:s21], $0x2780  }
0x21: {  	[sflag:s21] =	ssyncset.done $0x0  }
0x22: {  	[sflag:s21] =	ssyncadd.s32 $0xFFFFD880  }
0x23: {  	[tilespmem:s22], [sflag:$0x4] =	stream.linear.gather [hbm4b:s1+s3], $0x2780, $0x38;
	[tilespmem:$0x7C80] =	vst v63  }
0x24: {  	_ =	swait.ge [sflag:s21], $0x2780  }
0x25: {  	[sflag:s21] =	ssyncset.done $0x0  }
0x26: {  	[sflag:s21] =	ssyncadd.s32 $0xFFFFD880  }
0x27: {  	[tilespmem:s23], [sflag:$0x4] =	stream.linear.gather [hbm4b:s1+s3], $0x2780, $0x38;
	[tilespmem:$0x7C80] =	vst v63  }
0x28: {  	_ =	swait.ge [sflag:s21], $0x2780  }
0x29: {  	[sflag:s21] =	ssyncset.done $0x0  }
0x2a: {  	s12 =	rddreg [dreg:$0x8];
	[sflag:s21] =	ssyncadd.s32 $0xFFFFD880  }
0x2b: {  	[tilespmem:s3], [sflag:$0x1] =	stream.linear.gather [hbm4b:s12+s3], $0x50, $0x38;
	[tilespmem:$0x7C80] =	vst v63  }
0x2c: {  	s15 =	rddreg [dreg:$0x9]  }
0x2d: {  	[tilespmem:s24], [sflag:$0x1] =	stream.linear.gather [hbm4b:s15+s3], $0x50, $0x38;
	[tilespmem:$0x7C80] =	vst v63  }
0x2e: {  	s16 =	rddreg [dreg:$0xa]  }
0x2f: {  	[tilespmem:s25], [sflag:$0x1] =	stream.linear.gather [hbm4b:s16+s3], $0xF0, $0x38;
	[tilespmem:$0x7C80] =	vst v63  }
0x30: {  	s17 =	rddreg [dreg:$0xb]  }
0x31: {  	[tilespmem:s26], [sflag:$0x2] =	stream.linear.gather [hbm4b:s17+s3], $0x50, $0x38;
	[tilespmem:$0x7C80] =	vst v63  }
0x32: {  	s18 =	rddreg [dreg:$0xc]  }
0x33: {  	[tilespmem:s28], [sflag:$0x2] =	stream.linear.gather [hbm4b:s18+s3], $0x50, $0x38;
	[tilespmem:$0x7C80] =	vst v63  }
0x34: {  	s19 =	rddreg [dreg:$0xd];
	s12 =	simm.s32 $0x0;
	s16 =	smov.u32 s11  }
0x35: {  	[tilespmem:s29], [sflag:$0x2] =	stream.linear.gather [hbm4b:s19+s3], $0xF0, $0x38;
	[tilespmem:$0x7C80] =	vst v63  }
0x36: {  	s17 =	smov.u32 s10;
	s18 =	smov.u32 s9;
	s19 =	smov.u32 s8  }
.LBB2_2:
0x37: {  	s13 =	rddreg [dreg:$0x6]  }
0x38: {  	s14 =	rddreg [dreg:$0x7]  }
0x39: {  	s15 =	rddreg [dreg:$0x5];
	s13 =	sadd.s32 s12, s13  }
0x3a: {  	[tilespmem:s14], [sflag:$0x3] =	stream.linear.gather [hbm4b:s13+s3], $0x50, $0x38;
	[tilespmem:$0x7C80] =	vst v63  }
0x3b: {  	s14 =	sadd.s32 s12, s15  }
0x3c: {  	[tilespmem:s30], [sflag:$0x3] =	stream.linear.gather [hbm4b:s14+s3], $0x50, $0x38;
	[tilespmem:$0x7C80] =	vst v63  }
0x3d: {  	_ = 	snop  }
0x3e: {  	[tilespmem:s31], [sflag:$0x3] =	stream.linear.gather [hbm4b:s19+s3], $0xF0, $0x38;
	[tilespmem:$0x7C80] =	vst v63  }
0x3f: {  	_ =	swait.ge [sflag:s0], $0x50  }
0x40: {  	[sflag:s0] =	ssyncset.done $0x0  }
0x41: {  	[sflag:s0] =	ssyncadd.s32 $0xFFFFFFB0  }
0x42: {  	_ =	swait.ge [sflag:s0], $0x50  }
0x43: {  	[sflag:s0] =	ssyncset.done $0x0  }
0x44: {  	[sflag:s0] =	ssyncadd.s32 $0xFFFFFFB0  }
0x45: {  	_ =	swait.ge [sflag:s0], $0xF0  }
0x46: {  	[sflag:s0] =	ssyncset.done $0x0  }
0x47: {  	[sflag:s0] =	ssyncadd.s32 $0xFFFFFF10  }
0x48: {  	v0 =	vld [tilespmem:$0x0]  }
0x49: {  	v1 =	vld [tilespmem:$0x180]  }
0x4a: {  	v2 =	vld [tilespmem:$0x300];
	_ =	sdelay $0x4  }
0x4b: {  	v2 =	vmul.f32 v2, v1;
	_ =	sdelay $0x1  }
0x4c: {  	[tilespmem:v0+s20+$0x0] =	vst.idx.add.f32.msk $0xffff, v2  }
0x4d: {  	v2 =	vld [tilespmem:$0x350];
	_ =	sdelay $0x4  }
0x4e: {  	v2 =	vmul.f32 v2, v1;
	_ =	sdelay $0x1  }
0x4f: {  	[tilespmem:v0+s22+$0x0] =	vst.idx.add.f32.msk $0xffff, v2  }
0x50: {  	v2 =	vld [tilespmem:$0x3A0];
	_ =	sdelay $0x4  }
0x51: {  	v1 =	vmul.f32 v2, v1;
	_ =	sdelay $0x1  }
0x52: {  	[tilespmem:v0+s23+$0x0] =	vst.idx.add.f32.msk $0xffff, v1  }
0x53: {  	v0 =	vld [tilespmem:$0x10]  }
0x54: {  	v1 =	vld [tilespmem:$0x190]  }
0x55: {  	v46 =	vld [tilespmem:$0x310];
	_ =	sdelay $0x4  }
0x56: {  	v2 =	vmul.f32 v46, v1;
	_ =	sdelay $0x1  }
0x57: {  	[tilespmem:v0+s20+$0x0] =	vst.idx.add.f32.msk $0xffff, v2  }
0x58: {  	v2 =	vld [tilespmem:$0x360];
	_ =	sdelay $0x4  }
0x59: {  	v2 =	vmul.f32 v2, v1;
	_ =	sdelay $0x1  }
0x5a: {  	[tilespmem:v0+s22+$0x0] =	vst.idx.add.f32.msk $0xffff, v2  }
0x5b: {  	v2 =	vld [tilespmem:$0x3B0];
	_ =	sdelay $0x4  }
0x5c: {  	v1 =	vmul.f32 v2, v1;
	_ =	sdelay $0x1  }
0x5d: {  	[tilespmem:v0+s23+$0x0] =	vst.idx.add.f32.msk $0xffff, v1  }
0x5e: {  	v0 =	vld [tilespmem:$0x20]  }
0x5f: {  	v1 =	vld [tilespmem:$0x1A0]  }
0x60: {  	v47 =	vld [tilespmem:$0x320];
	_ =	sdelay $0x4  }
0x61: {  	v2 =	vmul.f32 v47, v1;
	_ =	sdelay $0x1  }
0x62: {  	[tilespmem:v0+s20+$0x0] =	vst.idx.add.f32.msk $0xffff, v2  }
0x63: {  	v2 =	vld [tilespmem:$0x370];
	_ =	sdelay $0x4  }
0x64: {  	v2 =	vmul.f32 v2, v1;
	_ =	sdelay $0x1  }
0x65: {  	[tilespmem:v0+s22+$0x0] =	vst.idx.add.f32.msk $0xffff, v2  }
0x66: {  	v2 =	vld [tilespmem:$0x3C0];
	_ =	sdelay $0x4  }
0x67: {  	v1 =	vmul.f32 v2, v1;
	_ =	sdelay $0x1  }
0x68: {  	[tilespmem:v0+s23+$0x0] =	vst.idx.add.f32.msk $0xffff, v1  }
0x69: {  	v0 =	vld [tilespmem:$0x30]  }
0x6a: {  	v1 =	vld [tilespmem:$0x1B0]  }
0x6b: {  	v48 =	vld [tilespmem:$0x330];
	_ =	sdelay $0x4  }
0x6c: {  	v2 =	vmul.f32 v48, v1;
	_ =	sdelay $0x1  }
0x6d: {  	[tilespmem:v0+s20+$0x0] =	vst.idx.add.f32.msk $0xffff, v2  }
0x6e: {  	v2 =	vld [tilespmem:$0x380];
	_ =	sdelay $0x4  }
0x6f: {  	v2 =	vmul.f32 v2, v1;
	_ =	sdelay $0x1  }
0x70: {  	[tilespmem:v0+s22+$0x0] =	vst.idx.add.f32.msk $0xffff, v2  }
0x71: {  	v2 =	vld [tilespmem:$0x3D0];
	_ =	sdelay $0x4  }
0x72: {  	v1 =	vmul.f32 v2, v1;
	_ =	sdelay $0x1  }
0x73: {  	[tilespmem:v0+s23+$0x0] =	vst.idx.add.f32.msk $0xffff, v1  }
0x74: {  	v0 =	vld [tilespmem:$0x40]  }
0x75: {  	v1 =	vld [tilespmem:$0x1C0]  }
0x76: {  	v49 =	vld [tilespmem:$0x340];
	_ =	sdelay $0x4  }
0x77: {  	v2 =	vmul.f32 v49, v1;
	_ =	sdelay $0x1  }
0x78: {  	[tilespmem:v0+s20+$0x0] =	vst.idx.add.f32.msk $0xffff, v2  }
0x79: {  	v2 =	vld [tilespmem:$0x390];
	_ =	sdelay $0x4  }
0x7a: {  	v2 =	vmul.f32 v2, v1;
	_ =	sdelay $0x1  }
0x7b: {  	[tilespmem:v0+s22+$0x0] =	vst.idx.add.f32.msk $0xffff, v2  }
0x7c: {  	v2 =	vld [tilespmem:$0x3E0];
	_ =	sdelay $0x4  }
0x7d: {  	v1 =	vmul.f32 v2, v1  }
0x7e: {  	s13 =	sshrl.u32 s17, $0x3  }
0x7f: {  	s15 =	sadd.s32 s5, s13;
	[tilespmem:v0+s23+$0x0] =	vst.idx.add.f32.msk $0xffff, v1  }
0x80: {  	[tilespmem:s3], [sflag:$0x1] =	stream.linear.gather [hbm4b:s15+s3], $0x50, $0x38;
	[tilespmem:$0x7C80] =	vst v63  }
0x81: {  	s13 =	sadd.s32 s4, s13  }
0x82: {  	[tilespmem:s24], [sflag:$0x1] =	stream.linear.gather [hbm4b:s13+s3], $0x50, $0x38;
	[tilespmem:$0x7C80] =	vst v63  }
0x83: {  	_ = 	snop  }
0x84: {  	[tilespmem:s25], [sflag:$0x1] =	stream.linear.gather [hbm4b:s18+s3], $0xF0, $0x38;
	[tilespmem:$0x7C80] =	vst v63  }
0x85: {  	_ =	swait.ge [sflag:s2], $0x50  }
0x86: {  	[sflag:s2] =	ssyncset.done $0x0  }
0x87: {  	[sflag:s2] =	ssyncadd.s32 $0xFFFFFFB0  }
0x88: {  	_ =	swait.ge [sflag:s2], $0x50  }
0x89: {  	[sflag:s2] =	ssyncset.done $0x0  }
0x8a: {  	[sflag:s2] =	ssyncadd.s32 $0xFFFFFFB0  }
0x8b: {  	_ =	swait.ge [sflag:s2], $0xF0  }
0x8c: {  	[sflag:s2] =	ssyncset.done $0x0  }
0x8d: {  	[sflag:s2] =	ssyncadd.s32 $0xFFFFFF10  }
0x8e: {  	v50 =	vld [tilespmem:$0x80]  }
0x8f: {  	v51 =	vld [tilespmem:$0x200]  }
0x90: {  	v52 =	vld [tilespmem:$0x400];
	_ =	sdelay $0x4  }
0x91: {  	v2 =	vmul.f32 v52, v51;
	_ =	sdelay $0x1  }
0x92: {  	[tilespmem:v50+s20+$0x0] =	vst.idx.add.f32.msk $0xffff, v2  }
0x93: {  	v2 =	vld [tilespmem:$0x450];
	_ =	sdelay $0x4  }
0x94: {  	v2 =	vmul.f32 v2, v51;
	_ =	sdelay $0x1  }
0x95: {  	[tilespmem:v50+s22+$0x0] =	vst.idx.add.f32.msk $0xffff, v2  }
0x96: {  	v2 =	vld [tilespmem:$0x4A0];
	_ =	sdelay $0x4  }
0x97: {  	v1 =	vmul.f32 v2, v51;
	_ =	sdelay $0x1  }
0x98: {  	[tilespmem:v50+s23+$0x0] =	vst.idx.add.f32.msk $0xffff, v1  }
0x99: {  	v0 =	vld [tilespmem:$0x90]  }
0x9a: {  	v1 =	vld [tilespmem:$0x210]  }
0x9b: {  	v53 =	vld [tilespmem:$0x410];
	_ =	sdelay $0x4  }
0x9c: {  	v2 =	vmul.f32 v53, v1;
	_ =	sdelay $0x1  }
0x9d: {  	[tilespmem:v0+s20+$0x0] =	vst.idx.add.f32.msk $0xffff, v2  }
0x9e: {  	v2 =	vld [tilespmem:$0x460];
	_ =	sdelay $0x4  }
0x9f: {  	v2 =	vmul.f32 v2, v1;
	_ =	sdelay $0x1  }
0xa0: {  	[tilespmem:v0+s22+$0x0] =	vst.idx.add.f32.msk $0xffff, v2  }
0xa1: {  	v2 =	vld [tilespmem:$0x4B0];
	_ =	sdelay $0x4  }
0xa2: {  	v1 =	vmul.f32 v2, v1;
	_ =	sdelay $0x1  }
0xa3: {  	[tilespmem:v0+s23+$0x0] =	vst.idx.add.f32.msk $0xffff, v1  }
0xa4: {  	v0 =	vld [tilespmem:$0xA0]  }
0xa5: {  	v1 =	vld [tilespmem:$0x220]  }
0xa6: {  	v54 =	vld [tilespmem:$0x420];
	_ =	sdelay $0x4  }
0xa7: {  	v2 =	vmul.f32 v54, v1;
	_ =	sdelay $0x1  }
0xa8: {  	[tilespmem:v0+s20+$0x0] =	vst.idx.add.f32.msk $0xffff, v2  }
0xa9: {  	v2 =	vld [tilespmem:$0x470];
	_ =	sdelay $0x4  }
0xaa: {  	v2 =	vmul.f32 v2, v1;
	_ =	sdelay $0x1  }
0xab: {  	[tilespmem:v0+s22+$0x0] =	vst.idx.add.f32.msk $0xffff, v2  }
0xac: {  	v2 =	vld [tilespmem:$0x4C0];
	_ =	sdelay $0x4  }
0xad: {  	v1 =	vmul.f32 v2, v1;
	_ =	sdelay $0x1  }
0xae: {  	[tilespmem:v0+s23+$0x0] =	vst.idx.add.f32.msk $0xffff, v1  }
0xaf: {  	v0 =	vld [tilespmem:$0xB0]  }
0xb0: {  	v1 =	vld [tilespmem:$0x230]  }
0xb1: {  	v55 =	vld [tilespmem:$0x430];
	_ =	sdelay $0x4  }
0xb2: {  	v2 =	vmul.f32 v55, v1;
	_ =	sdelay $0x1  }
0xb3: {  	[tilespmem:v0+s20+$0x0] =	vst.idx.add.f32.msk $0xffff, v2  }
0xb4: {  	v2 =	vld [tilespmem:$0x480];
	_ =	sdelay $0x4  }
0xb5: {  	v2 =	vmul.f32 v2, v1;
	_ =	sdelay $0x1  }
0xb6: {  	[tilespmem:v0+s22+$0x0] =	vst.idx.add.f32.msk $0xffff, v2  }
0xb7: {  	v2 =	vld [tilespmem:$0x4D0];
	_ =	sdelay $0x4  }
0xb8: {  	v1 =	vmul.f32 v2, v1;
	_ =	sdelay $0x1  }
0xb9: {  	[tilespmem:v0+s23+$0x0] =	vst.idx.add.f32.msk $0xffff, v1  }
0xba: {  	v0 =	vld [tilespmem:$0xC0]  }
0xbb: {  	v1 =	vld [tilespmem:$0x240]  }
0xbc: {  	v56 =	vld [tilespmem:$0x440];
	_ =	sdelay $0x4  }
0xbd: {  	v2 =	vmul.f32 v56, v1;
	_ =	sdelay $0x1  }
0xbe: {  	[tilespmem:v0+s20+$0x0] =	vst.idx.add.f32.msk $0xffff, v2  }
0xbf: {  	v2 =	vld [tilespmem:$0x490];
	_ =	sdelay $0x4  }
0xc0: {  	v2 =	vmul.f32 v2, v1;
	_ =	sdelay $0x1  }
0xc1: {  	[tilespmem:v0+s22+$0x0] =	vst.idx.add.f32.msk $0xffff, v2  }
0xc2: {  	v2 =	vld [tilespmem:$0x4E0];
	_ =	sdelay $0x4  }
0xc3: {  	v1 =	vmul.f32 v2, v1  }
0xc4: {  	s14 =	rddreg [dreg:$0x4]  }
0xc5: {  	s15 =	rddreg [dreg:$0x3];
	s13 =	sadd.s32 s12, s14;
	[tilespmem:v0+s23+$0x0] =	vst.idx.add.f32.msk $0xffff, v1  }
0xc6: {  	[tilespmem:s26], [sflag:$0x2] =	stream.linear.gather [hbm4b:s13+s3], $0x50, $0x38;
	[tilespmem:$0x7C80] =	vst v63  }
0xc7: {  	s15 =	sadd.s32 s12, s15  }
0xc8: {  	[tilespmem:s28], [sflag:$0x2] =	stream.linear.gather [hbm4b:s15+s3], $0x50, $0x38;
	[tilespmem:$0x7C80] =	vst v63  }
0xc9: {  	_ = 	snop  }
0xca: {  	[tilespmem:s29], [sflag:$0x2] =	stream.linear.gather [hbm4b:s16+s3], $0xF0, $0x38;
	[tilespmem:$0x7C80] =	vst v63  }
0xcb: {  	_ =	swait.ge [sflag:s6], $0x50  }
0xcc: {  	[sflag:s6] =	ssyncset.done $0x0  }
0xcd: {  	[sflag:s6] =	ssyncadd.s32 $0xFFFFFFB0  }
0xce: {  	_ =	swait.ge [sflag:s6], $0x50  }
0xcf: {  	[sflag:s6] =	ssyncset.done $0x0  }
0xd0: {  	[sflag:s6] =	ssyncadd.s32 $0xFFFFFFB0  }
0xd1: {  	_ =	swait.ge [sflag:s6], $0xF0  }
0xd2: {  	[sflag:s6] =	ssyncset.done $0x0  }
0xd3: {  	[sflag:s6] =	ssyncadd.s32 $0xFFFFFF10  }
0xd4: {  	v57 =	vld [tilespmem:$0x100]  }
0xd5: {  	v58 =	vld [tilespmem:$0x280]  }
0xd6: {  	v59 =	vld [tilespmem:$0x500];
	_ =	sdelay $0x4  }
0xd7: {  	v2 =	vmul.f32 v59, v58;
	_ =	sdelay $0x1  }
0xd8: {  	[tilespmem:v57+s20+$0x0] =	vst.idx.add.f32.msk $0xffff, v2  }
0xd9: {  	v2 =	vld [tilespmem:$0x550];
	_ =	sdelay $0x4  }
0xda: {  	v2 =	vmul.f32 v2, v58;
	_ =	sdelay $0x1  }
0xdb: {  	[tilespmem:v57+s22+$0x0] =	vst.idx.add.f32.msk $0xffff, v2  }
0xdc: {  	v2 =	vld [tilespmem:$0x5A0];
	_ =	sdelay $0x4  }
0xdd: {  	v1 =	vmul.f32 v2, v58;
	_ =	sdelay $0x1  }
0xde: {  	[tilespmem:v57+s23+$0x0] =	vst.idx.add.f32.msk $0xffff, v1  }
0xdf: {  	v0 =	vld [tilespmem:$0x110]  }
0xe0: {  	v1 =	vld [tilespmem:$0x290]  }
0xe1: {  	v60 =	vld [tilespmem:$0x510];
	_ =	sdelay $0x4  }
0xe2: {  	v2 =	vmul.f32 v60, v1;
	_ =	sdelay $0x1  }
0xe3: {  	[tilespmem:v0+s20+$0x0] =	vst.idx.add.f32.msk $0xffff, v2  }
0xe4: {  	v2 =	vld [tilespmem:$0x560];
	_ =	sdelay $0x4  }
0xe5: {  	v2 =	vmul.f32 v2, v1;
	_ =	sdelay $0x1  }
0xe6: {  	[tilespmem:v0+s22+$0x0] =	vst.idx.add.f32.msk $0xffff, v2  }
0xe7: {  	v2 =	vld [tilespmem:$0x5B0];
	_ =	sdelay $0x4  }
0xe8: {  	v1 =	vmul.f32 v2, v1;
	_ =	sdelay $0x1  }
0xe9: {  	[tilespmem:v0+s23+$0x0] =	vst.idx.add.f32.msk $0xffff, v1  }
0xea: {  	v0 =	vld [tilespmem:$0x120]  }
0xeb: {  	v1 =	vld [tilespmem:$0x2A0]  }
0xec: {  	v61 =	vld [tilespmem:$0x520];
	_ =	sdelay $0x4  }
0xed: {  	v2 =	vmul.f32 v61, v1;
	_ =	sdelay $0x1  }
0xee: {  	[tilespmem:v0+s20+$0x0] =	vst.idx.add.f32.msk $0xffff, v2  }
0xef: {  	v2 =	vld [tilespmem:$0x570];
	_ =	sdelay $0x4  }
0xf0: {  	v2 =	vmul.f32 v2, v1;
	_ =	sdelay $0x1  }
0xf1: {  	[tilespmem:v0+s22+$0x0] =	vst.idx.add.f32.msk $0xffff, v2  }
0xf2: {  	v2 =	vld [tilespmem:$0x5C0];
	_ =	sdelay $0x4  }
0xf3: {  	v1 =	vmul.f32 v2, v1;
	_ =	sdelay $0x1  }
0xf4: {  	[tilespmem:v0+s23+$0x0] =	vst.idx.add.f32.msk $0xffff, v1  }
0xf5: {  	v0 =	vld [tilespmem:$0x130]  }
0xf6: {  	v1 =	vld [tilespmem:$0x2B0]  }
0xf7: {  	v62 =	vld [tilespmem:$0x530];
	_ =	sdelay $0x4  }
0xf8: {  	v2 =	vmul.f32 v62, v1;
	_ =	sdelay $0x1  }
0xf9: {  	[tilespmem:v0+s20+$0x0] =	vst.idx.add.f32.msk $0xffff, v2  }
0xfa: {  	v2 =	vld [tilespmem:$0x580];
	_ =	sdelay $0x4  }
0xfb: {  	v2 =	vmul.f32 v2, v1;
	_ =	sdelay $0x1  }
0xfc: {  	[tilespmem:v0+s22+$0x0] =	vst.idx.add.f32.msk $0xffff, v2  }
0xfd: {  	v2 =	vld [tilespmem:$0x5D0];
	_ =	sdelay $0x4  }
0xfe: {  	v1 =	vmul.f32 v2, v1;
	_ =	sdelay $0x1  }
0xff: {  	[tilespmem:v0+s23+$0x0] =	vst.idx.add.f32.msk $0xffff, v1  }
0x100: {  	v0 =	vld [tilespmem:$0x140]  }
0x101: {  	v1 =	vld [tilespmem:$0x2C0]  }
0x102: {  	v63 =	vld [tilespmem:$0x540];
	_ =	sdelay $0x4  }
0x103: {  	v2 =	vmul.f32 v63, v1;
	_ =	sdelay $0x1  }
0x104: {  	[tilespmem:v0+s20+$0x0] =	vst.idx.add.f32.msk $0xffff, v2  }
0x105: {  	v2 =	vld [tilespmem:$0x590];
	_ =	sdelay $0x4  }
0x106: {  	v2 =	vmul.f32 v2, v1;
	_ =	sdelay $0x1  }
0x107: {  	[tilespmem:v0+s22+$0x0] =	vst.idx.add.f32.msk $0xffff, v2  }
0x108: {  	v2 =	vld [tilespmem:$0x5E0];
	_ =	sdelay $0x1  }
0x109: {  	p0 =	sne.s32 s12, $0x4B0  }
.Ltmp0:
0x10a: {  	_ = 	snop;
	(pc) =	sbr.rel @p0 .LBB2_2-.Ltmp0, $4  }
0x10b: {  	_ = 	snop  }
0x10c: {  	v1 =	vmul.f32 v2, v1  }
0x10d: {  	s17 =	sadd.s32 $0xF0, s17;
	s19 =	sadd.s32 $0x5A, s19  }
0x10e: {  	s18 =	sadd.s32 $0x5A, s18;
	s12 =	sadd.s32 $0x1E, s12;
	s16 =	sadd.s32 $0x5A, s16;
	[tilespmem:v0+s23+$0x0] =	vst.idx.add.f32.msk $0xffff, v1  }
0x10f: {  	_ =	swait.ge [sflag:s0], $0x50  }
0x110: {  	[sflag:s0] =	ssyncset.done $0x0  }
0x111: {  	[sflag:s0] =	ssyncadd.s32 $0xFFFFFFB0  }
0x112: {  	_ =	swait.ge [sflag:s0], $0x50  }
0x113: {  	[sflag:s0] =	ssyncset.done $0x0  }
0x114: {  	[sflag:s0] =	ssyncadd.s32 $0xFFFFFFB0  }
0x115: {  	_ =	swait.ge [sflag:s0], $0xF0  }
0x116: {  	[sflag:s0] =	ssyncset.done $0x0  }
0x117: {  	[sflag:s0] =	ssyncadd.s32 $0xFFFFFF10  }
0x118: {  	v0 =	vld [tilespmem:$0x0]  }
0x119: {  	v1 =	vld [tilespmem:$0x180]  }
0x11a: {  	v2 =	vld [tilespmem:$0x300];
	_ =	sdelay $0x4  }
0x11b: {  	v2 =	vmul.f32 v2, v1;
	_ =	sdelay $0x1  }
0x11c: {  	[tilespmem:v0+s20+$0x0] =	vst.idx.add.f32.msk $0xffff, v2  }
0x11d: {  	v2 =	vld [tilespmem:$0x350];
	_ =	sdelay $0x4  }
0x11e: {  	v2 =	vmul.f32 v2, v1;
	_ =	sdelay $0x1  }
0x11f: {  	[tilespmem:v0+s22+$0x0] =	vst.idx.add.f32.msk $0xffff, v2  }
0x120: {  	v2 =	vld [tilespmem:$0x3A0];
	_ =	sdelay $0x4  }
0x121: {  	v1 =	vmul.f32 v2, v1;
	_ =	sdelay $0x1  }
0x122: {  	[tilespmem:v0+s23+$0x0] =	vst.idx.add.f32.msk $0xffff, v1  }
0x123: {  	v0 =	vld [tilespmem:$0x10]  }
0x124: {  	v1 =	vld [tilespmem:$0x190]  }
0x125: {  	v53 =	vld [tilespmem:$0x310];
	_ =	sdelay $0x4  }
0x126: {  	v2 =	vmul.f32 v53, v1;
	_ =	sdelay $0x1  }
0x127: {  	[tilespmem:v0+s20+$0x0] =	vst.idx.add.f32.msk $0xffff, v2  }
0x128: {  	v2 =	vld [tilespmem:$0x360];
	_ =	sdelay $0x4  }
0x129: {  	v2 =	vmul.f32 v2, v1;
	_ =	sdelay $0x1  }
0x12a: {  	[tilespmem:v0+s22+$0x0] =	vst.idx.add.f32.msk $0xffff, v2  }
0x12b: {  	v2 =	vld [tilespmem:$0x3B0];
	_ =	sdelay $0x4  }
0x12c: {  	v1 =	vmul.f32 v2, v1;
	_ =	sdelay $0x1  }
0x12d: {  	[tilespmem:v0+s23+$0x0] =	vst.idx.add.f32.msk $0xffff, v1  }
0x12e: {  	v0 =	vld [tilespmem:$0x20]  }
0x12f: {  	v1 =	vld [tilespmem:$0x1A0]  }
0x130: {  	v54 =	vld [tilespmem:$0x320];
	_ =	sdelay $0x4  }
0x131: {  	v2 =	vmul.f32 v54, v1;
	_ =	sdelay $0x1  }
0x132: {  	[tilespmem:v0+s20+$0x0] =	vst.idx.add.f32.msk $0xffff, v2  }
0x133: {  	v2 =	vld [tilespmem:$0x370];
	_ =	sdelay $0x4  }
0x134: {  	v2 =	vmul.f32 v2, v1;
	_ =	sdelay $0x1  }
0x135: {  	[tilespmem:v0+s22+$0x0] =	vst.idx.add.f32.msk $0xffff, v2  }
0x136: {  	v2 =	vld [tilespmem:$0x3C0];
	_ =	sdelay $0x4  }
0x137: {  	v1 =	vmul.f32 v2, v1;
	_ =	sdelay $0x1  }
0x138: {  	[tilespmem:v0+s23+$0x0] =	vst.idx.add.f32.msk $0xffff, v1  }
0x139: {  	v0 =	vld [tilespmem:$0x30]  }
0x13a: {  	v1 =	vld [tilespmem:$0x1B0]  }
0x13b: {  	v55 =	vld [tilespmem:$0x330];
	_ =	sdelay $0x4  }
0x13c: {  	v2 =	vmul.f32 v55, v1;
	_ =	sdelay $0x1  }
0x13d: {  	[tilespmem:v0+s20+$0x0] =	vst.idx.add.f32.msk $0xffff, v2  }
0x13e: {  	v2 =	vld [tilespmem:$0x380];
	_ =	sdelay $0x4  }
0x13f: {  	v2 =	vmul.f32 v2, v1;
	_ =	sdelay $0x1  }
0x140: {  	[tilespmem:v0+s22+$0x0] =	vst.idx.add.f32.msk $0xffff, v2  }
0x141: {  	v2 =	vld [tilespmem:$0x3D0];
	_ =	sdelay $0x4  }
0x142: {  	v1 =	vmul.f32 v2, v1;
	_ =	sdelay $0x1  }
0x143: {  	[tilespmem:v0+s23+$0x0] =	vst.idx.add.f32.msk $0xffff, v1  }
0x144: {  	v0 =	vld [tilespmem:$0x40]  }
0x145: {  	v1 =	vld [tilespmem:$0x1C0]  }
0x146: {  	v56 =	vld [tilespmem:$0x340];
	_ =	sdelay $0x4  }
0x147: {  	v2 =	vmul.f32 v56, v1;
	_ =	sdelay $0x1  }
0x148: {  	[tilespmem:v0+s20+$0x0] =	vst.idx.add.f32.msk $0xffff, v2  }
0x149: {  	v2 =	vld [tilespmem:$0x390];
	_ =	sdelay $0x4  }
0x14a: {  	v2 =	vmul.f32 v2, v1;
	_ =	sdelay $0x1  }
0x14b: {  	[tilespmem:v0+s22+$0x0] =	vst.idx.add.f32.msk $0xffff, v2  }
0x14c: {  	v2 =	vld [tilespmem:$0x3E0];
	_ =	sdelay $0x4  }
0x14d: {  	v1 =	vmul.f32 v2, v1;
	_ =	sdelay $0x1  }
0x14e: {  	[tilespmem:v0+s23+$0x0] =	vst.idx.add.f32.msk $0xffff, v1  }
0x14f: {  	_ =	swait.ge [sflag:s2], $0x50  }
0x150: {  	[sflag:s2] =	ssyncset.done $0x0  }
0x151: {  	[sflag:s2] =	ssyncadd.s32 $0xFFFFFFB0  }
0x152: {  	_ =	swait.ge [sflag:s2], $0x50  }
0x153: {  	[sflag:s2] =	ssyncset.done $0x0  }
0x154: {  	[sflag:s2] =	ssyncadd.s32 $0xFFFFFFB0  }
0x155: {  	_ =	swait.ge [sflag:s2], $0xF0  }
0x156: {  	[sflag:s2] =	ssyncset.done $0x0  }
0x157: {  	[sflag:s2] =	ssyncadd.s32 $0xFFFFFF10  }
0x158: {  	v57 =	vld [tilespmem:$0x80]  }
0x159: {  	v58 =	vld [tilespmem:$0x200]  }
0x15a: {  	v59 =	vld [tilespmem:$0x400];
	_ =	sdelay $0x4  }
0x15b: {  	v2 =	vmul.f32 v59, v58;
	_ =	sdelay $0x1  }
0x15c: {  	[tilespmem:v57+s20+$0x0] =	vst.idx.add.f32.msk $0xffff, v2  }
0x15d: {  	v2 =	vld [tilespmem:$0x450];
	_ =	sdelay $0x4  }
0x15e: {  	v2 =	vmul.f32 v2, v58;
	_ =	sdelay $0x1  }
0x15f: {  	[tilespmem:v57+s22+$0x0] =	vst.idx.add.f32.msk $0xffff, v2  }
0x160: {  	v2 =	vld [tilespmem:$0x4A0];
	_ =	sdelay $0x4  }
0x161: {  	v1 =	vmul.f32 v2, v58;
	_ =	sdelay $0x1  }
0x162: {  	[tilespmem:v57+s23+$0x0] =	vst.idx.add.f32.msk $0xffff, v1  }
0x163: {  	v0 =	vld [tilespmem:$0x90]  }
0x164: {  	v1 =	vld [tilespmem:$0x210]  }
0x165: {  	v60 =	vld [tilespmem:$0x410];
	_ =	sdelay $0x4  }
0x166: {  	v2 =	vmul.f32 v60, v1;
	_ =	sdelay $0x1  }
0x167: {  	[tilespmem:v0+s20+$0x0] =	vst.idx.add.f32.msk $0xffff, v2  }
0x168: {  	v2 =	vld [tilespmem:$0x460];
	_ =	sdelay $0x4  }
0x169: {  	v2 =	vmul.f32 v2, v1;
	_ =	sdelay $0x1  }
0x16a: {  	[tilespmem:v0+s22+$0x0] =	vst.idx.add.f32.msk $0xffff, v2  }
0x16b: {  	v2 =	vld [tilespmem:$0x4B0];
	_ =	sdelay $0x4  }
0x16c: {  	v1 =	vmul.f32 v2, v1;
	_ =	sdelay $0x1  }
0x16d: {  	[tilespmem:v0+s23+$0x0] =	vst.idx.add.f32.msk $0xffff, v1  }
0x16e: {  	v0 =	vld [tilespmem:$0xA0]  }
0x16f: {  	v1 =	vld [tilespmem:$0x220]  }
0x170: {  	v61 =	vld [tilespmem:$0x420];
	_ =	sdelay $0x4  }
0x171: {  	v2 =	vmul.f32 v61, v1;
	_ =	sdelay $0x1  }
0x172: {  	[tilespmem:v0+s20+$0x0] =	vst.idx.add.f32.msk $0xffff, v2  }
0x173: {  	v2 =	vld [tilespmem:$0x470];
	_ =	sdelay $0x4  }
0x174: {  	v2 =	vmul.f32 v2, v1;
	_ =	sdelay $0x1  }
0x175: {  	[tilespmem:v0+s22+$0x0] =	vst.idx.add.f32.msk $0xffff, v2  }
0x176: {  	v2 =	vld [tilespmem:$0x4C0];
	_ =	sdelay $0x4  }
0x177: {  	v1 =	vmul.f32 v2, v1;
	_ =	sdelay $0x1  }
0x178: {  	[tilespmem:v0+s23+$0x0] =	vst.idx.add.f32.msk $0xffff, v1  }
0x179: {  	v0 =	vld [tilespmem:$0xB0]  }
0x17a: {  	v1 =	vld [tilespmem:$0x230]  }
0x17b: {  	v62 =	vld [tilespmem:$0x430];
	_ =	sdelay $0x4  }
0x17c: {  	v2 =	vmul.f32 v62, v1;
	_ =	sdelay $0x1  }
0x17d: {  	[tilespmem:v0+s20+$0x0] =	vst.idx.add.f32.msk $0xffff, v2  }
0x17e: {  	v2 =	vld [tilespmem:$0x480];
	_ =	sdelay $0x4  }
0x17f: {  	v2 =	vmul.f32 v2, v1;
	_ =	sdelay $0x1  }
0x180: {  	[tilespmem:v0+s22+$0x0] =	vst.idx.add.f32.msk $0xffff, v2  }
0x181: {  	v2 =	vld [tilespmem:$0x4D0];
	_ =	sdelay $0x4  }
0x182: {  	v1 =	vmul.f32 v2, v1;
	_ =	sdelay $0x1  }
0x183: {  	[tilespmem:v0+s23+$0x0] =	vst.idx.add.f32.msk $0xffff, v1  }
0x184: {  	v0 =	vld [tilespmem:$0xC0]  }
0x185: {  	v1 =	vld [tilespmem:$0x240]  }
0x186: {  	v63 =	vld [tilespmem:$0x440];
	_ =	sdelay $0x4  }
0x187: {  	v2 =	vmul.f32 v63, v1;
	_ =	sdelay $0x1  }
0x188: {  	[tilespmem:v0+s20+$0x0] =	vst.idx.add.f32.msk $0xffff, v2  }
0x189: {  	v2 =	vld [tilespmem:$0x490];
	_ =	sdelay $0x4  }
0x18a: {  	v2 =	vmul.f32 v2, v1;
	_ =	sdelay $0x1  }
0x18b: {  	[tilespmem:v0+s22+$0x0] =	vst.idx.add.f32.msk $0xffff, v2  }
0x18c: {  	v2 =	vld [tilespmem:$0x4E0];
	_ =	sdelay $0x4  }
0x18d: {  	v1 =	vmul.f32 v2, v1;
	_ =	sdelay $0x1  }
0x18e: {  	s12 =	rddreg [dreg:$0xe];
	[tilespmem:v0+s23+$0x0] =	vst.idx.add.f32.msk $0xffff, v1  }
0x18f: {  	[hbm4b:s12+s3] =	stream.linear.scatter [tilespmem:s20], [sflag:$0x4], $0x2780, $0x38;
	[tilespmem:$0x7C80] =	vst v63  }
0x190: {  	_ =	swait.ge [sflag:s21], $0x2780  }
0x191: {  	[sflag:s21] =	ssyncset.done $0x0  }
0x192: {  	s17 =	rddreg [dreg:$0xf];
	[sflag:s21] =	ssyncadd.s32 $0xFFFFD880  }
0x193: {  	[hbm4b:s17+s3] =	stream.linear.scatter [tilespmem:s22], [sflag:$0x4], $0x2780, $0x38;
	[tilespmem:$0x7C80] =	vst v63  }
0x194: {  	_ =	swait.ge [sflag:s21], $0x2780  }
0x195: {  	[sflag:s21] =	ssyncset.done $0x0  }
0x196: {  	s18 =	rddreg [dreg:$0x10];
	[sflag:s21] =	ssyncadd.s32 $0xFFFFD880  }
0x197: {  	[hbm4b:s18+s3] =	stream.linear.scatter [tilespmem:s23], [sflag:$0x4], $0x2780, $0x38;
	[tilespmem:$0x7C80] =	vst v63  }
0x198: {  	_ =	swait.ge [sflag:s21], $0x2780  }
0x199: {  	s7 =	sadd.s32 $0x1, s7;
	s19 =	rddreg [dreg:$0x11]  }
0x19a: {  	p0 =	sne.s32 s7, s19  }
.Ltmp1:
0x19b: {  	_ = 	snop;
	(pc) =	sbr.rel @p0 .LBB2_1-.Ltmp1, $3  }
0x19c: {  	_ =	sdelay $0x1  }
0x19d: {  	[sflag:s21] =	ssyncset.done $0x0  }
0x19e: {  	[sflag:s21] =	ssyncadd.s32 $0xFFFFD880  }
0x19f: {  	_ =	sfence.sel $0x180000  }
0x1a0: {  	[bflag:$0x0] =	sbarrier.arrive $0xFFFF  }
0x1a1: {  	_ =	strace $0x9000004A  }
0x1a2: {  	s0 =	stileid.u32;
	[bflag:$0x2] =	sbarrier.arrive $0xFFFF  }
0x1a3: {  	p0 =	sne.s32 s0, $0x0;
	s0 =	rddreg [dreg:$0x2]  }
0x1a4: {  	s0 =	sadd.s32 @!p0 $0x100000, s0  }
0x1a5: {  	[sflag:s0] =	ssyncadd.tile.s32 @!p0 $0x1;
	_ =	shalt  }
.Lfunc_end2:
_tile_overlayer_lowered:
.L_overlay_start_2:
0x1a6: {  	(tag) =	ssettag $0x2  }
0x1a7: {  	s0 =	rddreg [dreg:$0x0];
	s2 =	stileid.u32  }
0x1a8: {  	s1 =	rddreg [dreg:$0x1];
	p0 =	sne.s32 s2, $0x0  }
0x1a9: {  	s3 =	rddreg [dreg:$0x2];
	[bflag:$0x3] =	sbarrier.arrive $0xFFFF;
	s2 =	simm.s32 @!p0 $0x1C04  }
0x1aa: {  	[timem:s3], [sflag:s2] =	dma.local @!p0 [hbm:s0], s1  }
0x1ab: {  	s0 =	simm.s32 @!p0 $0x4  }
0x1ac: {  	_ =	swait.ge @!p0 [sflag:s0], s1  }
0x1ad: {  	s1 =	ssub.s32 @!p0 $0x0, s1;
	[sflag:s0] =	ssyncset.done @!p0 $0x0  }
0x1ae: {  	[sflag:s0] =	ssyncadd.s32 @!p0 s1  }
0x1af: {  	[bflag:$0x3] =	sbarrier.arrive $0xFFFF  }
0x1b0: {  	_ =	shalt  }

// kernel: kernel.9.cloned.1.call-start
scs
__scs_entry_jumppad:
0x0: {  	(pc) =	sbr.rel $0x88, $3  }
0x1: {  	(tag) =	ssettag $0x0;
	lr =	simm.s32 $0x1  }
0x2: {  	[smem:$0x3F81] =	sst lr;
	_ =	strace $0xD0000000  }
0x3: {  	_ = 	snop  }
0x4: {  	_ = 	snop  }
0x5: {  	_ = 	snop  }
0x6: {  	_ = 	snop  }
0x7: {  	_ = 	snop  }
__scs_overlays_trampoline_lowered:
0x8: {  	[smem:$0x3F90] =	sst s0  }
0x9: {  	[smem:$0x3F91] =	sst s1  }
0xa: {  	[smem:$0x3F92] =	sst s2  }
0xb: {  	[smem:$0x3F93] =	sst s3  }
0xc: {  	[smem:$0x3F94] =	sst s4  }
0xd: {  	[smem:$0x3F95] =	sst s5  }
0xe: {  	[smem:$0x3F96] =	sst s6  }
0xf: {  	[smem:$0x3F97] =	sst s7  }
0x10: {  	[smem:$0x3F98] =	sst s8  }
0x11: {  	[smem:$0x3F99] =	sst s9;
	s0 =	simm.s32 @!p0 $0x0  }
0x12: {  	s1 =	sld [smem:$0x3F7F];
	s0 =	simm.s32 @p0 $0x1  }
0x13: {  	[smem:$0x3F9A] =	sst s0;
	s0 =	simm.s32 @!p1 $0x0  }
0x14: {  	s2 =	sld [smem:$0x3F7E];
	s0 =	simm.s32 @p1 $0x1  }
0x15: {  	[smem:$0x3F9B] =	sst s0;
	s0 =	simm.s32 @!p2 $0x0  }
0x16: {  	s3 =	sld [smem:$0x3FDB];
	s0 =	simm.s32 @p2 $0x1  }
0x17: {  	s4 =	simm.s32 $0x1BF5;
	[smem:$0x3F9D] =	sst s0  }
0x18: {  	s0 =	sld [smem:$0x3F80];
	_ =	swait.ge [sflag:s4], $0x0  }
0x19: {  	s7 =	sld [smem:$0x3F81]  }
0x1a: {  	s8 =	sadd.s32 $0xFFFFE003, lr  }
0x1b: {  	s9 =	sadd.s32 $0xFFFFFEF7, lr;
	s5 =	simm.s32 $0xFFFFFFFF;
	p2 =	slt.u32 s8, $0xFFFFF086  }
0x1c: {  	p1 =	slt.u32 s9, $0xF7A;
	s5 =	simm.s32 @!p2 $0x0  }
0x1d: {  	s5 =	simm.s32 @p1 $0x1;
	p0 =	seq.s32 s7, s2  }
0x1e: {  	s7 =	smul.u32 @!p0 $0xF7A, s2;
	p2 =	seq.s32 @!p0 s5, $0x0  }
0x1f: {  	s9 =	smul.u32 $0xF7A, s1;
	s8 =	simm.s32 @!p0 $0x1BF5;
	p2 =	por !p2, p0  }
0x20: {  	[sflag:s8] =	ssyncset.s32 @!p0 $0xFFFFF086;
	s6 =	sadd.s32 @!p0 s3, s7;
	s7 =	simm.s32 @!p0 $0x108  }
0x21: {  	s3 =	sadd.s32 s3, s9;
	s6 =	sadd.s32 @!p0 $0x88, s6;
	s7 =	simm.s32 @p2 $0x1082  }
0x22: {  	[simem:s7], [sflag:s8] =	dma.local @!p0 [hbm:s6], $0xF7A  }
0x23: {  	s9 =	sor.u32 $0xD0000000, s2;
	s6 =	simm.s32 $0x108;
	_ =	swait.ge @!p0 [sflag:s8], $0x0  }
0x24: {  	s3 =	sadd.s32 $0x88, s3;
	s6 =	simm.s32 @!p1 $0x1082;
	[sflag:s4] =	ssyncset.s32 $0xFFFFF086  }
0x25: {  	[simem:s6], [sflag:s4] =	dma.local [hbm:s3], $0xF7A  }
0x26: {  	[smem:$0x3F81] =	sst s1;
	(tag) =	ssettag s2;
	_ =	strace s9  }
0x27: {  	s1 =	sld [smem:$0x3F91]  }
0x28: {  	s2 =	sld [smem:$0x3F92]  }
0x29: {  	s4 =	sld [smem:$0x3F94]  }
0x2a: {  	p0 =	seq.s32 s5, $0x0;
	s5 =	sld [smem:$0x3F95]  }
0x2b: {  	s6 =	sld [smem:$0x3F96]  }
0x2c: {  	s7 =	sld [smem:$0x3F97]  }
0x2d: {  	s3 =	simm.s32 $0x108;
	s8 =	sld [smem:$0x3F98]  }
0x2e: {  	s3 =	simm.s32 @!p0 $0x1082;
	s9 =	sld [smem:$0x3F99]  }
0x2f: {  	lr =	sadd.s32 s0, s3;
	s0 =	sld [smem:$0x3F90]  }
0x30: {  	s3 =	sld [smem:$0x3F93]  }
0x31: {  	[smem:$0x3F9C] =	sst s10  }
0x32: {  	s10 =	sld [smem:$0x3F9A];
	_ =	sdelay $0x3  }
0x33: {  	p0 =	seq.s32 s10, $0x1;
	s10 =	sld [smem:$0x3F9C];
	_ =	sdelay $0x3  }
0x34: {  	[smem:$0x3F9C] =	sst s10  }
0x35: {  	s10 =	sld [smem:$0x3F9B];
	_ =	sdelay $0x3  }
0x36: {  	p1 =	seq.s32 s10, $0x1;
	s10 =	sld [smem:$0x3F9C];
	_ =	sdelay $0x3  }
0x37: {  	[smem:$0x3F9C] =	sst s10  }
0x38: {  	s10 =	sld [smem:$0x3F9D]  }
0x39: {  	_ = 	snop;
	(pc) =	sbr.ind lr, $3  }
0x3a: {  	_ = 	snop  }
0x3b: {  	_ = 	snop  }
0x3c: {  	p2 =	seq.s32 s10, $0x1;
	s10 =	sld [smem:$0x3F9C]  }
0x3d: {  	_ =	shalt  }
0x3e: {  	_ =	shalt  }
0x3f: {  	_ =	shalt  }
0x40: {  	_ =	shalt  }
0x41: {  	_ =	shalt  }
0x42: {  	_ =	shalt  }
0x43: {  	_ =	shalt  }
0x44: {  	_ =	shalt  }
0x45: {  	_ =	shalt  }
0x46: {  	_ =	shalt  }
0x47: {  	_ =	shalt  }
0x48: {  	_ =	shalt  }
0x49: {  	_ =	shalt  }
0x4a: {  	_ =	shalt  }
0x4b: {  	_ =	shalt  }
0x4c: {  	_ =	shalt  }
0x4d: {  	_ =	shalt  }
0x4e: {  	_ =	shalt  }
0x4f: {  	_ =	shalt  }
0x50: {  	_ =	shalt  }
0x51: {  	_ =	shalt  }
0x52: {  	_ =	shalt  }
0x53: {  	_ =	shalt  }
0x54: {  	_ =	shalt  }
0x55: {  	_ =	shalt  }
0x56: {  	_ =	shalt  }
0x57: {  	_ =	shalt  }
0x58: {  	_ =	shalt  }
0x59: {  	_ =	shalt  }
0x5a: {  	_ =	shalt  }
0x5b: {  	_ =	shalt  }
0x5c: {  	_ =	shalt  }
0x5d: {  	_ =	shalt  }
0x5e: {  	_ =	shalt  }
0x5f: {  	_ =	shalt  }
0x60: {  	_ =	shalt  }
0x61: {  	_ =	shalt  }
0x62: {  	_ =	shalt  }
0x63: {  	_ =	shalt  }
0x64: {  	_ =	shalt  }
0x65: {  	_ =	shalt  }
0x66: {  	_ =	shalt  }
0x67: {  	_ =	shalt  }
0x68: {  	_ =	shalt  }
0x69: {  	_ =	shalt  }
0x6a: {  	_ =	shalt  }
0x6b: {  	_ =	shalt  }
0x6c: {  	_ =	shalt  }
0x6d: {  	_ =	shalt  }
0x6e: {  	_ =	shalt  }
0x6f: {  	_ =	shalt  }
0x70: {  	_ =	shalt  }
0x71: {  	_ =	shalt  }
0x72: {  	_ =	shalt  }
0x73: {  	_ =	shalt  }
0x74: {  	_ =	shalt  }
0x75: {  	_ =	shalt  }
0x76: {  	_ =	shalt  }
0x77: {  	_ =	shalt  }
0x78: {  	_ =	shalt  }
0x79: {  	_ =	shalt  }
0x7a: {  	_ =	shalt  }
0x7b: {  	_ =	shalt  }
0x7c: {  	_ =	shalt  }
0x7d: {  	_ =	shalt  }
0x7e: {  	_ =	shalt  }
0x7f: {  	_ =	shalt  }
0x80: {  	_ =	shalt  }
0x81: {  	_ =	shalt  }
0x82: {  	_ =	shalt  }
0x83: {  	_ =	shalt  }
0x84: {  	_ =	shalt  }
0x85: {  	_ =	shalt  }
0x86: {  	_ =	shalt  }
0x87: {  	_ =	shalt  }
.Lfunc_end0:
.L_simem_size_0:
called_computation_lowered:
.L_overlay_start_0:
0x88: {  	s2 =	sld [smem:$0x3FD9]  }
0x89: {  	s3 =	sld [smem:$0x3FFE];
	_ =	sdelay $0x1  }
0x8a: {  	s1 =	srdreg.scid  }
0x8b: {  	s0 =	sand.u32 $0x1, s1  }
0x8c: {  	s14 =	sshll.u32 s0, $0xA;
	s2 =	sadd.s32 s3, s2  }
0x8d: {  	s2 =	sadd.s32 s2, s14  }
0x8e: {  	[smem:$0x3FA8] =	sst s2  }
0x8f: {  	_ = 	snop  }
0x90: {  	s2 =	sld [smem:$0x3FD0];
	_ =	sdelay $0x2  }
0x91: {  	s15 =	simm.s32 $0xB;
	s4 =	simm.s32 $0x10  }
0x92: {  	[smem:s4], [sflag:s15] =	dma.local [hbm:s2], $0x1  }
0x93: {  	_ =	swait.eq [sflag:s15], $0x1  }
0x94: {  	[sflag:s15] =	ssyncset.done $0x0  }
0x95: {  	s16 =	sld [smem:$0x10];
	[sflag:s15] =	ssyncadd.s32 $0xFFFFFFFF  }
0x96: {  	s17 =	sld [smem:$0x12];
	(tm) =	ssettm $0x1  }
0x97: {  	s18 =	sld [smem:$0x3FFB];
	_ =	sdelay $0x3  }
0x98: {  	_ =	strace s18  }
0x99: {  	s4 =	sld [smem:$0x3FFC];
	_ =	sdelay $0x3  }
0x9a: {  	_ =	strace s4  }
0x9b: {  	s4 =	sld [smem:$0x3FFD];
	_ =	sdelay $0x3  }
0x9c: {  	_ =	strace s4  }
0x9d: {  	_ =	strace $0x8FFFFFFF  }
0x9e: {  	s19 =	sld [smem:$0x3FDB];
	_ =	sdelay $0x1  }
0x9f: {  	s5 =	simm.s32 $_scs_section_size  }
0xa0: {  	s6 =	simm.s32 $_size__tile_overlayer_lowered;
	s7 =	simm.s32 $_tile_overlayer_lowered  }
0xa1: {  	s22 =	simm.s32 $0x1BFF;
	s21 =	sshll.u32 s7, $0x1;
	s4 =	sadd.s32 s5, s19  }
0xa2: {  	s8 =	simm.s32 $0x0;
	s20 =	sshll.u32 s6, $0x1;
	s6 =	sadd.s32 s21, s4  }
0xa3: {  	[timem:s8], [sflag:s22] =	dma.local [hbm:s6], s20  }
0xa4: {  	_ =	swait.ge [sflag:s22], s20  }
0xa5: {  	s5 =	ssub.s32 $0x0, s20;
	[sflag:s22] =	ssyncset.done $0x0  }
0xa6: {  	[sflag:s22] =	ssyncadd.s32 s5;
	_ =	sdelay $0x1  }
0xa7: {  	s23 =	simm.s32 $0x1B8B  }
0xa8: {  	_ =	swait.ge [sflag:s23], $0x1  }
0xa9: {  	[sflag:s23] =	ssyncset.done $0x0  }
0xaa: {  	s25 =	simm.s32 $0x1B8E;
	s24 =	sld [smem:$0x3FFE];
	[sflag:s23] =	ssyncadd.s32 $0xFFFFFFFF  }
0xab: {  	s26 =	simm.s32 $execute0_lowered;
	[smem:$0x3FD2] =	sst s25  }
0xac: {  	s6 =	sshll.u32 s26, $0x1;
	_ =	strace $0x80000046;
	[dreg:$0x1] =	wrdreg $0xFFFFFFFF  }
0xad: {  	s28 =	simm.s32 $_size_execute0_lowered;
	s4 =	sadd.s32 s4, s6;
	[dreg:$0x0] =	wrdreg $0x0  }
0xae: {  	s6 =	sshll.u32 s28, $0x1;
	[dreg:$0x2] =	wrdreg s4  }
0xaf: {  	[dreg:$0x3] =	wrdreg s6  }
0xb0: {  	[dreg:$0x4] =	wrdreg $0xC0  }
0xb1: {  	_ =	task [dreg:s8], $0x5FFFF  }
0xb2: {  	[dreg:$0x1] =	wrdreg $0xFFFFFFFF  }
0xb3: {  	[dreg:$0x0] =	wrdreg $0x60  }
0xb4: {  	[dreg:$0x2] =	wrdreg s17  }
0xb5: {  	[dreg:$0x3] =	wrdreg s24  }
0xb6: {  	[dreg:$0x4] =	wrdreg s16  }
0xb7: {  	[dreg:$0x5] =	wrdreg $0x9  }
0xb8: {  	_ =	task.clear_ibuf [dreg:s8], $0x6FFFF;
	_ =	strace $0x90000046  }
0xb9: {  	s29 =	simm.s32 $0x9;
	_ =	strace $0x80000048  }
0xba: {  	_ =	swait.ge [sflag:s29], $0x1  }
0xbb: {  	[sflag:s29] =	ssyncadd.s32 $0xFFFFFFFF  }
0xbc: {  	_ =	strace $0x90000048  }
0xbd: {  	_ =	sfence  }
0xbe: {  	s30 =	sld [smem:$0x0];
	_ =	sdelay $0x2  }
0xbf: {  	s31 =	sshll.u32 s1, $0xD;
	s1 =	sshrl.u32 s1, $0x2  }
0xc0: {  	s3 =	sand.u32 $0x4000, s31;
	s1 =	sadd.s32 s1, s30  }
0xc1: {  	s0 =	sor.u32 s3, s0;
	s1 =	sshll.u32 s1, $0x11  }
0xc2: {  	s0 =	sor.u32 s1, s0  }
0xc3: {  	s0 =	sadd.s32 $0x8F2B, s0  }
0xc4: {  	[sflag:s0] =	ssyncadd.remote.s32 $0x1  }
0xc5: {  	_ =	sfence.sel $0xFFFF  }
0xc6: {  	[dreg:$0x0] =	wrdreg $0xFFFFFFFF;
	(pc) =	sbr.abs _section_cstart, $3  }
0xc7: {  	[dreg:$0x1] =	wrdreg $0xFFFFFFFF  }
0xc8: {  	_ =	task.clear_ibuf [dreg:s8], $0x2FFFF;
	_ =	strace $0x9FFFFFFF  }
0xc9: {  	(tm) =	ssettm $0x7FFFFFFF  }
tec
execute0_lowered:
.L_overlay_start_1:
0x0: {  	(tag) =	ssettag $0x1  }
0x1: {  	s1 =	rddreg [dreg:$0x0]  }
0x2: {  	s0 =	rddreg [dreg:$0x1];
	s3 =	simm.s32 $0x0;
	s2 =	srdreg.scid  }
0x3: {  	s4 =	stileid.u32;
	s29 =	simm.s32 $0x4;
	s28 =	simm.s32 $0x5  }
0x4: {  	[smem:$0x7FF] =	sst s3;
	s5 =	sadd.s32 $0x1AC00, s0;
	s6 =	sadd.s32 $0x6A00, s0  }
0x5: {  	s2 =	sand.u32 $0x1, s2;
	s4 =	sshll.u32 s4, $0x1;
	s26 =	sadd.s32 $0x6400, s0  }
0x6: {  	s8 =	sadd.s32 $0x7000, s0;
	s9 =	sadd.s32 $0x10E00, s0;
	s10 =	sadd.s32 $0x4BC00, s0  }
0x7: {  	s12 =	sadd.s32 $0x41E00, s0;
	_ =	strace $0x80000047;
	s4 =	sor.u32 s2, s4  }
0x8: {  	[dreg:$0x4] =	wrdreg s6;
	s30 =	ssub.s32 $0x2, s2;
	s11 =	smul.u32 $0x2710, s4  }
0x9: {  	s13 =	sadd.s32 $0x52DC00, s0;
	[dreg:$0x5] =	wrdreg s26;
	s2 =	sshrl.u32 s30, $0x1  }
0xa: {  	s4 =	smul.u32 $0x7530, s4;
	s0 =	ssub.s32 s30, s2;
	s31 =	sshrl.u32 s11, $0x3  }
0xb: {  	s7 =	sadd.s32 $0x50, s11;
	s17 =	sadd.s32 $0xA0, s11;
	s19 =	sadd.s32 $0x2670, s11  }
0xc: {  	s23 =	sadd.s32 $0x7440, s4;
	s24 =	sadd.s32 $0x26C0, s11;
	s0 =	smax.u32 s0, $0x1  }
0xd: {  	s26 =	sadd.s32 $0xF0, s11;
	s30 =	sadd.s32 $0x140, s11;
	[dreg:$0x6] =	wrdreg s11  }
0xe: {  	s14 =	sadd.s32 s8, s31;
	[dreg:$0x7] =	wrdreg s7;
	s15 =	sshrl.u32 s7, $0x3  }
0xf: {  	s6 =	sadd.s32 s9, s31;
	[dreg:$0xb] =	wrdreg s17;
	s18 =	sshrl.u32 s17, $0x3  }
0x10: {  	s21 =	smul.u32 $0x3, s19;
	s22 =	sshll.u32 s19, $0x4;
	[dreg:$0x15] =	wrdreg s0  }
0x11: {  	s25 =	sshll.u32 s24, $0x4;
	s4 =	sshrl.u32 s24, $0x3;
	[dreg:$0x16] =	wrdreg s26  }
0x12: {  	[dreg:$0x17] =	wrdreg s30;
	s31 =	sadd.s32 $0x190, s11;
	s17 =	simm.s32 $0x200  }
0x13: {  	s26 =	simm.s32 $0x2B00;
	s24 =	simm.s32 $0x6;
	[dreg:$0x8] =	wrdreg s14  }
0x14: {  	[dreg:$0x9] =	wrdreg s6;
	s16 =	sadd.s32 s8, s15;
	s2 =	sadd.s32 s9, s15  }
0x15: {  	s20 =	sadd.s32 s8, s18;
	s6 =	sshrl.u32 s19, $0x3;
	[dreg:$0x18] =	wrdreg s31  }
0x16: {  	s7 =	sadd.s32 s10, s22;
	s4 =	sadd.s32 s12, s4;
	[dreg:$0xa] =	wrdreg s16  }
0x17: {  	s15 =	simm.s32 $0x180;
	s22 =	simm.s32 $0x50;
	[dreg:$0xc] =	wrdreg s2  }
0x18: {  	s19 =	simm.s32 $0x5300;
	s14 =	simm.s32 $0x8;
	[dreg:$0xd] =	wrdreg s20  }
0x19: {  	s2 =	sadd.s32 s9, s18;
	[dreg:$0xf] =	wrdreg s7;
	s6 =	sadd.s32 s12, s6  }
0x1a: {  	[dreg:$0x13] =	wrdreg s4;
	s4 =	simm.s32 $0xF780;
	s7 =	simm.s32 $0x14680  }
0x1b: {  	s16 =	simm.s32 $0x80;
	s20 =	simm.s32 $0x7;
	[dreg:$0xe] =	wrdreg s2  }
0x1c: {  	s18 =	simm.s32 $0x0;
	[dreg:$0x10] =	wrdreg s6;
	s2 =	sshrl.u32 s21, $0x3  }
0x1d: {  	s6 =	sadd.s32 s10, s25;
	s21 =	simm.s32 $0x1;
	s2 =	sadd.s32 s13, s2  }
0x1e: {  	s25 =	simm.s32 $0x2;
	[dreg:$0x11] =	wrdreg s2;
	s2 =	sshrl.u32 s23, $0x3  }
0x1f: {  	[dreg:$0x12] =	wrdreg s6;
	s6 =	simm.s32 $0x11F00;
	s2 =	sadd.s32 s13, s2  }
0x20: {  	s23 =	simm.s32 $0x300;
	[dreg:$0x14] =	wrdreg s2;
	s2 =	simm.s32 $0x3  }
.LBB2_1:
0x21: {  	[dreg:$0x19] =	wrdreg s18  }
0x22: {  	s0 =	rddreg [dreg:$0x4];
	s11 =	simm.s32 $0xA  }
0x23: {  	[tilespmem:s4], [sflag:$0xA] =	stream.linear.gather [hbm4b:s0+s3], $0x2780, $0x38;
	[tilespmem:$0x16E00] =	vst v63  }
0x24: {  	_ =	swait.ge [sflag:s11], $0x2780  }
0x25: {  	[sflag:s11] =	ssyncset.done $0x0  }
0x26: {  	s31 =	rddreg [dreg:$0x5];
	[sflag:s11] =	ssyncadd.s32 $0xFFFFD880  }
0x27: {  	[tilespmem:s6], [sflag:$0xA] =	stream.linear.gather [hbm4b:s31+s3], $0x2780, $0x38;
	[tilespmem:$0x16E00] =	vst v63  }
0x28: {  	_ =	swait.ge [sflag:s11], $0x2780  }
0x29: {  	[sflag:s11] =	ssyncset.done $0x0  }
0x2a: {  	[sflag:s11] =	ssyncadd.s32 $0xFFFFD880  }
0x2b: {  	s18 =	rddreg [dreg:$0x2]  }
0x2c: {  	[tilespmem:s7], [sflag:$0xA] =	stream.linear.gather [hbm4b:s18+s3], $0x2780, $0x38;
	[tilespmem:$0x16E00] =	vst v63  }
0x2d: {  	_ =	swait.ge [sflag:s11], $0x2780  }
0x2e: {  	[sflag:s11] =	ssyncset.done $0x0  }
0x2f: {  	s30 =	rddreg [dreg:$0x8];
	[sflag:s11] =	ssyncadd.s32 $0xFFFFD880  }
0x30: {  	[tilespmem:s3], [sflag:$0x1] =	stream.linear.gather [hbm4b:s30+s3], $0x50, $0x38;
	[tilespmem:$0x16E00] =	vst v63  }
0x31: {  	s31 =	rddreg [dreg:$0x9]  }
0x32: {  	[tilespmem:s15], [sflag:$0x1] =	stream.linear.gather [hbm4b:s31+s3], $0x50, $0x38;
	[tilespmem:$0x16E00] =	vst v63  }
0x33: {  	s11 =	rddreg [dreg:$0xa]  }
0x34: {  	[tilespmem:s16], [sflag:$0x2] =	stream.linear.gather [hbm4b:s11+s3], $0x50, $0x38;
	[tilespmem:$0x16E00] =	vst v63  }
0x35: {  	s18 =	rddreg [dreg:$0xc]  }
0x36: {  	[tilespmem:s17], [sflag:$0x2] =	stream.linear.gather [hbm4b:s18+s3], $0x50, $0x38;
	[tilespmem:$0x16E00] =	vst v63  }
0x37: {  	s30 =	rddreg [dreg:$0xd];
	s31 =	simm.s32 $0x100  }
0x38: {  	[tilespmem:s31], [sflag:$0x3] =	stream.linear.gather [hbm4b:s30+s3], $0x50, $0x38;
	[tilespmem:$0x16E00] =	vst v63  }
0x39: {  	s11 =	rddreg [dreg:$0xe];
	s18 =	simm.s32 $0x280  }
0x3a: {  	[tilespmem:s18], [sflag:$0x3] =	stream.linear.gather [hbm4b:s11+s3], $0x50, $0x38;
	[tilespmem:$0x16E00] =	vst v63  }
0x3b: {  	_ =	swait.ge [sflag:s21], $0x50  }
0x3c: {  	[sflag:s21] =	ssyncset.done $0x0  }
0x3d: {  	[sflag:s21] =	ssyncadd.s32 $0xFFFFFFB0  }
0x3e: {  	_ =	swait.ge [sflag:s21], $0x50  }
0x3f: {  	[sflag:s21] =	ssyncset.done $0x0  }
0x40: {  	[sflag:s21] =	ssyncadd.s32 $0xFFFFFFB0  }
0x41: {  	[tilespmem:s23], [sflag:$0x4] =	stream.indirect.gather [hbm4b:s1+s22], $0x80, s3, s22, $0xb8;
	[tilespmem:$0x16E00] =	vst v63  }
0x42: {  	s30 =	simm.s32 $0x7B00  }
0x43: {  	[tilespmem:s30], [sflag:$0x4] =	stream.indirect.gather [hbm4b:s5+s22], $0x80, s15, s22, $0xb8;
	[tilespmem:$0x16E00] =	vst v63  }
0x44: {  	_ =	swait.ge [sflag:s25], $0x50  }
0x45: {  	[sflag:s25] =	ssyncset.done $0x0  }
0x46: {  	[sflag:s25] =	ssyncadd.s32 $0xFFFFFFB0  }
0x47: {  	_ =	swait.ge [sflag:s25], $0x50  }
0x48: {  	[sflag:s25] =	ssyncset.done $0x0  }
0x49: {  	[sflag:s25] =	ssyncadd.s32 $0xFFFFFFB0  }
0x4a: {  	[tilespmem:s26], [sflag:$0x5] =	stream.indirect.gather [hbm4b:s1+s22], $0x80, s16, s22, $0xb8;
	[tilespmem:$0x16E00] =	vst v63  }
0x4b: {  	s31 =	simm.s32 $0xA300;
	s11 =	simm.s32 $0x0  }
0x4c: {  	[tilespmem:s31], [sflag:$0x5] =	stream.indirect.gather [hbm4b:s5+s22], $0x80, s17, s22, $0xb8;
	[tilespmem:$0x16E00] =	vst v63  }
.LBB2_2:
0x4d: {  	v0 =	vld [tilespmem:$0x180]  }
0x4e: {  	v1 =	vld [tilespmem:$0x0];
	_ =	sdelay $0x6  }
0x4f: {  	v2 =	vld.idx.msk [tilespmem:v0+s4+$0x0], $0xffff  }
0x50: {  	v3 =	vld.idx.msk [tilespmem:v1+s4+$0x0], $0xffff  }
0x51: {  	v4 =	vld.idx.msk [tilespmem:v0+s6+$0x0], $0xffff  }
0x52: {  	v5 =	vld.idx.msk [tilespmem:v1+s6+$0x0], $0xffff  }
0x53: {  	v0 =	vld.idx.msk [tilespmem:v0+s7+$0x0], $0xffff  }
0x54: {  	v1 =	vld.idx.msk [tilespmem:v1+s7+$0x0], $0xffff;
	_ =	sdelay $0x2  }
0x55: {  	v2 =	vsub.f32 v2, v3;
	v3 =	vsub.f32 v4, v5  }
0x56: {  	v4 =	vld [tilespmem:$0x190]  }
0x57: {  	v6 =	vld [tilespmem:$0x10];
	v0 =	vsub.f32 v0, v1;
	v1 =	vmul.f32 v2, v2;
	v5 =	vmul.f32 v3, v3;
	_ =	sdelay $0x1  }
0x58: {  	v1 =	vadd.f32 v5, v1;
	v5 =	vmul.f32 v0, v0  }
0x59: {  	[tilespmem:$0xF480] =	vst v2  }
0x5a: {  	[tilespmem:$0xF4D0] =	vst v3;
	v1 =	vadd.f32 v5, v1  }
0x5b: {  	[tilespmem:$0xF520] =	vst v0  }
0x5c: {  	[tilespmem:$0xF300] =	vst v1  }
0x5d: {  	v0 =	vld.idx.msk [tilespmem:v4+s4+$0x0], $0xffff  }
0x5e: {  	v1 =	vld.idx.msk [tilespmem:v6+s4+$0x0], $0xffff  }
0x5f: {  	v2 =	vld.idx.msk [tilespmem:v4+s6+$0x0], $0xffff  }
0x60: {  	v3 =	vld.idx.msk [tilespmem:v6+s6+$0x0], $0xffff  }
0x61: {  	v4 =	vld.idx.msk [tilespmem:v4+s7+$0x0], $0xffff  }
0x62: {  	v5 =	vld.idx.msk [tilespmem:v6+s7+$0x0], $0xffff;
	_ =	sdelay $0x2  }
0x63: {  	v0 =	vsub.f32 v0, v1;
	v1 =	vsub.f32 v2, v3  }
0x64: {  	v2 =	vld [tilespmem:$0x1A0]  }
0x65: {  	v6 =	vld [tilespmem:$0x20];
	v3 =	vsub.f32 v4, v5;
	v4 =	vmul.f32 v0, v0;
	v5 =	vmul.f32 v1, v1;
	_ =	sdelay $0x1  }
0x66: {  	v4 =	vadd.f32 v5, v4;
	v5 =	vmul.f32 v3, v3  }
0x67: {  	[tilespmem:$0xF490] =	vst v0  }
0x68: {  	[tilespmem:$0xF4E0] =	vst v1;
	v0 =	vadd.f32 v5, v4  }
0x69: {  	[tilespmem:$0xF530] =	vst v3  }
0x6a: {  	[tilespmem:$0xF310] =	vst v0  }
0x6b: {  	v0 =	vld.idx.msk [tilespmem:v2+s4+$0x0], $0xffff  }
0x6c: {  	v1 =	vld.idx.msk [tilespmem:v6+s4+$0x0], $0xffff  }
0x6d: {  	v3 =	vld.idx.msk [tilespmem:v2+s6+$0x0], $0xffff  }
0x6e: {  	v4 =	vld.idx.msk [tilespmem:v6+s6+$0x0], $0xffff  }
0x6f: {  	v2 =	vld.idx.msk [tilespmem:v2+s7+$0x0], $0xffff  }
0x70: {  	v5 =	vld.idx.msk [tilespmem:v6+s7+$0x0], $0xffff;
	_ =	sdelay $0x2  }
0x71: {  	v0 =	vsub.f32 v0, v1;
	v1 =	vsub.f32 v3, v4  }
0x72: {  	v3 =	vld [tilespmem:$0x1B0]  }
0x73: {  	v6 =	vld [tilespmem:$0x30];
	v2 =	vsub.f32 v2, v5;
	v4 =	vmul.f32 v0, v0;
	v5 =	vmul.f32 v1, v1;
	_ =	sdelay $0x1  }
0x74: {  	v4 =	vadd.f32 v5, v4;
	v5 =	vmul.f32 v2, v2  }
0x75: {  	[tilespmem:$0xF4A0] =	vst v0  }
0x76: {  	[tilespmem:$0xF4F0] =	vst v1;
	v0 =	vadd.f32 v5, v4  }
0x77: {  	[tilespmem:$0xF540] =	vst v2  }
0x78: {  	[tilespmem:$0xF320] =	vst v0  }
0x79: {  	v0 =	vld.idx.msk [tilespmem:v3+s4+$0x0], $0xffff  }
0x7a: {  	v1 =	vld.idx.msk [tilespmem:v6+s4+$0x0], $0xffff  }
0x7b: {  	v2 =	vld.idx.msk [tilespmem:v3+s6+$0x0], $0xffff  }
0x7c: {  	v4 =	vld.idx.msk [tilespmem:v6+s6+$0x0], $0xffff  }
0x7d: {  	v3 =	vld.idx.msk [tilespmem:v3+s7+$0x0], $0xffff  }
0x7e: {  	v5 =	vld.idx.msk [tilespmem:v6+s7+$0x0], $0xffff;
	_ =	sdelay $0x2  }
0x7f: {  	v0 =	vsub.f32 v0, v1;
	v1 =	vsub.f32 v2, v4  }
0x80: {  	v2 =	vld [tilespmem:$0x1C0]  }
0x81: {  	v6 =	vld [tilespmem:$0x40];
	v3 =	vsub.f32 v3, v5;
	v4 =	vmul.f32 v0, v0;
	v5 =	vmul.f32 v1, v1;
	_ =	sdelay $0x1  }
0x82: {  	v4 =	vadd.f32 v5, v4;
	v5 =	vmul.f32 v3, v3  }
0x83: {  	[tilespmem:$0xF4B0] =	vst v0  }
0x84: {  	[tilespmem:$0xF500] =	vst v1;
	v0 =	vadd.f32 v5, v4  }
0x85: {  	[tilespmem:$0xF550] =	vst v3  }
0x86: {  	[tilespmem:$0xF330] =	vst v0  }
0x87: {  	v0 =	vld.idx.msk [tilespmem:v2+s4+$0x0], $0xffff  }
0x88: {  	v1 =	vld.idx.msk [tilespmem:v6+s4+$0x0], $0xffff  }
0x89: {  	v3 =	vld.idx.msk [tilespmem:v2+s6+$0x0], $0xffff  }
0x8a: {  	v4 =	vld.idx.msk [tilespmem:v6+s6+$0x0], $0xffff  }
0x8b: {  	v2 =	vld.idx.msk [tilespmem:v2+s7+$0x0], $0xffff  }
0x8c: {  	v5 =	vld.idx.msk [tilespmem:v6+s7+$0x0], $0xffff;
	_ =	sdelay $0x2  }
0x8d: {  	v0 =	vsub.f32 v0, v1;
	v1 =	vsub.f32 v3, v4;
	_ =	sdelay $0x1  }
0x8e: {  	v2 =	vsub.f32 v2, v5;
	v3 =	vmul.f32 v0, v0;
	v4 =	vmul.f32 v1, v1;
	_ =	sdelay $0x1  }
0x8f: {  	v3 =	vadd.f32 v4, v3;
	v4 =	vmul.f32 v2, v2  }
0x90: {  	[tilespmem:$0xF4C0] =	vst v0  }
0x91: {  	[tilespmem:$0xF510] =	vst v1;
	v0 =	vadd.f32 v4, v3  }
0x92: {  	[tilespmem:$0xF560] =	vst v2  }
0x93: {  	[tilespmem:$0xF340] =	vst v0  }
0x94: {  	_ =	swait.ge [sflag:s29], $0x2800  }
0x95: {  	[sflag:s29] =	ssyncset.done $0x0  }
0x96: {  	[sflag:s29] =	ssyncadd.s32 $0xFFFFD800  }
0x97: {  	s18 =	smul.u32 $0xF0, s11;
	_ =	swait.ge [sflag:s29], $0x2800  }
0x98: {  	s0 =	rddreg [dreg:$0x16]  }
0x99: {  	s30 =	sadd.s32 s18, s0  }
0x9a: {  	[sflag:s29] =	ssyncset.done $0x0;
	s30 =	sshrl.u32 s30, $0x3  }
0x9b: {  	[sflag:s29] =	ssyncadd.s32 $0xFFFFD800;
	s31 =	sadd.s32 s8, s30  }
0x9c: {  	[tilespmem:s3], [sflag:$0x1] =	stream.linear.gather [hbm4b:s31+s3], $0x50, $0x38;
	[tilespmem:$0x16E00] =	vst v63  }
0x9d: {  	s30 =	sadd.s32 s9, s30  }
0x9e: {  	[tilespmem:s15], [sflag:$0x1] =	stream.linear.gather [hbm4b:s30+s3], $0x50, $0x38;
	[tilespmem:$0x16E00] =	vst v63  }
0x9f: {  	_ =	swait.ge [sflag:s2], $0x50  }
0xa0: {  	[sflag:s2] =	ssyncset.done $0x0  }
0xa1: {  	[sflag:s2] =	ssyncadd.s32 $0xFFFFFFB0  }
0xa2: {  	_ =	swait.ge [sflag:s2], $0x50  }
0xa3: {  	p0 =	seq.s32 s11, $0x0;
	[sflag:s2] =	ssyncset.done $0x0  }
0xa4: {  	s30 =	simm.s32 @!p0 $0x9;
	[sflag:s2] =	ssyncadd.s32 $0xFFFFFFB0  }
0xa5: {  	_ =	swait.ge @!p0 [sflag:s30], $0x2800  }
0xa6: {  	[sflag:s30] =	ssyncset.done @!p0 $0x0  }
0xa7: {  	[sflag:s30] =	ssyncadd.s32 @!p0 $0xFFFFD800  }
0xa8: {  	_ =	swait.ge @!p0 [sflag:s30], $0x50  }
0xa9: {  	[sflag:s30] =	ssyncset.done @!p0 $0x0  }
0xaa: {  	[sflag:s30] =	ssyncadd.s32 @!p0 $0xFFFFFFB0  }
0xab: {  	_ =	swait.ge @!p0 [sflag:s30], $0xF0  }
0xac: {  	[sflag:s30] =	ssyncset.done @!p0 $0x0  }
0xad: {  	s0 =	simm.s32 $0x100;
	[sflag:s30] =	ssyncadd.s32 @!p0 $0xFFFFFF10  }
0xae: {  	[tilespmem:s19], [sflag:$0x6] =	stream.indirect.gather [hbm4b:s1+s22], $0x80, s0, s22, $0xb8;
	[tilespmem:$0x16E00] =	vst v63  }
0xaf: {  	s30 =	simm.s32 $0x0;
	s0 =	simm.s32 $0x280;
	s19 =	simm.s32 $0xCB00  }
0xb0: {  	[tilespmem:s19], [sflag:$0x6] =	stream.indirect.gather [hbm4b:s5+s22], $0x80, s0, s22, $0xb8;
	[tilespmem:$0x16E00] =	vst v63  }
0xb1: {  	v7 =	vld [tilespmem:s30+$0x7B00]  }
0xb2: {  	v11 =	vld [tilespmem:s30+$0x7B10]  }
0xb3: {  	v5 =	vld [tilespmem:s30+$0x7B20]  }
0xb4: {  	v4 =	vld [tilespmem:s30+$0x7B30]  }
0xb5: {  	v3 =	vld [tilespmem:s30+$0x7B40]  }
0xb6: {  	v2 =	vld [tilespmem:s30+$0x7B50]  }
0xb7: {  	v1 =	vld [tilespmem:s30+$0x7B60]  }
0xb8: {  	v0 =	vld [tilespmem:s30+$0x7B70]  }
0xb9: {  	v12 =	vld [tilespmem:s30+$0x300]  }
0xba: {  	v13 =	vld [tilespmem:s30+$0x310]  }
0xbb: {  	v10 =	vld [tilespmem:s30+$0x320]  }
0xbc: {  	v9 =	vld [tilespmem:s30+$0x330]  }
0xbd: {  	v8 =	vld [tilespmem:s30+$0x340]  }
0xbe: {  	v6 =	vld [tilespmem:s30+$0x350];
	v12 =	vadd.f32 v7, v12  }
0xbf: {  	s31 =	simm.s32 $0x200;
	v11 =	vadd.f32 v11, v13;
	v7 =	vld [tilespmem:s30+$0x360]  }
.LBB2_3:
0xc0: {  	s0 =	sshra.s32 s31, $0x2;
	p0 =	sne.s32 s31, $0x9E00;
	[tilespmem:s30+$0x300] =	vst v12;
	v5 =	vadd.f32 v5, v10;
	v10 =	vld [tilespmem:s30+$0x370]  }
0xc1: {  	v12 =	vld [tilespmem:s0+$0x7B00];
	[tilespmem:s30+$0x310] =	vst v11;
	v4 =	vadd.f32 v4, v9  }
0xc2: {  	v11 =	vld [tilespmem:s0+$0x7B10];
	[tilespmem:s30+$0x320] =	vst v5;
	v3 =	vadd.f32 v3, v8  }
0xc3: {  	v5 =	vld [tilespmem:s0+$0x7B20];
	[tilespmem:s30+$0x330] =	vst v4;
	v2 =	vadd.f32 v2, v6  }
0xc4: {  	v4 =	vld [tilespmem:s0+$0x7B30];
	[tilespmem:s30+$0x340] =	vst v3;
	v1 =	vadd.f32 v1, v7  }
0xc5: {  	v3 =	vld [tilespmem:s0+$0x7B40];
	[tilespmem:s30+$0x350] =	vst v2;
	v0 =	vadd.f32 v0, v10  }
0xc6: {  	v2 =	vld [tilespmem:s0+$0x7B50];
	[tilespmem:s30+$0x360] =	vst v1  }
0xc7: {  	v1 =	vld [tilespmem:s0+$0x7B60];
	[tilespmem:s30+$0x370] =	vst v0;
	s30 =	smov.u32 s0  }
0xc8: {  	v0 =	vld [tilespmem:s30+$0x7B70]  }
0xc9: {  	v6 =	vld [tilespmem:s30+$0x300]  }
0xca: {  	v7 =	vld [tilespmem:s30+$0x310]  }
.Ltmp0:
0xcb: {  	v10 =	vld [tilespmem:s30+$0x320];
	(pc) =	sbr.rel @p0 .LBB2_3-.Ltmp0, $4  }
0xcc: {  	v9 =	vld [tilespmem:s30+$0x330]  }
0xcd: {  	v8 =	vld [tilespmem:s30+$0x340]  }
0xce: {  	v12 =	vadd.f32 v12, v6;
	v6 =	vld [tilespmem:s30+$0x350]  }
0xcf: {  	s31 =	sadd.s32 $0x200, s31;
	v11 =	vadd.f32 v11, v7;
	v7 =	vld [tilespmem:s30+$0x360]  }
0xd0: {  	[tilespmem:s30+$0x300] =	vst v12;
	v5 =	vadd.f32 v5, v10;
	v10 =	vld [tilespmem:s30+$0x370]  }
0xd1: {  	[tilespmem:s30+$0x310] =	vst v11;
	v4 =	vadd.f32 v4, v9  }
0xd2: {  	[tilespmem:s30+$0x320] =	vst v5;
	v3 =	vadd.f32 v3, v8  }
0xd3: {  	[tilespmem:s30+$0x330] =	vst v4;
	v2 =	vadd.f32 v2, v6  }
0xd4: {  	s0 =	rddreg [dreg:$0x6];
	[tilespmem:s30+$0x340] =	vst v3;
	v1 =	vadd.f32 v1, v7  }
0xd5: {  	s0 =	sadd.s32 s0, s18;
	[tilespmem:s30+$0x350] =	vst v2;
	v0 =	vadd.f32 v0, v10  }
0xd6: {  	s31 =	sshll.u32 s0, $0x4;
	[tilespmem:s30+$0x360] =	vst v1  }
0xd7: {  	s31 =	sadd.s32 s10, s31;
	[tilespmem:s30+$0x370] =	vst v0;
	s30 =	simm.s32 $0x0  }
0xd8: {  	[hbm4b:s31+s30] =	stream.linear.scatter [tilespmem:s23], [sflag:$0x7], $0x2800, $0x38;
	[tilespmem:$0x16E00] =	vst v63  }
0xd9: {  	s31 =	sshrl.u32 s0, $0x3  }
0xda: {  	s19 =	simm.s32 $0xF300;
	s0 =	smul.u32 $0x3, s0;
	s31 =	sadd.s32 s12, s31  }
0xdb: {  	[hbm4b:s31+s30] =	stream.linear.scatter [tilespmem:s19], [sflag:$0x7], $0x50, $0x38;
	[tilespmem:$0x16E00] =	vst v63  }
0xdc: {  	s0 =	sshrl.u32 s0, $0x3  }
0xdd: {  	s19 =	simm.s32 $0xF480;
	s0 =	sadd.s32 s13, s0  }
0xde: {  	[hbm4b:s0+s30] =	stream.linear.scatter [tilespmem:s19], [sflag:$0x7], $0xF0, $0x38;
	[tilespmem:$0x16E00] =	vst v63  }
0xdf: {  	v0 =	vld [tilespmem:$0x200]  }
0xe0: {  	v1 =	vld [tilespmem:$0x80];
	_ =	sdelay $0x6  }
0xe1: {  	v2 =	vld.idx.msk [tilespmem:v0+s4+$0x0], $0xffff  }
0xe2: {  	v3 =	vld.idx.msk [tilespmem:v1+s4+$0x0], $0xffff  }
0xe3: {  	v4 =	vld.idx.msk [tilespmem:v0+s6+$0x0], $0xffff  }
0xe4: {  	v5 =	vld.idx.msk [tilespmem:v1+s6+$0x0], $0xffff  }
0xe5: {  	v0 =	vld.idx.msk [tilespmem:v0+s7+$0x0], $0xffff  }
0xe6: {  	v1 =	vld.idx.msk [tilespmem:v1+s7+$0x0], $0xffff;
	_ =	sdelay $0x2  }
0xe7: {  	v2 =	vsub.f32 v2, v3;
	v3 =	vsub.f32 v4, v5  }
0xe8: {  	v4 =	vld [tilespmem:$0x210]  }
0xe9: {  	v6 =	vld [tilespmem:$0x90];
	v0 =	vsub.f32 v0, v1;
	v1 =	vmul.f32 v2, v2;
	v5 =	vmul.f32 v3, v3;
	_ =	sdelay $0x1  }
0xea: {  	v1 =	vadd.f32 v5, v1;
	v5 =	vmul.f32 v0, v0  }
0xeb: {  	[tilespmem:$0xF580] =	vst v2  }
0xec: {  	[tilespmem:$0xF5D0] =	vst v3;
	v1 =	vadd.f32 v5, v1  }
0xed: {  	[tilespmem:$0xF620] =	vst v0  }
0xee: {  	[tilespmem:$0xF380] =	vst v1  }
0xef: {  	v0 =	vld.idx.msk [tilespmem:v4+s4+$0x0], $0xffff  }
0xf0: {  	v1 =	vld.idx.msk [tilespmem:v6+s4+$0x0], $0xffff  }
0xf1: {  	v2 =	vld.idx.msk [tilespmem:v4+s6+$0x0], $0xffff  }
0xf2: {  	v3 =	vld.idx.msk [tilespmem:v6+s6+$0x0], $0xffff  }
0xf3: {  	v4 =	vld.idx.msk [tilespmem:v4+s7+$0x0], $0xffff  }
0xf4: {  	v5 =	vld.idx.msk [tilespmem:v6+s7+$0x0], $0xffff;
	_ =	sdelay $0x2  }
0xf5: {  	v0 =	vsub.f32 v0, v1;
	v1 =	vsub.f32 v2, v3  }
0xf6: {  	v2 =	vld [tilespmem:$0x220]  }
0xf7: {  	v6 =	vld [tilespmem:$0xA0];
	v3 =	vsub.f32 v4, v5;
	v4 =	vmul.f32 v0, v0;
	v5 =	vmul.f32 v1, v1;
	_ =	sdelay $0x1  }
0xf8: {  	v4 =	vadd.f32 v5, v4;
	v5 =	vmul.f32 v3, v3  }
0xf9: {  	[tilespmem:$0xF590] =	vst v0  }
0xfa: {  	[tilespmem:$0xF5E0] =	vst v1;
	v0 =	vadd.f32 v5, v4  }
0xfb: {  	[tilespmem:$0xF630] =	vst v3  }
0xfc: {  	[tilespmem:$0xF390] =	vst v0  }
0xfd: {  	v0 =	vld.idx.msk [tilespmem:v2+s4+$0x0], $0xffff  }
0xfe: {  	v1 =	vld.idx.msk [tilespmem:v6+s4+$0x0], $0xffff  }
0xff: {  	v3 =	vld.idx.msk [tilespmem:v2+s6+$0x0], $0xffff  }
0x100: {  	v4 =	vld.idx.msk [tilespmem:v6+s6+$0x0], $0xffff  }
0x101: {  	v2 =	vld.idx.msk [tilespmem:v2+s7+$0x0], $0xffff  }
0x102: {  	v5 =	vld.idx.msk [tilespmem:v6+s7+$0x0], $0xffff;
	_ =	sdelay $0x2  }
0x103: {  	v0 =	vsub.f32 v0, v1;
	v1 =	vsub.f32 v3, v4  }
0x104: {  	v3 =	vld [tilespmem:$0x230]  }
0x105: {  	v6 =	vld [tilespmem:$0xB0];
	v2 =	vsub.f32 v2, v5;
	v4 =	vmul.f32 v0, v0;
	v5 =	vmul.f32 v1, v1;
	_ =	sdelay $0x1  }
0x106: {  	v4 =	vadd.f32 v5, v4;
	v5 =	vmul.f32 v2, v2  }
0x107: {  	[tilespmem:$0xF5A0] =	vst v0  }
0x108: {  	[tilespmem:$0xF5F0] =	vst v1;
	v0 =	vadd.f32 v5, v4  }
0x109: {  	[tilespmem:$0xF640] =	vst v2  }
0x10a: {  	[tilespmem:$0xF3A0] =	vst v0  }
0x10b: {  	v0 =	vld.idx.msk [tilespmem:v3+s4+$0x0], $0xffff  }
0x10c: {  	v1 =	vld.idx.msk [tilespmem:v6+s4+$0x0], $0xffff  }
0x10d: {  	v2 =	vld.idx.msk [tilespmem:v3+s6+$0x0], $0xffff  }
0x10e: {  	v4 =	vld.idx.msk [tilespmem:v6+s6+$0x0], $0xffff  }
0x10f: {  	v3 =	vld.idx.msk [tilespmem:v3+s7+$0x0], $0xffff  }
0x110: {  	v5 =	vld.idx.msk [tilespmem:v6+s7+$0x0], $0xffff;
	_ =	sdelay $0x2  }
0x111: {  	v0 =	vsub.f32 v0, v1;
	v1 =	vsub.f32 v2, v4  }
0x112: {  	v2 =	vld [tilespmem:$0x240]  }
0x113: {  	v6 =	vld [tilespmem:$0xC0];
	v3 =	vsub.f32 v3, v5;
	v4 =	vmul.f32 v0, v0;
	v5 =	vmul.f32 v1, v1;
	_ =	sdelay $0x1  }
0x114: {  	v4 =	vadd.f32 v5, v4;
	v5 =	vmul.f32 v3, v3  }
0x115: {  	[tilespmem:$0xF5B0] =	vst v0  }
0x116: {  	[tilespmem:$0xF600] =	vst v1;
	v0 =	vadd.f32 v5, v4  }
0x117: {  	[tilespmem:$0xF650] =	vst v3  }
0x118: {  	[tilespmem:$0xF3B0] =	vst v0  }
0x119: {  	v0 =	vld.idx.msk [tilespmem:v2+s4+$0x0], $0xffff  }
0x11a: {  	v1 =	vld.idx.msk [tilespmem:v6+s4+$0x0], $0xffff  }
0x11b: {  	v3 =	vld.idx.msk [tilespmem:v2+s6+$0x0], $0xffff  }
0x11c: {  	v4 =	vld.idx.msk [tilespmem:v6+s6+$0x0], $0xffff  }
0x11d: {  	v2 =	vld.idx.msk [tilespmem:v2+s7+$0x0], $0xffff  }
0x11e: {  	v5 =	vld.idx.msk [tilespmem:v6+s7+$0x0], $0xffff;
	_ =	sdelay $0x2  }
0x11f: {  	v0 =	vsub.f32 v0, v1;
	v1 =	vsub.f32 v3, v4;
	_ =	sdelay $0x1  }
0x120: {  	v2 =	vsub.f32 v2, v5;
	v3 =	vmul.f32 v0, v0;
	v4 =	vmul.f32 v1, v1;
	_ =	sdelay $0x1  }
0x121: {  	v3 =	vadd.f32 v4, v3;
	v4 =	vmul.f32 v2, v2  }
0x122: {  	[tilespmem:$0xF5C0] =	vst v0  }
0x123: {  	[tilespmem:$0xF610] =	vst v1;
	v0 =	vadd.f32 v4, v3  }
0x124: {  	[tilespmem:$0xF660] =	vst v2  }
0x125: {  	[tilespmem:$0xF3C0] =	vst v0  }
0x126: {  	_ =	swait.ge [sflag:s28], $0x2800  }
0x127: {  	[sflag:s28] =	ssyncset.done $0x0  }
0x128: {  	[sflag:s28] =	ssyncadd.s32 $0xFFFFD800  }
0x129: {  	_ =	swait.ge [sflag:s28], $0x2800  }
0x12a: {  	s19 =	rddreg [dreg:$0x17]  }
0x12b: {  	s0 =	sadd.s32 s18, s19  }
0x12c: {  	[sflag:s28] =	ssyncset.done $0x0;
	s0 =	sshrl.u32 s0, $0x3  }
0x12d: {  	[sflag:s28] =	ssyncadd.s32 $0xFFFFD800;
	s31 =	sadd.s32 s8, s0  }
0x12e: {  	[tilespmem:s16], [sflag:$0x2] =	stream.linear.gather [hbm4b:s31+s30], $0x50, $0x38;
	[tilespmem:$0x16E00] =	vst v63  }
0x12f: {  	s0 =	sadd.s32 s9, s0  }
0x130: {  	[tilespmem:s17], [sflag:$0x2] =	stream.linear.gather [hbm4b:s0+s30], $0x50, $0x38;
	[tilespmem:$0x16E00] =	vst v63  }
0x131: {  	_ =	swait.ge [sflag:s21], $0x50  }
0x132: {  	[sflag:s21] =	ssyncset.done $0x0  }
0x133: {  	[sflag:s21] =	ssyncadd.s32 $0xFFFFFFB0  }
0x134: {  	_ =	swait.ge [sflag:s21], $0x50  }
0x135: {  	[sflag:s21] =	ssyncset.done $0x0  }
0x136: {  	[sflag:s21] =	ssyncadd.s32 $0xFFFFFFB0  }
0x137: {  	_ =	swait.ge [sflag:s20], $0x2800  }
0x138: {  	[sflag:s20] =	ssyncset.done $0x0  }
0x139: {  	[sflag:s20] =	ssyncadd.s32 $0xFFFFD800  }
0x13a: {  	_ =	swait.ge [sflag:s20], $0x50  }
0x13b: {  	[sflag:s20] =	ssyncset.done $0x0  }
0x13c: {  	[sflag:s20] =	ssyncadd.s32 $0xFFFFFFB0  }
0x13d: {  	_ =	swait.ge [sflag:s20], $0xF0  }
0x13e: {  	[sflag:s20] =	ssyncset.done $0x0  }
0x13f: {  	[sflag:s20] =	ssyncadd.s32 $0xFFFFFF10  }
0x140: {  	[tilespmem:s23], [sflag:$0x4] =	stream.indirect.gather [hbm4b:s1+s22], $0x80, s30, s22, $0xb8;
	[tilespmem:$0x16E00] =	vst v63  }
0x141: {  	s19 =	simm.s32 $0x7B00;
	s30 =	simm.s32 $0x0  }
0x142: {  	[tilespmem:s19], [sflag:$0x4] =	stream.indirect.gather [hbm4b:s5+s22], $0x80, s15, s22, $0xb8;
	[tilespmem:$0x16E00] =	vst v63  }
0x143: {  	v7 =	vld [tilespmem:s30+$0xA300]  }
0x144: {  	v11 =	vld [tilespmem:s30+$0xA310]  }
0x145: {  	v5 =	vld [tilespmem:s30+$0xA320]  }
0x146: {  	v4 =	vld [tilespmem:s30+$0xA330]  }
0x147: {  	v3 =	vld [tilespmem:s30+$0xA340]  }
0x148: {  	v2 =	vld [tilespmem:s30+$0xA350]  }
0x149: {  	v1 =	vld [tilespmem:s30+$0xA360]  }
0x14a: {  	v0 =	vld [tilespmem:s30+$0xA370]  }
0x14b: {  	v12 =	vld [tilespmem:s30+$0x2B00]  }
0x14c: {  	v13 =	vld [tilespmem:s30+$0x2B10]  }
0x14d: {  	v10 =	vld [tilespmem:s30+$0x2B20]  }
0x14e: {  	v9 =	vld [tilespmem:s30+$0x2B30]  }
0x14f: {  	v8 =	vld [tilespmem:s30+$0x2B40]  }
0x150: {  	v6 =	vld [tilespmem:s30+$0x2B50];
	v12 =	vadd.f32 v7, v12  }
0x151: {  	s31 =	simm.s32 $0x200;
	v11 =	vadd.f32 v11, v13;
	v7 =	vld [tilespmem:s30+$0x2B60]  }
.LBB2_5:
0x152: {  	s0 =	sshra.s32 s31, $0x2;
	p0 =	sne.s32 s31, $0x9E00;
	[tilespmem:s30+$0x2B00] =	vst v12;
	v5 =	vadd.f32 v5, v10;
	v10 =	vld [tilespmem:s30+$0x2B70]  }
0x153: {  	v12 =	vld [tilespmem:s0+$0xA300];
	[tilespmem:s30+$0x2B10] =	vst v11;
	v4 =	vadd.f32 v4, v9  }
0x154: {  	v11 =	vld [tilespmem:s0+$0xA310];
	[tilespmem:s30+$0x2B20] =	vst v5;
	v3 =	vadd.f32 v3, v8  }
0x155: {  	v5 =	vld [tilespmem:s0+$0xA320];
	[tilespmem:s30+$0x2B30] =	vst v4;
	v2 =	vadd.f32 v2, v6  }
0x156: {  	v4 =	vld [tilespmem:s0+$0xA330];
	[tilespmem:s30+$0x2B40] =	vst v3;
	v1 =	vadd.f32 v1, v7  }
0x157: {  	v3 =	vld [tilespmem:s0+$0xA340];
	[tilespmem:s30+$0x2B50] =	vst v2;
	v0 =	vadd.f32 v0, v10  }
0x158: {  	v2 =	vld [tilespmem:s0+$0xA350];
	[tilespmem:s30+$0x2B60] =	vst v1  }
0x159: {  	v1 =	vld [tilespmem:s0+$0xA360];
	[tilespmem:s30+$0x2B70] =	vst v0;
	s30 =	smov.u32 s0  }
0x15a: {  	v0 =	vld [tilespmem:s30+$0xA370]  }
0x15b: {  	v6 =	vld [tilespmem:s30+$0x2B00]  }
0x15c: {  	v7 =	vld [tilespmem:s30+$0x2B10]  }
.Ltmp1:
0x15d: {  	v10 =	vld [tilespmem:s30+$0x2B20];
	(pc) =	sbr.rel @p0 .LBB2_5-.Ltmp1, $4  }
0x15e: {  	v9 =	vld [tilespmem:s30+$0x2B30]  }
0x15f: {  	v8 =	vld [tilespmem:s30+$0x2B40]  }
0x160: {  	v12 =	vadd.f32 v12, v6;
	v6 =	vld [tilespmem:s30+$0x2B50]  }
0x161: {  	s31 =	sadd.s32 $0x200, s31;
	v11 =	vadd.f32 v11, v7;
	v7 =	vld [tilespmem:s30+$0x2B60]  }
0x162: {  	[tilespmem:s30+$0x2B00] =	vst v12;
	v5 =	vadd.f32 v5, v10;
	v10 =	vld [tilespmem:s30+$0x2B70]  }
0x163: {  	[tilespmem:s30+$0x2B10] =	vst v11;
	v4 =	vadd.f32 v4, v9  }
0x164: {  	[tilespmem:s30+$0x2B20] =	vst v5;
	v3 =	vadd.f32 v3, v8  }
0x165: {  	[tilespmem:s30+$0x2B30] =	vst v4;
	v2 =	vadd.f32 v2, v6  }
0x166: {  	s0 =	rddreg [dreg:$0x7];
	[tilespmem:s30+$0x2B40] =	vst v3;
	v1 =	vadd.f32 v1, v7  }
0x167: {  	s0 =	sadd.s32 s18, s0;
	[tilespmem:s30+$0x2B50] =	vst v2;
	v0 =	vadd.f32 v0, v10  }
0x168: {  	s31 =	sshll.u32 s0, $0x4;
	[tilespmem:s30+$0x2B60] =	vst v1  }
0x169: {  	[tilespmem:s30+$0x2B70] =	vst v0;
	s30 =	sadd.s32 s10, s31  }
0x16a: {  	[hbm4b:s30+s3] =	stream.linear.scatter [tilespmem:s26], [sflag:$0x8], $0x2800, $0x38;
	[tilespmem:$0x16E00] =	vst v63  }
0x16b: {  	s30 =	sshrl.u32 s0, $0x3  }
0x16c: {  	s19 =	simm.s32 $0xF380;
	s0 =	smul.u32 $0x3, s0;
	s30 =	sadd.s32 s12, s30  }
0x16d: {  	[hbm4b:s30+s3] =	stream.linear.scatter [tilespmem:s19], [sflag:$0x8], $0x50, $0x38;
	[tilespmem:$0x16E00] =	vst v63  }
0x16e: {  	s0 =	sshrl.u32 s0, $0x3  }
0x16f: {  	s19 =	simm.s32 $0xF580;
	s0 =	sadd.s32 s13, s0  }
0x170: {  	[hbm4b:s0+s3] =	stream.linear.scatter [tilespmem:s19], [sflag:$0x8], $0xF0, $0x38;
	[tilespmem:$0x16E00] =	vst v63  }
0x171: {  	v0 =	vld [tilespmem:$0x280]  }
0x172: {  	v1 =	vld [tilespmem:$0x100];
	_ =	sdelay $0x6  }
0x173: {  	v2 =	vld.idx.msk [tilespmem:v0+s4+$0x0], $0xffff  }
0x174: {  	v3 =	vld.idx.msk [tilespmem:v1+s4+$0x0], $0xffff  }
0x175: {  	v4 =	vld.idx.msk [tilespmem:v0+s6+$0x0], $0xffff  }
0x176: {  	v5 =	vld.idx.msk [tilespmem:v1+s6+$0x0], $0xffff  }
0x177: {  	v0 =	vld.idx.msk [tilespmem:v0+s7+$0x0], $0xffff  }
0x178: {  	v1 =	vld.idx.msk [tilespmem:v1+s7+$0x0], $0xffff;
	_ =	sdelay $0x2  }
0x179: {  	v2 =	vsub.f32 v2, v3;
	v3 =	vsub.f32 v4, v5  }
0x17a: {  	v4 =	vld [tilespmem:$0x290]  }
0x17b: {  	v6 =	vld [tilespmem:$0x110];
	v0 =	vsub.f32 v0, v1;
	v1 =	vmul.f32 v2, v2;
	v5 =	vmul.f32 v3, v3;
	_ =	sdelay $0x1  }
0x17c: {  	v1 =	vadd.f32 v5, v1;
	v5 =	vmul.f32 v0, v0  }
0x17d: {  	[tilespmem:$0xF680] =	vst v2  }
0x17e: {  	[tilespmem:$0xF6D0] =	vst v3;
	v1 =	vadd.f32 v5, v1  }
0x17f: {  	[tilespmem:$0xF720] =	vst v0  }
0x180: {  	[tilespmem:$0xF400] =	vst v1  }
0x181: {  	v0 =	vld.idx.msk [tilespmem:v4+s4+$0x0], $0xffff  }
0x182: {  	v1 =	vld.idx.msk [tilespmem:v6+s4+$0x0], $0xffff  }
0x183: {  	v2 =	vld.idx.msk [tilespmem:v4+s6+$0x0], $0xffff  }
0x184: {  	v3 =	vld.idx.msk [tilespmem:v6+s6+$0x0], $0xffff  }
0x185: {  	v4 =	vld.idx.msk [tilespmem:v4+s7+$0x0], $0xffff  }
0x186: {  	v5 =	vld.idx.msk [tilespmem:v6+s7+$0x0], $0xffff;
	_ =	sdelay $0x2  }
0x187: {  	v0 =	vsub.f32 v0, v1;
	v1 =	vsub.f32 v2, v3  }
0x188: {  	v2 =	vld [tilespmem:$0x2A0]  }
0x189: {  	v6 =	vld [tilespmem:$0x120];
	v3 =	vsub.f32 v4, v5;
	v4 =	vmul.f32 v0, v0;
	v5 =	vmul.f32 v1, v1;
	_ =	sdelay $0x1  }
0x18a: {  	v4 =	vadd.f32 v5, v4;
	v5 =	vmul.f32 v3, v3  }
0x18b: {  	[tilespmem:$0xF690] =	vst v0  }
0x18c: {  	[tilespmem:$0xF6E0] =	vst v1;
	v0 =	vadd.f32 v5, v4  }
0x18d: {  	[tilespmem:$0xF730] =	vst v3  }
0x18e: {  	[tilespmem:$0xF410] =	vst v0  }
0x18f: {  	v0 =	vld.idx.msk [tilespmem:v2+s4+$0x0], $0xffff  }
0x190: {  	v1 =	vld.idx.msk [tilespmem:v6+s4+$0x0], $0xffff  }
0x191: {  	v3 =	vld.idx.msk [tilespmem:v2+s6+$0x0], $0xffff  }
0x192: {  	v4 =	vld.idx.msk [tilespmem:v6+s6+$0x0], $0xffff  }
0x193: {  	v2 =	vld.idx.msk [tilespmem:v2+s7+$0x0], $0xffff  }
0x194: {  	v5 =	vld.idx.msk [tilespmem:v6+s7+$0x0], $0xffff;
	_ =	sdelay $0x2  }
0x195: {  	v0 =	vsub.f32 v0, v1;
	v1 =	vsub.f32 v3, v4  }
0x196: {  	v3 =	vld [tilespmem:$0x2B0]  }
0x197: {  	v6 =	vld [tilespmem:$0x130];
	v2 =	vsub.f32 v2, v5;
	v4 =	vmul.f32 v0, v0;
	v5 =	vmul.f32 v1, v1;
	_ =	sdelay $0x1  }
0x198: {  	v4 =	vadd.f32 v5, v4;
	v5 =	vmul.f32 v2, v2  }
0x199: {  	[tilespmem:$0xF6A0] =	vst v0  }
0x19a: {  	[tilespmem:$0xF6F0] =	vst v1;
	v0 =	vadd.f32 v5, v4  }
0x19b: {  	[tilespmem:$0xF740] =	vst v2  }
0x19c: {  	[tilespmem:$0xF420] =	vst v0  }
0x19d: {  	v0 =	vld.idx.msk [tilespmem:v3+s4+$0x0], $0xffff  }
0x19e: {  	v1 =	vld.idx.msk [tilespmem:v6+s4+$0x0], $0xffff  }
0x19f: {  	v2 =	vld.idx.msk [tilespmem:v3+s6+$0x0], $0xffff  }
0x1a0: {  	v4 =	vld.idx.msk [tilespmem:v6+s6+$0x0], $0xffff  }
0x1a1: {  	v3 =	vld.idx.msk [tilespmem:v3+s7+$0x0], $0xffff  }
0x1a2: {  	v5 =	vld.idx.msk [tilespmem:v6+s7+$0x0], $0xffff;
	_ =	sdelay $0x2  }
0x1a3: {  	v0 =	vsub.f32 v0, v1;
	v1 =	vsub.f32 v2, v4  }
0x1a4: {  	v2 =	vld [tilespmem:$0x2C0]  }
0x1a5: {  	v6 =	vld [tilespmem:$0x140];
	v3 =	vsub.f32 v3, v5;
	v4 =	vmul.f32 v0, v0;
	v5 =	vmul.f32 v1, v1;
	_ =	sdelay $0x1  }
0x1a6: {  	v4 =	vadd.f32 v5, v4;
	v5 =	vmul.f32 v3, v3  }
0x1a7: {  	[tilespmem:$0xF6B0] =	vst v0  }
0x1a8: {  	[tilespmem:$0xF700] =	vst v1;
	v0 =	vadd.f32 v5, v4  }
0x1a9: {  	[tilespmem:$0xF750] =	vst v3  }
0x1aa: {  	[tilespmem:$0xF430] =	vst v0  }
0x1ab: {  	v0 =	vld.idx.msk [tilespmem:v2+s4+$0x0], $0xffff  }
0x1ac: {  	v1 =	vld.idx.msk [tilespmem:v6+s4+$0x0], $0xffff  }
0x1ad: {  	v3 =	vld.idx.msk [tilespmem:v2+s6+$0x0], $0xffff  }
0x1ae: {  	v4 =	vld.idx.msk [tilespmem:v6+s6+$0x0], $0xffff  }
0x1af: {  	v2 =	vld.idx.msk [tilespmem:v2+s7+$0x0], $0xffff  }
0x1b0: {  	v5 =	vld.idx.msk [tilespmem:v6+s7+$0x0], $0xffff;
	_ =	sdelay $0x2  }
0x1b1: {  	v0 =	vsub.f32 v0, v1;
	v1 =	vsub.f32 v3, v4;
	_ =	sdelay $0x1  }
0x1b2: {  	v2 =	vsub.f32 v2, v5;
	v3 =	vmul.f32 v0, v0;
	v4 =	vmul.f32 v1, v1;
	_ =	sdelay $0x1  }
0x1b3: {  	v3 =	vadd.f32 v4, v3;
	v4 =	vmul.f32 v2, v2  }
0x1b4: {  	[tilespmem:$0xF6C0] =	vst v0  }
0x1b5: {  	[tilespmem:$0xF710] =	vst v1;
	v0 =	vadd.f32 v4, v3  }
0x1b6: {  	[tilespmem:$0xF760] =	vst v2  }
0x1b7: {  	[tilespmem:$0xF440] =	vst v0  }
0x1b8: {  	_ =	swait.ge [sflag:s24], $0x2800  }
0x1b9: {  	[sflag:s24] =	ssyncset.done $0x0  }
0x1ba: {  	[sflag:s24] =	ssyncadd.s32 $0xFFFFD800  }
0x1bb: {  	_ =	swait.ge [sflag:s24], $0x2800  }
0x1bc: {  	p0 =	seq.s32 s11, $0x28;
	s0 =	rddreg [dreg:$0x18]  }
0x1bd: {  	s0 =	sadd.s32 @!p0 s18, s0  }
0x1be: {  	s31 =	simm.s32 @!p0 $0x0;
	[sflag:s24] =	ssyncset.done $0x0;
	s0 =	sshrl.u32 @!p0 s0, $0x3  }
0x1bf: {  	s19 =	simm.s32 @!p0 $0x100;
	[sflag:s24] =	ssyncadd.s32 $0xFFFFD800;
	s30 =	sadd.s32 @!p0 s8, s0  }
0x1c0: {  	[tilespmem:s19], [sflag:$0x3] =	stream.linear.gather @!p0 [hbm4b:s30+s31], $0x50, $0x38;
	[tilespmem:$0x16E00] =	vst v63  }
0x1c1: {  	s0 =	sadd.s32 @!p0 s9, s0;
	s19 =	simm.s32 @!p0 $0x280  }
0x1c2: {  	[tilespmem:s19], [sflag:$0x3] =	stream.linear.gather @!p0 [hbm4b:s0+s31], $0x50, $0x38;
	[tilespmem:$0x16E00] =	vst v63  }
0x1c3: {  	_ =	swait.ge [sflag:s25], $0x50  }
0x1c4: {  	[sflag:s25] =	ssyncset.done $0x0  }
0x1c5: {  	[sflag:s25] =	ssyncadd.s32 $0xFFFFFFB0  }
0x1c6: {  	_ =	swait.ge [sflag:s25], $0x50  }
0x1c7: {  	[sflag:s25] =	ssyncset.done $0x0  }
0x1c8: {  	[sflag:s25] =	ssyncadd.s32 $0xFFFFFFB0  }
0x1c9: {  	_ =	swait.ge [sflag:s14], $0x2800  }
0x1ca: {  	[sflag:s14] =	ssyncset.done $0x0  }
0x1cb: {  	[sflag:s14] =	ssyncadd.s32 $0xFFFFD800  }
0x1cc: {  	_ =	swait.ge [sflag:s14], $0x50  }
0x1cd: {  	[sflag:s14] =	ssyncset.done $0x0  }
0x1ce: {  	[sflag:s14] =	ssyncadd.s32 $0xFFFFFFB0  }
0x1cf: {  	_ =	swait.ge [sflag:s14], $0xF0  }
0x1d0: {  	[sflag:s14] =	ssyncset.done $0x0  }
0x1d1: {  	[sflag:s14] =	ssyncadd.s32 $0xFFFFFF10  }
0x1d2: {  	[tilespmem:s26], [sflag:$0x5] =	stream.indirect.gather [hbm4b:s1+s22], $0x80, s16, s22, $0xb8;
	[tilespmem:$0x16E00] =	vst v63  }
0x1d3: {  	s30 =	simm.s32 $0x0;
	s19 =	simm.s32 $0xA300  }
0x1d4: {  	[tilespmem:s19], [sflag:$0x5] =	stream.indirect.gather [hbm4b:s5+s22], $0x80, s17, s22, $0xb8;
	[tilespmem:$0x16E00] =	vst v63  }
0x1d5: {  	v7 =	vld [tilespmem:s30+$0xCB00]  }
0x1d6: {  	v11 =	vld [tilespmem:s30+$0xCB10]  }
0x1d7: {  	v5 =	vld [tilespmem:s30+$0xCB20]  }
0x1d8: {  	v4 =	vld [tilespmem:s30+$0xCB30]  }
0x1d9: {  	v3 =	vld [tilespmem:s30+$0xCB40]  }
0x1da: {  	v2 =	vld [tilespmem:s30+$0xCB50]  }
0x1db: {  	v1 =	vld [tilespmem:s30+$0xCB60]  }
0x1dc: {  	v0 =	vld [tilespmem:s30+$0xCB70]  }
0x1dd: {  	v12 =	vld [tilespmem:s30+$0x5300]  }
0x1de: {  	v13 =	vld [tilespmem:s30+$0x5310]  }
0x1df: {  	v10 =	vld [tilespmem:s30+$0x5320]  }
0x1e0: {  	v9 =	vld [tilespmem:s30+$0x5330]  }
0x1e1: {  	v8 =	vld [tilespmem:s30+$0x5340]  }
0x1e2: {  	v6 =	vld [tilespmem:s30+$0x5350];
	v12 =	vadd.f32 v7, v12  }
0x1e3: {  	s31 =	simm.s32 $0x200;
	v11 =	vadd.f32 v11, v13;
	v7 =	vld [tilespmem:s30+$0x5360]  }
.LBB2_7:
0x1e4: {  	s0 =	sshra.s32 s31, $0x2;
	p0 =	sne.s32 s31, $0x9E00;
	[tilespmem:s30+$0x5300] =	vst v12;
	v5 =	vadd.f32 v5, v10;
	v10 =	vld [tilespmem:s30+$0x5370]  }
0x1e5: {  	v12 =	vld [tilespmem:s0+$0xCB00];
	[tilespmem:s30+$0x5310] =	vst v11;
	v4 =	vadd.f32 v4, v9  }
0x1e6: {  	v11 =	vld [tilespmem:s0+$0xCB10];
	[tilespmem:s30+$0x5320] =	vst v5;
	v3 =	vadd.f32 v3, v8  }
0x1e7: {  	v5 =	vld [tilespmem:s0+$0xCB20];
	[tilespmem:s30+$0x5330] =	vst v4;
	v2 =	vadd.f32 v2, v6  }
0x1e8: {  	v4 =	vld [tilespmem:s0+$0xCB30];
	[tilespmem:s30+$0x5340] =	vst v3;
	v1 =	vadd.f32 v1, v7  }
0x1e9: {  	v3 =	vld [tilespmem:s0+$0xCB40];
	[tilespmem:s30+$0x5350] =	vst v2;
	v0 =	vadd.f32 v0, v10  }
0x1ea: {  	v2 =	vld [tilespmem:s0+$0xCB50];
	[tilespmem:s30+$0x5360] =	vst v1  }
0x1eb: {  	v1 =	vld [tilespmem:s0+$0xCB60];
	[tilespmem:s30+$0x5370] =	vst v0;
	s30 =	smov.u32 s0  }
0x1ec: {  	v0 =	vld [tilespmem:s30+$0xCB70]  }
0x1ed: {  	v6 =	vld [tilespmem:s30+$0x5300]  }
0x1ee: {  	v7 =	vld [tilespmem:s30+$0x5310]  }
.Ltmp2:
0x1ef: {  	v10 =	vld [tilespmem:s30+$0x5320];
	(pc) =	sbr.rel @p0 .LBB2_7-.Ltmp2, $4  }
0x1f0: {  	v9 =	vld [tilespmem:s30+$0x5330]  }
0x1f1: {  	v8 =	vld [tilespmem:s30+$0x5340]  }
0x1f2: {  	v12 =	vadd.f32 v12, v6;
	v6 =	vld [tilespmem:s30+$0x5350]  }
0x1f3: {  	s31 =	sadd.s32 $0x200, s31;
	v11 =	vadd.f32 v11, v7;
	v7 =	vld [tilespmem:s30+$0x5360]  }
0x1f4: {  	[tilespmem:s30+$0x5300] =	vst v12;
	v5 =	vadd.f32 v5, v10;
	v63 =	vld [tilespmem:s30+$0x5370]  }
0x1f5: {  	[tilespmem:s30+$0x5310] =	vst v11;
	v4 =	vadd.f32 v4, v9  }
0x1f6: {  	[tilespmem:s30+$0x5320] =	vst v5;
	v3 =	vadd.f32 v3, v8  }
0x1f7: {  	[tilespmem:s30+$0x5330] =	vst v4;
	v2 =	vadd.f32 v2, v6  }
0x1f8: {  	s0 =	rddreg [dreg:$0xb];
	[tilespmem:s30+$0x5340] =	vst v3;
	v1 =	vadd.f32 v1, v7  }
0x1f9: {  	s11 =	sadd.s32 $0x1, s11;
	s0 =	sadd.s32 s18, s0;
	[tilespmem:s30+$0x5350] =	vst v2;
	v0 =	vadd.f32 v0, v63  }
0x1fa: {  	s19 =	simm.s32 $0x5300;
	p0 =	sne.s32 s11, $0x29;
	s18 =	sshll.u32 s0, $0x4;
	[tilespmem:s30+$0x5360] =	vst v1  }
0x1fb: {  	s18 =	sadd.s32 s10, s18;
	[tilespmem:s30+$0x5370] =	vst v0;
	s30 =	sshrl.u32 s0, $0x3;
	s0 =	smul.u32 $0x3, s0  }
0x1fc: {  	[hbm4b:s18+s3] =	stream.linear.scatter [tilespmem:s19], [sflag:$0x9], $0x2800, $0x38;
	[tilespmem:$0x16E00] =	vst v63  }
.Ltmp3:
0x1fd: {  	_ = 	snop;
	(pc) =	sbr.rel @p0 .LBB2_2-.Ltmp3, $4  }
0x1fe: {  	s31 =	simm.s32 $0xF400;
	s18 =	sadd.s32 s12, s30;
	s0 =	sshrl.u32 s0, $0x3  }
0x1ff: {  	[hbm4b:s18+s3] =	stream.linear.scatter [tilespmem:s31], [sflag:$0x9], $0x50, $0x38;
	[tilespmem:$0x16E00] =	vst v63  }
0x200: {  	s0 =	sadd.s32 s13, s0;
	s31 =	simm.s32 $0xF680  }
0x201: {  	[hbm4b:s0+s3] =	stream.linear.scatter [tilespmem:s31], [sflag:$0x9], $0xF0, $0x38;
	[tilespmem:$0x16E00] =	vst v63  }
0x202: {  	v0 =	vld [tilespmem:$0x180]  }
0x203: {  	v1 =	vld [tilespmem:$0x0];
	_ =	sdelay $0x6  }
0x204: {  	v2 =	vld.idx.msk [tilespmem:v0+s4+$0x0], $0xffff  }
0x205: {  	v3 =	vld.idx.msk [tilespmem:v1+s4+$0x0], $0xffff  }
0x206: {  	v4 =	vld.idx.msk [tilespmem:v0+s6+$0x0], $0xffff  }
0x207: {  	v5 =	vld.idx.msk [tilespmem:v1+s6+$0x0], $0xffff  }
0x208: {  	v0 =	vld.idx.msk [tilespmem:v0+s7+$0x0], $0xffff  }
0x209: {  	v1 =	vld.idx.msk [tilespmem:v1+s7+$0x0], $0xffff;
	_ =	sdelay $0x2  }
0x20a: {  	v2 =	vsub.f32 v2, v3;
	v3 =	vsub.f32 v4, v5  }
0x20b: {  	v4 =	vld [tilespmem:$0x190]  }
0x20c: {  	v6 =	vld [tilespmem:$0x10];
	v0 =	vsub.f32 v0, v1;
	v1 =	vmul.f32 v2, v2;
	v5 =	vmul.f32 v3, v3;
	_ =	sdelay $0x1  }
0x20d: {  	v1 =	vadd.f32 v5, v1;
	v5 =	vmul.f32 v0, v0  }
0x20e: {  	[tilespmem:$0xF480] =	vst v2  }
0x20f: {  	[tilespmem:$0xF4D0] =	vst v3;
	v1 =	vadd.f32 v5, v1  }
0x210: {  	[tilespmem:$0xF520] =	vst v0  }
0x211: {  	[tilespmem:$0xF300] =	vst v1  }
0x212: {  	v0 =	vld.idx.msk [tilespmem:v4+s4+$0x0], $0xffff  }
0x213: {  	v1 =	vld.idx.msk [tilespmem:v6+s4+$0x0], $0xffff  }
0x214: {  	v2 =	vld.idx.msk [tilespmem:v4+s6+$0x0], $0xffff  }
0x215: {  	v3 =	vld.idx.msk [tilespmem:v6+s6+$0x0], $0xffff  }
0x216: {  	v4 =	vld.idx.msk [tilespmem:v4+s7+$0x0], $0xffff  }
0x217: {  	v5 =	vld.idx.msk [tilespmem:v6+s7+$0x0], $0xffff;
	_ =	sdelay $0x2  }
0x218: {  	v0 =	vsub.f32 v0, v1;
	v1 =	vsub.f32 v2, v3  }
0x219: {  	v2 =	vld [tilespmem:$0x1A0]  }
0x21a: {  	v6 =	vld [tilespmem:$0x20];
	v3 =	vsub.f32 v4, v5;
	v4 =	vmul.f32 v0, v0;
	v5 =	vmul.f32 v1, v1;
	_ =	sdelay $0x1  }
0x21b: {  	v4 =	vadd.f32 v5, v4;
	v5 =	vmul.f32 v3, v3  }
0x21c: {  	[tilespmem:$0xF490] =	vst v0  }
0x21d: {  	[tilespmem:$0xF4E0] =	vst v1;
	v0 =	vadd.f32 v5, v4  }
0x21e: {  	[tilespmem:$0xF530] =	vst v3  }
0x21f: {  	[tilespmem:$0xF310] =	vst v0  }
0x220: {  	v0 =	vld.idx.msk [tilespmem:v2+s4+$0x0], $0xffff  }
0x221: {  	v1 =	vld.idx.msk [tilespmem:v6+s4+$0x0], $0xffff  }
0x222: {  	v3 =	vld.idx.msk [tilespmem:v2+s6+$0x0], $0xffff  }
0x223: {  	v4 =	vld.idx.msk [tilespmem:v6+s6+$0x0], $0xffff  }
0x224: {  	v2 =	vld.idx.msk [tilespmem:v2+s7+$0x0], $0xffff  }
0x225: {  	v5 =	vld.idx.msk [tilespmem:v6+s7+$0x0], $0xffff;
	_ =	sdelay $0x2  }
0x226: {  	v0 =	vsub.f32 v0, v1;
	v1 =	vsub.f32 v3, v4  }
0x227: {  	v3 =	vld [tilespmem:$0x1B0]  }
0x228: {  	v6 =	vld [tilespmem:$0x30];
	v2 =	vsub.f32 v2, v5;
	v4 =	vmul.f32 v0, v0;
	v5 =	vmul.f32 v1, v1;
	_ =	sdelay $0x1  }
0x229: {  	v4 =	vadd.f32 v5, v4;
	v5 =	vmul.f32 v2, v2  }
0x22a: {  	[tilespmem:$0xF4A0] =	vst v0  }
0x22b: {  	[tilespmem:$0xF4F0] =	vst v1;
	v0 =	vadd.f32 v5, v4  }
0x22c: {  	[tilespmem:$0xF540] =	vst v2  }
0x22d: {  	[tilespmem:$0xF320] =	vst v0  }
0x22e: {  	v0 =	vld.idx.msk [tilespmem:v3+s4+$0x0], $0xffff  }
0x22f: {  	v1 =	vld.idx.msk [tilespmem:v6+s4+$0x0], $0xffff  }
0x230: {  	v2 =	vld.idx.msk [tilespmem:v3+s6+$0x0], $0xffff  }
0x231: {  	v4 =	vld.idx.msk [tilespmem:v6+s6+$0x0], $0xffff  }
0x232: {  	v3 =	vld.idx.msk [tilespmem:v3+s7+$0x0], $0xffff  }
0x233: {  	v5 =	vld.idx.msk [tilespmem:v6+s7+$0x0], $0xffff;
	_ =	sdelay $0x2  }
0x234: {  	v0 =	vsub.f32 v0, v1;
	v1 =	vsub.f32 v2, v4  }
0x235: {  	v2 =	vld [tilespmem:$0x1C0]  }
0x236: {  	v6 =	vld [tilespmem:$0x40];
	v3 =	vsub.f32 v3, v5;
	v4 =	vmul.f32 v0, v0;
	v5 =	vmul.f32 v1, v1;
	_ =	sdelay $0x1  }
0x237: {  	v4 =	vadd.f32 v5, v4;
	v5 =	vmul.f32 v3, v3  }
0x238: {  	[tilespmem:$0xF4B0] =	vst v0  }
0x239: {  	[tilespmem:$0xF500] =	vst v1;
	v0 =	vadd.f32 v5, v4  }
0x23a: {  	[tilespmem:$0xF550] =	vst v3  }
0x23b: {  	[tilespmem:$0xF330] =	vst v0  }
0x23c: {  	v0 =	vld.idx.msk [tilespmem:v2+s4+$0x0], $0xffff  }
0x23d: {  	v1 =	vld.idx.msk [tilespmem:v6+s4+$0x0], $0xffff  }
0x23e: {  	v3 =	vld.idx.msk [tilespmem:v2+s6+$0x0], $0xffff  }
0x23f: {  	v4 =	vld.idx.msk [tilespmem:v6+s6+$0x0], $0xffff  }
0x240: {  	v2 =	vld.idx.msk [tilespmem:v2+s7+$0x0], $0xffff  }
0x241: {  	v5 =	vld.idx.msk [tilespmem:v6+s7+$0x0], $0xffff;
	_ =	sdelay $0x2  }
0x242: {  	v0 =	vsub.f32 v0, v1;
	v1 =	vsub.f32 v3, v4;
	_ =	sdelay $0x1  }
0x243: {  	v2 =	vsub.f32 v2, v5;
	v3 =	vmul.f32 v0, v0;
	v4 =	vmul.f32 v1, v1;
	_ =	sdelay $0x1  }
0x244: {  	v3 =	vadd.f32 v4, v3;
	v4 =	vmul.f32 v2, v2  }
0x245: {  	[tilespmem:$0xF4C0] =	vst v0  }
0x246: {  	[tilespmem:$0xF510] =	vst v1;
	v0 =	vadd.f32 v4, v3  }
0x247: {  	[tilespmem:$0xF560] =	vst v2  }
0x248: {  	[tilespmem:$0xF340] =	vst v0  }
0x249: {  	_ =	swait.ge [sflag:s29], $0x2800  }
0x24a: {  	[sflag:s29] =	ssyncset.done $0x0  }
0x24b: {  	[sflag:s29] =	ssyncadd.s32 $0xFFFFD800  }
0x24c: {  	_ =	swait.ge [sflag:s29], $0x2800  }
0x24d: {  	[sflag:s29] =	ssyncset.done $0x0  }
0x24e: {  	s11 =	simm.s32 $0x0;
	[sflag:s29] =	ssyncadd.s32 $0xFFFFD800  }
0x24f: {  	v7 =	vld [tilespmem:s11+$0x7B00]  }
0x250: {  	v11 =	vld [tilespmem:s11+$0x7B10]  }
0x251: {  	v5 =	vld [tilespmem:s11+$0x7B20]  }
0x252: {  	v4 =	vld [tilespmem:s11+$0x7B30]  }
0x253: {  	v3 =	vld [tilespmem:s11+$0x7B40]  }
0x254: {  	v2 =	vld [tilespmem:s11+$0x7B50]  }
0x255: {  	v1 =	vld [tilespmem:s11+$0x7B60]  }
0x256: {  	v0 =	vld [tilespmem:s11+$0x7B70]  }
0x257: {  	v12 =	vld [tilespmem:s11+$0x300]  }
0x258: {  	v13 =	vld [tilespmem:s11+$0x310]  }
0x259: {  	v10 =	vld [tilespmem:s11+$0x320]  }
0x25a: {  	v9 =	vld [tilespmem:s11+$0x330]  }
0x25b: {  	v8 =	vld [tilespmem:s11+$0x340]  }
0x25c: {  	v6 =	vld [tilespmem:s11+$0x350];
	v12 =	vadd.f32 v7, v12  }
0x25d: {  	s18 =	simm.s32 $0x200;
	v11 =	vadd.f32 v11, v13;
	v7 =	vld [tilespmem:s11+$0x360]  }
.LBB2_10:
0x25e: {  	s0 =	sshra.s32 s18, $0x2;
	p0 =	sne.s32 s18, $0x9E00;
	[tilespmem:s11+$0x300] =	vst v12;
	v5 =	vadd.f32 v5, v10;
	v10 =	vld [tilespmem:s11+$0x370]  }
0x25f: {  	v12 =	vld [tilespmem:s0+$0x7B00];
	[tilespmem:s11+$0x310] =	vst v11;
	v4 =	vadd.f32 v4, v9  }
0x260: {  	v11 =	vld [tilespmem:s0+$0x7B10];
	[tilespmem:s11+$0x320] =	vst v5;
	v3 =	vadd.f32 v3, v8  }
0x261: {  	v5 =	vld [tilespmem:s0+$0x7B20];
	[tilespmem:s11+$0x330] =	vst v4;
	v2 =	vadd.f32 v2, v6  }
0x262: {  	v4 =	vld [tilespmem:s0+$0x7B30];
	[tilespmem:s11+$0x340] =	vst v3;
	v1 =	vadd.f32 v1, v7  }
0x263: {  	v3 =	vld [tilespmem:s0+$0x7B40];
	[tilespmem:s11+$0x350] =	vst v2;
	v0 =	vadd.f32 v0, v10  }
0x264: {  	v2 =	vld [tilespmem:s0+$0x7B50];
	[tilespmem:s11+$0x360] =	vst v1  }
0x265: {  	v1 =	vld [tilespmem:s0+$0x7B60];
	[tilespmem:s11+$0x370] =	vst v0;
	s11 =	smov.u32 s0  }
0x266: {  	v0 =	vld [tilespmem:s11+$0x7B70]  }
0x267: {  	v6 =	vld [tilespmem:s11+$0x300]  }
0x268: {  	v7 =	vld [tilespmem:s11+$0x310]  }
.Ltmp4:
0x269: {  	v10 =	vld [tilespmem:s11+$0x320];
	(pc) =	sbr.rel @p0 .LBB2_10-.Ltmp4, $4  }
0x26a: {  	v9 =	vld [tilespmem:s11+$0x330]  }
0x26b: {  	v8 =	vld [tilespmem:s11+$0x340]  }
0x26c: {  	v12 =	vadd.f32 v12, v6;
	v6 =	vld [tilespmem:s11+$0x350]  }
0x26d: {  	s18 =	sadd.s32 $0x200, s18;
	v11 =	vadd.f32 v11, v7;
	v7 =	vld [tilespmem:s11+$0x360]  }
0x26e: {  	[tilespmem:s11+$0x300] =	vst v12;
	v5 =	vadd.f32 v5, v10;
	v10 =	vld [tilespmem:s11+$0x370]  }
0x26f: {  	[tilespmem:s11+$0x310] =	vst v11;
	v4 =	vadd.f32 v4, v9  }
0x270: {  	[tilespmem:s11+$0x320] =	vst v5;
	v3 =	vadd.f32 v3, v8  }
0x271: {  	[tilespmem:s11+$0x330] =	vst v4;
	v2 =	vadd.f32 v2, v6  }
0x272: {  	[tilespmem:s11+$0x340] =	vst v3;
	v1 =	vadd.f32 v1, v7  }
0x273: {  	[tilespmem:s11+$0x350] =	vst v2;
	v0 =	vadd.f32 v0, v10  }
0x274: {  	[tilespmem:s11+$0x360] =	vst v1  }
0x275: {  	s0 =	simm.s32 $0x0;
	s30 =	rddreg [dreg:$0xf];
	[tilespmem:s11+$0x370] =	vst v0  }
0x276: {  	[hbm4b:s30+s0] =	stream.linear.scatter [tilespmem:s23], [sflag:$0x7], $0x2800, $0x38;
	[tilespmem:$0x16E00] =	vst v63  }
0x277: {  	s31 =	rddreg [dreg:$0x10];
	s18 =	simm.s32 $0xF300  }
0x278: {  	[hbm4b:s31+s0] =	stream.linear.scatter [tilespmem:s18], [sflag:$0x7], $0x50, $0x38;
	[tilespmem:$0x16E00] =	vst v63  }
0x279: {  	s30 =	rddreg [dreg:$0x11];
	s31 =	simm.s32 $0xF480  }
0x27a: {  	[hbm4b:s30+s0] =	stream.linear.scatter [tilespmem:s31], [sflag:$0x7], $0xF0, $0x38;
	[tilespmem:$0x16E00] =	vst v63  }
0x27b: {  	v0 =	vld [tilespmem:$0x200]  }
0x27c: {  	v1 =	vld [tilespmem:$0x80];
	_ =	sdelay $0x6  }
0x27d: {  	v2 =	vld.idx.msk [tilespmem:v0+s4+$0x0], $0xffff  }
0x27e: {  	v3 =	vld.idx.msk [tilespmem:v1+s4+$0x0], $0xffff  }
0x27f: {  	v4 =	vld.idx.msk [tilespmem:v0+s6+$0x0], $0xffff  }
0x280: {  	v5 =	vld.idx.msk [tilespmem:v1+s6+$0x0], $0xffff  }
0x281: {  	v0 =	vld.idx.msk [tilespmem:v0+s7+$0x0], $0xffff  }
0x282: {  	v1 =	vld.idx.msk [tilespmem:v1+s7+$0x0], $0xffff;
	_ =	sdelay $0x2  }
0x283: {  	v2 =	vsub.f32 v2, v3;
	v3 =	vsub.f32 v4, v5  }
0x284: {  	v4 =	vld [tilespmem:$0x210]  }
0x285: {  	v6 =	vld [tilespmem:$0x90];
	v0 =	vsub.f32 v0, v1;
	v1 =	vmul.f32 v2, v2;
	v5 =	vmul.f32 v3, v3;
	_ =	sdelay $0x1  }
0x286: {  	v1 =	vadd.f32 v5, v1;
	v5 =	vmul.f32 v0, v0  }
0x287: {  	[tilespmem:$0xF580] =	vst v2  }
0x288: {  	[tilespmem:$0xF5D0] =	vst v3;
	v1 =	vadd.f32 v5, v1  }
0x289: {  	[tilespmem:$0xF620] =	vst v0  }
0x28a: {  	[tilespmem:$0xF380] =	vst v1  }
0x28b: {  	v0 =	vld.idx.msk [tilespmem:v4+s4+$0x0], $0xffff  }
0x28c: {  	v1 =	vld.idx.msk [tilespmem:v6+s4+$0x0], $0xffff  }
0x28d: {  	v2 =	vld.idx.msk [tilespmem:v4+s6+$0x0], $0xffff  }
0x28e: {  	v3 =	vld.idx.msk [tilespmem:v6+s6+$0x0], $0xffff  }
0x28f: {  	v4 =	vld.idx.msk [tilespmem:v4+s7+$0x0], $0xffff  }
0x290: {  	v5 =	vld.idx.msk [tilespmem:v6+s7+$0x0], $0xffff;
	_ =	sdelay $0x2  }
0x291: {  	v0 =	vsub.f32 v0, v1;
	v1 =	vsub.f32 v2, v3  }
0x292: {  	v2 =	vld [tilespmem:$0x220]  }
0x293: {  	v6 =	vld [tilespmem:$0xA0];
	v3 =	vsub.f32 v4, v5;
	v4 =	vmul.f32 v0, v0;
	v5 =	vmul.f32 v1, v1;
	_ =	sdelay $0x1  }
0x294: {  	v4 =	vadd.f32 v5, v4;
	v5 =	vmul.f32 v3, v3  }
0x295: {  	[tilespmem:$0xF590] =	vst v0  }
0x296: {  	[tilespmem:$0xF5E0] =	vst v1;
	v0 =	vadd.f32 v5, v4  }
0x297: {  	[tilespmem:$0xF630] =	vst v3  }
0x298: {  	[tilespmem:$0xF390] =	vst v0  }
0x299: {  	v0 =	vld.idx.msk [tilespmem:v2+s4+$0x0], $0xffff  }
0x29a: {  	v1 =	vld.idx.msk [tilespmem:v6+s4+$0x0], $0xffff  }
0x29b: {  	v3 =	vld.idx.msk [tilespmem:v2+s6+$0x0], $0xffff  }
0x29c: {  	v4 =	vld.idx.msk [tilespmem:v6+s6+$0x0], $0xffff  }
0x29d: {  	v2 =	vld.idx.msk [tilespmem:v2+s7+$0x0], $0xffff  }
0x29e: {  	v5 =	vld.idx.msk [tilespmem:v6+s7+$0x0], $0xffff;
	_ =	sdelay $0x2  }
0x29f: {  	v0 =	vsub.f32 v0, v1;
	v1 =	vsub.f32 v3, v4  }
0x2a0: {  	v3 =	vld [tilespmem:$0x230]  }
0x2a1: {  	v6 =	vld [tilespmem:$0xB0];
	v2 =	vsub.f32 v2, v5;
	v4 =	vmul.f32 v0, v0;
	v5 =	vmul.f32 v1, v1;
	_ =	sdelay $0x1  }
0x2a2: {  	v4 =	vadd.f32 v5, v4;
	v5 =	vmul.f32 v2, v2  }
0x2a3: {  	[tilespmem:$0xF5A0] =	vst v0  }
0x2a4: {  	[tilespmem:$0xF5F0] =	vst v1;
	v0 =	vadd.f32 v5, v4  }
0x2a5: {  	[tilespmem:$0xF640] =	vst v2  }
0x2a6: {  	[tilespmem:$0xF3A0] =	vst v0  }
0x2a7: {  	v0 =	vld.idx.msk [tilespmem:v3+s4+$0x0], $0xffff  }
0x2a8: {  	v1 =	vld.idx.msk [tilespmem:v6+s4+$0x0], $0xffff  }
0x2a9: {  	v2 =	vld.idx.msk [tilespmem:v3+s6+$0x0], $0xffff  }
0x2aa: {  	v4 =	vld.idx.msk [tilespmem:v6+s6+$0x0], $0xffff  }
0x2ab: {  	v3 =	vld.idx.msk [tilespmem:v3+s7+$0x0], $0xffff  }
0x2ac: {  	v5 =	vld.idx.msk [tilespmem:v6+s7+$0x0], $0xffff;
	_ =	sdelay $0x2  }
0x2ad: {  	v0 =	vsub.f32 v0, v1;
	v1 =	vsub.f32 v2, v4  }
0x2ae: {  	v2 =	vld [tilespmem:$0x240]  }
0x2af: {  	v6 =	vld [tilespmem:$0xC0];
	v3 =	vsub.f32 v3, v5;
	v4 =	vmul.f32 v0, v0;
	v5 =	vmul.f32 v1, v1;
	_ =	sdelay $0x1  }
0x2b0: {  	v4 =	vadd.f32 v5, v4;
	v5 =	vmul.f32 v3, v3  }
0x2b1: {  	[tilespmem:$0xF5B0] =	vst v0  }
0x2b2: {  	[tilespmem:$0xF600] =	vst v1;
	v0 =	vadd.f32 v5, v4  }
0x2b3: {  	[tilespmem:$0xF650] =	vst v3  }
0x2b4: {  	[tilespmem:$0xF3B0] =	vst v0  }
0x2b5: {  	v0 =	vld.idx.msk [tilespmem:v2+s4+$0x0], $0xffff  }
0x2b6: {  	v1 =	vld.idx.msk [tilespmem:v6+s4+$0x0], $0xffff  }
0x2b7: {  	v3 =	vld.idx.msk [tilespmem:v2+s6+$0x0], $0xffff  }
0x2b8: {  	v4 =	vld.idx.msk [tilespmem:v6+s6+$0x0], $0xffff  }
0x2b9: {  	v2 =	vld.idx.msk [tilespmem:v2+s7+$0x0], $0xffff  }
0x2ba: {  	v5 =	vld.idx.msk [tilespmem:v6+s7+$0x0], $0xffff;
	_ =	sdelay $0x2  }
0x2bb: {  	v0 =	vsub.f32 v0, v1;
	v1 =	vsub.f32 v3, v4;
	_ =	sdelay $0x1  }
0x2bc: {  	v2 =	vsub.f32 v2, v5;
	v3 =	vmul.f32 v0, v0;
	v4 =	vmul.f32 v1, v1;
	_ =	sdelay $0x1  }
0x2bd: {  	v3 =	vadd.f32 v4, v3;
	v4 =	vmul.f32 v2, v2  }
0x2be: {  	[tilespmem:$0xF5C0] =	vst v0  }
0x2bf: {  	[tilespmem:$0xF610] =	vst v1;
	v0 =	vadd.f32 v4, v3  }
0x2c0: {  	[tilespmem:$0xF660] =	vst v2  }
0x2c1: {  	[tilespmem:$0xF3C0] =	vst v0  }
0x2c2: {  	_ =	swait.ge [sflag:s28], $0x2800  }
0x2c3: {  	[sflag:s28] =	ssyncset.done $0x0  }
0x2c4: {  	[sflag:s28] =	ssyncadd.s32 $0xFFFFD800  }
0x2c5: {  	_ =	swait.ge [sflag:s28], $0x2800  }
0x2c6: {  	[sflag:s28] =	ssyncset.done $0x0  }
0x2c7: {  	s11 =	simm.s32 $0x0;
	[sflag:s28] =	ssyncadd.s32 $0xFFFFD800  }
0x2c8: {  	v7 =	vld [tilespmem:s11+$0xA300]  }
0x2c9: {  	v11 =	vld [tilespmem:s11+$0xA310]  }
0x2ca: {  	v5 =	vld [tilespmem:s11+$0xA320]  }
0x2cb: {  	v4 =	vld [tilespmem:s11+$0xA330]  }
0x2cc: {  	v3 =	vld [tilespmem:s11+$0xA340]  }
0x2cd: {  	v2 =	vld [tilespmem:s11+$0xA350]  }
0x2ce: {  	v1 =	vld [tilespmem:s11+$0xA360]  }
0x2cf: {  	v0 =	vld [tilespmem:s11+$0xA370]  }
0x2d0: {  	v12 =	vld [tilespmem:s11+$0x2B00]  }
0x2d1: {  	v13 =	vld [tilespmem:s11+$0x2B10]  }
0x2d2: {  	v10 =	vld [tilespmem:s11+$0x2B20]  }
0x2d3: {  	v9 =	vld [tilespmem:s11+$0x2B30]  }
0x2d4: {  	v8 =	vld [tilespmem:s11+$0x2B40]  }
0x2d5: {  	v6 =	vld [tilespmem:s11+$0x2B50];
	v12 =	vadd.f32 v7, v12  }
0x2d6: {  	s18 =	simm.s32 $0x200;
	v11 =	vadd.f32 v11, v13;
	v7 =	vld [tilespmem:s11+$0x2B60]  }
.LBB2_12:
0x2d7: {  	s0 =	sshra.s32 s18, $0x2;
	p0 =	sne.s32 s18, $0x9E00;
	[tilespmem:s11+$0x2B00] =	vst v12;
	v5 =	vadd.f32 v5, v10;
	v10 =	vld [tilespmem:s11+$0x2B70]  }
0x2d8: {  	v12 =	vld [tilespmem:s0+$0xA300];
	[tilespmem:s11+$0x2B10] =	vst v11;
	v4 =	vadd.f32 v4, v9  }
0x2d9: {  	v11 =	vld [tilespmem:s0+$0xA310];
	[tilespmem:s11+$0x2B20] =	vst v5;
	v3 =	vadd.f32 v3, v8  }
0x2da: {  	v5 =	vld [tilespmem:s0+$0xA320];
	[tilespmem:s11+$0x2B30] =	vst v4;
	v2 =	vadd.f32 v2, v6  }
0x2db: {  	v4 =	vld [tilespmem:s0+$0xA330];
	[tilespmem:s11+$0x2B40] =	vst v3;
	v1 =	vadd.f32 v1, v7  }
0x2dc: {  	v3 =	vld [tilespmem:s0+$0xA340];
	[tilespmem:s11+$0x2B50] =	vst v2;
	v0 =	vadd.f32 v0, v10  }
0x2dd: {  	v2 =	vld [tilespmem:s0+$0xA350];
	[tilespmem:s11+$0x2B60] =	vst v1  }
0x2de: {  	v1 =	vld [tilespmem:s0+$0xA360];
	[tilespmem:s11+$0x2B70] =	vst v0;
	s11 =	smov.u32 s0  }
0x2df: {  	v0 =	vld [tilespmem:s11+$0xA370]  }
0x2e0: {  	v6 =	vld [tilespmem:s11+$0x2B00]  }
0x2e1: {  	v7 =	vld [tilespmem:s11+$0x2B10]  }
.Ltmp5:
0x2e2: {  	v10 =	vld [tilespmem:s11+$0x2B20];
	(pc) =	sbr.rel @p0 .LBB2_12-.Ltmp5, $4  }
0x2e3: {  	v9 =	vld [tilespmem:s11+$0x2B30]  }
0x2e4: {  	v8 =	vld [tilespmem:s11+$0x2B40]  }
0x2e5: {  	v12 =	vadd.f32 v12, v6;
	v6 =	vld [tilespmem:s11+$0x2B50]  }
0x2e6: {  	s18 =	sadd.s32 $0x200, s18;
	v11 =	vadd.f32 v11, v7;
	v7 =	vld [tilespmem:s11+$0x2B60]  }
0x2e7: {  	[tilespmem:s11+$0x2B00] =	vst v12;
	v5 =	vadd.f32 v5, v10;
	v63 =	vld [tilespmem:s11+$0x2B70]  }
0x2e8: {  	[tilespmem:s11+$0x2B10] =	vst v11;
	v4 =	vadd.f32 v4, v9  }
0x2e9: {  	[tilespmem:s11+$0x2B20] =	vst v5;
	v3 =	vadd.f32 v3, v8  }
0x2ea: {  	[tilespmem:s11+$0x2B30] =	vst v4;
	v2 =	vadd.f32 v2, v6  }
0x2eb: {  	[tilespmem:s11+$0x2B40] =	vst v3;
	v1 =	vadd.f32 v1, v7  }
0x2ec: {  	[tilespmem:s11+$0x2B50] =	vst v2;
	v0 =	vadd.f32 v0, v63  }
0x2ed: {  	[tilespmem:s11+$0x2B60] =	vst v1  }
0x2ee: {  	s0 =	rddreg [dreg:$0x12];
	[tilespmem:s11+$0x2B70] =	vst v0  }
0x2ef: {  	[hbm4b:s0+s3] =	stream.linear.scatter [tilespmem:s26], [sflag:$0x8], $0x2800, $0x38;
	[tilespmem:$0x16E00] =	vst v63  }
0x2f0: {  	s30 =	rddreg [dreg:$0x13];
	s31 =	simm.s32 $0xF380  }
0x2f1: {  	[hbm4b:s30+s3] =	stream.linear.scatter [tilespmem:s31], [sflag:$0x8], $0x50, $0x38;
	[tilespmem:$0x16E00] =	vst v63  }
0x2f2: {  	s18 =	simm.s32 $0xF580;
	s11 =	rddreg [dreg:$0x14]  }
0x2f3: {  	[hbm4b:s11+s3] =	stream.linear.scatter [tilespmem:s18], [sflag:$0x8], $0xF0, $0x38;
	[tilespmem:$0x16E00] =	vst v63  }
0x2f4: {  	_ =	swait.ge [sflag:s20], $0x2800  }
0x2f5: {  	[sflag:s20] =	ssyncset.done $0x0  }
0x2f6: {  	[sflag:s20] =	ssyncadd.s32 $0xFFFFD800  }
0x2f7: {  	_ =	swait.ge [sflag:s20], $0x50  }
0x2f8: {  	[sflag:s20] =	ssyncset.done $0x0  }
0x2f9: {  	[sflag:s20] =	ssyncadd.s32 $0xFFFFFFB0  }
0x2fa: {  	_ =	swait.ge [sflag:s20], $0xF0  }
0x2fb: {  	[sflag:s20] =	ssyncset.done $0x0  }
0x2fc: {  	[sflag:s20] =	ssyncadd.s32 $0xFFFFFF10  }
0x2fd: {  	_ =	swait.ge [sflag:s14], $0x2800  }
0x2fe: {  	[sflag:s14] =	ssyncset.done $0x0  }
0x2ff: {  	[sflag:s14] =	ssyncadd.s32 $0xFFFFD800  }
0x300: {  	_ =	swait.ge [sflag:s14], $0x50  }
0x301: {  	[sflag:s14] =	ssyncset.done $0x0  }
0x302: {  	[sflag:s14] =	ssyncadd.s32 $0xFFFFFFB0  }
0x303: {  	_ =	swait.ge [sflag:s14], $0xF0  }
0x304: {  	[sflag:s14] =	ssyncset.done $0x0  }
0x305: {  	s30 =	simm.s32 $0x9;
	[sflag:s14] =	ssyncadd.s32 $0xFFFFFF10  }
0x306: {  	_ =	swait.ge [sflag:s30], $0x2800  }
0x307: {  	[sflag:s30] =	ssyncset.done $0x0  }
0x308: {  	[sflag:s30] =	ssyncadd.s32 $0xFFFFD800  }
0x309: {  	_ =	swait.ge [sflag:s30], $0x50  }
0x30a: {  	[sflag:s30] =	ssyncset.done $0x0  }
0x30b: {  	[sflag:s30] =	ssyncadd.s32 $0xFFFFFFB0  }
0x30c: {  	_ =	swait.ge [sflag:s30], $0xF0  }
0x30d: {  	s18 =	rddreg [dreg:$0x19]  }
0x30e: {  	s31 =	rddreg [dreg:$0x15];
	s18 =	sadd.s32 $0x1, s18  }
0x30f: {  	p0 =	sne.s32 s18, s31  }
.Ltmp6:
0x310: {  	_ = 	snop;
	(pc) =	sbr.rel @p0 .LBB2_1-.Ltmp6, $3  }
0x311: {  	_ =	sdelay $0x1  }
0x312: {  	[sflag:s30] =	ssyncset.done $0x0  }
0x313: {  	[sflag:s30] =	ssyncadd.s32 $0xFFFFFF10  }
0x314: {  	_ =	sfence.sel $0x180000  }
0x315: {  	[bflag:$0x0] =	sbarrier.arrive $0xFFFF  }
0x316: {  	_ =	strace $0x90000047  }
0x317: {  	s0 =	stileid.u32;
	[bflag:$0x2] =	sbarrier.arrive $0xFFFF  }
0x318: {  	p0 =	sne.s32 s0, $0x0;
	s0 =	rddreg [dreg:$0x3]  }
0x319: {  	s0 =	sadd.s32 @!p0 $0x100000, s0  }
0x31a: {  	[sflag:s0] =	ssyncadd.tile.s32 @!p0 $0x1;
	_ =	shalt  }
.Lfunc_end2:
_tile_overlayer_lowered:
.L_overlay_start_2:
0x31b: {  	(tag) =	ssettag $0x2  }
0x31c: {  	s0 =	rddreg [dreg:$0x0];
	s2 =	stileid.u32  }
0x31d: {  	s1 =	rddreg [dreg:$0x1];
	p0 =	sne.s32 s2, $0x0  }
0x31e: {  	s3 =	rddreg [dreg:$0x2];
	[bflag:$0x3] =	sbarrier.arrive $0xFFFF;
	s2 =	simm.s32 @!p0 $0x1C0A  }
0x31f: {  	[timem:s3], [sflag:s2] =	dma.local @!p0 [hbm:s0], s1  }
0x320: {  	s0 =	simm.s32 @!p0 $0xA  }
0x321: {  	_ =	swait.ge @!p0 [sflag:s0], s1  }
0x322: {  	s1 =	ssub.s32 @!p0 $0x0, s1;
	[sflag:s0] =	ssyncset.done @!p0 $0x0  }
0x323: {  	[sflag:s0] =	ssyncadd.s32 @!p0 s1  }
0x324: {  	[bflag:$0x3] =	sbarrier.arrive $0xFFFF  }
0x325: {  	_ =	shalt  }

</sc_bundles>
